<compile_context>
chip_gen: v7x
topology: tpu7x:2x2x1
jax: 0.10.2.dev20260603
libtpu: 0.0.44.dev20260713+nightly
codegen_flags: <defaults>
</compile_context>

<pallas_src>
import functools

import jax
import jax.numpy as jnp
from jax import lax
from jax.experimental import pallas as pl
from jax.experimental.pallas import tpu as pltpu
from jax.experimental.pallas import tpu_sc as plsc

N = 10000
N_PAD = 10240
E = 320000
E_PAD = 327680
NC = 2
NS = 16
NW = NC * NS
ROWS_PER_TILE = N_PAD // NS
EDGES_PER_WORKER = E_PAD // NW


def _mesh():
    return plsc.VectorSubcoreMesh(
        core_axis_name="c", subcore_axis_name="s", num_cores=NC, num_subcores=NS
    )


def _make_deg_kernel():
    CE = 512
    G = CE // 128
    CHUNKS = EDGES_PER_WORKER // CE

    @functools.partial(
        pl.kernel,
        out_type=jax.ShapeDtypeStruct((NC, N_PAD), jnp.float32),
        mesh=_mesh(),
        scratch_types=[
            pltpu.VMEM((G, 128), jnp.int32),
            pltpu.VMEM((128,), jnp.float32),
            pltpu.VMEM_SHARED((N_PAD,), jnp.float32),
        ],
    )
    def deg_kernel(dst2_hbm, zeros_hbm, ones_hbm, out_hbm, dstv, onesv, acc):
        cid = lax.axis_index("c")
        sid = lax.axis_index("s")
        w = sid * NC + cid
        pltpu.sync_copy(
            zeros_hbm.at[pl.ds(sid * ROWS_PER_TILE, ROWS_PER_TILE)],
            acc.at[pl.ds(sid * ROWS_PER_TILE, ROWS_PER_TILE)],
        )
        pltpu.sync_copy(ones_hbm, onesv)
        plsc.subcore_barrier()

        row_base = w * (EDGES_PER_WORKER // 128)

        def body(g, carry):
            r0 = row_base + g * G
            pltpu.sync_copy(dst2_hbm.at[pl.ds(r0, G)], dstv)
            for j in range(G):
                pltpu.sync_copy(onesv, acc.at[dstv.at[j]], add=True)
            return carry

        lax.fori_loop(0, CHUNKS, body, 0)
        plsc.subcore_barrier()
        pltpu.sync_copy(
            acc.at[pl.ds(sid * ROWS_PER_TILE, ROWS_PER_TILE)],
            out_hbm.at[cid, pl.ds(sid * ROWS_PER_TILE, ROWS_PER_TILE)],
        )

    return deg_kernel


def _make_agg_kernel_packed(D):
    CE = 128
    CHUNKS = EDGES_PER_WORKER // CE

    @functools.partial(
        pl.kernel,
        out_type=jax.ShapeDtypeStruct((NC, N_PAD, D), jnp.float32),
        mesh=_mesh(),
        scratch_types=[
            pltpu.VMEM((1, 2, 128), jnp.int32),
            pltpu.VMEM((1, 2, 128), jnp.int32),
            pltpu.VMEM((CE, D), jnp.float32),
            pltpu.VMEM((CE, D), jnp.float32),
            pltpu.VMEM_SHARED((N_PAD, D), jnp.float32),
            pltpu.SemaphoreType.DMA,
            pltpu.SemaphoreType.DMA,
        ],
        compiler_params=pltpu.CompilerParams(use_tc_tiling_on_sc=False),
    )
    def agg_kernel(u_hbm, idx2_hbm, zeros_hbm, out_hbm,
                   idxA, idxB, rowsA, rowsB, acc, semA, semB):
        cid = lax.axis_index("c")
        sid = lax.axis_index("s")
        w = sid * NC + cid

        @pl.when(cid == 0)
        def _():
            pltpu.sync_copy(
                u_hbm.at[pl.ds(sid * ROWS_PER_TILE, ROWS_PER_TILE)],
                acc.at[pl.ds(sid * ROWS_PER_TILE, ROWS_PER_TILE)],
            )

        @pl.when(cid != 0)
        def _():
            pltpu.sync_copy(
                zeros_hbm.at[pl.ds(sid * ROWS_PER_TILE, ROWS_PER_TILE)],
                acc.at[pl.ds(sid * ROWS_PER_TILE, ROWS_PER_TILE)],
            )

        plsc.subcore_barrier()

        row_base = w * CHUNKS

        def load_idx(g, idxv):
            pltpu.sync_copy(idx2_hbm.at[pl.ds(row_base + g, 1)], idxv)

        def scatter(rowsv, idxv):
            pltpu.sync_copy(rowsv, acc.at[idxv.at[0, 1]], add=True)

        load_idx(0, idxA)
        pltpu.async_copy(u_hbm.at[idxA.at[0, 0]], rowsA, semA)

        def body(i, carry):
            g0 = 2 * i
            load_idx(g0 + 1, idxB)
            pltpu.async_copy(u_hbm.at[idxB.at[0, 0]], rowsB, semB)
            pltpu.make_async_copy(u_hbm.at[idxA.at[0, 0]], rowsA, semA).wait()
            scatter(rowsA, idxA)

            @pl.when(g0 + 2 < CHUNKS)
            def _():
                load_idx(g0 + 2, idxA)
                pltpu.async_copy(u_hbm.at[idxA.at[0, 0]], rowsA, semA)

            pltpu.make_async_copy(u_hbm.at[idxB.at[0, 0]], rowsB, semB).wait()
            scatter(rowsB, idxB)
            return carry

        lax.fori_loop(0, CHUNKS // 2, body, 0)
        plsc.subcore_barrier()
        pltpu.sync_copy(
            acc.at[pl.ds(sid * ROWS_PER_TILE, ROWS_PER_TILE)],
            out_hbm.at[cid, pl.ds(sid * ROWS_PER_TILE, ROWS_PER_TILE)],
        )

    return agg_kernel


def _make_agg_kernel(D, CE):
    G = CE // 128
    CHUNKS = EDGES_PER_WORKER // CE

    @functools.partial(
        pl.kernel,
        out_type=jax.ShapeDtypeStruct((NC, N_PAD, D), jnp.float32),
        mesh=_mesh(),
        scratch_types=[
            pltpu.VMEM((CE,), jnp.int32),
            pltpu.VMEM((CE,), jnp.int32),
            pltpu.VMEM((G, 128), jnp.int32),
            pltpu.VMEM((G, 128), jnp.int32),
            pltpu.VMEM((CE, D), jnp.float32),
            pltpu.VMEM((CE, D), jnp.float32),
            pltpu.VMEM_SHARED((N_PAD, D), jnp.float32),
            pltpu.SemaphoreType.DMA,
            pltpu.SemaphoreType.DMA,
        ],
        compiler_params=pltpu.CompilerParams(use_tc_tiling_on_sc=False),
    )
    def agg_kernel(u_hbm, src_hbm, dst2_hbm, zeros_hbm, out_hbm,
                   srcA, srcB, dstA, dstB, rowsA, rowsB, acc, semA, semB):
        cid = lax.axis_index("c")
        sid = lax.axis_index("s")
        w = sid * NC + cid

        @pl.when(cid == 0)
        def _():
            pltpu.sync_copy(
                u_hbm.at[pl.ds(sid * ROWS_PER_TILE, ROWS_PER_TILE)],
                acc.at[pl.ds(sid * ROWS_PER_TILE, ROWS_PER_TILE)],
            )

        @pl.when(cid != 0)
        def _():
            pltpu.sync_copy(
                zeros_hbm.at[pl.ds(sid * ROWS_PER_TILE, ROWS_PER_TILE)],
                acc.at[pl.ds(sid * ROWS_PER_TILE, ROWS_PER_TILE)],
            )

        plsc.subcore_barrier()

        base = w * EDGES_PER_WORKER
        row_base = w * (EDGES_PER_WORKER // 128)

        def load_idx(g, srcv, dstv):
            pltpu.sync_copy(src_hbm.at[pl.ds(base + g * CE, CE)], srcv)
            pltpu.sync_copy(dst2_hbm.at[pl.ds(row_base + g * G, G)], dstv)

        def scatter(rowsv, dstv):
            for j in range(G):
                pltpu.sync_copy(
                    rowsv.at[pl.ds(j * 128, 128)],
                    acc.at[dstv.at[j]],
                    add=True,
                )

        load_idx(0, srcA, dstA)
        pltpu.async_copy(u_hbm.at[srcA], rowsA, semA)

        def body(i, carry):
            g0 = 2 * i
            load_idx(g0 + 1, srcB, dstB)
            pltpu.async_copy(u_hbm.at[srcB], rowsB, semB)
            pltpu.make_async_copy(u_hbm.at[srcA], rowsA, semA).wait()
            scatter(rowsA, dstA)

            @pl.when(g0 + 2 < CHUNKS)
            def _():
                load_idx(g0 + 2, srcA, dstA)
                pltpu.async_copy(u_hbm.at[srcA], rowsA, semA)

            pltpu.make_async_copy(u_hbm.at[srcB], rowsB, semB).wait()
            scatter(rowsB, dstB)
            return carry

        lax.fori_loop(0, CHUNKS // 2, body, 0)
        plsc.subcore_barrier()
        pltpu.sync_copy(
            acc.at[pl.ds(sid * ROWS_PER_TILE, ROWS_PER_TILE)],
            out_hbm.at[cid, pl.ds(sid * ROWS_PER_TILE, ROWS_PER_TILE)],
        )

    return agg_kernel


def _matmul_body(x_ref, w_ref, out_ref):
    out_ref[...] = jnp.dot(x_ref[...], w_ref[...],
                           preferred_element_type=jnp.float32)


def _tc_matmul(x_pad, W1):
    return pl.pallas_call(
        _matmul_body,
        out_shape=jax.ShapeDtypeStruct((N_PAD, W1.shape[1]), jnp.float32),
    )(x_pad, W1)


def _front_body(deg2t_ref, p_ref, u_ref, dinv_ref):
    deg = deg2t_ref[:, 0:1] + deg2t_ref[:, 1:2] + 1.0
    dinv = lax.rsqrt(jnp.maximum(deg, 1.0))
    dinv_ref[...] = dinv
    u_ref[...] = p_ref[...] * dinv


def _tc_front(deg2t, p1):
    return pl.pallas_call(
        _front_body,
        out_shape=(
            jax.ShapeDtypeStruct(p1.shape, jnp.float32),
            jax.ShapeDtypeStruct((N_PAD, 1), jnp.float32),
        ),
    )(deg2t, p1)


def _post_block(acc_ref, dinv_ref, b_ref, g_ref, be_ref, mask_ref):
    dinv = dinv_ref[...]
    mask = mask_ref[...]
    conv = (acc_ref[0] + acc_ref[1]) * dinv + b_ref[...]
    t = jnp.maximum(conv, 0.0) * mask
    m = jnp.sum(t, axis=0, keepdims=True) * (1.0 / N)
    d = (t - m) * mask
    v = jnp.sum(d * d, axis=0, keepdims=True) * (1.0 / N)
    z = (g_ref[...] * d * lax.rsqrt(v + 1e-5) + be_ref[...]) * mask
    return z, dinv


def _mid_body(acc_ref, dinv_ref, b_ref, g_ref, be_ref, mask_ref,
              w_ref, out_ref):
    z, dinv = _post_block(acc_ref, dinv_ref, b_ref, g_ref, be_ref, mask_ref)
    out_ref[...] = jnp.dot(z, w_ref[...],
                           preferred_element_type=jnp.float32) * dinv


def _tc_mid(acc, dinv, b, g, be, mask, Wn):
    return pl.pallas_call(
        _mid_body,
        out_shape=jax.ShapeDtypeStruct((N_PAD, Wn.shape[1]), jnp.float32),
    )(acc, dinv, b, g, be, mask, Wn)


def _back_body(acc_ref, dinv_ref, b_ref, g_ref, be_ref, mask_ref, out_ref):
    z, _ = _post_block(acc_ref, dinv_ref, b_ref, g_ref, be_ref, mask_ref)
    out_ref[...] = z


def _tc_back(acc, dinv, b, g, be, mask):
    return pl.pallas_call(
        _back_body,
        out_shape=jax.ShapeDtypeStruct((N_PAD, acc.shape[2]), jnp.float32),
    )(acc, dinv, b, g, be, mask)


def kernel(x, edge_index, W1, b1, g1, be1, W2, b2, g2, be2,
           W3, b3, g3, be3, W4, b4, g4, be4):
    f32 = jnp.float32
    src = edge_index[0]
    dst = edge_index[1]

    npad = E_PAD - E
    pad_idx = (N + (jnp.arange(npad, dtype=jnp.int32) % (N_PAD - N)))
    src_p = jnp.concatenate([src, pad_idx])
    dst_p = jnp.concatenate([dst, pad_idx])
    dst2 = dst_p.reshape(E_PAD // 128, 128)
    idx2 = jnp.stack([src_p.reshape(E_PAD // 128, 128), dst2], axis=1)

    x_pad = jnp.zeros((N_PAD, x.shape[1]), f32).at[:N].set(x)
    mask = (jnp.arange(N_PAD) < N).astype(f32).reshape(N_PAD, 1)
    zeros128 = jnp.zeros((N_PAD, 128), f32)
    zeros64 = jnp.zeros((N_PAD, 64), f32)
    zeros32 = jnp.zeros((N_PAD, 32), f32)
    zeros1 = jnp.zeros((N_PAD,), f32)
    ones128 = jnp.ones((128,), f32)

    deg2 = _make_deg_kernel()(dst2, zeros1, ones128)
    deg2t = deg2.T

    agg128 = _make_agg_kernel_packed(128)
    agg64 = _make_agg_kernel(64, 512)
    agg32 = _make_agg_kernel(32, 1024)

    p1 = _tc_matmul(x_pad, W1)
    u1, dinv = _tc_front(deg2t, p1)
    acc = agg128(u1, idx2, zeros128)
    u2 = _tc_mid(acc, dinv, b1.reshape(1, -1), g1.reshape(1, -1),
                 be1.reshape(1, -1), mask, W2)
    acc = agg128(u2, idx2, zeros128)
    u3 = _tc_mid(acc, dinv, b2.reshape(1, -1), g2.reshape(1, -1),
                 be2.reshape(1, -1), mask, W3)
    acc = agg64(u3, src_p, dst2, zeros64)
    u4 = _tc_mid(acc, dinv, b3.reshape(1, -1), g3.reshape(1, -1),
                 be3.reshape(1, -1), mask, W4)
    acc = agg32(u4, src_p, dst2, zeros32)
    z4 = _tc_back(acc, dinv, b4.reshape(1, -1), g4.reshape(1, -1),
                  be4.reshape(1, -1), mask)
    return z4[:N]

# --- scband reference (transcript-rebuilt; emitter-appended) ---
"""Pipeline reference for scband-gnnmodel-31653908971646 (READ-ONLY COPY).

The authoritative reference and input builder live on the scoring server;
editing this copy changes nothing except your own understanding.
"""

import jax, jax.numpy as jnp
import numpy as np

N = 10000
E = 320000
D_IN = 128

def setup_inputs(seed: int = 0) -> dict:
    key = jax.random.key(seed)
    ks = jax.random.split(key, 12)
    x = jax.random.normal(ks[0], (N, D_IN), dtype=jnp.float32)
    edge_index = jax.random.randint(ks[1], (2, E), 0, N, dtype=jnp.int32)
    dims = [(128, 128), (128, 128), (128, 64), (64, 32)]
    inp = {"x": x, "edge_index": edge_index}
    for i, (fi, fo) in enumerate(dims, start=1):
        inp[f"W{i}"] = jax.random.normal(ks[1 + i], (fi, fo), dtype=jnp.float32) * (1.0 / np.sqrt(fi))
        inp[f"b{i}"] = jnp.zeros((fo,), dtype=jnp.float32)
        inp[f"g{i}"] = jnp.ones((fo,), dtype=jnp.float32)
        inp[f"be{i}"] = jnp.zeros((fo,), dtype=jnp.float32)
    return inp


def gcn_conv(x, W, b, src, dst, n):
    # PyG GCNConv: h = D^{-1/2} (A + I) D^{-1/2} (x W) + b
    h = x @ W
    loop = jnp.arange(n, dtype=src.dtype)
    src_sl = jnp.concatenate([src, loop])
    dst_sl = jnp.concatenate([dst, loop])
    deg = jax.ops.segment_sum(jnp.ones_like(dst_sl, dtype=h.dtype), dst_sl, num_segments=n)
    dinv = jax.lax.rsqrt(jnp.maximum(deg, 1.0))
    norm = dinv[src_sl] * dinv[dst_sl]
    msg = h[src_sl] * norm[:, None]
    out = jax.ops.segment_sum(msg, dst_sl, num_segments=n)
    return out + b


def bn(x, g, be, eps=1e-5):
    m = jnp.mean(x, axis=0)
    v = jnp.var(x, axis=0)
    return g * (x - m) * jax.lax.rsqrt(v + eps) + be


def reference(x, edge_index, W1, b1, g1, be1, W2, b2, g2, be2, W3, b3, g3, be3, W4, b4, g4, be4):
    src, dst = edge_index[0], edge_index[1]
    n = x.shape[0]
    h = gcn_conv(x, W1, b1, src, dst, n)
    h = bn(jax.nn.relu(h), g1, be1)
    h = gcn_conv(h, W2, b2, src, dst, n)
    h = bn(jax.nn.relu(h), g2, be2)
    h = gcn_conv(h, W3, b3, src, dst, n)
    h = bn(jax.nn.relu(h), g3, be3)
    h = gcn_conv(h, W4, b4, src, dst, n)
    h = bn(jax.nn.relu(h), g4, be4)
    return h

if __name__ == "__main__":
    import jax
    _d = setup_inputs()
    print(jax.jit(kernel)(*tuple(_d.values())))

</pallas_src>

<mosaic_0001>
#map = affine_map<(d0, d1) -> (0, 0)>
#map1 = affine_map<(d0, d1) -> (0, 0, 0)>
module attributes {stable_mosaic.version = 14 : i64} {
  func.func @agg_kernel(%arg0: i32, %arg1: i32, %arg2: memref<10240x128xf32, #tpu.memory_space<hbm>>, %arg3: memref<2560x2x128xi32, #tpu.memory_space<hbm>>, %arg4: memref<10240x128xf32, #tpu.memory_space<hbm>>, %arg5: memref<2x10240x128xf32, #tpu.memory_space<hbm>>, %arg6: memref<1x2x128xi32, #tpu.memory_space<vmem>>, %arg7: memref<1x2x128xi32, #tpu.memory_space<vmem>>, %arg8: memref<128x128xf32, #tpu.memory_space<vmem>>, %arg9: memref<128x128xf32, #tpu.memory_space<vmem>>, %arg10: memref<10240x128xf32, #tpu.memory_space<vmem_shared>>, %arg11: memref<!tpu.dma_semaphore, #tpu.memory_space<semaphore_mem>>, %arg12: memref<!tpu.dma_semaphore, #tpu.memory_space<semaphore_mem>>) attributes {dimension_semantics = [#tpu.dimension_semantics<core_parallel>, #tpu.dimension_semantics<subcore_parallel>], iteration_bounds = array<i64: 2, 16>, scalar_prefetch = 0 : i64, scratch_operands = 7 : i64, tpu.core_type = #tpu.core_type<sc_vector_subcore>, window_params = [{transform_indices = #map}, {transform_indices = #map1}, {transform_indices = #map}, {transform_indices = #map1}]} {
    %mul3A = arith.constant 2 : i32
    %mul3A_0 = arith.muli %arg1, %mul3A : i32
    %add3A = arith.addi %mul3A_0, %arg0 : i32
    %eq3A = arith.constant 0 : i32
    %eq3A_1 = arith.cmpi eq, %arg0, %eq3A : i32
    %convert_element_type3A = arith.extui %eq3A_1 : i1 to i32
    %cond3A = arith.constant 0 : i32
    %cond3A_2 = arith.cmpi ne, %convert_element_type3A, %cond3A : i32
    scf.if %cond3A_2 {
      %mul3A_28 = arith.constant 640 : i32
      %mul3A_29 = arith.muli %arg1, %mul3A_28 : i32
      %mul3A_30 = arith.constant 640 : i32
      %mul3A_31 = arith.muli %arg1, %mul3A_30 : i32
      "tpu.region"() ({
        %run_scoped3A = tpu.sem_alloc : memref<!tpu.dma_semaphore, #tpu.memory_space<semaphore_mem>>
        %dma_start3A_32 = arith.constant 0 : i32
        %dma_start3A_33 = tpu.memref_slice %arg10[%mul3A_31, %dma_start3A_32] : memref<10240x128xf32, #tpu.memory_space<vmem_shared>> -> memref<640x128xf32, #tpu.memory_space<vmem_shared>>
        %dma_start3A_34 = arith.constant 0 : i32
        %dma_start3A_35 = tpu.memref_slice %arg2[%mul3A_29, %dma_start3A_34] : memref<10240x128xf32, #tpu.memory_space<hbm>> -> memref<640x128xf32, #tpu.memory_space<hbm>>
        tpu.enqueue_dma source(%dma_start3A_35 : memref<640x128xf32, #tpu.memory_space<hbm>>) target(%dma_start3A_33 : memref<640x128xf32, #tpu.memory_space<vmem_shared>>) target_semaphore(%run_scoped3A : memref<!tpu.dma_semaphore, #tpu.memory_space<semaphore_mem>>)
        %dma_wait3A = arith.constant 0 : i32
        %dma_wait3A_36 = tpu.memref_slice %arg10[%mul3A_31, %dma_wait3A] : memref<10240x128xf32, #tpu.memory_space<vmem_shared>> -> memref<640x128xf32, #tpu.memory_space<vmem_shared>>
        %dma_wait3A_37 = arith.constant 0 : i32
        %dma_wait3A_38 = tpu.memref_slice %arg2[%mul3A_29, %dma_wait3A_37] : memref<10240x128xf32, #tpu.memory_space<hbm>> -> memref<640x128xf32, #tpu.memory_space<hbm>>
        tpu.wait_dma2 semaphore(%run_scoped3A : memref<!tpu.dma_semaphore, #tpu.memory_space<semaphore_mem>>) src(%dma_wait3A_38 : memref<640x128xf32, #tpu.memory_space<hbm>>) dst(%dma_wait3A_36 : memref<640x128xf32, #tpu.memory_space<vmem_shared>>)
        tpu.yield
      }) : () -> ()
    } else {
    }
    %ne3A = arith.constant 0 : i32
    %ne3A_3 = arith.cmpi ne, %arg0, %ne3A : i32
    %convert_element_type3A_4 = arith.extui %ne3A_3 : i1 to i32
    %cond3A_5 = arith.constant 0 : i32
    %cond3A_6 = arith.cmpi ne, %convert_element_type3A_4, %cond3A_5 : i32
    scf.if %cond3A_6 {
      %mul3A_28 = arith.constant 640 : i32
      %mul3A_29 = arith.muli %arg1, %mul3A_28 : i32
      %mul3A_30 = arith.constant 640 : i32
      %mul3A_31 = arith.muli %arg1, %mul3A_30 : i32
      "tpu.region"() ({
        %run_scoped3A = tpu.sem_alloc : memref<!tpu.dma_semaphore, #tpu.memory_space<semaphore_mem>>
        %dma_start3A_32 = arith.constant 0 : i32
        %dma_start3A_33 = tpu.memref_slice %arg10[%mul3A_31, %dma_start3A_32] : memref<10240x128xf32, #tpu.memory_space<vmem_shared>> -> memref<640x128xf32, #tpu.memory_space<vmem_shared>>
        %dma_start3A_34 = arith.constant 0 : i32
        %dma_start3A_35 = tpu.memref_slice %arg4[%mul3A_29, %dma_start3A_34] : memref<10240x128xf32, #tpu.memory_space<hbm>> -> memref<640x128xf32, #tpu.memory_space<hbm>>
        tpu.enqueue_dma source(%dma_start3A_35 : memref<640x128xf32, #tpu.memory_space<hbm>>) target(%dma_start3A_33 : memref<640x128xf32, #tpu.memory_space<vmem_shared>>) target_semaphore(%run_scoped3A : memref<!tpu.dma_semaphore, #tpu.memory_space<semaphore_mem>>)
        %dma_wait3A = arith.constant 0 : i32
        %dma_wait3A_36 = tpu.memref_slice %arg10[%mul3A_31, %dma_wait3A] : memref<10240x128xf32, #tpu.memory_space<vmem_shared>> -> memref<640x128xf32, #tpu.memory_space<vmem_shared>>
        %dma_wait3A_37 = arith.constant 0 : i32
        %dma_wait3A_38 = tpu.memref_slice %arg4[%mul3A_29, %dma_wait3A_37] : memref<10240x128xf32, #tpu.memory_space<hbm>> -> memref<640x128xf32, #tpu.memory_space<hbm>>
        tpu.wait_dma2 semaphore(%run_scoped3A : memref<!tpu.dma_semaphore, #tpu.memory_space<semaphore_mem>>) src(%dma_wait3A_38 : memref<640x128xf32, #tpu.memory_space<hbm>>) dst(%dma_wait3A_36 : memref<640x128xf32, #tpu.memory_space<vmem_shared>>)
        tpu.yield
      }) : () -> ()
    } else {
    }
    %barrier3A = arith.constant 0 : index
    tpu.barrier barrier_id(%barrier3A)
    %mul3A_7 = arith.constant 80 : i32
    %mul3A_8 = arith.muli %add3A, %mul3A_7 : i32
    %add3A_9 = arith.constant 0 : i32
    %add3A_10 = arith.addi %mul3A_8, %add3A_9 : i32
    "tpu.region"() ({
      %run_scoped3A = tpu.sem_alloc : memref<!tpu.dma_semaphore, #tpu.memory_space<semaphore_mem>>
      %dma_start3A_28 = arith.constant 0 : i32
      %dma_start3A_29 = arith.constant 0 : i32
      %dma_start3A_30 = tpu.memref_slice %arg3[%add3A_10, %dma_start3A_28, %dma_start3A_29] : memref<2560x2x128xi32, #tpu.memory_space<hbm>> -> memref<1x2x128xi32, #tpu.memory_space<hbm>>
      %dma_start3A_31 = arith.constant 0 : i32
      %dma_start3A_32 = arith.constant 0 : i32
      %dma_start3A_33 = tpu.memref_slice %arg3[%add3A_10, %dma_start3A_31, %dma_start3A_32] : memref<2560x2x128xi32, #tpu.memory_space<hbm>> -> memref<1x2x128xi32, #tpu.memory_space<hbm>>
      tpu.enqueue_dma source(%dma_start3A_33 : memref<1x2x128xi32, #tpu.memory_space<hbm>>) target(%arg6 : memref<1x2x128xi32, #tpu.memory_space<vmem>>) target_semaphore(%run_scoped3A : memref<!tpu.dma_semaphore, #tpu.memory_space<semaphore_mem>>)
      %dma_wait3A = arith.constant 0 : i32
      %dma_wait3A_34 = arith.constant 0 : i32
      %dma_wait3A_35 = tpu.memref_slice %arg3[%add3A_10, %dma_wait3A, %dma_wait3A_34] : memref<2560x2x128xi32, #tpu.memory_space<hbm>> -> memref<1x2x128xi32, #tpu.memory_space<hbm>>
      %dma_wait3A_36 = arith.constant 0 : i32
      %dma_wait3A_37 = arith.constant 0 : i32
      %dma_wait3A_38 = tpu.memref_slice %arg3[%add3A_10, %dma_wait3A_36, %dma_wait3A_37] : memref<2560x2x128xi32, #tpu.memory_space<hbm>> -> memref<1x2x128xi32, #tpu.memory_space<hbm>>
      tpu.wait_dma2 semaphore(%run_scoped3A : memref<!tpu.dma_semaphore, #tpu.memory_space<semaphore_mem>>) src(%dma_wait3A_38 : memref<1x2x128xi32, #tpu.memory_space<hbm>>) dst(%arg6 : memref<1x2x128xi32, #tpu.memory_space<vmem>>)
      tpu.yield
    }) : () -> ()
    %dma_start3A = arith.constant 0 : i32
    %dma_start3A_11 = arith.constant 0 : i32
    %dma_start3A_12 = arith.constant 0 : i32
    %dma_start3A_13 = tpu.memref_slice %arg6[%dma_start3A, %dma_start3A_11, %dma_start3A_12] : memref<1x2x128xi32, #tpu.memory_space<vmem>> -> memref<1x1x128xi32, #tpu.memory_space<vmem>>
    %dma_start3A_14 = tpu.memref_squeeze %dma_start3A_13 : memref<1x1x128xi32, #tpu.memory_space<vmem>> -> memref<128xi32, #tpu.memory_space<vmem>>
    %dma_start3A_15 = arith.constant 0 : i32
    %dma_start3A_16 = arith.constant 0 : i32
    %dma_start3A_17 = tpu.memref_slice %arg2[%dma_start3A_15, %dma_start3A_16] : memref<10240x128xf32, #tpu.memory_space<hbm>> -> memref<10240x128xf32, #tpu.memory_space<hbm>>
    tpu.enqueue_indirect_dma source(%dma_start3A_17 : memref<10240x128xf32, #tpu.memory_space<hbm>>) target(%arg8 : memref<128x128xf32, #tpu.memory_space<vmem>>) offsets(%dma_start3A_14 : memref<128xi32, #tpu.memory_space<vmem>>) semaphore(%arg11 : memref<!tpu.dma_semaphore, #tpu.memory_space<semaphore_mem>>)
    %scan3A = arith.constant 0 : i32
    %scan3A_18 = arith.constant 0 : i32
    %scan3A_19 = arith.constant 40 : i32
    %scan3A_20 = arith.addi %scan3A_18, %scan3A_19 : i32
    %scan3A_21 = arith.constant 1 : i32
    scf.for %scan3A_28 = %scan3A_18 to %scan3A_20 step %scan3A_21  : i32 {
      %mul3A_29 = arith.constant 2 : i32
      %mul3A_30 = arith.muli %mul3A_29, %scan3A_28 : i32
      %add3A_31 = arith.constant 1 : i32
      %add3A_32 = arith.addi %mul3A_30, %add3A_31 : i32
      %add3A_33 = arith.addi %mul3A_8, %add3A_32 : i32
      "tpu.region"() ({
        %run_scoped3A_66 = tpu.sem_alloc : memref<!tpu.dma_semaphore, #tpu.memory_space<semaphore_mem>>
        %dma_start3A_67 = arith.constant 0 : i32
        %dma_start3A_68 = arith.constant 0 : i32
        %dma_start3A_69 = tpu.memref_slice %arg3[%add3A_33, %dma_start3A_67, %dma_start3A_68] : memref<2560x2x128xi32, #tpu.memory_space<hbm>> -> memref<1x2x128xi32, #tpu.memory_space<hbm>>
        %dma_start3A_70 = arith.constant 0 : i32
        %dma_start3A_71 = arith.constant 0 : i32
        %dma_start3A_72 = tpu.memref_slice %arg3[%add3A_33, %dma_start3A_70, %dma_start3A_71] : memref<2560x2x128xi32, #tpu.memory_space<hbm>> -> memref<1x2x128xi32, #tpu.memory_space<hbm>>
        tpu.enqueue_dma source(%dma_start3A_72 : memref<1x2x128xi32, #tpu.memory_space<hbm>>) target(%arg7 : memref<1x2x128xi32, #tpu.memory_space<vmem>>) target_semaphore(%run_scoped3A_66 : memref<!tpu.dma_semaphore, #tpu.memory_space<semaphore_mem>>)
        %dma_wait3A_73 = arith.constant 0 : i32
        %dma_wait3A_74 = arith.constant 0 : i32
        %dma_wait3A_75 = tpu.memref_slice %arg3[%add3A_33, %dma_wait3A_73, %dma_wait3A_74] : memref<2560x2x128xi32, #tpu.memory_space<hbm>> -> memref<1x2x128xi32, #tpu.memory_space<hbm>>
        %dma_wait3A_76 = arith.constant 0 : i32
        %dma_wait3A_77 = arith.constant 0 : i32
        %dma_wait3A_78 = tpu.memref_slice %arg3[%add3A_33, %dma_wait3A_76, %dma_wait3A_77] : memref<2560x2x128xi32, #tpu.memory_space<hbm>> -> memref<1x2x128xi32, #tpu.memory_space<hbm>>
        tpu.wait_dma2 semaphore(%run_scoped3A_66 : memref<!tpu.dma_semaphore, #tpu.memory_space<semaphore_mem>>) src(%dma_wait3A_78 : memref<1x2x128xi32, #tpu.memory_space<hbm>>) dst(%arg7 : memref<1x2x128xi32, #tpu.memory_space<vmem>>)
        tpu.yield
      }) : () -> ()
      %dma_start3A_34 = arith.constant 0 : i32
      %dma_start3A_35 = arith.constant 0 : i32
      %dma_start3A_36 = arith.constant 0 : i32
      %dma_start3A_37 = tpu.memref_slice %arg7[%dma_start3A_34, %dma_start3A_35, %dma_start3A_36] : memref<1x2x128xi32, #tpu.memory_space<vmem>> -> memref<1x1x128xi32, #tpu.memory_space<vmem>>
      %dma_start3A_38 = tpu.memref_squeeze %dma_start3A_37 : memref<1x1x128xi32, #tpu.memory_space<vmem>> -> memref<128xi32, #tpu.memory_space<vmem>>
      %dma_start3A_39 = arith.constant 0 : i32
      %dma_start3A_40 = arith.constant 0 : i32
      %dma_start3A_41 = tpu.memref_slice %arg2[%dma_start3A_39, %dma_start3A_40] : memref<10240x128xf32, #tpu.memory_space<hbm>> -> memref<10240x128xf32, #tpu.memory_space<hbm>>
      tpu.enqueue_indirect_dma source(%dma_start3A_41 : memref<10240x128xf32, #tpu.memory_space<hbm>>) target(%arg9 : memref<128x128xf32, #tpu.memory_space<vmem>>) offsets(%dma_start3A_38 : memref<128xi32, #tpu.memory_space<vmem>>) semaphore(%arg12 : memref<!tpu.dma_semaphore, #tpu.memory_space<semaphore_mem>>)
      %dma_wait3A = arith.constant 0 : i32
      %dma_wait3A_42 = arith.constant 0 : i32
      %dma_wait3A_43 = arith.constant 0 : i32
      %dma_wait3A_44 = tpu.memref_slice %arg6[%dma_wait3A, %dma_wait3A_42, %dma_wait3A_43] : memref<1x2x128xi32, #tpu.memory_space<vmem>> -> memref<1x1x128xi32, #tpu.memory_space<vmem>>
      %dma_wait3A_45 = tpu.memref_squeeze %dma_wait3A_44 : memref<1x1x128xi32, #tpu.memory_space<vmem>> -> memref<128xi32, #tpu.memory_space<vmem>>
      %dma_wait3A_46 = arith.constant 0 : i32
      %dma_wait3A_47 = arith.constant 0 : i32
      %dma_wait3A_48 = tpu.memref_slice %arg2[%dma_wait3A_46, %dma_wait3A_47] : memref<10240x128xf32, #tpu.memory_space<hbm>> -> memref<10240x128xf32, #tpu.memory_space<hbm>>
      tpu.wait_indirect_dma semaphore(%arg11 : memref<!tpu.dma_semaphore, #tpu.memory_space<semaphore_mem>>) src(%dma_wait3A_48 : memref<10240x128xf32, #tpu.memory_space<hbm>>) dst(%arg8 : memref<128x128xf32, #tpu.memory_space<vmem>>)
      %run_scoped3A = arith.constant 0 : i32
      %run_scoped3A_49 = arith.constant 1 : i32
      "tpu.region"() ({
        %run_scoped3A_66 = tpu.sem_alloc : memref<!tpu.dma_semaphore, #tpu.memory_space<semaphore_mem>>
        %dma_start3A_67 = arith.constant 0 : i32
        %dma_start3A_68 = tpu.memref_slice %arg6[%run_scoped3A, %run_scoped3A_49, %dma_start3A_67] : memref<1x2x128xi32, #tpu.memory_space<vmem>> -> memref<1x1x128xi32, #tpu.memory_space<vmem>>
        %dma_start3A_69 = tpu.memref_squeeze %dma_start3A_68 : memref<1x1x128xi32, #tpu.memory_space<vmem>> -> memref<128xi32, #tpu.memory_space<vmem>>
        %dma_start3A_70 = arith.constant 0 : i32
        %dma_start3A_71 = arith.constant 0 : i32
        %dma_start3A_72 = tpu.memref_slice %arg10[%dma_start3A_70, %dma_start3A_71] : memref<10240x128xf32, #tpu.memory_space<vmem_shared>> -> memref<10240x128xf32, #tpu.memory_space<vmem_shared>>
        tpu.enqueue_indirect_dma source(%arg8 : memref<128x128xf32, #tpu.memory_space<vmem>>) target(%dma_start3A_72 : memref<10240x128xf32, #tpu.memory_space<vmem_shared>>) offsets(%dma_start3A_69 : memref<128xi32, #tpu.memory_space<vmem>>) semaphore(%run_scoped3A_66 : memref<!tpu.dma_semaphore, #tpu.memory_space<semaphore_mem>>) {add = true}
        %dma_wait3A_73 = arith.constant 0 : i32
        %dma_wait3A_74 = tpu.memref_slice %arg6[%run_scoped3A, %run_scoped3A_49, %dma_wait3A_73] : memref<1x2x128xi32, #tpu.memory_space<vmem>> -> memref<1x1x128xi32, #tpu.memory_space<vmem>>
        %dma_wait3A_75 = tpu.memref_squeeze %dma_wait3A_74 : memref<1x1x128xi32, #tpu.memory_space<vmem>> -> memref<128xi32, #tpu.memory_space<vmem>>
        %dma_wait3A_76 = arith.constant 0 : i32
        %dma_wait3A_77 = arith.constant 0 : i32
        %dma_wait3A_78 = tpu.memref_slice %arg10[%dma_wait3A_76, %dma_wait3A_77] : memref<10240x128xf32, #tpu.memory_space<vmem_shared>> -> memref<10240x128xf32, #tpu.memory_space<vmem_shared>>
        tpu.wait_indirect_dma semaphore(%run_scoped3A_66 : memref<!tpu.dma_semaphore, #tpu.memory_space<semaphore_mem>>) src(%arg8 : memref<128x128xf32, #tpu.memory_space<vmem>>) dst(%dma_wait3A_78 : memref<10240x128xf32, #tpu.memory_space<vmem_shared>>)
        tpu.yield
      }) : () -> ()
      %add3A_50 = arith.constant 2 : i32
      %add3A_51 = arith.addi %mul3A_30, %add3A_50 : i32
      %lt3A = arith.constant 80 : i32
      %lt3A_52 = arith.cmpi slt, %add3A_51, %lt3A : i32
      %convert_element_type3A_53 = arith.extui %lt3A_52 : i1 to i32
      %cond3A_54 = arith.constant 0 : i32
      %cond3A_55 = arith.cmpi ne, %convert_element_type3A_53, %cond3A_54 : i32
      scf.if %cond3A_55 {
        %add3A_66 = arith.constant 2 : i32
        %add3A_67 = arith.addi %mul3A_30, %add3A_66 : i32
        %add3A_68 = arith.addi %mul3A_8, %add3A_67 : i32
        "tpu.region"() ({
          %run_scoped3A_77 = tpu.sem_alloc : memref<!tpu.dma_semaphore, #tpu.memory_space<semaphore_mem>>
          %dma_start3A_78 = arith.constant 0 : i32
          %dma_start3A_79 = arith.constant 0 : i32
          %dma_start3A_80 = tpu.memref_slice %arg3[%add3A_68, %dma_start3A_78, %dma_start3A_79] : memref<2560x2x128xi32, #tpu.memory_space<hbm>> -> memref<1x2x128xi32, #tpu.memory_space<hbm>>
          %dma_start3A_81 = arith.constant 0 : i32
          %dma_start3A_82 = arith.constant 0 : i32
          %dma_start3A_83 = tpu.memref_slice %arg3[%add3A_68, %dma_start3A_81, %dma_start3A_82] : memref<2560x2x128xi32, #tpu.memory_space<hbm>> -> memref<1x2x128xi32, #tpu.memory_space<hbm>>
          tpu.enqueue_dma source(%dma_start3A_83 : memref<1x2x128xi32, #tpu.memory_space<hbm>>) target(%arg6 : memref<1x2x128xi32, #tpu.memory_space<vmem>>) target_semaphore(%run_scoped3A_77 : memref<!tpu.dma_semaphore, #tpu.memory_space<semaphore_mem>>)
          %dma_wait3A_84 = arith.constant 0 : i32
          %dma_wait3A_85 = arith.constant 0 : i32
          %dma_wait3A_86 = tpu.memref_slice %arg3[%add3A_68, %dma_wait3A_84, %dma_wait3A_85] : memref<2560x2x128xi32, #tpu.memory_space<hbm>> -> memref<1x2x128xi32, #tpu.memory_space<hbm>>
          %dma_wait3A_87 = arith.constant 0 : i32
          %dma_wait3A_88 = arith.constant 0 : i32
          %dma_wait3A_89 = tpu.memref_slice %arg3[%add3A_68, %dma_wait3A_87, %dma_wait3A_88] : memref<2560x2x128xi32, #tpu.memory_space<hbm>> -> memref<1x2x128xi32, #tpu.memory_space<hbm>>
          tpu.wait_dma2 semaphore(%run_scoped3A_77 : memref<!tpu.dma_semaphore, #tpu.memory_space<semaphore_mem>>) src(%dma_wait3A_89 : memref<1x2x128xi32, #tpu.memory_space<hbm>>) dst(%arg6 : memref<1x2x128xi32, #tpu.memory_space<vmem>>)
          tpu.yield
        }) : () -> ()
        %dma_start3A_69 = arith.constant 0 : i32
        %dma_start3A_70 = arith.constant 0 : i32
        %dma_start3A_71 = arith.constant 0 : i32
        %dma_start3A_72 = tpu.memref_slice %arg6[%dma_start3A_69, %dma_start3A_70, %dma_start3A_71] : memref<1x2x128xi32, #tpu.memory_space<vmem>> -> memref<1x1x128xi32, #tpu.memory_space<vmem>>
        %dma_start3A_73 = tpu.memref_squeeze %dma_start3A_72 : memref<1x1x128xi32, #tpu.memory_space<vmem>> -> memref<128xi32, #tpu.memory_space<vmem>>
        %dma_start3A_74 = arith.constant 0 : i32
        %dma_start3A_75 = arith.constant 0 : i32
        %dma_start3A_76 = tpu.memref_slice %arg2[%dma_start3A_74, %dma_start3A_75] : memref<10240x128xf32, #tpu.memory_space<hbm>> -> memref<10240x128xf32, #tpu.memory_space<hbm>>
        tpu.enqueue_indirect_dma source(%dma_start3A_76 : memref<10240x128xf32, #tpu.memory_space<hbm>>) target(%arg8 : memref<128x128xf32, #tpu.memory_space<vmem>>) offsets(%dma_start3A_73 : memref<128xi32, #tpu.memory_space<vmem>>) semaphore(%arg11 : memref<!tpu.dma_semaphore, #tpu.memory_space<semaphore_mem>>)
      } else {
      }
      %dma_wait3A_56 = arith.constant 0 : i32
      %dma_wait3A_57 = arith.constant 0 : i32
      %dma_wait3A_58 = arith.constant 0 : i32
      %dma_wait3A_59 = tpu.memref_slice %arg7[%dma_wait3A_56, %dma_wait3A_57, %dma_wait3A_58] : memref<1x2x128xi32, #tpu.memory_space<vmem>> -> memref<1x1x128xi32, #tpu.memory_space<vmem>>
      %dma_wait3A_60 = tpu.memref_squeeze %dma_wait3A_59 : memref<1x1x128xi32, #tpu.memory_space<vmem>> -> memref<128xi32, #tpu.memory_space<vmem>>
      %dma_wait3A_61 = arith.constant 0 : i32
      %dma_wait3A_62 = arith.constant 0 : i32
      %dma_wait3A_63 = tpu.memref_slice %arg2[%dma_wait3A_61, %dma_wait3A_62] : memref<10240x128xf32, #tpu.memory_space<hbm>> -> memref<10240x128xf32, #tpu.memory_space<hbm>>
      tpu.wait_indirect_dma semaphore(%arg12 : memref<!tpu.dma_semaphore, #tpu.memory_space<semaphore_mem>>) src(%dma_wait3A_63 : memref<10240x128xf32, #tpu.memory_space<hbm>>) dst(%arg9 : memref<128x128xf32, #tpu.memory_space<vmem>>)
      %run_scoped3A_64 = arith.constant 0 : i32
      %run_scoped3A_65 = arith.constant 1 : i32
      "tpu.region"() ({
        %run_scoped3A_66 = tpu.sem_alloc : memref<!tpu.dma_semaphore, #tpu.memory_space<semaphore_mem>>
        %dma_start3A_67 = arith.constant 0 : i32
        %dma_start3A_68 = tpu.memref_slice %arg7[%run_scoped3A_64, %run_scoped3A_65, %dma_start3A_67] : memref<1x2x128xi32, #tpu.memory_space<vmem>> -> memref<1x1x128xi32, #tpu.memory_space<vmem>>
        %dma_start3A_69 = tpu.memref_squeeze %dma_start3A_68 : memref<1x1x128xi32, #tpu.memory_space<vmem>> -> memref<128xi32, #tpu.memory_space<vmem>>
        %dma_start3A_70 = arith.constant 0 : i32
        %dma_start3A_71 = arith.constant 0 : i32
        %dma_start3A_72 = tpu.memref_slice %arg10[%dma_start3A_70, %dma_start3A_71] : memref<10240x128xf32, #tpu.memory_space<vmem_shared>> -> memref<10240x128xf32, #tpu.memory_space<vmem_shared>>
        tpu.enqueue_indirect_dma source(%arg9 : memref<128x128xf32, #tpu.memory_space<vmem>>) target(%dma_start3A_72 : memref<10240x128xf32, #tpu.memory_space<vmem_shared>>) offsets(%dma_start3A_69 : memref<128xi32, #tpu.memory_space<vmem>>) semaphore(%run_scoped3A_66 : memref<!tpu.dma_semaphore, #tpu.memory_space<semaphore_mem>>) {add = true}
        %dma_wait3A_73 = arith.constant 0 : i32
        %dma_wait3A_74 = tpu.memref_slice %arg7[%run_scoped3A_64, %run_scoped3A_65, %dma_wait3A_73] : memref<1x2x128xi32, #tpu.memory_space<vmem>> -> memref<1x1x128xi32, #tpu.memory_space<vmem>>
        %dma_wait3A_75 = tpu.memref_squeeze %dma_wait3A_74 : memref<1x1x128xi32, #tpu.memory_space<vmem>> -> memref<128xi32, #tpu.memory_space<vmem>>
        %dma_wait3A_76 = arith.constant 0 : i32
        %dma_wait3A_77 = arith.constant 0 : i32
        %dma_wait3A_78 = tpu.memref_slice %arg10[%dma_wait3A_76, %dma_wait3A_77] : memref<10240x128xf32, #tpu.memory_space<vmem_shared>> -> memref<10240x128xf32, #tpu.memory_space<vmem_shared>>
        tpu.wait_indirect_dma semaphore(%run_scoped3A_66 : memref<!tpu.dma_semaphore, #tpu.memory_space<semaphore_mem>>) src(%arg9 : memref<128x128xf32, #tpu.memory_space<vmem>>) dst(%dma_wait3A_78 : memref<10240x128xf32, #tpu.memory_space<vmem_shared>>)
        tpu.yield
      }) : () -> ()
    }
    %scan3A_22 = arith.constant 40 : i32
    %barrier3A_23 = arith.constant 0 : index
    tpu.barrier barrier_id(%barrier3A_23)
    %mul3A_24 = arith.constant 640 : i32
    %mul3A_25 = arith.muli %arg1, %mul3A_24 : i32
    %mul3A_26 = arith.constant 640 : i32
    %mul3A_27 = arith.muli %arg1, %mul3A_26 : i32
    "tpu.region"() ({
      %run_scoped3A = tpu.sem_alloc : memref<!tpu.dma_semaphore, #tpu.memory_space<semaphore_mem>>
      %dma_start3A_28 = arith.constant 0 : i32
      %dma_start3A_29 = tpu.memref_slice %arg5[%arg0, %mul3A_27, %dma_start3A_28] : memref<2x10240x128xf32, #tpu.memory_space<hbm>> -> memref<1x640x128xf32, #tpu.memory_space<hbm>>
      %dma_start3A_30 = tpu.memref_squeeze %dma_start3A_29 : memref<1x640x128xf32, #tpu.memory_space<hbm>> -> memref<640x128xf32, #tpu.memory_space<hbm>>
      %dma_start3A_31 = arith.constant 0 : i32
      %dma_start3A_32 = tpu.memref_slice %arg10[%mul3A_25, %dma_start3A_31] : memref<10240x128xf32, #tpu.memory_space<vmem_shared>> -> memref<640x128xf32, #tpu.memory_space<vmem_shared>>
      tpu.enqueue_dma source(%dma_start3A_32 : memref<640x128xf32, #tpu.memory_space<vmem_shared>>) target(%dma_start3A_30 : memref<640x128xf32, #tpu.memory_space<hbm>>) target_semaphore(%run_scoped3A : memref<!tpu.dma_semaphore, #tpu.memory_space<semaphore_mem>>)
      %dma_wait3A = arith.constant 0 : i32
      %dma_wait3A_33 = tpu.memref_slice %arg5[%arg0, %mul3A_27, %dma_wait3A] : memref<2x10240x128xf32, #tpu.memory_space<hbm>> -> memref<1x640x128xf32, #tpu.memory_space<hbm>>
      %dma_wait3A_34 = tpu.memref_squeeze %dma_wait3A_33 : memref<1x640x128xf32, #tpu.memory_space<hbm>> -> memref<640x128xf32, #tpu.memory_space<hbm>>
      %dma_wait3A_35 = arith.constant 0 : i32
      %dma_wait3A_36 = tpu.memref_slice %arg10[%mul3A_25, %dma_wait3A_35] : memref<10240x128xf32, #tpu.memory_space<vmem_shared>> -> memref<640x128xf32, #tpu.memory_space<vmem_shared>>
      tpu.wait_dma2 semaphore(%run_scoped3A : memref<!tpu.dma_semaphore, #tpu.memory_space<semaphore_mem>>) src(%dma_wait3A_36 : memref<640x128xf32, #tpu.memory_space<vmem_shared>>) dst(%dma_wait3A_34 : memref<640x128xf32, #tpu.memory_space<hbm>>)
      tpu.yield
    }) : () -> ()
    return
  }
}

#map = affine_map<(d0, d1) -> (0, 0)>
#map1 = affine_map<(d0, d1) -> (0, 0, 0)>
module attributes {stable_mosaic.version = 14 : i64} {
  func.func @agg_kernel(%arg0: i32, %arg1: i32, %arg2: memref<10240x128xf32, #tpu.memory_space<hbm>>, %arg3: memref<2560x2x128xi32, #tpu.memory_space<hbm>>, %arg4: memref<10240x128xf32, #tpu.memory_space<hbm>>, %arg5: memref<2x10240x128xf32, #tpu.memory_space<hbm>>, %arg6: memref<1x2x128xi32, #tpu.memory_space<vmem>>, %arg7: memref<1x2x128xi32, #tpu.memory_space<vmem>>, %arg8: memref<128x128xf32, #tpu.memory_space<vmem>>, %arg9: memref<128x128xf32, #tpu.memory_space<vmem>>, %arg10: memref<10240x128xf32, #tpu.memory_space<vmem_shared>>, %arg11: memref<!tpu.dma_semaphore, #tpu.memory_space<semaphore_mem>>, %arg12: memref<!tpu.dma_semaphore, #tpu.memory_space<semaphore_mem>>) attributes {dimension_semantics = [#tpu.dimension_semantics<core_parallel>, #tpu.dimension_semantics<subcore_parallel>], iteration_bounds = array<i64: 2, 16>, scalar_prefetch = 0 : i64, scratch_operands = 7 : i64, tpu.core_type = #tpu.core_type<sc_vector_subcore>, window_params = [{transform_indices = #map}, {transform_indices = #map1}, {transform_indices = #map}, {transform_indices = #map1}]} {
    %mul3A = arith.constant 2 : i32
    %mul3A_0 = arith.muli %arg1, %mul3A : i32
    %add3A = arith.addi %mul3A_0, %arg0 : i32
    %eq3A = arith.constant 0 : i32
    %eq3A_1 = arith.cmpi eq, %arg0, %eq3A : i32
    %convert_element_type3A = arith.extui %eq3A_1 : i1 to i32
    %cond3A = arith.constant 0 : i32
    %cond3A_2 = arith.cmpi ne, %convert_element_type3A, %cond3A : i32
    scf.if %cond3A_2 {
      %mul3A_28 = arith.constant 640 : i32
      %mul3A_29 = arith.muli %arg1, %mul3A_28 : i32
      %mul3A_30 = arith.constant 640 : i32
      %mul3A_31 = arith.muli %arg1, %mul3A_30 : i32
      "tpu.region"() ({
        %run_scoped3A = tpu.sem_alloc : memref<!tpu.dma_semaphore, #tpu.memory_space<semaphore_mem>>
        %dma_start3A_32 = arith.constant 0 : i32
        %dma_start3A_33 = tpu.memref_slice %arg10[%mul3A_31, %dma_start3A_32] : memref<10240x128xf32, #tpu.memory_space<vmem_shared>> -> memref<640x128xf32, #tpu.memory_space<vmem_shared>>
        %dma_start3A_34 = arith.constant 0 : i32
        %dma_start3A_35 = tpu.memref_slice %arg2[%mul3A_29, %dma_start3A_34] : memref<10240x128xf32, #tpu.memory_space<hbm>> -> memref<640x128xf32, #tpu.memory_space<hbm>>
        tpu.enqueue_dma source(%dma_start3A_35 : memref<640x128xf32, #tpu.memory_space<hbm>>) target(%dma_start3A_33 : memref<640x128xf32, #tpu.memory_space<vmem_shared>>) target_semaphore(%run_scoped3A : memref<!tpu.dma_semaphore, #tpu.memory_space<semaphore_mem>>)
        %dma_wait3A = arith.constant 0 : i32
        %dma_wait3A_36 = tpu.memref_slice %arg10[%mul3A_31, %dma_wait3A] : memref<10240x128xf32, #tpu.memory_space<vmem_shared>> -> memref<640x128xf32, #tpu.memory_space<vmem_shared>>
        %dma_wait3A_37 = arith.constant 0 : i32
        %dma_wait3A_38 = tpu.memref_slice %arg2[%mul3A_29, %dma_wait3A_37] : memref<10240x128xf32, #tpu.memory_space<hbm>> -> memref<640x128xf32, #tpu.memory_space<hbm>>
        tpu.wait_dma2 semaphore(%run_scoped3A : memref<!tpu.dma_semaphore, #tpu.memory_space<semaphore_mem>>) src(%dma_wait3A_38 : memref<640x128xf32, #tpu.memory_space<hbm>>) dst(%dma_wait3A_36 : memref<640x128xf32, #tpu.memory_space<vmem_shared>>)
        tpu.yield
      }) : () -> ()
    } else {
    }
    %ne3A = arith.constant 0 : i32
    %ne3A_3 = arith.cmpi ne, %arg0, %ne3A : i32
    %convert_element_type3A_4 = arith.extui %ne3A_3 : i1 to i32
    %cond3A_5 = arith.constant 0 : i32
    %cond3A_6 = arith.cmpi ne, %convert_element_type3A_4, %cond3A_5 : i32
    scf.if %cond3A_6 {
      %mul3A_28 = arith.constant 640 : i32
      %mul3A_29 = arith.muli %arg1, %mul3A_28 : i32
      %mul3A_30 = arith.constant 640 : i32
      %mul3A_31 = arith.muli %arg1, %mul3A_30 : i32
      "tpu.region"() ({
        %run_scoped3A = tpu.sem_alloc : memref<!tpu.dma_semaphore, #tpu.memory_space<semaphore_mem>>
        %dma_start3A_32 = arith.constant 0 : i32
        %dma_start3A_33 = tpu.memref_slice %arg10[%mul3A_31, %dma_start3A_32] : memref<10240x128xf32, #tpu.memory_space<vmem_shared>> -> memref<640x128xf32, #tpu.memory_space<vmem_shared>>
        %dma_start3A_34 = arith.constant 0 : i32
        %dma_start3A_35 = tpu.memref_slice %arg4[%mul3A_29, %dma_start3A_34] : memref<10240x128xf32, #tpu.memory_space<hbm>> -> memref<640x128xf32, #tpu.memory_space<hbm>>
        tpu.enqueue_dma source(%dma_start3A_35 : memref<640x128xf32, #tpu.memory_space<hbm>>) target(%dma_start3A_33 : memref<640x128xf32, #tpu.memory_space<vmem_shared>>) target_semaphore(%run_scoped3A : memref<!tpu.dma_semaphore, #tpu.memory_space<semaphore_mem>>)
        %dma_wait3A = arith.constant 0 : i32
        %dma_wait3A_36 = tpu.memref_slice %arg10[%mul3A_31, %dma_wait3A] : memref<10240x128xf32, #tpu.memory_space<vmem_shared>> -> memref<640x128xf32, #tpu.memory_space<vmem_shared>>
        %dma_wait3A_37 = arith.constant 0 : i32
        %dma_wait3A_38 = tpu.memref_slice %arg4[%mul3A_29, %dma_wait3A_37] : memref<10240x128xf32, #tpu.memory_space<hbm>> -> memref<640x128xf32, #tpu.memory_space<hbm>>
        tpu.wait_dma2 semaphore(%run_scoped3A : memref<!tpu.dma_semaphore, #tpu.memory_space<semaphore_mem>>) src(%dma_wait3A_38 : memref<640x128xf32, #tpu.memory_space<hbm>>) dst(%dma_wait3A_36 : memref<640x128xf32, #tpu.memory_space<vmem_shared>>)
        tpu.yield
      }) : () -> ()
    } else {
    }
    %barrier3A = arith.constant 0 : index
    tpu.barrier barrier_id(%barrier3A)
    %mul3A_7 = arith.constant 80 : i32
    %mul3A_8 = arith.muli %add3A, %mul3A_7 : i32
    %add3A_9 = arith.constant 0 : i32
    %add3A_10 = arith.addi %mul3A_8, %add3A_9 : i32
    "tpu.region"() ({
      %run_scoped3A = tpu.sem_alloc : memref<!tpu.dma_semaphore, #tpu.memory_space<semaphore_mem>>
      %dma_start3A_28 = arith.constant 0 : i32
      %dma_start3A_29 = arith.constant 0 : i32
      %dma_start3A_30 = tpu.memref_slice %arg3[%add3A_10, %dma_start3A_28, %dma_start3A_29] : memref<2560x2x128xi32, #tpu.memory_space<hbm>> -> memref<1x2x128xi32, #tpu.memory_space<hbm>>
      %dma_start3A_31 = arith.constant 0 : i32
      %dma_start3A_32 = arith.constant 0 : i32
      %dma_start3A_33 = tpu.memref_slice %arg3[%add3A_10, %dma_start3A_31, %dma_start3A_32] : memref<2560x2x128xi32, #tpu.memory_space<hbm>> -> memref<1x2x128xi32, #tpu.memory_space<hbm>>
      tpu.enqueue_dma source(%dma_start3A_33 : memref<1x2x128xi32, #tpu.memory_space<hbm>>) target(%arg6 : memref<1x2x128xi32, #tpu.memory_space<vmem>>) target_semaphore(%run_scoped3A : memref<!tpu.dma_semaphore, #tpu.memory_space<semaphore_mem>>)
      %dma_wait3A = arith.constant 0 : i32
      %dma_wait3A_34 = arith.constant 0 : i32
      %dma_wait3A_35 = tpu.memref_slice %arg3[%add3A_10, %dma_wait3A, %dma_wait3A_34] : memref<2560x2x128xi32, #tpu.memory_space<hbm>> -> memref<1x2x128xi32, #tpu.memory_space<hbm>>
      %dma_wait3A_36 = arith.constant 0 : i32
      %dma_wait3A_37 = arith.constant 0 : i32
      %dma_wait3A_38 = tpu.memref_slice %arg3[%add3A_10, %dma_wait3A_36, %dma_wait3A_37] : memref<2560x2x128xi32, #tpu.memory_space<hbm>> -> memref<1x2x128xi32, #tpu.memory_space<hbm>>
      tpu.wait_dma2 semaphore(%run_scoped3A : memref<!tpu.dma_semaphore, #tpu.memory_space<semaphore_mem>>) src(%dma_wait3A_38 : memref<1x2x128xi32, #tpu.memory_space<hbm>>) dst(%arg6 : memref<1x2x128xi32, #tpu.memory_space<vmem>>)
      tpu.yield
    }) : () -> ()
    %dma_start3A = arith.constant 0 : i32
    %dma_start3A_11 = arith.constant 0 : i32
    %dma_start3A_12 = arith.constant 0 : i32
    %dma_start3A_13 = tpu.memref_slice %arg6[%dma_start3A, %dma_start3A_11, %dma_start3A_12] : memref<1x2x128xi32, #tpu.memory_space<vmem>> -> memref<1x1x128xi32, #tpu.memory_space<vmem>>
    %dma_start3A_14 = tpu.memref_squeeze %dma_start3A_13 : memref<1x1x128xi32, #tpu.memory_space<vmem>> -> memref<128xi32, #tpu.memory_space<vmem>>
    %dma_start3A_15 = arith.constant 0 : i32
    %dma_start3A_16 = arith.constant 0 : i32
    %dma_start3A_17 = tpu.memref_slice %arg2[%dma_start3A_15, %dma_start3A_16] : memref<10240x128xf32, #tpu.memory_space<hbm>> -> memref<10240x128xf32, #tpu.memory_space<hbm>>
    tpu.enqueue_indirect_dma source(%dma_start3A_17 : memref<10240x128xf32, #tpu.memory_space<hbm>>) target(%arg8 : memref<128x128xf32, #tpu.memory_space<vmem>>) offsets(%dma_start3A_14 : memref<128xi32, #tpu.memory_space<vmem>>) semaphore(%arg11 : memref<!tpu.dma_semaphore, #tpu.memory_space<semaphore_mem>>)
    %scan3A = arith.constant 0 : i32
    %scan3A_18 = arith.constant 0 : i32
    %scan3A_19 = arith.constant 40 : i32
    %scan3A_20 = arith.addi %scan3A_18, %scan3A_19 : i32
    %scan3A_21 = arith.constant 1 : i32
    scf.for %scan3A_28 = %scan3A_18 to %scan3A_20 step %scan3A_21  : i32 {
      %mul3A_29 = arith.constant 2 : i32
      %mul3A_30 = arith.muli %mul3A_29, %scan3A_28 : i32
      %add3A_31 = arith.constant 1 : i32
      %add3A_32 = arith.addi %mul3A_30, %add3A_31 : i32
      %add3A_33 = arith.addi %mul3A_8, %add3A_32 : i32
      "tpu.region"() ({
        %run_scoped3A_66 = tpu.sem_alloc : memref<!tpu.dma_semaphore, #tpu.memory_space<semaphore_mem>>
        %dma_start3A_67 = arith.constant 0 : i32
        %dma_start3A_68 = arith.constant 0 : i32
        %dma_start3A_69 = tpu.memref_slice %arg3[%add3A_33, %dma_start3A_67, %dma_start3A_68] : memref<2560x2x128xi32, #tpu.memory_space<hbm>> -> memref<1x2x128xi32, #tpu.memory_space<hbm>>
        %dma_start3A_70 = arith.constant 0 : i32
        %dma_start3A_71 = arith.constant 0 : i32
        %dma_start3A_72 = tpu.memref_slice %arg3[%add3A_33, %dma_start3A_70, %dma_start3A_71] : memref<2560x2x128xi32, #tpu.memory_space<hbm>> -> memref<1x2x128xi32, #tpu.memory_space<hbm>>
        tpu.enqueue_dma source(%dma_start3A_72 : memref<1x2x128xi32, #tpu.memory_space<hbm>>) target(%arg7 : memref<1x2x128xi32, #tpu.memory_space<vmem>>) target_semaphore(%run_scoped3A_66 : memref<!tpu.dma_semaphore, #tpu.memory_space<semaphore_mem>>)
        %dma_wait3A_73 = arith.constant 0 : i32
        %dma_wait3A_74 = arith.constant 0 : i32
        %dma_wait3A_75 = tpu.memref_slice %arg3[%add3A_33, %dma_wait3A_73, %dma_wait3A_74] : memref<2560x2x128xi32, #tpu.memory_space<hbm>> -> memref<1x2x128xi32, #tpu.memory_space<hbm>>
        %dma_wait3A_76 = arith.constant 0 : i32
        %dma_wait3A_77 = arith.constant 0 : i32
        %dma_wait3A_78 = tpu.memref_slice %arg3[%add3A_33, %dma_wait3A_76, %dma_wait3A_77] : memref<2560x2x128xi32, #tpu.memory_space<hbm>> -> memref<1x2x128xi32, #tpu.memory_space<hbm>>
        tpu.wait_dma2 semaphore(%run_scoped3A_66 : memref<!tpu.dma_semaphore, #tpu.memory_space<semaphore_mem>>) src(%dma_wait3A_78 : memref<1x2x128xi32, #tpu.memory_space<hbm>>) dst(%arg7 : memref<1x2x128xi32, #tpu.memory_space<vmem>>)
        tpu.yield
      }) : () -> ()
      %dma_start3A_34 = arith.constant 0 : i32
      %dma_start3A_35 = arith.constant 0 : i32
      %dma_start3A_36 = arith.constant 0 : i32
      %dma_start3A_37 = tpu.memref_slice %arg7[%dma_start3A_34, %dma_start3A_35, %dma_start3A_36] : memref<1x2x128xi32, #tpu.memory_space<vmem>> -> memref<1x1x128xi32, #tpu.memory_space<vmem>>
      %dma_start3A_38 = tpu.memref_squeeze %dma_start3A_37 : memref<1x1x128xi32, #tpu.memory_space<vmem>> -> memref<128xi32, #tpu.memory_space<vmem>>
      %dma_start3A_39 = arith.constant 0 : i32
      %dma_start3A_40 = arith.constant 0 : i32
      %dma_start3A_41 = tpu.memref_slice %arg2[%dma_start3A_39, %dma_start3A_40] : memref<10240x128xf32, #tpu.memory_space<hbm>> -> memref<10240x128xf32, #tpu.memory_space<hbm>>
      tpu.enqueue_indirect_dma source(%dma_start3A_41 : memref<10240x128xf32, #tpu.memory_space<hbm>>) target(%arg9 : memref<128x128xf32, #tpu.memory_space<vmem>>) offsets(%dma_start3A_38 : memref<128xi32, #tpu.memory_space<vmem>>) semaphore(%arg12 : memref<!tpu.dma_semaphore, #tpu.memory_space<semaphore_mem>>)
      %dma_wait3A = arith.constant 0 : i32
      %dma_wait3A_42 = arith.constant 0 : i32
      %dma_wait3A_43 = arith.constant 0 : i32
      %dma_wait3A_44 = tpu.memref_slice %arg6[%dma_wait3A, %dma_wait3A_42, %dma_wait3A_43] : memref<1x2x128xi32, #tpu.memory_space<vmem>> -> memref<1x1x128xi32, #tpu.memory_space<vmem>>
      %dma_wait3A_45 = tpu.memref_squeeze %dma_wait3A_44 : memref<1x1x128xi32, #tpu.memory_space<vmem>> -> memref<128xi32, #tpu.memory_space<vmem>>
      %dma_wait3A_46 = arith.constant 0 : i32
      %dma_wait3A_47 = arith.constant 0 : i32
      %dma_wait3A_48 = tpu.memref_slice %arg2[%dma_wait3A_46, %dma_wait3A_47] : memref<10240x128xf32, #tpu.memory_space<hbm>> -> memref<10240x128xf32, #tpu.memory_space<hbm>>
      tpu.wait_indirect_dma semaphore(%arg11 : memref<!tpu.dma_semaphore, #tpu.memory_space<semaphore_mem>>) src(%dma_wait3A_48 : memref<10240x128xf32, #tpu.memory_space<hbm>>) dst(%arg8 : memref<128x128xf32, #tpu.memory_space<vmem>>)
      %run_scoped3A = arith.constant 0 : i32
      %run_scoped3A_49 = arith.constant 1 : i32
      "tpu.region"() ({
        %run_scoped3A_66 = tpu.sem_alloc : memref<!tpu.dma_semaphore, #tpu.memory_space<semaphore_mem>>
        %dma_start3A_67 = arith.constant 0 : i32
        %dma_start3A_68 = tpu.memref_slice %arg6[%run_scoped3A, %run_scoped3A_49, %dma_start3A_67] : memref<1x2x128xi32, #tpu.memory_space<vmem>> -> memref<1x1x128xi32, #tpu.memory_space<vmem>>
        %dma_start3A_69 = tpu.memref_squeeze %dma_start3A_68 : memref<1x1x128xi32, #tpu.memory_space<vmem>> -> memref<128xi32, #tpu.memory_space<vmem>>
        %dma_start3A_70 = arith.constant 0 : i32
        %dma_start3A_71 = arith.constant 0 : i32
        %dma_start3A_72 = tpu.memref_slice %arg10[%dma_start3A_70, %dma_start3A_71] : memref<10240x128xf32, #tpu.memory_space<vmem_shared>> -> memref<10240x128xf32, #tpu.memory_space<vmem_shared>>
        tpu.enqueue_indirect_dma source(%arg8 : memref<128x128xf32, #tpu.memory_space<vmem>>) target(%dma_start3A_72 : memref<10240x128xf32, #tpu.memory_space<vmem_shared>>) offsets(%dma_start3A_69 : memref<128xi32, #tpu.memory_space<vmem>>) semaphore(%run_scoped3A_66 : memref<!tpu.dma_semaphore, #tpu.memory_space<semaphore_mem>>) {add = true}
        %dma_wait3A_73 = arith.constant 0 : i32
        %dma_wait3A_74 = tpu.memref_slice %arg6[%run_scoped3A, %run_scoped3A_49, %dma_wait3A_73] : memref<1x2x128xi32, #tpu.memory_space<vmem>> -> memref<1x1x128xi32, #tpu.memory_space<vmem>>
        %dma_wait3A_75 = tpu.memref_squeeze %dma_wait3A_74 : memref<1x1x128xi32, #tpu.memory_space<vmem>> -> memref<128xi32, #tpu.memory_space<vmem>>
        %dma_wait3A_76 = arith.constant 0 : i32
        %dma_wait3A_77 = arith.constant 0 : i32
        %dma_wait3A_78 = tpu.memref_slice %arg10[%dma_wait3A_76, %dma_wait3A_77] : memref<10240x128xf32, #tpu.memory_space<vmem_shared>> -> memref<10240x128xf32, #tpu.memory_space<vmem_shared>>
        tpu.wait_indirect_dma semaphore(%run_scoped3A_66 : memref<!tpu.dma_semaphore, #tpu.memory_space<semaphore_mem>>) src(%arg8 : memref<128x128xf32, #tpu.memory_space<vmem>>) dst(%dma_wait3A_78 : memref<10240x128xf32, #tpu.memory_space<vmem_shared>>)
        tpu.yield
      }) : () -> ()
      %add3A_50 = arith.constant 2 : i32
      %add3A_51 = arith.addi %mul3A_30, %add3A_50 : i32
      %lt3A = arith.constant 80 : i32
      %lt3A_52 = arith.cmpi slt, %add3A_51, %lt3A : i32
      %convert_element_type3A_53 = arith.extui %lt3A_52 : i1 to i32
      %cond3A_54 = arith.constant 0 : i32
      %cond3A_55 = arith.cmpi ne, %convert_element_type3A_53, %cond3A_54 : i32
      scf.if %cond3A_55 {
        %add3A_66 = arith.constant 2 : i32
        %add3A_67 = arith.addi %mul3A_30, %add3A_66 : i32
        %add3A_68 = arith.addi %mul3A_8, %add3A_67 : i32
        "tpu.region"() ({
          %run_scoped3A_77 = tpu.sem_alloc : memref<!tpu.dma_semaphore, #tpu.memory_space<semaphore_mem>>
          %dma_start3A_78 = arith.constant 0 : i32
          %dma_start3A_79 = arith.constant 0 : i32
          %dma_start3A_80 = tpu.memref_slice %arg3[%add3A_68, %dma_start3A_78, %dma_start3A_79] : memref<2560x2x128xi32, #tpu.memory_space<hbm>> -> memref<1x2x128xi32, #tpu.memory_space<hbm>>
          %dma_start3A_81 = arith.constant 0 : i32
          %dma_start3A_82 = arith.constant 0 : i32
          %dma_start3A_83 = tpu.memref_slice %arg3[%add3A_68, %dma_start3A_81, %dma_start3A_82] : memref<2560x2x128xi32, #tpu.memory_space<hbm>> -> memref<1x2x128xi32, #tpu.memory_space<hbm>>
          tpu.enqueue_dma source(%dma_start3A_83 : memref<1x2x128xi32, #tpu.memory_space<hbm>>) target(%arg6 : memref<1x2x128xi32, #tpu.memory_space<vmem>>) target_semaphore(%run_scoped3A_77 : memref<!tpu.dma_semaphore, #tpu.memory_space<semaphore_mem>>)
          %dma_wait3A_84 = arith.constant 0 : i32
          %dma_wait3A_85 = arith.constant 0 : i32
          %dma_wait3A_86 = tpu.memref_slice %arg3[%add3A_68, %dma_wait3A_84, %dma_wait3A_85] : memref<2560x2x128xi32, #tpu.memory_space<hbm>> -> memref<1x2x128xi32, #tpu.memory_space<hbm>>
          %dma_wait3A_87 = arith.constant 0 : i32
          %dma_wait3A_88 = arith.constant 0 : i32
          %dma_wait3A_89 = tpu.memref_slice %arg3[%add3A_68, %dma_wait3A_87, %dma_wait3A_88] : memref<2560x2x128xi32, #tpu.memory_space<hbm>> -> memref<1x2x128xi32, #tpu.memory_space<hbm>>
          tpu.wait_dma2 semaphore(%run_scoped3A_77 : memref<!tpu.dma_semaphore, #tpu.memory_space<semaphore_mem>>) src(%dma_wait3A_89 : memref<1x2x128xi32, #tpu.memory_space<hbm>>) dst(%arg6 : memref<1x2x128xi32, #tpu.memory_space<vmem>>)
          tpu.yield
        }) : () -> ()
        %dma_start3A_69 = arith.constant 0 : i32
        %dma_start3A_70 = arith.constant 0 : i32
        %dma_start3A_71 = arith.constant 0 : i32
        %dma_start3A_72 = tpu.memref_slice %arg6[%dma_start3A_69, %dma_start3A_70, %dma_start3A_71] : memref<1x2x128xi32, #tpu.memory_space<vmem>> -> memref<1x1x128xi32, #tpu.memory_space<vmem>>
        %dma_start3A_73 = tpu.memref_squeeze %dma_start3A_72 : memref<1x1x128xi32, #tpu.memory_space<vmem>> -> memref<128xi32, #tpu.memory_space<vmem>>
        %dma_start3A_74 = arith.constant 0 : i32
        %dma_start3A_75 = arith.constant 0 : i32
        %dma_start3A_76 = tpu.memref_slice %arg2[%dma_start3A_74, %dma_start3A_75] : memref<10240x128xf32, #tpu.memory_space<hbm>> -> memref<10240x128xf32, #tpu.memory_space<hbm>>
        tpu.enqueue_indirect_dma source(%dma_start3A_76 : memref<10240x128xf32, #tpu.memory_space<hbm>>) target(%arg8 : memref<128x128xf32, #tpu.memory_space<vmem>>) offsets(%dma_start3A_73 : memref<128xi32, #tpu.memory_space<vmem>>) semaphore(%arg11 : memref<!tpu.dma_semaphore, #tpu.memory_space<semaphore_mem>>)
      } else {
      }
      %dma_wait3A_56 = arith.constant 0 : i32
      %dma_wait3A_57 = arith.constant 0 : i32
      %dma_wait3A_58 = arith.constant 0 : i32
      %dma_wait3A_59 = tpu.memref_slice %arg7[%dma_wait3A_56, %dma_wait3A_57, %dma_wait3A_58] : memref<1x2x128xi32, #tpu.memory_space<vmem>> -> memref<1x1x128xi32, #tpu.memory_space<vmem>>
      %dma_wait3A_60 = tpu.memref_squeeze %dma_wait3A_59 : memref<1x1x128xi32, #tpu.memory_space<vmem>> -> memref<128xi32, #tpu.memory_space<vmem>>
      %dma_wait3A_61 = arith.constant 0 : i32
      %dma_wait3A_62 = arith.constant 0 : i32
      %dma_wait3A_63 = tpu.memref_slice %arg2[%dma_wait3A_61, %dma_wait3A_62] : memref<10240x128xf32, #tpu.memory_space<hbm>> -> memref<10240x128xf32, #tpu.memory_space<hbm>>
      tpu.wait_indirect_dma semaphore(%arg12 : memref<!tpu.dma_semaphore, #tpu.memory_space<semaphore_mem>>) src(%dma_wait3A_63 : memref<10240x128xf32, #tpu.memory_space<hbm>>) dst(%arg9 : memref<128x128xf32, #tpu.memory_space<vmem>>)
      %run_scoped3A_64 = arith.constant 0 : i32
      %run_scoped3A_65 = arith.constant 1 : i32
      "tpu.region"() ({
        %run_scoped3A_66 = tpu.sem_alloc : memref<!tpu.dma_semaphore, #tpu.memory_space<semaphore_mem>>
        %dma_start3A_67 = arith.constant 0 : i32
        %dma_start3A_68 = tpu.memref_slice %arg7[%run_scoped3A_64, %run_scoped3A_65, %dma_start3A_67] : memref<1x2x128xi32, #tpu.memory_space<vmem>> -> memref<1x1x128xi32, #tpu.memory_space<vmem>>
        %dma_start3A_69 = tpu.memref_squeeze %dma_start3A_68 : memref<1x1x128xi32, #tpu.memory_space<vmem>> -> memref<128xi32, #tpu.memory_space<vmem>>
        %dma_start3A_70 = arith.constant 0 : i32
        %dma_start3A_71 = arith.constant 0 : i32
        %dma_start3A_72 = tpu.memref_slice %arg10[%dma_start3A_70, %dma_start3A_71] : memref<10240x128xf32, #tpu.memory_space<vmem_shared>> -> memref<10240x128xf32, #tpu.memory_space<vmem_shared>>
        tpu.enqueue_indirect_dma source(%arg9 : memref<128x128xf32, #tpu.memory_space<vmem>>) target(%dma_start3A_72 : memref<10240x128xf32, #tpu.memory_space<vmem_shared>>) offsets(%dma_start3A_69 : memref<128xi32, #tpu.memory_space<vmem>>) semaphore(%run_scoped3A_66 : memref<!tpu.dma_semaphore, #tpu.memory_space<semaphore_mem>>) {add = true}
        %dma_wait3A_73 = arith.constant 0 : i32
        %dma_wait3A_74 = tpu.memref_slice %arg7[%run_scoped3A_64, %run_scoped3A_65, %dma_wait3A_73] : memref<1x2x128xi32, #tpu.memory_space<vmem>> -> memref<1x1x128xi32, #tpu.memory_space<vmem>>
        %dma_wait3A_75 = tpu.memref_squeeze %dma_wait3A_74 : memref<1x1x128xi32, #tpu.memory_space<vmem>> -> memref<128xi32, #tpu.memory_space<vmem>>
        %dma_wait3A_76 = arith.constant 0 : i32
        %dma_wait3A_77 = arith.constant 0 : i32
        %dma_wait3A_78 = tpu.memref_slice %arg10[%dma_wait3A_76, %dma_wait3A_77] : memref<10240x128xf32, #tpu.memory_space<vmem_shared>> -> memref<10240x128xf32, #tpu.memory_space<vmem_shared>>
        tpu.wait_indirect_dma semaphore(%run_scoped3A_66 : memref<!tpu.dma_semaphore, #tpu.memory_space<semaphore_mem>>) src(%arg9 : memref<128x128xf32, #tpu.memory_space<vmem>>) dst(%dma_wait3A_78 : memref<10240x128xf32, #tpu.memory_space<vmem_shared>>)
        tpu.yield
      }) : () -> ()
    }
    %scan3A_22 = arith.constant 40 : i32
    %barrier3A_23 = arith.constant 0 : index
    tpu.barrier barrier_id(%barrier3A_23)
    %mul3A_24 = arith.constant 640 : i32
    %mul3A_25 = arith.muli %arg1, %mul3A_24 : i32
    %mul3A_26 = arith.constant 640 : i32
    %mul3A_27 = arith.muli %arg1, %mul3A_26 : i32
    "tpu.region"() ({
      %run_scoped3A = tpu.sem_alloc : memref<!tpu.dma_semaphore, #tpu.memory_space<semaphore_mem>>
      %dma_start3A_28 = arith.constant 0 : i32
      %dma_start3A_29 = tpu.memref_slice %arg5[%arg0, %mul3A_27, %dma_start3A_28] : memref<2x10240x128xf32, #tpu.memory_space<hbm>> -> memref<1x640x128xf32, #tpu.memory_space<hbm>>
      %dma_start3A_30 = tpu.memref_squeeze %dma_start3A_29 : memref<1x640x128xf32, #tpu.memory_space<hbm>> -> memref<640x128xf32, #tpu.memory_space<hbm>>
      %dma_start3A_31 = arith.constant 0 : i32
      %dma_start3A_32 = tpu.memref_slice %arg10[%mul3A_25, %dma_start3A_31] : memref<10240x128xf32, #tpu.memory_space<vmem_shared>> -> memref<640x128xf32, #tpu.memory_space<vmem_shared>>
      tpu.enqueue_dma source(%dma_start3A_32 : memref<640x128xf32, #tpu.memory_space<vmem_shared>>) target(%dma_start3A_30 : memref<640x128xf32, #tpu.memory_space<hbm>>) target_semaphore(%run_scoped3A : memref<!tpu.dma_semaphore, #tpu.memory_space<semaphore_mem>>)
      %dma_wait3A = arith.constant 0 : i32
      %dma_wait3A_33 = tpu.memref_slice %arg5[%arg0, %mul3A_27, %dma_wait3A] : memref<2x10240x128xf32, #tpu.memory_space<hbm>> -> memref<1x640x128xf32, #tpu.memory_space<hbm>>
      %dma_wait3A_34 = tpu.memref_squeeze %dma_wait3A_33 : memref<1x640x128xf32, #tpu.memory_space<hbm>> -> memref<640x128xf32, #tpu.memory_space<hbm>>
      %dma_wait3A_35 = arith.constant 0 : i32
      %dma_wait3A_36 = tpu.memref_slice %arg10[%mul3A_25, %dma_wait3A_35] : memref<10240x128xf32, #tpu.memory_space<vmem_shared>> -> memref<640x128xf32, #tpu.memory_space<vmem_shared>>
      tpu.wait_dma2 semaphore(%run_scoped3A : memref<!tpu.dma_semaphore, #tpu.memory_space<semaphore_mem>>) src(%dma_wait3A_36 : memref<640x128xf32, #tpu.memory_space<vmem_shared>>) dst(%dma_wait3A_34 : memref<640x128xf32, #tpu.memory_space<hbm>>)
      tpu.yield
    }) : () -> ()
    return
  }
}

#map = affine_map<(d0, d1) -> (0, 0)>
#map1 = affine_map<(d0, d1) -> (0)>
module attributes {stable_mosaic.version = 14 : i64} {
  func.func @deg_kernel(%arg0: i32, %arg1: i32, %arg2: memref<2560x128xi32, #tpu.memory_space<hbm>>, %arg3: memref<10240xf32, #tpu.memory_space<hbm>>, %arg4: memref<128xf32, #tpu.memory_space<hbm>>, %arg5: memref<2x10240xf32, #tpu.memory_space<hbm>>, %arg6: memref<4x128xi32, #tpu.memory_space<vmem>>, %arg7: memref<128xf32, #tpu.memory_space<vmem>>, %arg8: memref<10240xf32, #tpu.memory_space<vmem_shared>>) attributes {dimension_semantics = [#tpu.dimension_semantics<core_parallel>, #tpu.dimension_semantics<subcore_parallel>], iteration_bounds = array<i64: 2, 16>, scalar_prefetch = 0 : i64, scratch_operands = 3 : i64, tpu.core_type = #tpu.core_type<sc_vector_subcore>, window_params = [{transform_indices = #map}, {transform_indices = #map1}, {transform_indices = #map1}, {transform_indices = #map}]} {
    %mul3A = arith.constant 2 : i32
    %mul3A_0 = arith.muli %arg1, %mul3A : i32
    %add3A = arith.addi %mul3A_0, %arg0 : i32
    %mul3A_1 = arith.constant 640 : i32
    %mul3A_2 = arith.muli %arg1, %mul3A_1 : i32
    %mul3A_3 = arith.constant 640 : i32
    %mul3A_4 = arith.muli %arg1, %mul3A_3 : i32
    "tpu.region"() ({
      %run_scoped3A = tpu.sem_alloc : memref<!tpu.dma_semaphore, #tpu.memory_space<semaphore_mem>>
      %dma_start3A = tpu.memref_slice %arg8[%mul3A_4] : memref<10240xf32, #tpu.memory_space<vmem_shared>> -> memref<640xf32, #tpu.memory_space<vmem_shared>>
      %dma_start3A_17 = tpu.memref_slice %arg3[%mul3A_2] : memref<10240xf32, #tpu.memory_space<hbm>> -> memref<640xf32, #tpu.memory_space<hbm>>
      tpu.enqueue_dma source(%dma_start3A_17 : memref<640xf32, #tpu.memory_space<hbm>>) target(%dma_start3A : memref<640xf32, #tpu.memory_space<vmem_shared>>) target_semaphore(%run_scoped3A : memref<!tpu.dma_semaphore, #tpu.memory_space<semaphore_mem>>)
      %dma_wait3A = tpu.memref_slice %arg8[%mul3A_4] : memref<10240xf32, #tpu.memory_space<vmem_shared>> -> memref<640xf32, #tpu.memory_space<vmem_shared>>
      %dma_wait3A_18 = tpu.memref_slice %arg3[%mul3A_2] : memref<10240xf32, #tpu.memory_space<hbm>> -> memref<640xf32, #tpu.memory_space<hbm>>
      tpu.wait_dma2 semaphore(%run_scoped3A : memref<!tpu.dma_semaphore, #tpu.memory_space<semaphore_mem>>) src(%dma_wait3A_18 : memref<640xf32, #tpu.memory_space<hbm>>) dst(%dma_wait3A : memref<640xf32, #tpu.memory_space<vmem_shared>>)
      tpu.yield
    }) : () -> ()
    "tpu.region"() ({
      %run_scoped3A = tpu.sem_alloc : memref<!tpu.dma_semaphore, #tpu.memory_space<semaphore_mem>>
      tpu.enqueue_dma source(%arg4 : memref<128xf32, #tpu.memory_space<hbm>>) target(%arg7 : memref<128xf32, #tpu.memory_space<vmem>>) target_semaphore(%run_scoped3A : memref<!tpu.dma_semaphore, #tpu.memory_space<semaphore_mem>>)
      tpu.wait_dma2 semaphore(%run_scoped3A : memref<!tpu.dma_semaphore, #tpu.memory_space<semaphore_mem>>) src(%arg4 : memref<128xf32, #tpu.memory_space<hbm>>) dst(%arg7 : memref<128xf32, #tpu.memory_space<vmem>>)
      tpu.yield
    }) : () -> ()
    %barrier3A = arith.constant 0 : index
    tpu.barrier barrier_id(%barrier3A)
    %mul3A_5 = arith.constant 80 : i32
    %mul3A_6 = arith.muli %add3A, %mul3A_5 : i32
    %scan3A = arith.constant 0 : i32
    %scan3A_7 = arith.constant 0 : i32
    %scan3A_8 = arith.constant 20 : i32
    %scan3A_9 = arith.addi %scan3A_7, %scan3A_8 : i32
    %scan3A_10 = arith.constant 1 : i32
    scf.for %scan3A_17 = %scan3A_7 to %scan3A_9 step %scan3A_10  : i32 {
      %mul3A_18 = arith.constant 4 : i32
      %mul3A_19 = arith.muli %scan3A_17, %mul3A_18 : i32
      %add3A_20 = arith.addi %mul3A_6, %mul3A_19 : i32
      "tpu.region"() ({
        %run_scoped3A_24 = tpu.sem_alloc : memref<!tpu.dma_semaphore, #tpu.memory_space<semaphore_mem>>
        %dma_start3A = arith.constant 0 : i32
        %dma_start3A_25 = tpu.memref_slice %arg2[%add3A_20, %dma_start3A] : memref<2560x128xi32, #tpu.memory_space<hbm>> -> memref<4x128xi32, #tpu.memory_space<hbm>>
        %dma_start3A_26 = arith.constant 0 : i32
        %dma_start3A_27 = tpu.memref_slice %arg2[%add3A_20, %dma_start3A_26] : memref<2560x128xi32, #tpu.memory_space<hbm>> -> memref<4x128xi32, #tpu.memory_space<hbm>>
        tpu.enqueue_dma source(%dma_start3A_27 : memref<4x128xi32, #tpu.memory_space<hbm>>) target(%arg6 : memref<4x128xi32, #tpu.memory_space<vmem>>) target_semaphore(%run_scoped3A_24 : memref<!tpu.dma_semaphore, #tpu.memory_space<semaphore_mem>>)
        %dma_wait3A = arith.constant 0 : i32
        %dma_wait3A_28 = tpu.memref_slice %arg2[%add3A_20, %dma_wait3A] : memref<2560x128xi32, #tpu.memory_space<hbm>> -> memref<4x128xi32, #tpu.memory_space<hbm>>
        %dma_wait3A_29 = arith.constant 0 : i32
        %dma_wait3A_30 = tpu.memref_slice %arg2[%add3A_20, %dma_wait3A_29] : memref<2560x128xi32, #tpu.memory_space<hbm>> -> memref<4x128xi32, #tpu.memory_space<hbm>>
        tpu.wait_dma2 semaphore(%run_scoped3A_24 : memref<!tpu.dma_semaphore, #tpu.memory_space<semaphore_mem>>) src(%dma_wait3A_30 : memref<4x128xi32, #tpu.memory_space<hbm>>) dst(%arg6 : memref<4x128xi32, #tpu.memory_space<vmem>>)
        tpu.yield
      }) : () -> ()
      %run_scoped3A = arith.constant 0 : i32
      "tpu.region"() ({
        %run_scoped3A_24 = tpu.sem_alloc : memref<!tpu.dma_semaphore, #tpu.memory_space<semaphore_mem>>
        %dma_start3A = arith.constant 0 : i32
        %dma_start3A_25 = tpu.memref_slice %arg6[%run_scoped3A, %dma_start3A] : memref<4x128xi32, #tpu.memory_space<vmem>> -> memref<1x128xi32, #tpu.memory_space<vmem>>
        %dma_start3A_26 = tpu.memref_squeeze %dma_start3A_25 : memref<1x128xi32, #tpu.memory_space<vmem>> -> memref<128xi32, #tpu.memory_space<vmem>>
        %dma_start3A_27 = arith.constant 0 : i32
        %dma_start3A_28 = tpu.memref_slice %arg8[%dma_start3A_27] : memref<10240xf32, #tpu.memory_space<vmem_shared>> -> memref<10240xf32, #tpu.memory_space<vmem_shared>>
        tpu.enqueue_indirect_dma source(%arg7 : memref<128xf32, #tpu.memory_space<vmem>>) target(%dma_start3A_28 : memref<10240xf32, #tpu.memory_space<vmem_shared>>) offsets(%dma_start3A_26 : memref<128xi32, #tpu.memory_space<vmem>>) semaphore(%run_scoped3A_24 : memref<!tpu.dma_semaphore, #tpu.memory_space<semaphore_mem>>) {add = true}
        %dma_wait3A = arith.constant 0 : i32
        %dma_wait3A_29 = tpu.memref_slice %arg6[%run_scoped3A, %dma_wait3A] : memref<4x128xi32, #tpu.memory_space<vmem>> -> memref<1x128xi32, #tpu.memory_space<vmem>>
        %dma_wait3A_30 = tpu.memref_squeeze %dma_wait3A_29 : memref<1x128xi32, #tpu.memory_space<vmem>> -> memref<128xi32, #tpu.memory_space<vmem>>
        %dma_wait3A_31 = arith.constant 0 : i32
        %dma_wait3A_32 = tpu.memref_slice %arg8[%dma_wait3A_31] : memref<10240xf32, #tpu.memory_space<vmem_shared>> -> memref<10240xf32, #tpu.memory_space<vmem_shared>>
        tpu.wait_indirect_dma semaphore(%run_scoped3A_24 : memref<!tpu.dma_semaphore, #tpu.memory_space<semaphore_mem>>) src(%arg7 : memref<128xf32, #tpu.memory_space<vmem>>) dst(%dma_wait3A_32 : memref<10240xf32, #tpu.memory_space<vmem_shared>>)
        tpu.yield
      }) : () -> ()
      %run_scoped3A_21 = arith.constant 1 : i32
      "tpu.region"() ({
        %run_scoped3A_24 = tpu.sem_alloc : memref<!tpu.dma_semaphore, #tpu.memory_space<semaphore_mem>>
        %dma_start3A = arith.constant 0 : i32
        %dma_start3A_25 = tpu.memref_slice %arg6[%run_scoped3A_21, %dma_start3A] : memref<4x128xi32, #tpu.memory_space<vmem>> -> memref<1x128xi32, #tpu.memory_space<vmem>>
        %dma_start3A_26 = tpu.memref_squeeze %dma_start3A_25 : memref<1x128xi32, #tpu.memory_space<vmem>> -> memref<128xi32, #tpu.memory_space<vmem>>
        %dma_start3A_27 = arith.constant 0 : i32
        %dma_start3A_28 = tpu.memref_slice %arg8[%dma_start3A_27] : memref<10240xf32, #tpu.memory_space<vmem_shared>> -> memref<10240xf32, #tpu.memory_space<vmem_shared>>
        tpu.enqueue_indirect_dma source(%arg7 : memref<128xf32, #tpu.memory_space<vmem>>) target(%dma_start3A_28 : memref<10240xf32, #tpu.memory_space<vmem_shared>>) offsets(%dma_start3A_26 : memref<128xi32, #tpu.memory_space<vmem>>) semaphore(%run_scoped3A_24 : memref<!tpu.dma_semaphore, #tpu.memory_space<semaphore_mem>>) {add = true}
        %dma_wait3A = arith.constant 0 : i32
        %dma_wait3A_29 = tpu.memref_slice %arg6[%run_scoped3A_21, %dma_wait3A] : memref<4x128xi32, #tpu.memory_space<vmem>> -> memref<1x128xi32, #tpu.memory_space<vmem>>
        %dma_wait3A_30 = tpu.memref_squeeze %dma_wait3A_29 : memref<1x128xi32, #tpu.memory_space<vmem>> -> memref<128xi32, #tpu.memory_space<vmem>>
        %dma_wait3A_31 = arith.constant 0 : i32
        %dma_wait3A_32 = tpu.memref_slice %arg8[%dma_wait3A_31] : memref<10240xf32, #tpu.memory_space<vmem_shared>> -> memref<10240xf32, #tpu.memory_space<vmem_shared>>
        tpu.wait_indirect_dma semaphore(%run_scoped3A_24 : memref<!tpu.dma_semaphore, #tpu.memory_space<semaphore_mem>>) src(%arg7 : memref<128xf32, #tpu.memory_space<vmem>>) dst(%dma_wait3A_32 : memref<10240xf32, #tpu.memory_space<vmem_shared>>)
        tpu.yield
      }) : () -> ()
      %run_scoped3A_22 = arith.constant 2 : i32
      "tpu.region"() ({
        %run_scoped3A_24 = tpu.sem_alloc : memref<!tpu.dma_semaphore, #tpu.memory_space<semaphore_mem>>
        %dma_start3A = arith.constant 0 : i32
        %dma_start3A_25 = tpu.memref_slice %arg6[%run_scoped3A_22, %dma_start3A] : memref<4x128xi32, #tpu.memory_space<vmem>> -> memref<1x128xi32, #tpu.memory_space<vmem>>
        %dma_start3A_26 = tpu.memref_squeeze %dma_start3A_25 : memref<1x128xi32, #tpu.memory_space<vmem>> -> memref<128xi32, #tpu.memory_space<vmem>>
        %dma_start3A_27 = arith.constant 0 : i32
        %dma_start3A_28 = tpu.memref_slice %arg8[%dma_start3A_27] : memref<10240xf32, #tpu.memory_space<vmem_shared>> -> memref<10240xf32, #tpu.memory_space<vmem_shared>>
        tpu.enqueue_indirect_dma source(%arg7 : memref<128xf32, #tpu.memory_space<vmem>>) target(%dma_start3A_28 : memref<10240xf32, #tpu.memory_space<vmem_shared>>) offsets(%dma_start3A_26 : memref<128xi32, #tpu.memory_space<vmem>>) semaphore(%run_scoped3A_24 : memref<!tpu.dma_semaphore, #tpu.memory_space<semaphore_mem>>) {add = true}
        %dma_wait3A = arith.constant 0 : i32
        %dma_wait3A_29 = tpu.memref_slice %arg6[%run_scoped3A_22, %dma_wait3A] : memref<4x128xi32, #tpu.memory_space<vmem>> -> memref<1x128xi32, #tpu.memory_space<vmem>>
        %dma_wait3A_30 = tpu.memref_squeeze %dma_wait3A_29 : memref<1x128xi32, #tpu.memory_space<vmem>> -> memref<128xi32, #tpu.memory_space<vmem>>
        %dma_wait3A_31 = arith.constant 0 : i32
        %dma_wait3A_32 = tpu.memref_slice %arg8[%dma_wait3A_31] : memref<10240xf32, #tpu.memory_space<vmem_shared>> -> memref<10240xf32, #tpu.memory_space<vmem_shared>>
        tpu.wait_indirect_dma semaphore(%run_scoped3A_24 : memref<!tpu.dma_semaphore, #tpu.memory_space<semaphore_mem>>) src(%arg7 : memref<128xf32, #tpu.memory_space<vmem>>) dst(%dma_wait3A_32 : memref<10240xf32, #tpu.memory_space<vmem_shared>>)
        tpu.yield
      }) : () -> ()
      %run_scoped3A_23 = arith.constant 3 : i32
      "tpu.region"() ({
        %run_scoped3A_24 = tpu.sem_alloc : memref<!tpu.dma_semaphore, #tpu.memory_space<semaphore_mem>>
        %dma_start3A = arith.constant 0 : i32
        %dma_start3A_25 = tpu.memref_slice %arg6[%run_scoped3A_23, %dma_start3A] : memref<4x128xi32, #tpu.memory_space<vmem>> -> memref<1x128xi32, #tpu.memory_space<vmem>>
        %dma_start3A_26 = tpu.memref_squeeze %dma_start3A_25 : memref<1x128xi32, #tpu.memory_space<vmem>> -> memref<128xi32, #tpu.memory_space<vmem>>
        %dma_start3A_27 = arith.constant 0 : i32
        %dma_start3A_28 = tpu.memref_slice %arg8[%dma_start3A_27] : memref<10240xf32, #tpu.memory_space<vmem_shared>> -> memref<10240xf32, #tpu.memory_space<vmem_shared>>
        tpu.enqueue_indirect_dma source(%arg7 : memref<128xf32, #tpu.memory_space<vmem>>) target(%dma_start3A_28 : memref<10240xf32, #tpu.memory_space<vmem_shared>>) offsets(%dma_start3A_26 : memref<128xi32, #tpu.memory_space<vmem>>) semaphore(%run_scoped3A_24 : memref<!tpu.dma_semaphore, #tpu.memory_space<semaphore_mem>>) {add = true}
        %dma_wait3A = arith.constant 0 : i32
        %dma_wait3A_29 = tpu.memref_slice %arg6[%run_scoped3A_23, %dma_wait3A] : memref<4x128xi32, #tpu.memory_space<vmem>> -> memref<1x128xi32, #tpu.memory_space<vmem>>
        %dma_wait3A_30 = tpu.memref_squeeze %dma_wait3A_29 : memref<1x128xi32, #tpu.memory_space<vmem>> -> memref<128xi32, #tpu.memory_space<vmem>>
        %dma_wait3A_31 = arith.constant 0 : i32
        %dma_wait3A_32 = tpu.memref_slice %arg8[%dma_wait3A_31] : memref<10240xf32, #tpu.memory_space<vmem_shared>> -> memref<10240xf32, #tpu.memory_space<vmem_shared>>
        tpu.wait_indirect_dma semaphore(%run_scoped3A_24 : memref<!tpu.dma_semaphore, #tpu.memory_space<semaphore_mem>>) src(%arg7 : memref<128xf32, #tpu.memory_space<vmem>>) dst(%dma_wait3A_32 : memref<10240xf32, #tpu.memory_space<vmem_shared>>)
        tpu.yield
      }) : () -> ()
    }
    %scan3A_11 = arith.constant 20 : i32
    %barrier3A_12 = arith.constant 0 : index
    tpu.barrier barrier_id(%barrier3A_12)
    %mul3A_13 = arith.constant 640 : i32
    %mul3A_14 = arith.muli %arg1, %mul3A_13 : i32
    %mul3A_15 = arith.constant 640 : i32
    %mul3A_16 = arith.muli %arg1, %mul3A_15 : i32
    "tpu.region"() ({
      %run_scoped3A = tpu.sem_alloc : memref<!tpu.dma_semaphore, #tpu.memory_space<semaphore_mem>>
      %dma_start3A = tpu.memref_slice %arg5[%arg0, %mul3A_16] : memref<2x10240xf32, #tpu.memory_space<hbm>> -> memref<1x640xf32, #tpu.memory_space<hbm>>
      %dma_start3A_17 = tpu.memref_squeeze %dma_start3A : memref<1x640xf32, #tpu.memory_space<hbm>> -> memref<640xf32, #tpu.memory_space<hbm>>
      %dma_start3A_18 = tpu.memref_slice %arg8[%mul3A_14] : memref<10240xf32, #tpu.memory_space<vmem_shared>> -> memref<640xf32, #tpu.memory_space<vmem_shared>>
      tpu.enqueue_dma source(%dma_start3A_18 : memref<640xf32, #tpu.memory_space<vmem_shared>>) target(%dma_start3A_17 : memref<640xf32, #tpu.memory_space<hbm>>) target_semaphore(%run_scoped3A : memref<!tpu.dma_semaphore, #tpu.memory_space<semaphore_mem>>)
      %dma_wait3A = tpu.memref_slice %arg5[%arg0, %mul3A_16] : memref<2x10240xf32, #tpu.memory_space<hbm>> -> memref<1x640xf32, #tpu.memory_space<hbm>>
      %dma_wait3A_19 = tpu.memref_squeeze %dma_wait3A : memref<1x640xf32, #tpu.memory_space<hbm>> -> memref<640xf32, #tpu.memory_space<hbm>>
      %dma_wait3A_20 = tpu.memref_slice %arg8[%mul3A_14] : memref<10240xf32, #tpu.memory_space<vmem_shared>> -> memref<640xf32, #tpu.memory_space<vmem_shared>>
      tpu.wait_dma2 semaphore(%run_scoped3A : memref<!tpu.dma_semaphore, #tpu.memory_space<semaphore_mem>>) src(%dma_wait3A_20 : memref<640xf32, #tpu.memory_space<vmem_shared>>) dst(%dma_wait3A_19 : memref<640xf32, #tpu.memory_space<hbm>>)
      tpu.yield
    }) : () -> ()
    return
  }
}

#map = affine_map<(d0, d1) -> (0, 0)>
#map1 = affine_map<(d0, d1) -> (0)>
#map2 = affine_map<(d0, d1) -> (0, 0, 0)>
module attributes {stable_mosaic.version = 14 : i64} {
  func.func @agg_kernel(%arg0: i32, %arg1: i32, %arg2: memref<10240x64xf32, #tpu.memory_space<hbm>>, %arg3: memref<327680xi32, #tpu.memory_space<hbm>>, %arg4: memref<2560x128xi32, #tpu.memory_space<hbm>>, %arg5: memref<10240x64xf32, #tpu.memory_space<hbm>>, %arg6: memref<2x10240x64xf32, #tpu.memory_space<hbm>>, %arg7: memref<512xi32, #tpu.memory_space<vmem>>, %arg8: memref<512xi32, #tpu.memory_space<vmem>>, %arg9: memref<4x128xi32, #tpu.memory_space<vmem>>, %arg10: memref<4x128xi32, #tpu.memory_space<vmem>>, %arg11: memref<512x64xf32, #tpu.memory_space<vmem>>, %arg12: memref<512x64xf32, #tpu.memory_space<vmem>>, %arg13: memref<10240x64xf32, #tpu.memory_space<vmem_shared>>, %arg14: memref<!tpu.dma_semaphore, #tpu.memory_space<semaphore_mem>>, %arg15: memref<!tpu.dma_semaphore, #tpu.memory_space<semaphore_mem>>) attributes {dimension_semantics = [#tpu.dimension_semantics<core_parallel>, #tpu.dimension_semantics<subcore_parallel>], iteration_bounds = array<i64: 2, 16>, scalar_prefetch = 0 : i64, scratch_operands = 9 : i64, tpu.core_type = #tpu.core_type<sc_vector_subcore>, window_params = [{transform_indices = #map}, {transform_indices = #map1}, {transform_indices = #map}, {transform_indices = #map}, {transform_indices = #map2}]} {
    %mul3A = arith.constant 2 : i32
    %mul3A_0 = arith.muli %arg1, %mul3A : i32
    %add3A = arith.addi %mul3A_0, %arg0 : i32
    %eq3A = arith.constant 0 : i32
    %eq3A_1 = arith.cmpi eq, %arg0, %eq3A : i32
    %convert_element_type3A = arith.extui %eq3A_1 : i1 to i32
    %cond3A = arith.constant 0 : i32
    %cond3A_2 = arith.cmpi ne, %convert_element_type3A, %cond3A : i32
    scf.if %cond3A_2 {
      %mul3A_27 = arith.constant 640 : i32
      %mul3A_28 = arith.muli %arg1, %mul3A_27 : i32
      %mul3A_29 = arith.constant 640 : i32
      %mul3A_30 = arith.muli %arg1, %mul3A_29 : i32
      "tpu.region"() ({
        %run_scoped3A = tpu.sem_alloc : memref<!tpu.dma_semaphore, #tpu.memory_space<semaphore_mem>>
        %dma_start3A_31 = arith.constant 0 : i32
        %dma_start3A_32 = tpu.memref_slice %arg13[%mul3A_30, %dma_start3A_31] : memref<10240x64xf32, #tpu.memory_space<vmem_shared>> -> memref<640x64xf32, #tpu.memory_space<vmem_shared>>
        %dma_start3A_33 = arith.constant 0 : i32
        %dma_start3A_34 = tpu.memref_slice %arg2[%mul3A_28, %dma_start3A_33] : memref<10240x64xf32, #tpu.memory_space<hbm>> -> memref<640x64xf32, #tpu.memory_space<hbm>>
        tpu.enqueue_dma source(%dma_start3A_34 : memref<640x64xf32, #tpu.memory_space<hbm>>) target(%dma_start3A_32 : memref<640x64xf32, #tpu.memory_space<vmem_shared>>) target_semaphore(%run_scoped3A : memref<!tpu.dma_semaphore, #tpu.memory_space<semaphore_mem>>)
        %dma_wait3A = arith.constant 0 : i32
        %dma_wait3A_35 = tpu.memref_slice %arg13[%mul3A_30, %dma_wait3A] : memref<10240x64xf32, #tpu.memory_space<vmem_shared>> -> memref<640x64xf32, #tpu.memory_space<vmem_shared>>
        %dma_wait3A_36 = arith.constant 0 : i32
        %dma_wait3A_37 = tpu.memref_slice %arg2[%mul3A_28, %dma_wait3A_36] : memref<10240x64xf32, #tpu.memory_space<hbm>> -> memref<640x64xf32, #tpu.memory_space<hbm>>
        tpu.wait_dma2 semaphore(%run_scoped3A : memref<!tpu.dma_semaphore, #tpu.memory_space<semaphore_mem>>) src(%dma_wait3A_37 : memref<640x64xf32, #tpu.memory_space<hbm>>) dst(%dma_wait3A_35 : memref<640x64xf32, #tpu.memory_space<vmem_shared>>)
        tpu.yield
      }) : () -> ()
    } else {
    }
    %ne3A = arith.constant 0 : i32
    %ne3A_3 = arith.cmpi ne, %arg0, %ne3A : i32
    %convert_element_type3A_4 = arith.extui %ne3A_3 : i1 to i32
    %cond3A_5 = arith.constant 0 : i32
    %cond3A_6 = arith.cmpi ne, %convert_element_type3A_4, %cond3A_5 : i32
    scf.if %cond3A_6 {
      %mul3A_27 = arith.constant 640 : i32
      %mul3A_28 = arith.muli %arg1, %mul3A_27 : i32
      %mul3A_29 = arith.constant 640 : i32
      %mul3A_30 = arith.muli %arg1, %mul3A_29 : i32
      "tpu.region"() ({
        %run_scoped3A = tpu.sem_alloc : memref<!tpu.dma_semaphore, #tpu.memory_space<semaphore_mem>>
        %dma_start3A_31 = arith.constant 0 : i32
        %dma_start3A_32 = tpu.memref_slice %arg13[%mul3A_30, %dma_start3A_31] : memref<10240x64xf32, #tpu.memory_space<vmem_shared>> -> memref<640x64xf32, #tpu.memory_space<vmem_shared>>
        %dma_start3A_33 = arith.constant 0 : i32
        %dma_start3A_34 = tpu.memref_slice %arg5[%mul3A_28, %dma_start3A_33] : memref<10240x64xf32, #tpu.memory_space<hbm>> -> memref<640x64xf32, #tpu.memory_space<hbm>>
        tpu.enqueue_dma source(%dma_start3A_34 : memref<640x64xf32, #tpu.memory_space<hbm>>) target(%dma_start3A_32 : memref<640x64xf32, #tpu.memory_space<vmem_shared>>) target_semaphore(%run_scoped3A : memref<!tpu.dma_semaphore, #tpu.memory_space<semaphore_mem>>)
        %dma_wait3A = arith.constant 0 : i32
        %dma_wait3A_35 = tpu.memref_slice %arg13[%mul3A_30, %dma_wait3A] : memref<10240x64xf32, #tpu.memory_space<vmem_shared>> -> memref<640x64xf32, #tpu.memory_space<vmem_shared>>
        %dma_wait3A_36 = arith.constant 0 : i32
        %dma_wait3A_37 = tpu.memref_slice %arg5[%mul3A_28, %dma_wait3A_36] : memref<10240x64xf32, #tpu.memory_space<hbm>> -> memref<640x64xf32, #tpu.memory_space<hbm>>
        tpu.wait_dma2 semaphore(%run_scoped3A : memref<!tpu.dma_semaphore, #tpu.memory_space<semaphore_mem>>) src(%dma_wait3A_37 : memref<640x64xf32, #tpu.memory_space<hbm>>) dst(%dma_wait3A_35 : memref<640x64xf32, #tpu.memory_space<vmem_shared>>)
        tpu.yield
      }) : () -> ()
    } else {
    }
    %barrier3A = arith.constant 0 : index
    tpu.barrier barrier_id(%barrier3A)
    %mul3A_7 = arith.constant 10240 : i32
    %mul3A_8 = arith.muli %add3A, %mul3A_7 : i32
    %mul3A_9 = arith.constant 80 : i32
    %mul3A_10 = arith.muli %add3A, %mul3A_9 : i32
    %add3A_11 = arith.constant 0 : i32
    %add3A_12 = arith.addi %mul3A_8, %add3A_11 : i32
    "tpu.region"() ({
      %run_scoped3A = tpu.sem_alloc : memref<!tpu.dma_semaphore, #tpu.memory_space<semaphore_mem>>
      %dma_start3A_27 = tpu.memref_slice %arg3[%add3A_12] : memref<327680xi32, #tpu.memory_space<hbm>> -> memref<512xi32, #tpu.memory_space<hbm>>
      %dma_start3A_28 = tpu.memref_slice %arg3[%add3A_12] : memref<327680xi32, #tpu.memory_space<hbm>> -> memref<512xi32, #tpu.memory_space<hbm>>
      tpu.enqueue_dma source(%dma_start3A_28 : memref<512xi32, #tpu.memory_space<hbm>>) target(%arg7 : memref<512xi32, #tpu.memory_space<vmem>>) target_semaphore(%run_scoped3A : memref<!tpu.dma_semaphore, #tpu.memory_space<semaphore_mem>>)
      %dma_wait3A = tpu.memref_slice %arg3[%add3A_12] : memref<327680xi32, #tpu.memory_space<hbm>> -> memref<512xi32, #tpu.memory_space<hbm>>
      %dma_wait3A_29 = tpu.memref_slice %arg3[%add3A_12] : memref<327680xi32, #tpu.memory_space<hbm>> -> memref<512xi32, #tpu.memory_space<hbm>>
      tpu.wait_dma2 semaphore(%run_scoped3A : memref<!tpu.dma_semaphore, #tpu.memory_space<semaphore_mem>>) src(%dma_wait3A_29 : memref<512xi32, #tpu.memory_space<hbm>>) dst(%arg7 : memref<512xi32, #tpu.memory_space<vmem>>)
      tpu.yield
    }) : () -> ()
    %add3A_13 = arith.constant 0 : i32
    %add3A_14 = arith.addi %mul3A_10, %add3A_13 : i32
    "tpu.region"() ({
      %run_scoped3A = tpu.sem_alloc : memref<!tpu.dma_semaphore, #tpu.memory_space<semaphore_mem>>
      %dma_start3A_27 = arith.constant 0 : i32
      %dma_start3A_28 = tpu.memref_slice %arg4[%add3A_14, %dma_start3A_27] : memref<2560x128xi32, #tpu.memory_space<hbm>> -> memref<4x128xi32, #tpu.memory_space<hbm>>
      %dma_start3A_29 = arith.constant 0 : i32
      %dma_start3A_30 = tpu.memref_slice %arg4[%add3A_14, %dma_start3A_29] : memref<2560x128xi32, #tpu.memory_space<hbm>> -> memref<4x128xi32, #tpu.memory_space<hbm>>
      tpu.enqueue_dma source(%dma_start3A_30 : memref<4x128xi32, #tpu.memory_space<hbm>>) target(%arg9 : memref<4x128xi32, #tpu.memory_space<vmem>>) target_semaphore(%run_scoped3A : memref<!tpu.dma_semaphore, #tpu.memory_space<semaphore_mem>>)
      %dma_wait3A = arith.constant 0 : i32
      %dma_wait3A_31 = tpu.memref_slice %arg4[%add3A_14, %dma_wait3A] : memref<2560x128xi32, #tpu.memory_space<hbm>> -> memref<4x128xi32, #tpu.memory_space<hbm>>
      %dma_wait3A_32 = arith.constant 0 : i32
      %dma_wait3A_33 = tpu.memref_slice %arg4[%add3A_14, %dma_wait3A_32] : memref<2560x128xi32, #tpu.memory_space<hbm>> -> memref<4x128xi32, #tpu.memory_space<hbm>>
      tpu.wait_dma2 semaphore(%run_scoped3A : memref<!tpu.dma_semaphore, #tpu.memory_space<semaphore_mem>>) src(%dma_wait3A_33 : memref<4x128xi32, #tpu.memory_space<hbm>>) dst(%arg9 : memref<4x128xi32, #tpu.memory_space<vmem>>)
      tpu.yield
    }) : () -> ()
    %dma_start3A = arith.constant 0 : i32
    %dma_start3A_15 = arith.constant 0 : i32
    %dma_start3A_16 = tpu.memref_slice %arg2[%dma_start3A, %dma_start3A_15] : memref<10240x64xf32, #tpu.memory_space<hbm>> -> memref<10240x64xf32, #tpu.memory_space<hbm>>
    tpu.enqueue_indirect_dma source(%dma_start3A_16 : memref<10240x64xf32, #tpu.memory_space<hbm>>) target(%arg11 : memref<512x64xf32, #tpu.memory_space<vmem>>) offsets(%arg7 : memref<512xi32, #tpu.memory_space<vmem>>) semaphore(%arg14 : memref<!tpu.dma_semaphore, #tpu.memory_space<semaphore_mem>>)
    %scan3A = arith.constant 0 : i32
    %scan3A_17 = arith.constant 0 : i32
    %scan3A_18 = arith.constant 10 : i32
    %scan3A_19 = arith.addi %scan3A_17, %scan3A_18 : i32
    %scan3A_20 = arith.constant 1 : i32
    scf.for %scan3A_27 = %scan3A_17 to %scan3A_19 step %scan3A_20  : i32 {
      %mul3A_28 = arith.constant 2 : i32
      %mul3A_29 = arith.muli %mul3A_28, %scan3A_27 : i32
      %add3A_30 = arith.constant 1 : i32
      %add3A_31 = arith.addi %mul3A_29, %add3A_30 : i32
      %mul3A_32 = arith.constant 512 : i32
      %mul3A_33 = arith.muli %add3A_31, %mul3A_32 : i32
      %add3A_34 = arith.addi %mul3A_8, %mul3A_33 : i32
      "tpu.region"() ({
        %run_scoped3A_59 = tpu.sem_alloc : memref<!tpu.dma_semaphore, #tpu.memory_space<semaphore_mem>>
        %dma_start3A_60 = tpu.memref_slice %arg3[%add3A_34] : memref<327680xi32, #tpu.memory_space<hbm>> -> memref<512xi32, #tpu.memory_space<hbm>>
        %dma_start3A_61 = tpu.memref_slice %arg3[%add3A_34] : memref<327680xi32, #tpu.memory_space<hbm>> -> memref<512xi32, #tpu.memory_space<hbm>>
        tpu.enqueue_dma source(%dma_start3A_61 : memref<512xi32, #tpu.memory_space<hbm>>) target(%arg8 : memref<512xi32, #tpu.memory_space<vmem>>) target_semaphore(%run_scoped3A_59 : memref<!tpu.dma_semaphore, #tpu.memory_space<semaphore_mem>>)
        %dma_wait3A_62 = tpu.memref_slice %arg3[%add3A_34] : memref<327680xi32, #tpu.memory_space<hbm>> -> memref<512xi32, #tpu.memory_space<hbm>>
        %dma_wait3A_63 = tpu.memref_slice %arg3[%add3A_34] : memref<327680xi32, #tpu.memory_space<hbm>> -> memref<512xi32, #tpu.memory_space<hbm>>
        tpu.wait_dma2 semaphore(%run_scoped3A_59 : memref<!tpu.dma_semaphore, #tpu.memory_space<semaphore_mem>>) src(%dma_wait3A_63 : memref<512xi32, #tpu.memory_space<hbm>>) dst(%arg8 : memref<512xi32, #tpu.memory_space<vmem>>)
        tpu.yield
      }) : () -> ()
      %mul3A_35 = arith.constant 4 : i32
      %mul3A_36 = arith.muli %add3A_31, %mul3A_35 : i32
      %add3A_37 = arith.addi %mul3A_10, %mul3A_36 : i32
      "tpu.region"() ({
        %run_scoped3A_59 = tpu.sem_alloc : memref<!tpu.dma_semaphore, #tpu.memory_space<semaphore_mem>>
        %dma_start3A_60 = arith.constant 0 : i32
        %dma_start3A_61 = tpu.memref_slice %arg4[%add3A_37, %dma_start3A_60] : memref<2560x128xi32, #tpu.memory_space<hbm>> -> memref<4x128xi32, #tpu.memory_space<hbm>>
        %dma_start3A_62 = arith.constant 0 : i32
        %dma_start3A_63 = tpu.memref_slice %arg4[%add3A_37, %dma_start3A_62] : memref<2560x128xi32, #tpu.memory_space<hbm>> -> memref<4x128xi32, #tpu.memory_space<hbm>>
        tpu.enqueue_dma source(%dma_start3A_63 : memref<4x128xi32, #tpu.memory_space<hbm>>) target(%arg10 : memref<4x128xi32, #tpu.memory_space<vmem>>) target_semaphore(%run_scoped3A_59 : memref<!tpu.dma_semaphore, #tpu.memory_space<semaphore_mem>>)
        %dma_wait3A_64 = arith.constant 0 : i32
        %dma_wait3A_65 = tpu.memref_slice %arg4[%add3A_37, %dma_wait3A_64] : memref<2560x128xi32, #tpu.memory_space<hbm>> -> memref<4x128xi32, #tpu.memory_space<hbm>>
        %dma_wait3A_66 = arith.constant 0 : i32
        %dma_wait3A_67 = tpu.memref_slice %arg4[%add3A_37, %dma_wait3A_66] : memref<2560x128xi32, #tpu.memory_space<hbm>> -> memref<4x128xi32, #tpu.memory_space<hbm>>
        tpu.wait_dma2 semaphore(%run_scoped3A_59 : memref<!tpu.dma_semaphore, #tpu.memory_space<semaphore_mem>>) src(%dma_wait3A_67 : memref<4x128xi32, #tpu.memory_space<hbm>>) dst(%arg10 : memref<4x128xi32, #tpu.memory_space<vmem>>)
        tpu.yield
      }) : () -> ()
      %dma_start3A_38 = arith.constant 0 : i32
      %dma_start3A_39 = arith.constant 0 : i32
      %dma_start3A_40 = tpu.memref_slice %arg2[%dma_start3A_38, %dma_start3A_39] : memref<10240x64xf32, #tpu.memory_space<hbm>> -> memref<10240x64xf32, #tpu.memory_space<hbm>>
      tpu.enqueue_indirect_dma source(%dma_start3A_40 : memref<10240x64xf32, #tpu.memory_space<hbm>>) target(%arg12 : memref<512x64xf32, #tpu.memory_space<vmem>>) offsets(%arg8 : memref<512xi32, #tpu.memory_space<vmem>>) semaphore(%arg15 : memref<!tpu.dma_semaphore, #tpu.memory_space<semaphore_mem>>)
      %dma_wait3A = arith.constant 0 : i32
      %dma_wait3A_41 = arith.constant 0 : i32
      %dma_wait3A_42 = tpu.memref_slice %arg2[%dma_wait3A, %dma_wait3A_41] : memref<10240x64xf32, #tpu.memory_space<hbm>> -> memref<10240x64xf32, #tpu.memory_space<hbm>>
      tpu.wait_indirect_dma semaphore(%arg14 : memref<!tpu.dma_semaphore, #tpu.memory_space<semaphore_mem>>) src(%dma_wait3A_42 : memref<10240x64xf32, #tpu.memory_space<hbm>>) dst(%arg11 : memref<512x64xf32, #tpu.memory_space<vmem>>)
      %run_scoped3A = arith.constant 0 : i32
      "tpu.region"() ({
        %run_scoped3A_59 = tpu.sem_alloc : memref<!tpu.dma_semaphore, #tpu.memory_space<semaphore_mem>>
        %dma_start3A_60 = arith.constant 0 : i32
        %dma_start3A_61 = arith.constant 0 : i32
        %dma_start3A_62 = tpu.memref_slice %arg11[%dma_start3A_60, %dma_start3A_61] : memref<512x64xf32, #tpu.memory_space<vmem>> -> memref<128x64xf32, #tpu.memory_space<vmem>>
        %dma_start3A_63 = arith.constant 0 : i32
        %dma_start3A_64 = tpu.memref_slice %arg9[%run_scoped3A, %dma_start3A_63] : memref<4x128xi32, #tpu.memory_space<vmem>> -> memref<1x128xi32, #tpu.memory_space<vmem>>
        %dma_start3A_65 = tpu.memref_squeeze %dma_start3A_64 : memref<1x128xi32, #tpu.memory_space<vmem>> -> memref<128xi32, #tpu.memory_space<vmem>>
        %dma_start3A_66 = arith.constant 0 : i32
        %dma_start3A_67 = arith.constant 0 : i32
        %dma_start3A_68 = tpu.memref_slice %arg13[%dma_start3A_66, %dma_start3A_67] : memref<10240x64xf32, #tpu.memory_space<vmem_shared>> -> memref<10240x64xf32, #tpu.memory_space<vmem_shared>>
        tpu.enqueue_indirect_dma source(%dma_start3A_62 : memref<128x64xf32, #tpu.memory_space<vmem>>) target(%dma_start3A_68 : memref<10240x64xf32, #tpu.memory_space<vmem_shared>>) offsets(%dma_start3A_65 : memref<128xi32, #tpu.memory_space<vmem>>) semaphore(%run_scoped3A_59 : memref<!tpu.dma_semaphore, #tpu.memory_space<semaphore_mem>>) {add = true}
        %dma_wait3A_69 = arith.constant 0 : i32
        %dma_wait3A_70 = arith.constant 0 : i32
        %dma_wait3A_71 = tpu.memref_slice %arg11[%dma_wait3A_69, %dma_wait3A_70] : memref<512x64xf32, #tpu.memory_space<vmem>> -> memref<128x64xf32, #tpu.memory_space<vmem>>
        %dma_wait3A_72 = arith.constant 0 : i32
        %dma_wait3A_73 = tpu.memref_slice %arg9[%run_scoped3A, %dma_wait3A_72] : memref<4x128xi32, #tpu.memory_space<vmem>> -> memref<1x128xi32, #tpu.memory_space<vmem>>
        %dma_wait3A_74 = tpu.memref_squeeze %dma_wait3A_73 : memref<1x128xi32, #tpu.memory_space<vmem>> -> memref<128xi32, #tpu.memory_space<vmem>>
        %dma_wait3A_75 = arith.constant 0 : i32
        %dma_wait3A_76 = arith.constant 0 : i32
        %dma_wait3A_77 = tpu.memref_slice %arg13[%dma_wait3A_75, %dma_wait3A_76] : memref<10240x64xf32, #tpu.memory_space<vmem_shared>> -> memref<10240x64xf32, #tpu.memory_space<vmem_shared>>
        tpu.wait_indirect_dma semaphore(%run_scoped3A_59 : memref<!tpu.dma_semaphore, #tpu.memory_space<semaphore_mem>>) src(%dma_wait3A_71 : memref<128x64xf32, #tpu.memory_space<vmem>>) dst(%dma_wait3A_77 : memref<10240x64xf32, #tpu.memory_space<vmem_shared>>)
        tpu.yield
      }) : () -> ()
      %run_scoped3A_43 = arith.constant 1 : i32
      "tpu.region"() ({
        %run_scoped3A_59 = tpu.sem_alloc : memref<!tpu.dma_semaphore, #tpu.memory_space<semaphore_mem>>
        %dma_start3A_60 = arith.constant 128 : i32
        %dma_start3A_61 = arith.constant 0 : i32
        %dma_start3A_62 = tpu.memref_slice %arg11[%dma_start3A_60, %dma_start3A_61] : memref<512x64xf32, #tpu.memory_space<vmem>> -> memref<128x64xf32, #tpu.memory_space<vmem>>
        %dma_start3A_63 = arith.constant 0 : i32
        %dma_start3A_64 = tpu.memref_slice %arg9[%run_scoped3A_43, %dma_start3A_63] : memref<4x128xi32, #tpu.memory_space<vmem>> -> memref<1x128xi32, #tpu.memory_space<vmem>>
        %dma_start3A_65 = tpu.memref_squeeze %dma_start3A_64 : memref<1x128xi32, #tpu.memory_space<vmem>> -> memref<128xi32, #tpu.memory_space<vmem>>
        %dma_start3A_66 = arith.constant 0 : i32
        %dma_start3A_67 = arith.constant 0 : i32
        %dma_start3A_68 = tpu.memref_slice %arg13[%dma_start3A_66, %dma_start3A_67] : memref<10240x64xf32, #tpu.memory_space<vmem_shared>> -> memref<10240x64xf32, #tpu.memory_space<vmem_shared>>
        tpu.enqueue_indirect_dma source(%dma_start3A_62 : memref<128x64xf32, #tpu.memory_space<vmem>>) target(%dma_start3A_68 : memref<10240x64xf32, #tpu.memory_space<vmem_shared>>) offsets(%dma_start3A_65 : memref<128xi32, #tpu.memory_space<vmem>>) semaphore(%run_scoped3A_59 : memref<!tpu.dma_semaphore, #tpu.memory_space<semaphore_mem>>) {add = true}
        %dma_wait3A_69 = arith.constant 128 : i32
        %dma_wait3A_70 = arith.constant 0 : i32
        %dma_wait3A_71 = tpu.memref_slice %arg11[%dma_wait3A_69, %dma_wait3A_70] : memref<512x64xf32, #tpu.memory_space<vmem>> -> memref<128x64xf32, #tpu.memory_space<vmem>>
        %dma_wait3A_72 = arith.constant 0 : i32
        %dma_wait3A_73 = tpu.memref_slice %arg9[%run_scoped3A_43, %dma_wait3A_72] : memref<4x128xi32, #tpu.memory_space<vmem>> -> memref<1x128xi32, #tpu.memory_space<vmem>>
        %dma_wait3A_74 = tpu.memref_squeeze %dma_wait3A_73 : memref<1x128xi32, #tpu.memory_space<vmem>> -> memref<128xi32, #tpu.memory_space<vmem>>
        %dma_wait3A_75 = arith.constant 0 : i32
        %dma_wait3A_76 = arith.constant 0 : i32
        %dma_wait3A_77 = tpu.memref_slice %arg13[%dma_wait3A_75, %dma_wait3A_76] : memref<10240x64xf32, #tpu.memory_space<vmem_shared>> -> memref<10240x64xf32, #tpu.memory_space<vmem_shared>>
        tpu.wait_indirect_dma semaphore(%run_scoped3A_59 : memref<!tpu.dma_semaphore, #tpu.memory_space<semaphore_mem>>) src(%dma_wait3A_71 : memref<128x64xf32, #tpu.memory_space<vmem>>) dst(%dma_wait3A_77 : memref<10240x64xf32, #tpu.memory_space<vmem_shared>>)
        tpu.yield
      }) : () -> ()
      %run_scoped3A_44 = arith.constant 2 : i32
      "tpu.region"() ({
        %run_scoped3A_59 = tpu.sem_alloc : memref<!tpu.dma_semaphore, #tpu.memory_space<semaphore_mem>>
        %dma_start3A_60 = arith.constant 256 : i32
        %dma_start3A_61 = arith.constant 0 : i32
        %dma_start3A_62 = tpu.memref_slice %arg11[%dma_start3A_60, %dma_start3A_61] : memref<512x64xf32, #tpu.memory_space<vmem>> -> memref<128x64xf32, #tpu.memory_space<vmem>>
        %dma_start3A_63 = arith.constant 0 : i32
        %dma_start3A_64 = tpu.memref_slice %arg9[%run_scoped3A_44, %dma_start3A_63] : memref<4x128xi32, #tpu.memory_space<vmem>> -> memref<1x128xi32, #tpu.memory_space<vmem>>
        %dma_start3A_65 = tpu.memref_squeeze %dma_start3A_64 : memref<1x128xi32, #tpu.memory_space<vmem>> -> memref<128xi32, #tpu.memory_space<vmem>>
        %dma_start3A_66 = arith.constant 0 : i32
        %dma_start3A_67 = arith.constant 0 : i32
        %dma_start3A_68 = tpu.memref_slice %arg13[%dma_start3A_66, %dma_start3A_67] : memref<10240x64xf32, #tpu.memory_space<vmem_shared>> -> memref<10240x64xf32, #tpu.memory_space<vmem_shared>>
        tpu.enqueue_indirect_dma source(%dma_start3A_62 : memref<128x64xf32, #tpu.memory_space<vmem>>) target(%dma_start3A_68 : memref<10240x64xf32, #tpu.memory_space<vmem_shared>>) offsets(%dma_start3A_65 : memref<128xi32, #tpu.memory_space<vmem>>) semaphore(%run_scoped3A_59 : memref<!tpu.dma_semaphore, #tpu.memory_space<semaphore_mem>>) {add = true}
        %dma_wait3A_69 = arith.constant 256 : i32
        %dma_wait3A_70 = arith.constant 0 : i32
        %dma_wait3A_71 = tpu.memref_slice %arg11[%dma_wait3A_69, %dma_wait3A_70] : memref<512x64xf32, #tpu.memory_space<vmem>> -> memref<128x64xf32, #tpu.memory_space<vmem>>
        %dma_wait3A_72 = arith.constant 0 : i32
        %dma_wait3A_73 = tpu.memref_slice %arg9[%run_scoped3A_44, %dma_wait3A_72] : memref<4x128xi32, #tpu.memory_space<vmem>> -> memref<1x128xi32, #tpu.memory_space<vmem>>
        %dma_wait3A_74 = tpu.memref_squeeze %dma_wait3A_73 : memref<1x128xi32, #tpu.memory_space<vmem>> -> memref<128xi32, #tpu.memory_space<vmem>>
        %dma_wait3A_75 = arith.constant 0 : i32
        %dma_wait3A_76 = arith.constant 0 : i32
        %dma_wait3A_77 = tpu.memref_slice %arg13[%dma_wait3A_75, %dma_wait3A_76] : memref<10240x64xf32, #tpu.memory_space<vmem_shared>> -> memref<10240x64xf32, #tpu.memory_space<vmem_shared>>
        tpu.wait_indirect_dma semaphore(%run_scoped3A_59 : memref<!tpu.dma_semaphore, #tpu.memory_space<semaphore_mem>>) src(%dma_wait3A_71 : memref<128x64xf32, #tpu.memory_space<vmem>>) dst(%dma_wait3A_77 : memref<10240x64xf32, #tpu.memory_space<vmem_shared>>)
        tpu.yield
      }) : () -> ()
      %run_scoped3A_45 = arith.constant 3 : i32
      "tpu.region"() ({
        %run_scoped3A_59 = tpu.sem_alloc : memref<!tpu.dma_semaphore, #tpu.memory_space<semaphore_mem>>
        %dma_start3A_60 = arith.constant 384 : i32
        %dma_start3A_61 = arith.constant 0 : i32
        %dma_start3A_62 = tpu.memref_slice %arg11[%dma_start3A_60, %dma_start3A_61] : memref<512x64xf32, #tpu.memory_space<vmem>> -> memref<128x64xf32, #tpu.memory_space<vmem>>
        %dma_start3A_63 = arith.constant 0 : i32
        %dma_start3A_64 = tpu.memref_slice %arg9[%run_scoped3A_45, %dma_start3A_63] : memref<4x128xi32, #tpu.memory_space<vmem>> -> memref<1x128xi32, #tpu.memory_space<vmem>>
        %dma_start3A_65 = tpu.memref_squeeze %dma_start3A_64 : memref<1x128xi32, #tpu.memory_space<vmem>> -> memref<128xi32, #tpu.memory_space<vmem>>
        %dma_start3A_66 = arith.constant 0 : i32
        %dma_start3A_67 = arith.constant 0 : i32
        %dma_start3A_68 = tpu.memref_slice %arg13[%dma_start3A_66, %dma_start3A_67] : memref<10240x64xf32, #tpu.memory_space<vmem_shared>> -> memref<10240x64xf32, #tpu.memory_space<vmem_shared>>
        tpu.enqueue_indirect_dma source(%dma_start3A_62 : memref<128x64xf32, #tpu.memory_space<vmem>>) target(%dma_start3A_68 : memref<10240x64xf32, #tpu.memory_space<vmem_shared>>) offsets(%dma_start3A_65 : memref<128xi32, #tpu.memory_space<vmem>>) semaphore(%run_scoped3A_59 : memref<!tpu.dma_semaphore, #tpu.memory_space<semaphore_mem>>) {add = true}
        %dma_wait3A_69 = arith.constant 384 : i32
        %dma_wait3A_70 = arith.constant 0 : i32
        %dma_wait3A_71 = tpu.memref_slice %arg11[%dma_wait3A_69, %dma_wait3A_70] : memref<512x64xf32, #tpu.memory_space<vmem>> -> memref<128x64xf32, #tpu.memory_space<vmem>>
        %dma_wait3A_72 = arith.constant 0 : i32
        %dma_wait3A_73 = tpu.memref_slice %arg9[%run_scoped3A_45, %dma_wait3A_72] : memref<4x128xi32, #tpu.memory_space<vmem>> -> memref<1x128xi32, #tpu.memory_space<vmem>>
        %dma_wait3A_74 = tpu.memref_squeeze %dma_wait3A_73 : memref<1x128xi32, #tpu.memory_space<vmem>> -> memref<128xi32, #tpu.memory_space<vmem>>
        %dma_wait3A_75 = arith.constant 0 : i32
        %dma_wait3A_76 = arith.constant 0 : i32
        %dma_wait3A_77 = tpu.memref_slice %arg13[%dma_wait3A_75, %dma_wait3A_76] : memref<10240x64xf32, #tpu.memory_space<vmem_shared>> -> memref<10240x64xf32, #tpu.memory_space<vmem_shared>>
        tpu.wait_indirect_dma semaphore(%run_scoped3A_59 : memref<!tpu.dma_semaphore, #tpu.memory_space<semaphore_mem>>) src(%dma_wait3A_71 : memref<128x64xf32, #tpu.memory_space<vmem>>) dst(%dma_wait3A_77 : memref<10240x64xf32, #tpu.memory_space<vmem_shared>>)
        tpu.yield
      }) : () -> ()
      %add3A_46 = arith.constant 2 : i32
      %add3A_47 = arith.addi %mul3A_29, %add3A_46 : i32
      %lt3A = arith.constant 20 : i32
      %lt3A_48 = arith.cmpi slt, %add3A_47, %lt3A : i32
      %convert_element_type3A_49 = arith.extui %lt3A_48 : i1 to i32
      %cond3A_50 = arith.constant 0 : i32
      %cond3A_51 = arith.cmpi ne, %convert_element_type3A_49, %cond3A_50 : i32
      scf.if %cond3A_51 {
        %add3A_59 = arith.constant 2 : i32
        %add3A_60 = arith.addi %mul3A_29, %add3A_59 : i32
        %mul3A_61 = arith.constant 512 : i32
        %mul3A_62 = arith.muli %add3A_60, %mul3A_61 : i32
        %add3A_63 = arith.addi %mul3A_8, %mul3A_62 : i32
        "tpu.region"() ({
          %run_scoped3A_70 = tpu.sem_alloc : memref<!tpu.dma_semaphore, #tpu.memory_space<semaphore_mem>>
          %dma_start3A_71 = tpu.memref_slice %arg3[%add3A_63] : memref<327680xi32, #tpu.memory_space<hbm>> -> memref<512xi32, #tpu.memory_space<hbm>>
          %dma_start3A_72 = tpu.memref_slice %arg3[%add3A_63] : memref<327680xi32, #tpu.memory_space<hbm>> -> memref<512xi32, #tpu.memory_space<hbm>>
          tpu.enqueue_dma source(%dma_start3A_72 : memref<512xi32, #tpu.memory_space<hbm>>) target(%arg7 : memref<512xi32, #tpu.memory_space<vmem>>) target_semaphore(%run_scoped3A_70 : memref<!tpu.dma_semaphore, #tpu.memory_space<semaphore_mem>>)
          %dma_wait3A_73 = tpu.memref_slice %arg3[%add3A_63] : memref<327680xi32, #tpu.memory_space<hbm>> -> memref<512xi32, #tpu.memory_space<hbm>>
          %dma_wait3A_74 = tpu.memref_slice %arg3[%add3A_63] : memref<327680xi32, #tpu.memory_space<hbm>> -> memref<512xi32, #tpu.memory_space<hbm>>
          tpu.wait_dma2 semaphore(%run_scoped3A_70 : memref<!tpu.dma_semaphore, #tpu.memory_space<semaphore_mem>>) src(%dma_wait3A_74 : memref<512xi32, #tpu.memory_space<hbm>>) dst(%arg7 : memref<512xi32, #tpu.memory_space<vmem>>)
          tpu.yield
        }) : () -> ()
        %mul3A_64 = arith.constant 4 : i32
        %mul3A_65 = arith.muli %add3A_60, %mul3A_64 : i32
        %add3A_66 = arith.addi %mul3A_10, %mul3A_65 : i32
        "tpu.region"() ({
          %run_scoped3A_70 = tpu.sem_alloc : memref<!tpu.dma_semaphore, #tpu.memory_space<semaphore_mem>>
          %dma_start3A_71 = arith.constant 0 : i32
          %dma_start3A_72 = tpu.memref_slice %arg4[%add3A_66, %dma_start3A_71] : memref<2560x128xi32, #tpu.memory_space<hbm>> -> memref<4x128xi32, #tpu.memory_space<hbm>>
          %dma_start3A_73 = arith.constant 0 : i32
          %dma_start3A_74 = tpu.memref_slice %arg4[%add3A_66, %dma_start3A_73] : memref<2560x128xi32, #tpu.memory_space<hbm>> -> memref<4x128xi32, #tpu.memory_space<hbm>>
          tpu.enqueue_dma source(%dma_start3A_74 : memref<4x128xi32, #tpu.memory_space<hbm>>) target(%arg9 : memref<4x128xi32, #tpu.memory_space<vmem>>) target_semaphore(%run_scoped3A_70 : memref<!tpu.dma_semaphore, #tpu.memory_space<semaphore_mem>>)
          %dma_wait3A_75 = arith.constant 0 : i32
          %dma_wait3A_76 = tpu.memref_slice %arg4[%add3A_66, %dma_wait3A_75] : memref<2560x128xi32, #tpu.memory_space<hbm>> -> memref<4x128xi32, #tpu.memory_space<hbm>>
          %dma_wait3A_77 = arith.constant 0 : i32
          %dma_wait3A_78 = tpu.memref_slice %arg4[%add3A_66, %dma_wait3A_77] : memref<2560x128xi32, #tpu.memory_space<hbm>> -> memref<4x128xi32, #tpu.memory_space<hbm>>
          tpu.wait_dma2 semaphore(%run_scoped3A_70 : memref<!tpu.dma_semaphore, #tpu.memory_space<semaphore_mem>>) src(%dma_wait3A_78 : memref<4x128xi32, #tpu.memory_space<hbm>>) dst(%arg9 : memref<4x128xi32, #tpu.memory_space<vmem>>)
          tpu.yield
        }) : () -> ()
        %dma_start3A_67 = arith.constant 0 : i32
        %dma_start3A_68 = arith.constant 0 : i32
        %dma_start3A_69 = tpu.memref_slice %arg2[%dma_start3A_67, %dma_start3A_68] : memref<10240x64xf32, #tpu.memory_space<hbm>> -> memref<10240x64xf32, #tpu.memory_space<hbm>>
        tpu.enqueue_indirect_dma source(%dma_start3A_69 : memref<10240x64xf32, #tpu.memory_space<hbm>>) target(%arg11 : memref<512x64xf32, #tpu.memory_space<vmem>>) offsets(%arg7 : memref<512xi32, #tpu.memory_space<vmem>>) semaphore(%arg14 : memref<!tpu.dma_semaphore, #tpu.memory_space<semaphore_mem>>)
      } else {
      }
      %dma_wait3A_52 = arith.constant 0 : i32
      %dma_wait3A_53 = arith.constant 0 : i32
      %dma_wait3A_54 = tpu.memref_slice %arg2[%dma_wait3A_52, %dma_wait3A_53] : memref<10240x64xf32, #tpu.memory_space<hbm>> -> memref<10240x64xf32, #tpu.memory_space<hbm>>
      tpu.wait_indirect_dma semaphore(%arg15 : memref<!tpu.dma_semaphore, #tpu.memory_space<semaphore_mem>>) src(%dma_wait3A_54 : memref<10240x64xf32, #tpu.memory_space<hbm>>) dst(%arg12 : memref<512x64xf32, #tpu.memory_space<vmem>>)
      %run_scoped3A_55 = arith.constant 0 : i32
      "tpu.region"() ({
        %run_scoped3A_59 = tpu.sem_alloc : memref<!tpu.dma_semaphore, #tpu.memory_space<semaphore_mem>>
        %dma_start3A_60 = arith.constant 0 : i32
        %dma_start3A_61 = arith.constant 0 : i32
        %dma_start3A_62 = tpu.memref_slice %arg12[%dma_start3A_60, %dma_start3A_61] : memref<512x64xf32, #tpu.memory_space<vmem>> -> memref<128x64xf32, #tpu.memory_space<vmem>>
        %dma_start3A_63 = arith.constant 0 : i32
        %dma_start3A_64 = tpu.memref_slice %arg10[%run_scoped3A_55, %dma_start3A_63] : memref<4x128xi32, #tpu.memory_space<vmem>> -> memref<1x128xi32, #tpu.memory_space<vmem>>
        %dma_start3A_65 = tpu.memref_squeeze %dma_start3A_64 : memref<1x128xi32, #tpu.memory_space<vmem>> -> memref<128xi32, #tpu.memory_space<vmem>>
        %dma_start3A_66 = arith.constant 0 : i32
        %dma_start3A_67 = arith.constant 0 : i32
        %dma_start3A_68 = tpu.memref_slice %arg13[%dma_start3A_66, %dma_start3A_67] : memref<10240x64xf32, #tpu.memory_space<vmem_shared>> -> memref<10240x64xf32, #tpu.memory_space<vmem_shared>>
        tpu.enqueue_indirect_dma source(%dma_start3A_62 : memref<128x64xf32, #tpu.memory_space<vmem>>) target(%dma_start3A_68 : memref<10240x64xf32, #tpu.memory_space<vmem_shared>>) offsets(%dma_start3A_65 : memref<128xi32, #tpu.memory_space<vmem>>) semaphore(%run_scoped3A_59 : memref<!tpu.dma_semaphore, #tpu.memory_space<semaphore_mem>>) {add = true}
        %dma_wait3A_69 = arith.constant 0 : i32
        %dma_wait3A_70 = arith.constant 0 : i32
        %dma_wait3A_71 = tpu.memref_slice %arg12[%dma_wait3A_69, %dma_wait3A_70] : memref<512x64xf32, #tpu.memory_space<vmem>> -> memref<128x64xf32, #tpu.memory_space<vmem>>
        %dma_wait3A_72 = arith.constant 0 : i32
        %dma_wait3A_73 = tpu.memref_slice %arg10[%run_scoped3A_55, %dma_wait3A_72] : memref<4x128xi32, #tpu.memory_space<vmem>> -> memref<1x128xi32, #tpu.memory_space<vmem>>
        %dma_wait3A_74 = tpu.memref_squeeze %dma_wait3A_73 : memref<1x128xi32, #tpu.memory_space<vmem>> -> memref<128xi32, #tpu.memory_space<vmem>>
        %dma_wait3A_75 = arith.constant 0 : i32
        %dma_wait3A_76 = arith.constant 0 : i32
        %dma_wait3A_77 = tpu.memref_slice %arg13[%dma_wait3A_75, %dma_wait3A_76] : memref<10240x64xf32, #tpu.memory_space<vmem_shared>> -> memref<10240x64xf32, #tpu.memory_space<vmem_shared>>
        tpu.wait_indirect_dma semaphore(%run_scoped3A_59 : memref<!tpu.dma_semaphore, #tpu.memory_space<semaphore_mem>>) src(%dma_wait3A_71 : memref<128x64xf32, #tpu.memory_space<vmem>>) dst(%dma_wait3A_77 : memref<10240x64xf32, #tpu.memory_space<vmem_shared>>)
        tpu.yield
      }) : () -> ()
      %run_scoped3A_56 = arith.constant 1 : i32
      "tpu.region"() ({
        %run_scoped3A_59 = tpu.sem_alloc : memref<!tpu.dma_semaphore, #tpu.memory_space<semaphore_mem>>
        %dma_start3A_60 = arith.constant 128 : i32
        %dma_start3A_61 = arith.constant 0 : i32
        %dma_start3A_62 = tpu.memref_slice %arg12[%dma_start3A_60, %dma_start3A_61] : memref<512x64xf32, #tpu.memory_space<vmem>> -> memref<128x64xf32, #tpu.memory_space<vmem>>
        %dma_start3A_63 = arith.constant 0 : i32
        %dma_start3A_64 = tpu.memref_slice %arg10[%run_scoped3A_56, %dma_start3A_63] : memref<4x128xi32, #tpu.memory_space<vmem>> -> memref<1x128xi32, #tpu.memory_space<vmem>>
        %dma_start3A_65 = tpu.memref_squeeze %dma_start3A_64 : memref<1x128xi32, #tpu.memory_space<vmem>> -> memref<128xi32, #tpu.memory_space<vmem>>
        %dma_start3A_66 = arith.constant 0 : i32
        %dma_start3A_67 = arith.constant 0 : i32
        %dma_start3A_68 = tpu.memref_slice %arg13[%dma_start3A_66, %dma_start3A_67] : memref<10240x64xf32, #tpu.memory_space<vmem_shared>> -> memref<10240x64xf32, #tpu.memory_space<vmem_shared>>
        tpu.enqueue_indirect_dma source(%dma_start3A_62 : memref<128x64xf32, #tpu.memory_space<vmem>>) target(%dma_start3A_68 : memref<10240x64xf32, #tpu.memory_space<vmem_shared>>) offsets(%dma_start3A_65 : memref<128xi32, #tpu.memory_space<vmem>>) semaphore(%run_scoped3A_59 : memref<!tpu.dma_semaphore, #tpu.memory_space<semaphore_mem>>) {add = true}
        %dma_wait3A_69 = arith.constant 128 : i32
        %dma_wait3A_70 = arith.constant 0 : i32
        %dma_wait3A_71 = tpu.memref_slice %arg12[%dma_wait3A_69, %dma_wait3A_70] : memref<512x64xf32, #tpu.memory_space<vmem>> -> memref<128x64xf32, #tpu.memory_space<vmem>>
        %dma_wait3A_72 = arith.constant 0 : i32
        %dma_wait3A_73 = tpu.memref_slice %arg10[%run_scoped3A_56, %dma_wait3A_72] : memref<4x128xi32, #tpu.memory_space<vmem>> -> memref<1x128xi32, #tpu.memory_space<vmem>>
        %dma_wait3A_74 = tpu.memref_squeeze %dma_wait3A_73 : memref<1x128xi32, #tpu.memory_space<vmem>> -> memref<128xi32, #tpu.memory_space<vmem>>
        %dma_wait3A_75 = arith.constant 0 : i32
        %dma_wait3A_76 = arith.constant 0 : i32
        %dma_wait3A_77 = tpu.memref_slice %arg13[%dma_wait3A_75, %dma_wait3A_76] : memref<10240x64xf32, #tpu.memory_space<vmem_shared>> -> memref<10240x64xf32, #tpu.memory_space<vmem_shared>>
        tpu.wait_indirect_dma semaphore(%run_scoped3A_59 : memref<!tpu.dma_semaphore, #tpu.memory_space<semaphore_mem>>) src(%dma_wait3A_71 : memref<128x64xf32, #tpu.memory_space<vmem>>) dst(%dma_wait3A_77 : memref<10240x64xf32, #tpu.memory_space<vmem_shared>>)
        tpu.yield
      }) : () -> ()
      %run_scoped3A_57 = arith.constant 2 : i32
      "tpu.region"() ({
        %run_scoped3A_59 = tpu.sem_alloc : memref<!tpu.dma_semaphore, #tpu.memory_space<semaphore_mem>>
        %dma_start3A_60 = arith.constant 256 : i32
        %dma_start3A_61 = arith.constant 0 : i32
        %dma_start3A_62 = tpu.memref_slice %arg12[%dma_start3A_60, %dma_start3A_61] : memref<512x64xf32, #tpu.memory_space<vmem>> -> memref<128x64xf32, #tpu.memory_space<vmem>>
        %dma_start3A_63 = arith.constant 0 : i32
        %dma_start3A_64 = tpu.memref_slice %arg10[%run_scoped3A_57, %dma_start3A_63] : memref<4x128xi32, #tpu.memory_space<vmem>> -> memref<1x128xi32, #tpu.memory_space<vmem>>
        %dma_start3A_65 = tpu.memref_squeeze %dma_start3A_64 : memref<1x128xi32, #tpu.memory_space<vmem>> -> memref<128xi32, #tpu.memory_space<vmem>>
        %dma_start3A_66 = arith.constant 0 : i32
        %dma_start3A_67 = arith.constant 0 : i32
        %dma_start3A_68 = tpu.memref_slice %arg13[%dma_start3A_66, %dma_start3A_67] : memref<10240x64xf32, #tpu.memory_space<vmem_shared>> -> memref<10240x64xf32, #tpu.memory_space<vmem_shared>>
        tpu.enqueue_indirect_dma source(%dma_start3A_62 : memref<128x64xf32, #tpu.memory_space<vmem>>) target(%dma_start3A_68 : memref<10240x64xf32, #tpu.memory_space<vmem_shared>>) offsets(%dma_start3A_65 : memref<128xi32, #tpu.memory_space<vmem>>) semaphore(%run_scoped3A_59 : memref<!tpu.dma_semaphore, #tpu.memory_space<semaphore_mem>>) {add = true}
        %dma_wait3A_69 = arith.constant 256 : i32
        %dma_wait3A_70 = arith.constant 0 : i32
        %dma_wait3A_71 = tpu.memref_slice %arg12[%dma_wait3A_69, %dma_wait3A_70] : memref<512x64xf32, #tpu.memory_space<vmem>> -> memref<128x64xf32, #tpu.memory_space<vmem>>
        %dma_wait3A_72 = arith.constant 0 : i32
        %dma_wait3A_73 = tpu.memref_slice %arg10[%run_scoped3A_57, %dma_wait3A_72] : memref<4x128xi32, #tpu.memory_space<vmem>> -> memref<1x128xi32, #tpu.memory_space<vmem>>
        %dma_wait3A_74 = tpu.memref_squeeze %dma_wait3A_73 : memref<1x128xi32, #tpu.memory_space<vmem>> -> memref<128xi32, #tpu.memory_space<vmem>>
        %dma_wait3A_75 = arith.constant 0 : i32
        %dma_wait3A_76 = arith.constant 0 : i32
        %dma_wait3A_77 = tpu.memref_slice %arg13[%dma_wait3A_75, %dma_wait3A_76] : memref<10240x64xf32, #tpu.memory_space<vmem_shared>> -> memref<10240x64xf32, #tpu.memory_space<vmem_shared>>
        tpu.wait_indirect_dma semaphore(%run_scoped3A_59 : memref<!tpu.dma_semaphore, #tpu.memory_space<semaphore_mem>>) src(%dma_wait3A_71 : memref<128x64xf32, #tpu.memory_space<vmem>>) dst(%dma_wait3A_77 : memref<10240x64xf32, #tpu.memory_space<vmem_shared>>)
        tpu.yield
      }) : () -> ()
      %run_scoped3A_58 = arith.constant 3 : i32
      "tpu.region"() ({
        %run_scoped3A_59 = tpu.sem_alloc : memref<!tpu.dma_semaphore, #tpu.memory_space<semaphore_mem>>
        %dma_start3A_60 = arith.constant 384 : i32
        %dma_start3A_61 = arith.constant 0 : i32
        %dma_start3A_62 = tpu.memref_slice %arg12[%dma_start3A_60, %dma_start3A_61] : memref<512x64xf32, #tpu.memory_space<vmem>> -> memref<128x64xf32, #tpu.memory_space<vmem>>
        %dma_start3A_63 = arith.constant 0 : i32
        %dma_start3A_64 = tpu.memref_slice %arg10[%run_scoped3A_58, %dma_start3A_63] : memref<4x128xi32, #tpu.memory_space<vmem>> -> memref<1x128xi32, #tpu.memory_space<vmem>>
        %dma_start3A_65 = tpu.memref_squeeze %dma_start3A_64 : memref<1x128xi32, #tpu.memory_space<vmem>> -> memref<128xi32, #tpu.memory_space<vmem>>
        %dma_start3A_66 = arith.constant 0 : i32
        %dma_start3A_67 = arith.constant 0 : i32
        %dma_start3A_68 = tpu.memref_slice %arg13[%dma_start3A_66, %dma_start3A_67] : memref<10240x64xf32, #tpu.memory_space<vmem_shared>> -> memref<10240x64xf32, #tpu.memory_space<vmem_shared>>
        tpu.enqueue_indirect_dma source(%dma_start3A_62 : memref<128x64xf32, #tpu.memory_space<vmem>>) target(%dma_start3A_68 : memref<10240x64xf32, #tpu.memory_space<vmem_shared>>) offsets(%dma_start3A_65 : memref<128xi32, #tpu.memory_space<vmem>>) semaphore(%run_scoped3A_59 : memref<!tpu.dma_semaphore, #tpu.memory_space<semaphore_mem>>) {add = true}
        %dma_wait3A_69 = arith.constant 384 : i32
        %dma_wait3A_70 = arith.constant 0 : i32
        %dma_wait3A_71 = tpu.memref_slice %arg12[%dma_wait3A_69, %dma_wait3A_70] : memref<512x64xf32, #tpu.memory_space<vmem>> -> memref<128x64xf32, #tpu.memory_space<vmem>>
        %dma_wait3A_72 = arith.constant 0 : i32
        %dma_wait3A_73 = tpu.memref_slice %arg10[%run_scoped3A_58, %dma_wait3A_72] : memref<4x128xi32, #tpu.memory_space<vmem>> -> memref<1x128xi32, #tpu.memory_space<vmem>>
        %dma_wait3A_74 = tpu.memref_squeeze %dma_wait3A_73 : memref<1x128xi32, #tpu.memory_space<vmem>> -> memref<128xi32, #tpu.memory_space<vmem>>
        %dma_wait3A_75 = arith.constant 0 : i32
        %dma_wait3A_76 = arith.constant 0 : i32
        %dma_wait3A_77 = tpu.memref_slice %arg13[%dma_wait3A_75, %dma_wait3A_76] : memref<10240x64xf32, #tpu.memory_space<vmem_shared>> -> memref<10240x64xf32, #tpu.memory_space<vmem_shared>>
        tpu.wait_indirect_dma semaphore(%run_scoped3A_59 : memref<!tpu.dma_semaphore, #tpu.memory_space<semaphore_mem>>) src(%dma_wait3A_71 : memref<128x64xf32, #tpu.memory_space<vmem>>) dst(%dma_wait3A_77 : memref<10240x64xf32, #tpu.memory_space<vmem_shared>>)
        tpu.yield
      }) : () -> ()
    }
    %scan3A_21 = arith.constant 10 : i32
    %barrier3A_22 = arith.constant 0 : index
    tpu.barrier barrier_id(%barrier3A_22)
    %mul3A_23 = arith.constant 640 : i32
    %mul3A_24 = arith.muli %arg1, %mul3A_23 : i32
    %mul3A_25 = arith.constant 640 : i32
    %mul3A_26 = arith.muli %arg1, %mul3A_25 : i32
    "tpu.region"() ({
      %run_scoped3A = tpu.sem_alloc : memref<!tpu.dma_semaphore, #tpu.memory_space<semaphore_mem>>
      %dma_start3A_27 = arith.constant 0 : i32
      %dma_start3A_28 = tpu.memref_slice %arg6[%arg0, %mul3A_26, %dma_start3A_27] : memref<2x10240x64xf32, #tpu.memory_space<hbm>> -> memref<1x640x64xf32, #tpu.memory_space<hbm>>
      %dma_start3A_29 = tpu.memref_squeeze %dma_start3A_28 : memref<1x640x64xf32, #tpu.memory_space<hbm>> -> memref<640x64xf32, #tpu.memory_space<hbm>>
      %dma_start3A_30 = arith.constant 0 : i32
      %dma_start3A_31 = tpu.memref_slice %arg13[%mul3A_24, %dma_start3A_30] : memref<10240x64xf32, #tpu.memory_space<vmem_shared>> -> memref<640x64xf32, #tpu.memory_space<vmem_shared>>
      tpu.enqueue_dma source(%dma_start3A_31 : memref<640x64xf32, #tpu.memory_space<vmem_shared>>) target(%dma_start3A_29 : memref<640x64xf32, #tpu.memory_space<hbm>>) target_semaphore(%run_scoped3A : memref<!tpu.dma_semaphore, #tpu.memory_space<semaphore_mem>>)
      %dma_wait3A = arith.constant 0 : i32
      %dma_wait3A_32 = tpu.memref_slice %arg6[%arg0, %mul3A_26, %dma_wait3A] : memref<2x10240x64xf32, #tpu.memory_space<hbm>> -> memref<1x640x64xf32, #tpu.memory_space<hbm>>
      %dma_wait3A_33 = tpu.memref_squeeze %dma_wait3A_32 : memref<1x640x64xf32, #tpu.memory_space<hbm>> -> memref<640x64xf32, #tpu.memory_space<hbm>>
      %dma_wait3A_34 = arith.constant 0 : i32
      %dma_wait3A_35 = tpu.memref_slice %arg13[%mul3A_24, %dma_wait3A_34] : memref<10240x64xf32, #tpu.memory_space<vmem_shared>> -> memref<640x64xf32, #tpu.memory_space<vmem_shared>>
      tpu.wait_dma2 semaphore(%run_scoped3A : memref<!tpu.dma_semaphore, #tpu.memory_space<semaphore_mem>>) src(%dma_wait3A_35 : memref<640x64xf32, #tpu.memory_space<vmem_shared>>) dst(%dma_wait3A_33 : memref<640x64xf32, #tpu.memory_space<hbm>>)
      tpu.yield
    }) : () -> ()
    return
  }
}

#map = affine_map<(d0, d1) -> (0, 0)>
#map1 = affine_map<(d0, d1) -> (0)>
#map2 = affine_map<(d0, d1) -> (0, 0, 0)>
module attributes {stable_mosaic.version = 14 : i64} {
  func.func @agg_kernel(%arg0: i32, %arg1: i32, %arg2: memref<10240x32xf32, #tpu.memory_space<hbm>>, %arg3: memref<327680xi32, #tpu.memory_space<hbm>>, %arg4: memref<2560x128xi32, #tpu.memory_space<hbm>>, %arg5: memref<10240x32xf32, #tpu.memory_space<hbm>>, %arg6: memref<2x10240x32xf32, #tpu.memory_space<hbm>>, %arg7: memref<1024xi32, #tpu.memory_space<vmem>>, %arg8: memref<1024xi32, #tpu.memory_space<vmem>>, %arg9: memref<8x128xi32, #tpu.memory_space<vmem>>, %arg10: memref<8x128xi32, #tpu.memory_space<vmem>>, %arg11: memref<1024x32xf32, #tpu.memory_space<vmem>>, %arg12: memref<1024x32xf32, #tpu.memory_space<vmem>>, %arg13: memref<10240x32xf32, #tpu.memory_space<vmem_shared>>, %arg14: memref<!tpu.dma_semaphore, #tpu.memory_space<semaphore_mem>>, %arg15: memref<!tpu.dma_semaphore, #tpu.memory_space<semaphore_mem>>) attributes {dimension_semantics = [#tpu.dimension_semantics<core_parallel>, #tpu.dimension_semantics<subcore_parallel>], iteration_bounds = array<i64: 2, 16>, scalar_prefetch = 0 : i64, scratch_operands = 9 : i64, tpu.core_type = #tpu.core_type<sc_vector_subcore>, window_params = [{transform_indices = #map}, {transform_indices = #map1}, {transform_indices = #map}, {transform_indices = #map}, {transform_indices = #map2}]} {
    %mul3A = arith.constant 2 : i32
    %mul3A_0 = arith.muli %arg1, %mul3A : i32
    %add3A = arith.addi %mul3A_0, %arg0 : i32
    %eq3A = arith.constant 0 : i32
    %eq3A_1 = arith.cmpi eq, %arg0, %eq3A : i32
    %convert_element_type3A = arith.extui %eq3A_1 : i1 to i32
    %cond3A = arith.constant 0 : i32
    %cond3A_2 = arith.cmpi ne, %convert_element_type3A, %cond3A : i32
    scf.if %cond3A_2 {
      %mul3A_27 = arith.constant 640 : i32
      %mul3A_28 = arith.muli %arg1, %mul3A_27 : i32
      %mul3A_29 = arith.constant 640 : i32
      %mul3A_30 = arith.muli %arg1, %mul3A_29 : i32
      "tpu.region"() ({
        %run_scoped3A = tpu.sem_alloc : memref<!tpu.dma_semaphore, #tpu.memory_space<semaphore_mem>>
        %dma_start3A_31 = arith.constant 0 : i32
        %dma_start3A_32 = tpu.memref_slice %arg13[%mul3A_30, %dma_start3A_31] : memref<10240x32xf32, #tpu.memory_space<vmem_shared>> -> memref<640x32xf32, #tpu.memory_space<vmem_shared>>
        %dma_start3A_33 = arith.constant 0 : i32
        %dma_start3A_34 = tpu.memref_slice %arg2[%mul3A_28, %dma_start3A_33] : memref<10240x32xf32, #tpu.memory_space<hbm>> -> memref<640x32xf32, #tpu.memory_space<hbm>>
        tpu.enqueue_dma source(%dma_start3A_34 : memref<640x32xf32, #tpu.memory_space<hbm>>) target(%dma_start3A_32 : memref<640x32xf32, #tpu.memory_space<vmem_shared>>) target_semaphore(%run_scoped3A : memref<!tpu.dma_semaphore, #tpu.memory_space<semaphore_mem>>)
        %dma_wait3A = arith.constant 0 : i32
        %dma_wait3A_35 = tpu.memref_slice %arg13[%mul3A_30, %dma_wait3A] : memref<10240x32xf32, #tpu.memory_space<vmem_shared>> -> memref<640x32xf32, #tpu.memory_space<vmem_shared>>
        %dma_wait3A_36 = arith.constant 0 : i32
        %dma_wait3A_37 = tpu.memref_slice %arg2[%mul3A_28, %dma_wait3A_36] : memref<10240x32xf32, #tpu.memory_space<hbm>> -> memref<640x32xf32, #tpu.memory_space<hbm>>
        tpu.wait_dma2 semaphore(%run_scoped3A : memref<!tpu.dma_semaphore, #tpu.memory_space<semaphore_mem>>) src(%dma_wait3A_37 : memref<640x32xf32, #tpu.memory_space<hbm>>) dst(%dma_wait3A_35 : memref<640x32xf32, #tpu.memory_space<vmem_shared>>)
        tpu.yield
      }) : () -> ()
    } else {
    }
    %ne3A = arith.constant 0 : i32
    %ne3A_3 = arith.cmpi ne, %arg0, %ne3A : i32
    %convert_element_type3A_4 = arith.extui %ne3A_3 : i1 to i32
    %cond3A_5 = arith.constant 0 : i32
    %cond3A_6 = arith.cmpi ne, %convert_element_type3A_4, %cond3A_5 : i32
    scf.if %cond3A_6 {
      %mul3A_27 = arith.constant 640 : i32
      %mul3A_28 = arith.muli %arg1, %mul3A_27 : i32
      %mul3A_29 = arith.constant 640 : i32
      %mul3A_30 = arith.muli %arg1, %mul3A_29 : i32
      "tpu.region"() ({
        %run_scoped3A = tpu.sem_alloc : memref<!tpu.dma_semaphore, #tpu.memory_space<semaphore_mem>>
        %dma_start3A_31 = arith.constant 0 : i32
        %dma_start3A_32 = tpu.memref_slice %arg13[%mul3A_30, %dma_start3A_31] : memref<10240x32xf32, #tpu.memory_space<vmem_shared>> -> memref<640x32xf32, #tpu.memory_space<vmem_shared>>
        %dma_start3A_33 = arith.constant 0 : i32
        %dma_start3A_34 = tpu.memref_slice %arg5[%mul3A_28, %dma_start3A_33] : memref<10240x32xf32, #tpu.memory_space<hbm>> -> memref<640x32xf32, #tpu.memory_space<hbm>>
        tpu.enqueue_dma source(%dma_start3A_34 : memref<640x32xf32, #tpu.memory_space<hbm>>) target(%dma_start3A_32 : memref<640x32xf32, #tpu.memory_space<vmem_shared>>) target_semaphore(%run_scoped3A : memref<!tpu.dma_semaphore, #tpu.memory_space<semaphore_mem>>)
        %dma_wait3A = arith.constant 0 : i32
        %dma_wait3A_35 = tpu.memref_slice %arg13[%mul3A_30, %dma_wait3A] : memref<10240x32xf32, #tpu.memory_space<vmem_shared>> -> memref<640x32xf32, #tpu.memory_space<vmem_shared>>
        %dma_wait3A_36 = arith.constant 0 : i32
        %dma_wait3A_37 = tpu.memref_slice %arg5[%mul3A_28, %dma_wait3A_36] : memref<10240x32xf32, #tpu.memory_space<hbm>> -> memref<640x32xf32, #tpu.memory_space<hbm>>
        tpu.wait_dma2 semaphore(%run_scoped3A : memref<!tpu.dma_semaphore, #tpu.memory_space<semaphore_mem>>) src(%dma_wait3A_37 : memref<640x32xf32, #tpu.memory_space<hbm>>) dst(%dma_wait3A_35 : memref<640x32xf32, #tpu.memory_space<vmem_shared>>)
        tpu.yield
      }) : () -> ()
    } else {
    }
    %barrier3A = arith.constant 0 : index
    tpu.barrier barrier_id(%barrier3A)
    %mul3A_7 = arith.constant 10240 : i32
    %mul3A_8 = arith.muli %add3A, %mul3A_7 : i32
    %mul3A_9 = arith.constant 80 : i32
    %mul3A_10 = arith.muli %add3A, %mul3A_9 : i32
    %add3A_11 = arith.constant 0 : i32
    %add3A_12 = arith.addi %mul3A_8, %add3A_11 : i32
    "tpu.region"() ({
      %run_scoped3A = tpu.sem_alloc : memref<!tpu.dma_semaphore, #tpu.memory_space<semaphore_mem>>
      %dma_start3A_27 = tpu.memref_slice %arg3[%add3A_12] : memref<327680xi32, #tpu.memory_space<hbm>> -> memref<1024xi32, #tpu.memory_space<hbm>>
      %dma_start3A_28 = tpu.memref_slice %arg3[%add3A_12] : memref<327680xi32, #tpu.memory_space<hbm>> -> memref<1024xi32, #tpu.memory_space<hbm>>
      tpu.enqueue_dma source(%dma_start3A_28 : memref<1024xi32, #tpu.memory_space<hbm>>) target(%arg7 : memref<1024xi32, #tpu.memory_space<vmem>>) target_semaphore(%run_scoped3A : memref<!tpu.dma_semaphore, #tpu.memory_space<semaphore_mem>>)
      %dma_wait3A = tpu.memref_slice %arg3[%add3A_12] : memref<327680xi32, #tpu.memory_space<hbm>> -> memref<1024xi32, #tpu.memory_space<hbm>>
      %dma_wait3A_29 = tpu.memref_slice %arg3[%add3A_12] : memref<327680xi32, #tpu.memory_space<hbm>> -> memref<1024xi32, #tpu.memory_space<hbm>>
      tpu.wait_dma2 semaphore(%run_scoped3A : memref<!tpu.dma_semaphore, #tpu.memory_space<semaphore_mem>>) src(%dma_wait3A_29 : memref<1024xi32, #tpu.memory_space<hbm>>) dst(%arg7 : memref<1024xi32, #tpu.memory_space<vmem>>)
      tpu.yield
    }) : () -> ()
    %add3A_13 = arith.constant 0 : i32
    %add3A_14 = arith.addi %mul3A_10, %add3A_13 : i32
    "tpu.region"() ({
      %run_scoped3A = tpu.sem_alloc : memref<!tpu.dma_semaphore, #tpu.memory_space<semaphore_mem>>
      %dma_start3A_27 = arith.constant 0 : i32
      %dma_start3A_28 = tpu.memref_slice %arg4[%add3A_14, %dma_start3A_27] : memref<2560x128xi32, #tpu.memory_space<hbm>> -> memref<8x128xi32, #tpu.memory_space<hbm>>
      %dma_start3A_29 = arith.constant 0 : i32
      %dma_start3A_30 = tpu.memref_slice %arg4[%add3A_14, %dma_start3A_29] : memref<2560x128xi32, #tpu.memory_space<hbm>> -> memref<8x128xi32, #tpu.memory_space<hbm>>
      tpu.enqueue_dma source(%dma_start3A_30 : memref<8x128xi32, #tpu.memory_space<hbm>>) target(%arg9 : memref<8x128xi32, #tpu.memory_space<vmem>>) target_semaphore(%run_scoped3A : memref<!tpu.dma_semaphore, #tpu.memory_space<semaphore_mem>>)
      %dma_wait3A = arith.constant 0 : i32
      %dma_wait3A_31 = tpu.memref_slice %arg4[%add3A_14, %dma_wait3A] : memref<2560x128xi32, #tpu.memory_space<hbm>> -> memref<8x128xi32, #tpu.memory_space<hbm>>
      %dma_wait3A_32 = arith.constant 0 : i32
      %dma_wait3A_33 = tpu.memref_slice %arg4[%add3A_14, %dma_wait3A_32] : memref<2560x128xi32, #tpu.memory_space<hbm>> -> memref<8x128xi32, #tpu.memory_space<hbm>>
      tpu.wait_dma2 semaphore(%run_scoped3A : memref<!tpu.dma_semaphore, #tpu.memory_space<semaphore_mem>>) src(%dma_wait3A_33 : memref<8x128xi32, #tpu.memory_space<hbm>>) dst(%arg9 : memref<8x128xi32, #tpu.memory_space<vmem>>)
      tpu.yield
    }) : () -> ()
    %dma_start3A = arith.constant 0 : i32
    %dma_start3A_15 = arith.constant 0 : i32
    %dma_start3A_16 = tpu.memref_slice %arg2[%dma_start3A, %dma_start3A_15] : memref<10240x32xf32, #tpu.memory_space<hbm>> -> memref<10240x32xf32, #tpu.memory_space<hbm>>
    tpu.enqueue_indirect_dma source(%dma_start3A_16 : memref<10240x32xf32, #tpu.memory_space<hbm>>) target(%arg11 : memref<1024x32xf32, #tpu.memory_space<vmem>>) offsets(%arg7 : memref<1024xi32, #tpu.memory_space<vmem>>) semaphore(%arg14 : memref<!tpu.dma_semaphore, #tpu.memory_space<semaphore_mem>>)
    %scan3A = arith.constant 0 : i32
    %scan3A_17 = arith.constant 0 : i32
    %scan3A_18 = arith.constant 5 : i32
    %scan3A_19 = arith.addi %scan3A_17, %scan3A_18 : i32
    %scan3A_20 = arith.constant 1 : i32
    scf.for %scan3A_27 = %scan3A_17 to %scan3A_19 step %scan3A_20  : i32 {
      %mul3A_28 = arith.constant 2 : i32
      %mul3A_29 = arith.muli %mul3A_28, %scan3A_27 : i32
      %add3A_30 = arith.constant 1 : i32
      %add3A_31 = arith.addi %mul3A_29, %add3A_30 : i32
      %mul3A_32 = arith.constant 1024 : i32
      %mul3A_33 = arith.muli %add3A_31, %mul3A_32 : i32
      %add3A_34 = arith.addi %mul3A_8, %mul3A_33 : i32
      "tpu.region"() ({
        %run_scoped3A_67 = tpu.sem_alloc : memref<!tpu.dma_semaphore, #tpu.memory_space<semaphore_mem>>
        %dma_start3A_68 = tpu.memref_slice %arg3[%add3A_34] : memref<327680xi32, #tpu.memory_space<hbm>> -> memref<1024xi32, #tpu.memory_space<hbm>>
        %dma_start3A_69 = tpu.memref_slice %arg3[%add3A_34] : memref<327680xi32, #tpu.memory_space<hbm>> -> memref<1024xi32, #tpu.memory_space<hbm>>
        tpu.enqueue_dma source(%dma_start3A_69 : memref<1024xi32, #tpu.memory_space<hbm>>) target(%arg8 : memref<1024xi32, #tpu.memory_space<vmem>>) target_semaphore(%run_scoped3A_67 : memref<!tpu.dma_semaphore, #tpu.memory_space<semaphore_mem>>)
        %dma_wait3A_70 = tpu.memref_slice %arg3[%add3A_34] : memref<327680xi32, #tpu.memory_space<hbm>> -> memref<1024xi32, #tpu.memory_space<hbm>>
        %dma_wait3A_71 = tpu.memref_slice %arg3[%add3A_34] : memref<327680xi32, #tpu.memory_space<hbm>> -> memref<1024xi32, #tpu.memory_space<hbm>>
        tpu.wait_dma2 semaphore(%run_scoped3A_67 : memref<!tpu.dma_semaphore, #tpu.memory_space<semaphore_mem>>) src(%dma_wait3A_71 : memref<1024xi32, #tpu.memory_space<hbm>>) dst(%arg8 : memref<1024xi32, #tpu.memory_space<vmem>>)
        tpu.yield
      }) : () -> ()
      %mul3A_35 = arith.constant 8 : i32
      %mul3A_36 = arith.muli %add3A_31, %mul3A_35 : i32
      %add3A_37 = arith.addi %mul3A_10, %mul3A_36 : i32
      "tpu.region"() ({
        %run_scoped3A_67 = tpu.sem_alloc : memref<!tpu.dma_semaphore, #tpu.memory_space<semaphore_mem>>
        %dma_start3A_68 = arith.constant 0 : i32
        %dma_start3A_69 = tpu.memref_slice %arg4[%add3A_37, %dma_start3A_68] : memref<2560x128xi32, #tpu.memory_space<hbm>> -> memref<8x128xi32, #tpu.memory_space<hbm>>
        %dma_start3A_70 = arith.constant 0 : i32
        %dma_start3A_71 = tpu.memref_slice %arg4[%add3A_37, %dma_start3A_70] : memref<2560x128xi32, #tpu.memory_space<hbm>> -> memref<8x128xi32, #tpu.memory_space<hbm>>
        tpu.enqueue_dma source(%dma_start3A_71 : memref<8x128xi32, #tpu.memory_space<hbm>>) target(%arg10 : memref<8x128xi32, #tpu.memory_space<vmem>>) target_semaphore(%run_scoped3A_67 : memref<!tpu.dma_semaphore, #tpu.memory_space<semaphore_mem>>)
        %dma_wait3A_72 = arith.constant 0 : i32
        %dma_wait3A_73 = tpu.memref_slice %arg4[%add3A_37, %dma_wait3A_72] : memref<2560x128xi32, #tpu.memory_space<hbm>> -> memref<8x128xi32, #tpu.memory_space<hbm>>
        %dma_wait3A_74 = arith.constant 0 : i32
        %dma_wait3A_75 = tpu.memref_slice %arg4[%add3A_37, %dma_wait3A_74] : memref<2560x128xi32, #tpu.memory_space<hbm>> -> memref<8x128xi32, #tpu.memory_space<hbm>>
        tpu.wait_dma2 semaphore(%run_scoped3A_67 : memref<!tpu.dma_semaphore, #tpu.memory_space<semaphore_mem>>) src(%dma_wait3A_75 : memref<8x128xi32, #tpu.memory_space<hbm>>) dst(%arg10 : memref<8x128xi32, #tpu.memory_space<vmem>>)
        tpu.yield
      }) : () -> ()
      %dma_start3A_38 = arith.constant 0 : i32
      %dma_start3A_39 = arith.constant 0 : i32
      %dma_start3A_40 = tpu.memref_slice %arg2[%dma_start3A_38, %dma_start3A_39] : memref<10240x32xf32, #tpu.memory_space<hbm>> -> memref<10240x32xf32, #tpu.memory_space<hbm>>
      tpu.enqueue_indirect_dma source(%dma_start3A_40 : memref<10240x32xf32, #tpu.memory_space<hbm>>) target(%arg12 : memref<1024x32xf32, #tpu.memory_space<vmem>>) offsets(%arg8 : memref<1024xi32, #tpu.memory_space<vmem>>) semaphore(%arg15 : memref<!tpu.dma_semaphore, #tpu.memory_space<semaphore_mem>>)
      %dma_wait3A = arith.constant 0 : i32
      %dma_wait3A_41 = arith.constant 0 : i32
      %dma_wait3A_42 = tpu.memref_slice %arg2[%dma_wait3A, %dma_wait3A_41] : memref<10240x32xf32, #tpu.memory_space<hbm>> -> memref<10240x32xf32, #tpu.memory_space<hbm>>
      tpu.wait_indirect_dma semaphore(%arg14 : memref<!tpu.dma_semaphore, #tpu.memory_space<semaphore_mem>>) src(%dma_wait3A_42 : memref<10240x32xf32, #tpu.memory_space<hbm>>) dst(%arg11 : memref<1024x32xf32, #tpu.memory_space<vmem>>)
      %run_scoped3A = arith.constant 0 : i32
      "tpu.region"() ({
        %run_scoped3A_67 = tpu.sem_alloc : memref<!tpu.dma_semaphore, #tpu.memory_space<semaphore_mem>>
        %dma_start3A_68 = arith.constant 0 : i32
        %dma_start3A_69 = arith.constant 0 : i32
        %dma_start3A_70 = tpu.memref_slice %arg11[%dma_start3A_68, %dma_start3A_69] : memref<1024x32xf32, #tpu.memory_space<vmem>> -> memref<128x32xf32, #tpu.memory_space<vmem>>
        %dma_start3A_71 = arith.constant 0 : i32
        %dma_start3A_72 = tpu.memref_slice %arg9[%run_scoped3A, %dma_start3A_71] : memref<8x128xi32, #tpu.memory_space<vmem>> -> memref<1x128xi32, #tpu.memory_space<vmem>>
        %dma_start3A_73 = tpu.memref_squeeze %dma_start3A_72 : memref<1x128xi32, #tpu.memory_space<vmem>> -> memref<128xi32, #tpu.memory_space<vmem>>
        %dma_start3A_74 = arith.constant 0 : i32
        %dma_start3A_75 = arith.constant 0 : i32
        %dma_start3A_76 = tpu.memref_slice %arg13[%dma_start3A_74, %dma_start3A_75] : memref<10240x32xf32, #tpu.memory_space<vmem_shared>> -> memref<10240x32xf32, #tpu.memory_space<vmem_shared>>
        tpu.enqueue_indirect_dma source(%dma_start3A_70 : memref<128x32xf32, #tpu.memory_space<vmem>>) target(%dma_start3A_76 : memref<10240x32xf32, #tpu.memory_space<vmem_shared>>) offsets(%dma_start3A_73 : memref<128xi32, #tpu.memory_space<vmem>>) semaphore(%run_scoped3A_67 : memref<!tpu.dma_semaphore, #tpu.memory_space<semaphore_mem>>) {add = true}
        %dma_wait3A_77 = arith.constant 0 : i32
        %dma_wait3A_78 = arith.constant 0 : i32
        %dma_wait3A_79 = tpu.memref_slice %arg11[%dma_wait3A_77, %dma_wait3A_78] : memref<1024x32xf32, #tpu.memory_space<vmem>> -> memref<128x32xf32, #tpu.memory_space<vmem>>
        %dma_wait3A_80 = arith.constant 0 : i32
        %dma_wait3A_81 = tpu.memref_slice %arg9[%run_scoped3A, %dma_wait3A_80] : memref<8x128xi32, #tpu.memory_space<vmem>> -> memref<1x128xi32, #tpu.memory_space<vmem>>
        %dma_wait3A_82 = tpu.memref_squeeze %dma_wait3A_81 : memref<1x128xi32, #tpu.memory_space<vmem>> -> memref<128xi32, #tpu.memory_space<vmem>>
        %dma_wait3A_83 = arith.constant 0 : i32
        %dma_wait3A_84 = arith.constant 0 : i32
        %dma_wait3A_85 = tpu.memref_slice %arg13[%dma_wait3A_83, %dma_wait3A_84] : memref<10240x32xf32, #tpu.memory_space<vmem_shared>> -> memref<10240x32xf32, #tpu.memory_space<vmem_shared>>
        tpu.wait_indirect_dma semaphore(%run_scoped3A_67 : memref<!tpu.dma_semaphore, #tpu.memory_space<semaphore_mem>>) src(%dma_wait3A_79 : memref<128x32xf32, #tpu.memory_space<vmem>>) dst(%dma_wait3A_85 : memref<10240x32xf32, #tpu.memory_space<vmem_shared>>)
        tpu.yield
      }) : () -> ()
      %run_scoped3A_43 = arith.constant 1 : i32
      "tpu.region"() ({
        %run_scoped3A_67 = tpu.sem_alloc : memref<!tpu.dma_semaphore, #tpu.memory_space<semaphore_mem>>
        %dma_start3A_68 = arith.constant 128 : i32
        %dma_start3A_69 = arith.constant 0 : i32
        %dma_start3A_70 = tpu.memref_slice %arg11[%dma_start3A_68, %dma_start3A_69] : memref<1024x32xf32, #tpu.memory_space<vmem>> -> memref<128x32xf32, #tpu.memory_space<vmem>>
        %dma_start3A_71 = arith.constant 0 : i32
        %dma_start3A_72 = tpu.memref_slice %arg9[%run_scoped3A_43, %dma_start3A_71] : memref<8x128xi32, #tpu.memory_space<vmem>> -> memref<1x128xi32, #tpu.memory_space<vmem>>
        %dma_start3A_73 = tpu.memref_squeeze %dma_start3A_72 : memref<1x128xi32, #tpu.memory_space<vmem>> -> memref<128xi32, #tpu.memory_space<vmem>>
        %dma_start3A_74 = arith.constant 0 : i32
        %dma_start3A_75 = arith.constant 0 : i32
        %dma_start3A_76 = tpu.memref_slice %arg13[%dma_start3A_74, %dma_start3A_75] : memref<10240x32xf32, #tpu.memory_space<vmem_shared>> -> memref<10240x32xf32, #tpu.memory_space<vmem_shared>>
        tpu.enqueue_indirect_dma source(%dma_start3A_70 : memref<128x32xf32, #tpu.memory_space<vmem>>) target(%dma_start3A_76 : memref<10240x32xf32, #tpu.memory_space<vmem_shared>>) offsets(%dma_start3A_73 : memref<128xi32, #tpu.memory_space<vmem>>) semaphore(%run_scoped3A_67 : memref<!tpu.dma_semaphore, #tpu.memory_space<semaphore_mem>>) {add = true}
        %dma_wait3A_77 = arith.constant 128 : i32
        %dma_wait3A_78 = arith.constant 0 : i32
        %dma_wait3A_79 = tpu.memref_slice %arg11[%dma_wait3A_77, %dma_wait3A_78] : memref<1024x32xf32, #tpu.memory_space<vmem>> -> memref<128x32xf32, #tpu.memory_space<vmem>>
        %dma_wait3A_80 = arith.constant 0 : i32
        %dma_wait3A_81 = tpu.memref_slice %arg9[%run_scoped3A_43, %dma_wait3A_80] : memref<8x128xi32, #tpu.memory_space<vmem>> -> memref<1x128xi32, #tpu.memory_space<vmem>>
        %dma_wait3A_82 = tpu.memref_squeeze %dma_wait3A_81 : memref<1x128xi32, #tpu.memory_space<vmem>> -> memref<128xi32, #tpu.memory_space<vmem>>
        %dma_wait3A_83 = arith.constant 0 : i32
        %dma_wait3A_84 = arith.constant 0 : i32
        %dma_wait3A_85 = tpu.memref_slice %arg13[%dma_wait3A_83, %dma_wait3A_84] : memref<10240x32xf32, #tpu.memory_space<vmem_shared>> -> memref<10240x32xf32, #tpu.memory_space<vmem_shared>>
        tpu.wait_indirect_dma semaphore(%run_scoped3A_67 : memref<!tpu.dma_semaphore, #tpu.memory_space<semaphore_mem>>) src(%dma_wait3A_79 : memref<128x32xf32, #tpu.memory_space<vmem>>) dst(%dma_wait3A_85 : memref<10240x32xf32, #tpu.memory_space<vmem_shared>>)
        tpu.yield
      }) : () -> ()
      %run_scoped3A_44 = arith.constant 2 : i32
      "tpu.region"() ({
        %run_scoped3A_67 = tpu.sem_alloc : memref<!tpu.dma_semaphore, #tpu.memory_space<semaphore_mem>>
        %dma_start3A_68 = arith.constant 256 : i32
        %dma_start3A_69 = arith.constant 0 : i32
        %dma_start3A_70 = tpu.memref_slice %arg11[%dma_start3A_68, %dma_start3A_69] : memref<1024x32xf32, #tpu.memory_space<vmem>> -> memref<128x32xf32, #tpu.memory_space<vmem>>
        %dma_start3A_71 = arith.constant 0 : i32
        %dma_start3A_72 = tpu.memref_slice %arg9[%run_scoped3A_44, %dma_start3A_71] : memref<8x128xi32, #tpu.memory_space<vmem>> -> memref<1x128xi32, #tpu.memory_space<vmem>>
        %dma_start3A_73 = tpu.memref_squeeze %dma_start3A_72 : memref<1x128xi32, #tpu.memory_space<vmem>> -> memref<128xi32, #tpu.memory_space<vmem>>
        %dma_start3A_74 = arith.constant 0 : i32
        %dma_start3A_75 = arith.constant 0 : i32
        %dma_start3A_76 = tpu.memref_slice %arg13[%dma_start3A_74, %dma_start3A_75] : memref<10240x32xf32, #tpu.memory_space<vmem_shared>> -> memref<10240x32xf32, #tpu.memory_space<vmem_shared>>
        tpu.enqueue_indirect_dma source(%dma_start3A_70 : memref<128x32xf32, #tpu.memory_space<vmem>>) target(%dma_start3A_76 : memref<10240x32xf32, #tpu.memory_space<vmem_shared>>) offsets(%dma_start3A_73 : memref<128xi32, #tpu.memory_space<vmem>>) semaphore(%run_scoped3A_67 : memref<!tpu.dma_semaphore, #tpu.memory_space<semaphore_mem>>) {add = true}
        %dma_wait3A_77 = arith.constant 256 : i32
        %dma_wait3A_78 = arith.constant 0 : i32
        %dma_wait3A_79 = tpu.memref_slice %arg11[%dma_wait3A_77, %dma_wait3A_78] : memref<1024x32xf32, #tpu.memory_space<vmem>> -> memref<128x32xf32, #tpu.memory_space<vmem>>
        %dma_wait3A_80 = arith.constant 0 : i32
        %dma_wait3A_81 = tpu.memref_slice %arg9[%run_scoped3A_44, %dma_wait3A_80] : memref<8x128xi32, #tpu.memory_space<vmem>> -> memref<1x128xi32, #tpu.memory_space<vmem>>
        %dma_wait3A_82 = tpu.memref_squeeze %dma_wait3A_81 : memref<1x128xi32, #tpu.memory_space<vmem>> -> memref<128xi32, #tpu.memory_space<vmem>>
        %dma_wait3A_83 = arith.constant 0 : i32
        %dma_wait3A_84 = arith.constant 0 : i32
        %dma_wait3A_85 = tpu.memref_slice %arg13[%dma_wait3A_83, %dma_wait3A_84] : memref<10240x32xf32, #tpu.memory_space<vmem_shared>> -> memref<10240x32xf32, #tpu.memory_space<vmem_shared>>
        tpu.wait_indirect_dma semaphore(%run_scoped3A_67 : memref<!tpu.dma_semaphore, #tpu.memory_space<semaphore_mem>>) src(%dma_wait3A_79 : memref<128x32xf32, #tpu.memory_space<vmem>>) dst(%dma_wait3A_85 : memref<10240x32xf32, #tpu.memory_space<vmem_shared>>)
        tpu.yield
      }) : () -> ()
      %run_scoped3A_45 = arith.constant 3 : i32
      "tpu.region"() ({
        %run_scoped3A_67 = tpu.sem_alloc : memref<!tpu.dma_semaphore, #tpu.memory_space<semaphore_mem>>
        %dma_start3A_68 = arith.constant 384 : i32
        %dma_start3A_69 = arith.constant 0 : i32
        %dma_start3A_70 = tpu.memref_slice %arg11[%dma_start3A_68, %dma_start3A_69] : memref<1024x32xf32, #tpu.memory_space<vmem>> -> memref<128x32xf32, #tpu.memory_space<vmem>>
        %dma_start3A_71 = arith.constant 0 : i32
        %dma_start3A_72 = tpu.memref_slice %arg9[%run_scoped3A_45, %dma_start3A_71] : memref<8x128xi32, #tpu.memory_space<vmem>> -> memref<1x128xi32, #tpu.memory_space<vmem>>
        %dma_start3A_73 = tpu.memref_squeeze %dma_start3A_72 : memref<1x128xi32, #tpu.memory_space<vmem>> -> memref<128xi32, #tpu.memory_space<vmem>>
        %dma_start3A_74 = arith.constant 0 : i32
        %dma_start3A_75 = arith.constant 0 : i32
        %dma_start3A_76 = tpu.memref_slice %arg13[%dma_start3A_74, %dma_start3A_75] : memref<10240x32xf32, #tpu.memory_space<vmem_shared>> -> memref<10240x32xf32, #tpu.memory_space<vmem_shared>>
        tpu.enqueue_indirect_dma source(%dma_start3A_70 : memref<128x32xf32, #tpu.memory_space<vmem>>) target(%dma_start3A_76 : memref<10240x32xf32, #tpu.memory_space<vmem_shared>>) offsets(%dma_start3A_73 : memref<128xi32, #tpu.memory_space<vmem>>) semaphore(%run_scoped3A_67 : memref<!tpu.dma_semaphore, #tpu.memory_space<semaphore_mem>>) {add = true}
        %dma_wait3A_77 = arith.constant 384 : i32
        %dma_wait3A_78 = arith.constant 0 : i32
        %dma_wait3A_79 = tpu.memref_slice %arg11[%dma_wait3A_77, %dma_wait3A_78] : memref<1024x32xf32, #tpu.memory_space<vmem>> -> memref<128x32xf32, #tpu.memory_space<vmem>>
        %dma_wait3A_80 = arith.constant 0 : i32
        %dma_wait3A_81 = tpu.memref_slice %arg9[%run_scoped3A_45, %dma_wait3A_80] : memref<8x128xi32, #tpu.memory_space<vmem>> -> memref<1x128xi32, #tpu.memory_space<vmem>>
        %dma_wait3A_82 = tpu.memref_squeeze %dma_wait3A_81 : memref<1x128xi32, #tpu.memory_space<vmem>> -> memref<128xi32, #tpu.memory_space<vmem>>
        %dma_wait3A_83 = arith.constant 0 : i32
        %dma_wait3A_84 = arith.constant 0 : i32
        %dma_wait3A_85 = tpu.memref_slice %arg13[%dma_wait3A_83, %dma_wait3A_84] : memref<10240x32xf32, #tpu.memory_space<vmem_shared>> -> memref<10240x32xf32, #tpu.memory_space<vmem_shared>>
        tpu.wait_indirect_dma semaphore(%run_scoped3A_67 : memref<!tpu.dma_semaphore, #tpu.memory_space<semaphore_mem>>) src(%dma_wait3A_79 : memref<128x32xf32, #tpu.memory_space<vmem>>) dst(%dma_wait3A_85 : memref<10240x32xf32, #tpu.memory_space<vmem_shared>>)
        tpu.yield
      }) : () -> ()
      %run_scoped3A_46 = arith.constant 4 : i32
      "tpu.region"() ({
        %run_scoped3A_67 = tpu.sem_alloc : memref<!tpu.dma_semaphore, #tpu.memory_space<semaphore_mem>>
        %dma_start3A_68 = arith.constant 512 : i32
        %dma_start3A_69 = arith.constant 0 : i32
        %dma_start3A_70 = tpu.memref_slice %arg11[%dma_start3A_68, %dma_start3A_69] : memref<1024x32xf32, #tpu.memory_space<vmem>> -> memref<128x32xf32, #tpu.memory_space<vmem>>
        %dma_start3A_71 = arith.constant 0 : i32
        %dma_start3A_72 = tpu.memref_slice %arg9[%run_scoped3A_46, %dma_start3A_71] : memref<8x128xi32, #tpu.memory_space<vmem>> -> memref<1x128xi32, #tpu.memory_space<vmem>>
        %dma_start3A_73 = tpu.memref_squeeze %dma_start3A_72 : memref<1x128xi32, #tpu.memory_space<vmem>> -> memref<128xi32, #tpu.memory_space<vmem>>
        %dma_start3A_74 = arith.constant 0 : i32
        %dma_start3A_75 = arith.constant 0 : i32
        %dma_start3A_76 = tpu.memref_slice %arg13[%dma_start3A_74, %dma_start3A_75] : memref<10240x32xf32, #tpu.memory_space<vmem_shared>> -> memref<10240x32xf32, #tpu.memory_space<vmem_shared>>
        tpu.enqueue_indirect_dma source(%dma_start3A_70 : memref<128x32xf32, #tpu.memory_space<vmem>>) target(%dma_start3A_76 : memref<10240x32xf32, #tpu.memory_space<vmem_shared>>) offsets(%dma_start3A_73 : memref<128xi32, #tpu.memory_space<vmem>>) semaphore(%run_scoped3A_67 : memref<!tpu.dma_semaphore, #tpu.memory_space<semaphore_mem>>) {add = true}
        %dma_wait3A_77 = arith.constant 512 : i32
        %dma_wait3A_78 = arith.constant 0 : i32
        %dma_wait3A_79 = tpu.memref_slice %arg11[%dma_wait3A_77, %dma_wait3A_78] : memref<1024x32xf32, #tpu.memory_space<vmem>> -> memref<128x32xf32, #tpu.memory_space<vmem>>
        %dma_wait3A_80 = arith.constant 0 : i32
        %dma_wait3A_81 = tpu.memref_slice %arg9[%run_scoped3A_46, %dma_wait3A_80] : memref<8x128xi32, #tpu.memory_space<vmem>> -> memref<1x128xi32, #tpu.memory_space<vmem>>
        %dma_wait3A_82 = tpu.memref_squeeze %dma_wait3A_81 : memref<1x128xi32, #tpu.memory_space<vmem>> -> memref<128xi32, #tpu.memory_space<vmem>>
        %dma_wait3A_83 = arith.constant 0 : i32
        %dma_wait3A_84 = arith.constant 0 : i32
        %dma_wait3A_85 = tpu.memref_slice %arg13[%dma_wait3A_83, %dma_wait3A_84] : memref<10240x32xf32, #tpu.memory_space<vmem_shared>> -> memref<10240x32xf32, #tpu.memory_space<vmem_shared>>
        tpu.wait_indirect_dma semaphore(%run_scoped3A_67 : memref<!tpu.dma_semaphore, #tpu.memory_space<semaphore_mem>>) src(%dma_wait3A_79 : memref<128x32xf32, #tpu.memory_space<vmem>>) dst(%dma_wait3A_85 : memref<10240x32xf32, #tpu.memory_space<vmem_shared>>)
        tpu.yield
      }) : () -> ()
      %run_scoped3A_47 = arith.constant 5 : i32
      "tpu.region"() ({
        %run_scoped3A_67 = tpu.sem_alloc : memref<!tpu.dma_semaphore, #tpu.memory_space<semaphore_mem>>
        %dma_start3A_68 = arith.constant 640 : i32
        %dma_start3A_69 = arith.constant 0 : i32
        %dma_start3A_70 = tpu.memref_slice %arg11[%dma_start3A_68, %dma_start3A_69] : memref<1024x32xf32, #tpu.memory_space<vmem>> -> memref<128x32xf32, #tpu.memory_space<vmem>>
        %dma_start3A_71 = arith.constant 0 : i32
        %dma_start3A_72 = tpu.memref_slice %arg9[%run_scoped3A_47, %dma_start3A_71] : memref<8x128xi32, #tpu.memory_space<vmem>> -> memref<1x128xi32, #tpu.memory_space<vmem>>
        %dma_start3A_73 = tpu.memref_squeeze %dma_start3A_72 : memref<1x128xi32, #tpu.memory_space<vmem>> -> memref<128xi32, #tpu.memory_space<vmem>>
        %dma_start3A_74 = arith.constant 0 : i32
        %dma_start3A_75 = arith.constant 0 : i32
        %dma_start3A_76 = tpu.memref_slice %arg13[%dma_start3A_74, %dma_start3A_75] : memref<10240x32xf32, #tpu.memory_space<vmem_shared>> -> memref<10240x32xf32, #tpu.memory_space<vmem_shared>>
        tpu.enqueue_indirect_dma source(%dma_start3A_70 : memref<128x32xf32, #tpu.memory_space<vmem>>) target(%dma_start3A_76 : memref<10240x32xf32, #tpu.memory_space<vmem_shared>>) offsets(%dma_start3A_73 : memref<128xi32, #tpu.memory_space<vmem>>) semaphore(%run_scoped3A_67 : memref<!tpu.dma_semaphore, #tpu.memory_space<semaphore_mem>>) {add = true}
        %dma_wait3A_77 = arith.constant 640 : i32
        %dma_wait3A_78 = arith.constant 0 : i32
        %dma_wait3A_79 = tpu.memref_slice %arg11[%dma_wait3A_77, %dma_wait3A_78] : memref<1024x32xf32, #tpu.memory_space<vmem>> -> memref<128x32xf32, #tpu.memory_space<vmem>>
        %dma_wait3A_80 = arith.constant 0 : i32
        %dma_wait3A_81 = tpu.memref_slice %arg9[%run_scoped3A_47, %dma_wait3A_80] : memref<8x128xi32, #tpu.memory_space<vmem>> -> memref<1x128xi32, #tpu.memory_space<vmem>>
        %dma_wait3A_82 = tpu.memref_squeeze %dma_wait3A_81 : memref<1x128xi32, #tpu.memory_space<vmem>> -> memref<128xi32, #tpu.memory_space<vmem>>
        %dma_wait3A_83 = arith.constant 0 : i32
        %dma_wait3A_84 = arith.constant 0 : i32
        %dma_wait3A_85 = tpu.memref_slice %arg13[%dma_wait3A_83, %dma_wait3A_84] : memref<10240x32xf32, #tpu.memory_space<vmem_shared>> -> memref<10240x32xf32, #tpu.memory_space<vmem_shared>>
        tpu.wait_indirect_dma semaphore(%run_scoped3A_67 : memref<!tpu.dma_semaphore, #tpu.memory_space<semaphore_mem>>) src(%dma_wait3A_79 : memref<128x32xf32, #tpu.memory_space<vmem>>) dst(%dma_wait3A_85 : memref<10240x32xf32, #tpu.memory_space<vmem_shared>>)
        tpu.yield
      }) : () -> ()
      %run_scoped3A_48 = arith.constant 6 : i32
      "tpu.region"() ({
        %run_scoped3A_67 = tpu.sem_alloc : memref<!tpu.dma_semaphore, #tpu.memory_space<semaphore_mem>>
        %dma_start3A_68 = arith.constant 768 : i32
        %dma_start3A_69 = arith.constant 0 : i32
        %dma_start3A_70 = tpu.memref_slice %arg11[%dma_start3A_68, %dma_start3A_69] : memref<1024x32xf32, #tpu.memory_space<vmem>> -> memref<128x32xf32, #tpu.memory_space<vmem>>
        %dma_start3A_71 = arith.constant 0 : i32
        %dma_start3A_72 = tpu.memref_slice %arg9[%run_scoped3A_48, %dma_start3A_71] : memref<8x128xi32, #tpu.memory_space<vmem>> -> memref<1x128xi32, #tpu.memory_space<vmem>>
        %dma_start3A_73 = tpu.memref_squeeze %dma_start3A_72 : memref<1x128xi32, #tpu.memory_space<vmem>> -> memref<128xi32, #tpu.memory_space<vmem>>
        %dma_start3A_74 = arith.constant 0 : i32
        %dma_start3A_75 = arith.constant 0 : i32
        %dma_start3A_76 = tpu.memref_slice %arg13[%dma_start3A_74, %dma_start3A_75] : memref<10240x32xf32, #tpu.memory_space<vmem_shared>> -> memref<10240x32xf32, #tpu.memory_space<vmem_shared>>
        tpu.enqueue_indirect_dma source(%dma_start3A_70 : memref<128x32xf32, #tpu.memory_space<vmem>>) target(%dma_start3A_76 : memref<10240x32xf32, #tpu.memory_space<vmem_shared>>) offsets(%dma_start3A_73 : memref<128xi32, #tpu.memory_space<vmem>>) semaphore(%run_scoped3A_67 : memref<!tpu.dma_semaphore, #tpu.memory_space<semaphore_mem>>) {add = true}
        %dma_wait3A_77 = arith.constant 768 : i32
        %dma_wait3A_78 = arith.constant 0 : i32
        %dma_wait3A_79 = tpu.memref_slice %arg11[%dma_wait3A_77, %dma_wait3A_78] : memref<1024x32xf32, #tpu.memory_space<vmem>> -> memref<128x32xf32, #tpu.memory_space<vmem>>
        %dma_wait3A_80 = arith.constant 0 : i32
        %dma_wait3A_81 = tpu.memref_slice %arg9[%run_scoped3A_48, %dma_wait3A_80] : memref<8x128xi32, #tpu.memory_space<vmem>> -> memref<1x128xi32, #tpu.memory_space<vmem>>
        %dma_wait3A_82 = tpu.memref_squeeze %dma_wait3A_81 : memref<1x128xi32, #tpu.memory_space<vmem>> -> memref<128xi32, #tpu.memory_space<vmem>>
        %dma_wait3A_83 = arith.constant 0 : i32
        %dma_wait3A_84 = arith.constant 0 : i32
        %dma_wait3A_85 = tpu.memref_slice %arg13[%dma_wait3A_83, %dma_wait3A_84] : memref<10240x32xf32, #tpu.memory_space<vmem_shared>> -> memref<10240x32xf32, #tpu.memory_space<vmem_shared>>
        tpu.wait_indirect_dma semaphore(%run_scoped3A_67 : memref<!tpu.dma_semaphore, #tpu.memory_space<semaphore_mem>>) src(%dma_wait3A_79 : memref<128x32xf32, #tpu.memory_space<vmem>>) dst(%dma_wait3A_85 : memref<10240x32xf32, #tpu.memory_space<vmem_shared>>)
        tpu.yield
      }) : () -> ()
      %run_scoped3A_49 = arith.constant 7 : i32
      "tpu.region"() ({
        %run_scoped3A_67 = tpu.sem_alloc : memref<!tpu.dma_semaphore, #tpu.memory_space<semaphore_mem>>
        %dma_start3A_68 = arith.constant 896 : i32
        %dma_start3A_69 = arith.constant 0 : i32
        %dma_start3A_70 = tpu.memref_slice %arg11[%dma_start3A_68, %dma_start3A_69] : memref<1024x32xf32, #tpu.memory_space<vmem>> -> memref<128x32xf32, #tpu.memory_space<vmem>>
        %dma_start3A_71 = arith.constant 0 : i32
        %dma_start3A_72 = tpu.memref_slice %arg9[%run_scoped3A_49, %dma_start3A_71] : memref<8x128xi32, #tpu.memory_space<vmem>> -> memref<1x128xi32, #tpu.memory_space<vmem>>
        %dma_start3A_73 = tpu.memref_squeeze %dma_start3A_72 : memref<1x128xi32, #tpu.memory_space<vmem>> -> memref<128xi32, #tpu.memory_space<vmem>>
        %dma_start3A_74 = arith.constant 0 : i32
        %dma_start3A_75 = arith.constant 0 : i32
        %dma_start3A_76 = tpu.memref_slice %arg13[%dma_start3A_74, %dma_start3A_75] : memref<10240x32xf32, #tpu.memory_space<vmem_shared>> -> memref<10240x32xf32, #tpu.memory_space<vmem_shared>>
        tpu.enqueue_indirect_dma source(%dma_start3A_70 : memref<128x32xf32, #tpu.memory_space<vmem>>) target(%dma_start3A_76 : memref<10240x32xf32, #tpu.memory_space<vmem_shared>>) offsets(%dma_start3A_73 : memref<128xi32, #tpu.memory_space<vmem>>) semaphore(%run_scoped3A_67 : memref<!tpu.dma_semaphore, #tpu.memory_space<semaphore_mem>>) {add = true}
        %dma_wait3A_77 = arith.constant 896 : i32
        %dma_wait3A_78 = arith.constant 0 : i32
        %dma_wait3A_79 = tpu.memref_slice %arg11[%dma_wait3A_77, %dma_wait3A_78] : memref<1024x32xf32, #tpu.memory_space<vmem>> -> memref<128x32xf32, #tpu.memory_space<vmem>>
        %dma_wait3A_80 = arith.constant 0 : i32
        %dma_wait3A_81 = tpu.memref_slice %arg9[%run_scoped3A_49, %dma_wait3A_80] : memref<8x128xi32, #tpu.memory_space<vmem>> -> memref<1x128xi32, #tpu.memory_space<vmem>>
        %dma_wait3A_82 = tpu.memref_squeeze %dma_wait3A_81 : memref<1x128xi32, #tpu.memory_space<vmem>> -> memref<128xi32, #tpu.memory_space<vmem>>
        %dma_wait3A_83 = arith.constant 0 : i32
        %dma_wait3A_84 = arith.constant 0 : i32
        %dma_wait3A_85 = tpu.memref_slice %arg13[%dma_wait3A_83, %dma_wait3A_84] : memref<10240x32xf32, #tpu.memory_space<vmem_shared>> -> memref<10240x32xf32, #tpu.memory_space<vmem_shared>>
        tpu.wait_indirect_dma semaphore(%run_scoped3A_67 : memref<!tpu.dma_semaphore, #tpu.memory_space<semaphore_mem>>) src(%dma_wait3A_79 : memref<128x32xf32, #tpu.memory_space<vmem>>) dst(%dma_wait3A_85 : memref<10240x32xf32, #tpu.memory_space<vmem_shared>>)
        tpu.yield
      }) : () -> ()
      %add3A_50 = arith.constant 2 : i32
      %add3A_51 = arith.addi %mul3A_29, %add3A_50 : i32
      %lt3A = arith.constant 10 : i32
      %lt3A_52 = arith.cmpi slt, %add3A_51, %lt3A : i32
      %convert_element_type3A_53 = arith.extui %lt3A_52 : i1 to i32
      %cond3A_54 = arith.constant 0 : i32
      %cond3A_55 = arith.cmpi ne, %convert_element_type3A_53, %cond3A_54 : i32
      scf.if %cond3A_55 {
        %add3A_67 = arith.constant 2 : i32
        %add3A_68 = arith.addi %mul3A_29, %add3A_67 : i32
        %mul3A_69 = arith.constant 1024 : i32
        %mul3A_70 = arith.muli %add3A_68, %mul3A_69 : i32
        %add3A_71 = arith.addi %mul3A_8, %mul3A_70 : i32
        "tpu.region"() ({
          %run_scoped3A_78 = tpu.sem_alloc : memref<!tpu.dma_semaphore, #tpu.memory_space<semaphore_mem>>
          %dma_start3A_79 = tpu.memref_slice %arg3[%add3A_71] : memref<327680xi32, #tpu.memory_space<hbm>> -> memref<1024xi32, #tpu.memory_space<hbm>>
          %dma_start3A_80 = tpu.memref_slice %arg3[%add3A_71] : memref<327680xi32, #tpu.memory_space<hbm>> -> memref<1024xi32, #tpu.memory_space<hbm>>
          tpu.enqueue_dma source(%dma_start3A_80 : memref<1024xi32, #tpu.memory_space<hbm>>) target(%arg7 : memref<1024xi32, #tpu.memory_space<vmem>>) target_semaphore(%run_scoped3A_78 : memref<!tpu.dma_semaphore, #tpu.memory_space<semaphore_mem>>)
          %dma_wait3A_81 = tpu.memref_slice %arg3[%add3A_71] : memref<327680xi32, #tpu.memory_space<hbm>> -> memref<1024xi32, #tpu.memory_space<hbm>>
          %dma_wait3A_82 = tpu.memref_slice %arg3[%add3A_71] : memref<327680xi32, #tpu.memory_space<hbm>> -> memref<1024xi32, #tpu.memory_space<hbm>>
          tpu.wait_dma2 semaphore(%run_scoped3A_78 : memref<!tpu.dma_semaphore, #tpu.memory_space<semaphore_mem>>) src(%dma_wait3A_82 : memref<1024xi32, #tpu.memory_space<hbm>>) dst(%arg7 : memref<1024xi32, #tpu.memory_space<vmem>>)
          tpu.yield
        }) : () -> ()
        %mul3A_72 = arith.constant 8 : i32
        %mul3A_73 = arith.muli %add3A_68, %mul3A_72 : i32
        %add3A_74 = arith.addi %mul3A_10, %mul3A_73 : i32
        "tpu.region"() ({
          %run_scoped3A_78 = tpu.sem_alloc : memref<!tpu.dma_semaphore, #tpu.memory_space<semaphore_mem>>
          %dma_start3A_79 = arith.constant 0 : i32
          %dma_start3A_80 = tpu.memref_slice %arg4[%add3A_74, %dma_start3A_79] : memref<2560x128xi32, #tpu.memory_space<hbm>> -> memref<8x128xi32, #tpu.memory_space<hbm>>
          %dma_start3A_81 = arith.constant 0 : i32
          %dma_start3A_82 = tpu.memref_slice %arg4[%add3A_74, %dma_start3A_81] : memref<2560x128xi32, #tpu.memory_space<hbm>> -> memref<8x128xi32, #tpu.memory_space<hbm>>
          tpu.enqueue_dma source(%dma_start3A_82 : memref<8x128xi32, #tpu.memory_space<hbm>>) target(%arg9 : memref<8x128xi32, #tpu.memory_space<vmem>>) target_semaphore(%run_scoped3A_78 : memref<!tpu.dma_semaphore, #tpu.memory_space<semaphore_mem>>)
          %dma_wait3A_83 = arith.constant 0 : i32
          %dma_wait3A_84 = tpu.memref_slice %arg4[%add3A_74, %dma_wait3A_83] : memref<2560x128xi32, #tpu.memory_space<hbm>> -> memref<8x128xi32, #tpu.memory_space<hbm>>
          %dma_wait3A_85 = arith.constant 0 : i32
          %dma_wait3A_86 = tpu.memref_slice %arg4[%add3A_74, %dma_wait3A_85] : memref<2560x128xi32, #tpu.memory_space<hbm>> -> memref<8x128xi32, #tpu.memory_space<hbm>>
          tpu.wait_dma2 semaphore(%run_scoped3A_78 : memref<!tpu.dma_semaphore, #tpu.memory_space<semaphore_mem>>) src(%dma_wait3A_86 : memref<8x128xi32, #tpu.memory_space<hbm>>) dst(%arg9 : memref<8x128xi32, #tpu.memory_space<vmem>>)
          tpu.yield
        }) : () -> ()
        %dma_start3A_75 = arith.constant 0 : i32
        %dma_start3A_76 = arith.constant 0 : i32
        %dma_start3A_77 = tpu.memref_slice %arg2[%dma_start3A_75, %dma_start3A_76] : memref<10240x32xf32, #tpu.memory_space<hbm>> -> memref<10240x32xf32, #tpu.memory_space<hbm>>
        tpu.enqueue_indirect_dma source(%dma_start3A_77 : memref<10240x32xf32, #tpu.memory_space<hbm>>) target(%arg11 : memref<1024x32xf32, #tpu.memory_space<vmem>>) offsets(%arg7 : memref<1024xi32, #tpu.memory_space<vmem>>) semaphore(%arg14 : memref<!tpu.dma_semaphore, #tpu.memory_space<semaphore_mem>>)
      } else {
      }
      %dma_wait3A_56 = arith.constant 0 : i32
      %dma_wait3A_57 = arith.constant 0 : i32
      %dma_wait3A_58 = tpu.memref_slice %arg2[%dma_wait3A_56, %dma_wait3A_57] : memref<10240x32xf32, #tpu.memory_space<hbm>> -> memref<10240x32xf32, #tpu.memory_space<hbm>>
      tpu.wait_indirect_dma semaphore(%arg15 : memref<!tpu.dma_semaphore, #tpu.memory_space<semaphore_mem>>) src(%dma_wait3A_58 : memref<10240x32xf32, #tpu.memory_space<hbm>>) dst(%arg12 : memref<1024x32xf32, #tpu.memory_space<vmem>>)
      %run_scoped3A_59 = arith.constant 0 : i32
      "tpu.region"() ({
        %run_scoped3A_67 = tpu.sem_alloc : memref<!tpu.dma_semaphore, #tpu.memory_space<semaphore_mem>>
        %dma_start3A_68 = arith.constant 0 : i32
        %dma_start3A_69 = arith.constant 0 : i32
        %dma_start3A_70 = tpu.memref_slice %arg12[%dma_start3A_68, %dma_start3A_69] : memref<1024x32xf32, #tpu.memory_space<vmem>> -> memref<128x32xf32, #tpu.memory_space<vmem>>
        %dma_start3A_71 = arith.constant 0 : i32
        %dma_start3A_72 = tpu.memref_slice %arg10[%run_scoped3A_59, %dma_start3A_71] : memref<8x128xi32, #tpu.memory_space<vmem>> -> memref<1x128xi32, #tpu.memory_space<vmem>>
        %dma_start3A_73 = tpu.memref_squeeze %dma_start3A_72 : memref<1x128xi32, #tpu.memory_space<vmem>> -> memref<128xi32, #tpu.memory_space<vmem>>
        %dma_start3A_74 = arith.constant 0 : i32
        %dma_start3A_75 = arith.constant 0 : i32
        %dma_start3A_76 = tpu.memref_slice %arg13[%dma_start3A_74, %dma_start3A_75] : memref<10240x32xf32, #tpu.memory_space<vmem_shared>> -> memref<10240x32xf32, #tpu.memory_space<vmem_shared>>
        tpu.enqueue_indirect_dma source(%dma_start3A_70 : memref<128x32xf32, #tpu.memory_space<vmem>>) target(%dma_start3A_76 : memref<10240x32xf32, #tpu.memory_space<vmem_shared>>) offsets(%dma_start3A_73 : memref<128xi32, #tpu.memory_space<vmem>>) semaphore(%run_scoped3A_67 : memref<!tpu.dma_semaphore, #tpu.memory_space<semaphore_mem>>) {add = true}
        %dma_wait3A_77 = arith.constant 0 : i32
        %dma_wait3A_78 = arith.constant 0 : i32
        %dma_wait3A_79 = tpu.memref_slice %arg12[%dma_wait3A_77, %dma_wait3A_78] : memref<1024x32xf32, #tpu.memory_space<vmem>> -> memref<128x32xf32, #tpu.memory_space<vmem>>
        %dma_wait3A_80 = arith.constant 0 : i32
        %dma_wait3A_81 = tpu.memref_slice %arg10[%run_scoped3A_59, %dma_wait3A_80] : memref<8x128xi32, #tpu.memory_space<vmem>> -> memref<1x128xi32, #tpu.memory_space<vmem>>
        %dma_wait3A_82 = tpu.memref_squeeze %dma_wait3A_81 : memref<1x128xi32, #tpu.memory_space<vmem>> -> memref<128xi32, #tpu.memory_space<vmem>>
        %dma_wait3A_83 = arith.constant 0 : i32
        %dma_wait3A_84 = arith.constant 0 : i32
        %dma_wait3A_85 = tpu.memref_slice %arg13[%dma_wait3A_83, %dma_wait3A_84] : memref<10240x32xf32, #tpu.memory_space<vmem_shared>> -> memref<10240x32xf32, #tpu.memory_space<vmem_shared>>
        tpu.wait_indirect_dma semaphore(%run_scoped3A_67 : memref<!tpu.dma_semaphore, #tpu.memory_space<semaphore_mem>>) src(%dma_wait3A_79 : memref<128x32xf32, #tpu.memory_space<vmem>>) dst(%dma_wait3A_85 : memref<10240x32xf32, #tpu.memory_space<vmem_shared>>)
        tpu.yield
      }) : () -> ()
      %run_scoped3A_60 = arith.constant 1 : i32
      "tpu.region"() ({
        %run_scoped3A_67 = tpu.sem_alloc : memref<!tpu.dma_semaphore, #tpu.memory_space<semaphore_mem>>
        %dma_start3A_68 = arith.constant 128 : i32
        %dma_start3A_69 = arith.constant 0 : i32
        %dma_start3A_70 = tpu.memref_slice %arg12[%dma_start3A_68, %dma_start3A_69] : memref<1024x32xf32, #tpu.memory_space<vmem>> -> memref<128x32xf32, #tpu.memory_space<vmem>>
        %dma_start3A_71 = arith.constant 0 : i32
        %dma_start3A_72 = tpu.memref_slice %arg10[%run_scoped3A_60, %dma_start3A_71] : memref<8x128xi32, #tpu.memory_space<vmem>> -> memref<1x128xi32, #tpu.memory_space<vmem>>
        %dma_start3A_73 = tpu.memref_squeeze %dma_start3A_72 : memref<1x128xi32, #tpu.memory_space<vmem>> -> memref<128xi32, #tpu.memory_space<vmem>>
        %dma_start3A_74 = arith.constant 0 : i32
        %dma_start3A_75 = arith.constant 0 : i32
        %dma_start3A_76 = tpu.memref_slice %arg13[%dma_start3A_74, %dma_start3A_75] : memref<10240x32xf32, #tpu.memory_space<vmem_shared>> -> memref<10240x32xf32, #tpu.memory_space<vmem_shared>>
        tpu.enqueue_indirect_dma source(%dma_start3A_70 : memref<128x32xf32, #tpu.memory_space<vmem>>) target(%dma_start3A_76 : memref<10240x32xf32, #tpu.memory_space<vmem_shared>>) offsets(%dma_start3A_73 : memref<128xi32, #tpu.memory_space<vmem>>) semaphore(%run_scoped3A_67 : memref<!tpu.dma_semaphore, #tpu.memory_space<semaphore_mem>>) {add = true}
        %dma_wait3A_77 = arith.constant 128 : i32
        %dma_wait3A_78 = arith.constant 0 : i32
        %dma_wait3A_79 = tpu.memref_slice %arg12[%dma_wait3A_77, %dma_wait3A_78] : memref<1024x32xf32, #tpu.memory_space<vmem>> -> memref<128x32xf32, #tpu.memory_space<vmem>>
        %dma_wait3A_80 = arith.constant 0 : i32
        %dma_wait3A_81 = tpu.memref_slice %arg10[%run_scoped3A_60, %dma_wait3A_80] : memref<8x128xi32, #tpu.memory_space<vmem>> -> memref<1x128xi32, #tpu.memory_space<vmem>>
        %dma_wait3A_82 = tpu.memref_squeeze %dma_wait3A_81 : memref<1x128xi32, #tpu.memory_space<vmem>> -> memref<128xi32, #tpu.memory_space<vmem>>
        %dma_wait3A_83 = arith.constant 0 : i32
        %dma_wait3A_84 = arith.constant 0 : i32
        %dma_wait3A_85 = tpu.memref_slice %arg13[%dma_wait3A_83, %dma_wait3A_84] : memref<10240x32xf32, #tpu.memory_space<vmem_shared>> -> memref<10240x32xf32, #tpu.memory_space<vmem_shared>>
        tpu.wait_indirect_dma semaphore(%run_scoped3A_67 : memref<!tpu.dma_semaphore, #tpu.memory_space<semaphore_mem>>) src(%dma_wait3A_79 : memref<128x32xf32, #tpu.memory_space<vmem>>) dst(%dma_wait3A_85 : memref<10240x32xf32, #tpu.memory_space<vmem_shared>>)
        tpu.yield
      }) : () -> ()
      %run_scoped3A_61 = arith.constant 2 : i32
      "tpu.region"() ({
        %run_scoped3A_67 = tpu.sem_alloc : memref<!tpu.dma_semaphore, #tpu.memory_space<semaphore_mem>>
        %dma_start3A_68 = arith.constant 256 : i32
        %dma_start3A_69 = arith.constant 0 : i32
        %dma_start3A_70 = tpu.memref_slice %arg12[%dma_start3A_68, %dma_start3A_69] : memref<1024x32xf32, #tpu.memory_space<vmem>> -> memref<128x32xf32, #tpu.memory_space<vmem>>
        %dma_start3A_71 = arith.constant 0 : i32
        %dma_start3A_72 = tpu.memref_slice %arg10[%run_scoped3A_61, %dma_start3A_71] : memref<8x128xi32, #tpu.memory_space<vmem>> -> memref<1x128xi32, #tpu.memory_space<vmem>>
        %dma_start3A_73 = tpu.memref_squeeze %dma_start3A_72 : memref<1x128xi32, #tpu.memory_space<vmem>> -> memref<128xi32, #tpu.memory_space<vmem>>
        %dma_start3A_74 = arith.constant 0 : i32
        %dma_start3A_75 = arith.constant 0 : i32
        %dma_start3A_76 = tpu.memref_slice %arg13[%dma_start3A_74, %dma_start3A_75] : memref<10240x32xf32, #tpu.memory_space<vmem_shared>> -> memref<10240x32xf32, #tpu.memory_space<vmem_shared>>
        tpu.enqueue_indirect_dma source(%dma_start3A_70 : memref<128x32xf32, #tpu.memory_space<vmem>>) target(%dma_start3A_76 : memref<10240x32xf32, #tpu.memory_space<vmem_shared>>) offsets(%dma_start3A_73 : memref<128xi32, #tpu.memory_space<vmem>>) semaphore(%run_scoped3A_67 : memref<!tpu.dma_semaphore, #tpu.memory_space<semaphore_mem>>) {add = true}
        %dma_wait3A_77 = arith.constant 256 : i32
        %dma_wait3A_78 = arith.constant 0 : i32
        %dma_wait3A_79 = tpu.memref_slice %arg12[%dma_wait3A_77, %dma_wait3A_78] : memref<1024x32xf32, #tpu.memory_space<vmem>> -> memref<128x32xf32, #tpu.memory_space<vmem>>
        %dma_wait3A_80 = arith.constant 0 : i32
        %dma_wait3A_81 = tpu.memref_slice %arg10[%run_scoped3A_61, %dma_wait3A_80] : memref<8x128xi32, #tpu.memory_space<vmem>> -> memref<1x128xi32, #tpu.memory_space<vmem>>
        %dma_wait3A_82 = tpu.memref_squeeze %dma_wait3A_81 : memref<1x128xi32, #tpu.memory_space<vmem>> -> memref<128xi32, #tpu.memory_space<vmem>>
        %dma_wait3A_83 = arith.constant 0 : i32
        %dma_wait3A_84 = arith.constant 0 : i32
        %dma_wait3A_85 = tpu.memref_slice %arg13[%dma_wait3A_83, %dma_wait3A_84] : memref<10240x32xf32, #tpu.memory_space<vmem_shared>> -> memref<10240x32xf32, #tpu.memory_space<vmem_shared>>
        tpu.wait_indirect_dma semaphore(%run_scoped3A_67 : memref<!tpu.dma_semaphore, #tpu.memory_space<semaphore_mem>>) src(%dma_wait3A_79 : memref<128x32xf32, #tpu.memory_space<vmem>>) dst(%dma_wait3A_85 : memref<10240x32xf32, #tpu.memory_space<vmem_shared>>)
        tpu.yield
      }) : () -> ()
      %run_scoped3A_62 = arith.constant 3 : i32
      "tpu.region"() ({
        %run_scoped3A_67 = tpu.sem_alloc : memref<!tpu.dma_semaphore, #tpu.memory_space<semaphore_mem>>
        %dma_start3A_68 = arith.constant 384 : i32
        %dma_start3A_69 = arith.constant 0 : i32
        %dma_start3A_70 = tpu.memref_slice %arg12[%dma_start3A_68, %dma_start3A_69] : memref<1024x32xf32, #tpu.memory_space<vmem>> -> memref<128x32xf32, #tpu.memory_space<vmem>>
        %dma_start3A_71 = arith.constant 0 : i32
        %dma_start3A_72 = tpu.memref_slice %arg10[%run_scoped3A_62, %dma_start3A_71] : memref<8x128xi32, #tpu.memory_space<vmem>> -> memref<1x128xi32, #tpu.memory_space<vmem>>
        %dma_start3A_73 = tpu.memref_squeeze %dma_start3A_72 : memref<1x128xi32, #tpu.memory_space<vmem>> -> memref<128xi32, #tpu.memory_space<vmem>>
        %dma_start3A_74 = arith.constant 0 : i32
        %dma_start3A_75 = arith.constant 0 : i32
        %dma_start3A_76 = tpu.memref_slice %arg13[%dma_start3A_74, %dma_start3A_75] : memref<10240x32xf32, #tpu.memory_space<vmem_shared>> -> memref<10240x32xf32, #tpu.memory_space<vmem_shared>>
        tpu.enqueue_indirect_dma source(%dma_start3A_70 : memref<128x32xf32, #tpu.memory_space<vmem>>) target(%dma_start3A_76 : memref<10240x32xf32, #tpu.memory_space<vmem_shared>>) offsets(%dma_start3A_73 : memref<128xi32, #tpu.memory_space<vmem>>) semaphore(%run_scoped3A_67 : memref<!tpu.dma_semaphore, #tpu.memory_space<semaphore_mem>>) {add = true}
        %dma_wait3A_77 = arith.constant 384 : i32
        %dma_wait3A_78 = arith.constant 0 : i32
        %dma_wait3A_79 = tpu.memref_slice %arg12[%dma_wait3A_77, %dma_wait3A_78] : memref<1024x32xf32, #tpu.memory_space<vmem>> -> memref<128x32xf32, #tpu.memory_space<vmem>>
        %dma_wait3A_80 = arith.constant 0 : i32
        %dma_wait3A_81 = tpu.memref_slice %arg10[%run_scoped3A_62, %dma_wait3A_80] : memref<8x128xi32, #tpu.memory_space<vmem>> -> memref<1x128xi32, #tpu.memory_space<vmem>>
        %dma_wait3A_82 = tpu.memref_squeeze %dma_wait3A_81 : memref<1x128xi32, #tpu.memory_space<vmem>> -> memref<128xi32, #tpu.memory_space<vmem>>
        %dma_wait3A_83 = arith.constant 0 : i32
        %dma_wait3A_84 = arith.constant 0 : i32
        %dma_wait3A_85 = tpu.memref_slice %arg13[%dma_wait3A_83, %dma_wait3A_84] : memref<10240x32xf32, #tpu.memory_space<vmem_shared>> -> memref<10240x32xf32, #tpu.memory_space<vmem_shared>>
        tpu.wait_indirect_dma semaphore(%run_scoped3A_67 : memref<!tpu.dma_semaphore, #tpu.memory_space<semaphore_mem>>) src(%dma_wait3A_79 : memref<128x32xf32, #tpu.memory_space<vmem>>) dst(%dma_wait3A_85 : memref<10240x32xf32, #tpu.memory_space<vmem_shared>>)
        tpu.yield
      }) : () -> ()
      %run_scoped3A_63 = arith.constant 4 : i32
      "tpu.region"() ({
        %run_scoped3A_67 = tpu.sem_alloc : memref<!tpu.dma_semaphore, #tpu.memory_space<semaphore_mem>>
        %dma_start3A_68 = arith.constant 512 : i32
        %dma_start3A_69 = arith.constant 0 : i32
        %dma_start3A_70 = tpu.memref_slice %arg12[%dma_start3A_68, %dma_start3A_69] : memref<1024x32xf32, #tpu.memory_space<vmem>> -> memref<128x32xf32, #tpu.memory_space<vmem>>
        %dma_start3A_71 = arith.constant 0 : i32
        %dma_start3A_72 = tpu.memref_slice %arg10[%run_scoped3A_63, %dma_start3A_71] : memref<8x128xi32, #tpu.memory_space<vmem>> -> memref<1x128xi32, #tpu.memory_space<vmem>>
        %dma_start3A_73 = tpu.memref_squeeze %dma_start3A_72 : memref<1x128xi32, #tpu.memory_space<vmem>> -> memref<128xi32, #tpu.memory_space<vmem>>
        %dma_start3A_74 = arith.constant 0 : i32
        %dma_start3A_75 = arith.constant 0 : i32
        %dma_start3A_76 = tpu.memref_slice %arg13[%dma_start3A_74, %dma_start3A_75] : memref<10240x32xf32, #tpu.memory_space<vmem_shared>> -> memref<10240x32xf32, #tpu.memory_space<vmem_shared>>
        tpu.enqueue_indirect_dma source(%dma_start3A_70 : memref<128x32xf32, #tpu.memory_space<vmem>>) target(%dma_start3A_76 : memref<10240x32xf32, #tpu.memory_space<vmem_shared>>) offsets(%dma_start3A_73 : memref<128xi32, #tpu.memory_space<vmem>>) semaphore(%run_scoped3A_67 : memref<!tpu.dma_semaphore, #tpu.memory_space<semaphore_mem>>) {add = true}
        %dma_wait3A_77 = arith.constant 512 : i32
        %dma_wait3A_78 = arith.constant 0 : i32
        %dma_wait3A_79 = tpu.memref_slice %arg12[%dma_wait3A_77, %dma_wait3A_78] : memref<1024x32xf32, #tpu.memory_space<vmem>> -> memref<128x32xf32, #tpu.memory_space<vmem>>
        %dma_wait3A_80 = arith.constant 0 : i32
        %dma_wait3A_81 = tpu.memref_slice %arg10[%run_scoped3A_63, %dma_wait3A_80] : memref<8x128xi32, #tpu.memory_space<vmem>> -> memref<1x128xi32, #tpu.memory_space<vmem>>
        %dma_wait3A_82 = tpu.memref_squeeze %dma_wait3A_81 : memref<1x128xi32, #tpu.memory_space<vmem>> -> memref<128xi32, #tpu.memory_space<vmem>>
        %dma_wait3A_83 = arith.constant 0 : i32
        %dma_wait3A_84 = arith.constant 0 : i32
        %dma_wait3A_85 = tpu.memref_slice %arg13[%dma_wait3A_83, %dma_wait3A_84] : memref<10240x32xf32, #tpu.memory_space<vmem_shared>> -> memref<10240x32xf32, #tpu.memory_space<vmem_shared>>
        tpu.wait_indirect_dma semaphore(%run_scoped3A_67 : memref<!tpu.dma_semaphore, #tpu.memory_space<semaphore_mem>>) src(%dma_wait3A_79 : memref<128x32xf32, #tpu.memory_space<vmem>>) dst(%dma_wait3A_85 : memref<10240x32xf32, #tpu.memory_space<vmem_shared>>)
        tpu.yield
      }) : () -> ()
      %run_scoped3A_64 = arith.constant 5 : i32
      "tpu.region"() ({
        %run_scoped3A_67 = tpu.sem_alloc : memref<!tpu.dma_semaphore, #tpu.memory_space<semaphore_mem>>
        %dma_start3A_68 = arith.constant 640 : i32
        %dma_start3A_69 = arith.constant 0 : i32
        %dma_start3A_70 = tpu.memref_slice %arg12[%dma_start3A_68, %dma_start3A_69] : memref<1024x32xf32, #tpu.memory_space<vmem>> -> memref<128x32xf32, #tpu.memory_space<vmem>>
        %dma_start3A_71 = arith.constant 0 : i32
        %dma_start3A_72 = tpu.memref_slice %arg10[%run_scoped3A_64, %dma_start3A_71] : memref<8x128xi32, #tpu.memory_space<vmem>> -> memref<1x128xi32, #tpu.memory_space<vmem>>
        %dma_start3A_73 = tpu.memref_squeeze %dma_start3A_72 : memref<1x128xi32, #tpu.memory_space<vmem>> -> memref<128xi32, #tpu.memory_space<vmem>>
        %dma_start3A_74 = arith.constant 0 : i32
        %dma_start3A_75 = arith.constant 0 : i32
        %dma_start3A_76 = tpu.memref_slice %arg13[%dma_start3A_74, %dma_start3A_75] : memref<10240x32xf32, #tpu.memory_space<vmem_shared>> -> memref<10240x32xf32, #tpu.memory_space<vmem_shared>>
        tpu.enqueue_indirect_dma source(%dma_start3A_70 : memref<128x32xf32, #tpu.memory_space<vmem>>) target(%dma_start3A_76 : memref<10240x32xf32, #tpu.memory_space<vmem_shared>>) offsets(%dma_start3A_73 : memref<128xi32, #tpu.memory_space<vmem>>) semaphore(%run_scoped3A_67 : memref<!tpu.dma_semaphore, #tpu.memory_space<semaphore_mem>>) {add = true}
        %dma_wait3A_77 = arith.constant 640 : i32
        %dma_wait3A_78 = arith.constant 0 : i32
        %dma_wait3A_79 = tpu.memref_slice %arg12[%dma_wait3A_77, %dma_wait3A_78] : memref<1024x32xf32, #tpu.memory_space<vmem>> -> memref<128x32xf32, #tpu.memory_space<vmem>>
        %dma_wait3A_80 = arith.constant 0 : i32
        %dma_wait3A_81 = tpu.memref_slice %arg10[%run_scoped3A_64, %dma_wait3A_80] : memref<8x128xi32, #tpu.memory_space<vmem>> -> memref<1x128xi32, #tpu.memory_space<vmem>>
        %dma_wait3A_82 = tpu.memref_squeeze %dma_wait3A_81 : memref<1x128xi32, #tpu.memory_space<vmem>> -> memref<128xi32, #tpu.memory_space<vmem>>
        %dma_wait3A_83 = arith.constant 0 : i32
        %dma_wait3A_84 = arith.constant 0 : i32
        %dma_wait3A_85 = tpu.memref_slice %arg13[%dma_wait3A_83, %dma_wait3A_84] : memref<10240x32xf32, #tpu.memory_space<vmem_shared>> -> memref<10240x32xf32, #tpu.memory_space<vmem_shared>>
        tpu.wait_indirect_dma semaphore(%run_scoped3A_67 : memref<!tpu.dma_semaphore, #tpu.memory_space<semaphore_mem>>) src(%dma_wait3A_79 : memref<128x32xf32, #tpu.memory_space<vmem>>) dst(%dma_wait3A_85 : memref<10240x32xf32, #tpu.memory_space<vmem_shared>>)
        tpu.yield
      }) : () -> ()
      %run_scoped3A_65 = arith.constant 6 : i32
      "tpu.region"() ({
        %run_scoped3A_67 = tpu.sem_alloc : memref<!tpu.dma_semaphore, #tpu.memory_space<semaphore_mem>>
        %dma_start3A_68 = arith.constant 768 : i32
        %dma_start3A_69 = arith.constant 0 : i32
        %dma_start3A_70 = tpu.memref_slice %arg12[%dma_start3A_68, %dma_start3A_69] : memref<1024x32xf32, #tpu.memory_space<vmem>> -> memref<128x32xf32, #tpu.memory_space<vmem>>
        %dma_start3A_71 = arith.constant 0 : i32
        %dma_start3A_72 = tpu.memref_slice %arg10[%run_scoped3A_65, %dma_start3A_71] : memref<8x128xi32, #tpu.memory_space<vmem>> -> memref<1x128xi32, #tpu.memory_space<vmem>>
        %dma_start3A_73 = tpu.memref_squeeze %dma_start3A_72 : memref<1x128xi32, #tpu.memory_space<vmem>> -> memref<128xi32, #tpu.memory_space<vmem>>
        %dma_start3A_74 = arith.constant 0 : i32
        %dma_start3A_75 = arith.constant 0 : i32
        %dma_start3A_76 = tpu.memref_slice %arg13[%dma_start3A_74, %dma_start3A_75] : memref<10240x32xf32, #tpu.memory_space<vmem_shared>> -> memref<10240x32xf32, #tpu.memory_space<vmem_shared>>
        tpu.enqueue_indirect_dma source(%dma_start3A_70 : memref<128x32xf32, #tpu.memory_space<vmem>>) target(%dma_start3A_76 : memref<10240x32xf32, #tpu.memory_space<vmem_shared>>) offsets(%dma_start3A_73 : memref<128xi32, #tpu.memory_space<vmem>>) semaphore(%run_scoped3A_67 : memref<!tpu.dma_semaphore, #tpu.memory_space<semaphore_mem>>) {add = true}
        %dma_wait3A_77 = arith.constant 768 : i32
        %dma_wait3A_78 = arith.constant 0 : i32
        %dma_wait3A_79 = tpu.memref_slice %arg12[%dma_wait3A_77, %dma_wait3A_78] : memref<1024x32xf32, #tpu.memory_space<vmem>> -> memref<128x32xf32, #tpu.memory_space<vmem>>
        %dma_wait3A_80 = arith.constant 0 : i32
        %dma_wait3A_81 = tpu.memref_slice %arg10[%run_scoped3A_65, %dma_wait3A_80] : memref<8x128xi32, #tpu.memory_space<vmem>> -> memref<1x128xi32, #tpu.memory_space<vmem>>
        %dma_wait3A_82 = tpu.memref_squeeze %dma_wait3A_81 : memref<1x128xi32, #tpu.memory_space<vmem>> -> memref<128xi32, #tpu.memory_space<vmem>>
        %dma_wait3A_83 = arith.constant 0 : i32
        %dma_wait3A_84 = arith.constant 0 : i32
        %dma_wait3A_85 = tpu.memref_slice %arg13[%dma_wait3A_83, %dma_wait3A_84] : memref<10240x32xf32, #tpu.memory_space<vmem_shared>> -> memref<10240x32xf32, #tpu.memory_space<vmem_shared>>
        tpu.wait_indirect_dma semaphore(%run_scoped3A_67 : memref<!tpu.dma_semaphore, #tpu.memory_space<semaphore_mem>>) src(%dma_wait3A_79 : memref<128x32xf32, #tpu.memory_space<vmem>>) dst(%dma_wait3A_85 : memref<10240x32xf32, #tpu.memory_space<vmem_shared>>)
        tpu.yield
      }) : () -> ()
      %run_scoped3A_66 = arith.constant 7 : i32
      "tpu.region"() ({
        %run_scoped3A_67 = tpu.sem_alloc : memref<!tpu.dma_semaphore, #tpu.memory_space<semaphore_mem>>
        %dma_start3A_68 = arith.constant 896 : i32
        %dma_start3A_69 = arith.constant 0 : i32
        %dma_start3A_70 = tpu.memref_slice %arg12[%dma_start3A_68, %dma_start3A_69] : memref<1024x32xf32, #tpu.memory_space<vmem>> -> memref<128x32xf32, #tpu.memory_space<vmem>>
        %dma_start3A_71 = arith.constant 0 : i32
        %dma_start3A_72 = tpu.memref_slice %arg10[%run_scoped3A_66, %dma_start3A_71] : memref<8x128xi32, #tpu.memory_space<vmem>> -> memref<1x128xi32, #tpu.memory_space<vmem>>
        %dma_start3A_73 = tpu.memref_squeeze %dma_start3A_72 : memref<1x128xi32, #tpu.memory_space<vmem>> -> memref<128xi32, #tpu.memory_space<vmem>>
        %dma_start3A_74 = arith.constant 0 : i32
        %dma_start3A_75 = arith.constant 0 : i32
        %dma_start3A_76 = tpu.memref_slice %arg13[%dma_start3A_74, %dma_start3A_75] : memref<10240x32xf32, #tpu.memory_space<vmem_shared>> -> memref<10240x32xf32, #tpu.memory_space<vmem_shared>>
        tpu.enqueue_indirect_dma source(%dma_start3A_70 : memref<128x32xf32, #tpu.memory_space<vmem>>) target(%dma_start3A_76 : memref<10240x32xf32, #tpu.memory_space<vmem_shared>>) offsets(%dma_start3A_73 : memref<128xi32, #tpu.memory_space<vmem>>) semaphore(%run_scoped3A_67 : memref<!tpu.dma_semaphore, #tpu.memory_space<semaphore_mem>>) {add = true}
        %dma_wait3A_77 = arith.constant 896 : i32
        %dma_wait3A_78 = arith.constant 0 : i32
        %dma_wait3A_79 = tpu.memref_slice %arg12[%dma_wait3A_77, %dma_wait3A_78] : memref<1024x32xf32, #tpu.memory_space<vmem>> -> memref<128x32xf32, #tpu.memory_space<vmem>>
        %dma_wait3A_80 = arith.constant 0 : i32
        %dma_wait3A_81 = tpu.memref_slice %arg10[%run_scoped3A_66, %dma_wait3A_80] : memref<8x128xi32, #tpu.memory_space<vmem>> -> memref<1x128xi32, #tpu.memory_space<vmem>>
        %dma_wait3A_82 = tpu.memref_squeeze %dma_wait3A_81 : memref<1x128xi32, #tpu.memory_space<vmem>> -> memref<128xi32, #tpu.memory_space<vmem>>
        %dma_wait3A_83 = arith.constant 0 : i32
        %dma_wait3A_84 = arith.constant 0 : i32
        %dma_wait3A_85 = tpu.memref_slice %arg13[%dma_wait3A_83, %dma_wait3A_84] : memref<10240x32xf32, #tpu.memory_space<vmem_shared>> -> memref<10240x32xf32, #tpu.memory_space<vmem_shared>>
        tpu.wait_indirect_dma semaphore(%run_scoped3A_67 : memref<!tpu.dma_semaphore, #tpu.memory_space<semaphore_mem>>) src(%dma_wait3A_79 : memref<128x32xf32, #tpu.memory_space<vmem>>) dst(%dma_wait3A_85 : memref<10240x32xf32, #tpu.memory_space<vmem_shared>>)
        tpu.yield
      }) : () -> ()
    }
    %scan3A_21 = arith.constant 5 : i32
    %barrier3A_22 = arith.constant 0 : index
    tpu.barrier barrier_id(%barrier3A_22)
    %mul3A_23 = arith.constant 640 : i32
    %mul3A_24 = arith.muli %arg1, %mul3A_23 : i32
    %mul3A_25 = arith.constant 640 : i32
    %mul3A_26 = arith.muli %arg1, %mul3A_25 : i32
    "tpu.region"() ({
      %run_scoped3A = tpu.sem_alloc : memref<!tpu.dma_semaphore, #tpu.memory_space<semaphore_mem>>
      %dma_start3A_27 = arith.constant 0 : i32
      %dma_start3A_28 = tpu.memref_slice %arg6[%arg0, %mul3A_26, %dma_start3A_27] : memref<2x10240x32xf32, #tpu.memory_space<hbm>> -> memref<1x640x32xf32, #tpu.memory_space<hbm>>
      %dma_start3A_29 = tpu.memref_squeeze %dma_start3A_28 : memref<1x640x32xf32, #tpu.memory_space<hbm>> -> memref<640x32xf32, #tpu.memory_space<hbm>>
      %dma_start3A_30 = arith.constant 0 : i32
      %dma_start3A_31 = tpu.memref_slice %arg13[%mul3A_24, %dma_start3A_30] : memref<10240x32xf32, #tpu.memory_space<vmem_shared>> -> memref<640x32xf32, #tpu.memory_space<vmem_shared>>
      tpu.enqueue_dma source(%dma_start3A_31 : memref<640x32xf32, #tpu.memory_space<vmem_shared>>) target(%dma_start3A_29 : memref<640x32xf32, #tpu.memory_space<hbm>>) target_semaphore(%run_scoped3A : memref<!tpu.dma_semaphore, #tpu.memory_space<semaphore_mem>>)
      %dma_wait3A = arith.constant 0 : i32
      %dma_wait3A_32 = tpu.memref_slice %arg6[%arg0, %mul3A_26, %dma_wait3A] : memref<2x10240x32xf32, #tpu.memory_space<hbm>> -> memref<1x640x32xf32, #tpu.memory_space<hbm>>
      %dma_wait3A_33 = tpu.memref_squeeze %dma_wait3A_32 : memref<1x640x32xf32, #tpu.memory_space<hbm>> -> memref<640x32xf32, #tpu.memory_space<hbm>>
      %dma_wait3A_34 = arith.constant 0 : i32
      %dma_wait3A_35 = tpu.memref_slice %arg13[%mul3A_24, %dma_wait3A_34] : memref<10240x32xf32, #tpu.memory_space<vmem_shared>> -> memref<640x32xf32, #tpu.memory_space<vmem_shared>>
      tpu.wait_dma2 semaphore(%run_scoped3A : memref<!tpu.dma_semaphore, #tpu.memory_space<semaphore_mem>>) src(%dma_wait3A_35 : memref<640x32xf32, #tpu.memory_space<vmem_shared>>) dst(%dma_wait3A_33 : memref<640x32xf32, #tpu.memory_space<hbm>>)
      tpu.yield
    }) : () -> ()
    return
  }
}

module attributes {stable_mosaic.version = 14 : i64} {
  func.func @_matmul_body(%arg0: memref<10240x128xf32, #tpu.memory_space<vmem>>, %arg1: memref<128x128xf32, #tpu.memory_space<vmem>>, %arg2: memref<10240x128xf32, #tpu.memory_space<vmem>>) attributes {dimension_semantics = [], scalar_prefetch = 0 : i64, scratch_operands = 0 : i64, tpu.core_type = #tpu.core_type<tc>} {
    %get3A = arith.constant 0 : index
    %get3A_0 = arith.constant 0 : index
    %get3A_1 = vector.load %arg0[%get3A, %get3A_0] : memref<10240x128xf32, #tpu.memory_space<vmem>>, vector<10240x128xf32>
    %get3A_2 = arith.constant 0 : index
    %get3A_3 = arith.constant 0 : index
    %get3A_4 = vector.load %arg1[%get3A_2, %get3A_3] : memref<128x128xf32, #tpu.memory_space<vmem>>, vector<128x128xf32>
    %dot_general3A = arith.constant dense<0.000000e+00> : vector<10240x128xf32>
    %dot_general3A_5 = tpu.matmul %get3A_1, %get3A_4, %dot_general3A {dimension_numbers = #tpu.dot_dimension_numbers<[1], [0], [0], [1], [0, 0, 1, 1], [], []>, transpose_lhs_hint = false} : vector<10240x128xf32>, vector<128x128xf32>, vector<10240x128xf32> -> vector<10240x128xf32>
    %swap3A = arith.constant 0 : index
    %swap3A_6 = arith.constant 0 : index
    %swap3A_7 = vector.load %arg2[%swap3A, %swap3A_6] : memref<10240x128xf32, #tpu.memory_space<vmem>>, vector<10240x128xf32>
    tpu.vector_store %arg2[%swap3A, %swap3A_6], %dot_general3A_5 {strides = array<i32>} : memref<10240x128xf32, #tpu.memory_space<vmem>>, vector<10240x128xf32>,
    return
  }
}

module attributes {stable_mosaic.version = 14 : i64} {
  func.func @_front_body(%arg0: memref<10240x2xf32, #tpu.memory_space<vmem>>, %arg1: memref<10240x128xf32, #tpu.memory_space<vmem>>, %arg2: memref<10240x128xf32, #tpu.memory_space<vmem>>, %arg3: memref<10240x1xf32, #tpu.memory_space<vmem>>) attributes {dimension_semantics = [], scalar_prefetch = 0 : i64, scratch_operands = 0 : i64, tpu.core_type = #tpu.core_type<tc>} {
    %get3A = arith.constant 0 : index
    %get3A_0 = arith.constant 0 : index
    %get3A_1 = vector.load %arg0[%get3A, %get3A_0] : memref<10240x2xf32, #tpu.memory_space<vmem>>, vector<10240x1xf32>
    %get3A_2 = arith.constant 0 : index
    %get3A_3 = arith.constant 1 : index
    %get3A_4 = vector.load %arg0[%get3A_2, %get3A_3] : memref<10240x2xf32, #tpu.memory_space<vmem>>, vector<10240x1xf32>
    %add3A = arith.addf %get3A_1, %get3A_4 : vector<10240x1xf32>
    %add3A_5 = arith.constant 1.000000e+00 : f32
    %add3A_6 = vector.broadcast %add3A_5 : f32 to vector<10240x1xf32>
    %add3A_7 = arith.addf %add3A, %add3A_6 : vector<10240x1xf32>
    %max3A = arith.constant 1.000000e+00 : f32
    %max3A_8 = vector.broadcast %max3A : f32 to vector<10240x1xf32>
    %max3A_9 = arith.maximumf %add3A_7, %max3A_8 : vector<10240x1xf32>
    %rsqrt3A = math.rsqrt %max3A_9 : vector<10240x1xf32>
    %swap3A = arith.constant 0 : index
    %swap3A_10 = arith.constant 0 : index
    %swap3A_11 = vector.load %arg3[%swap3A, %swap3A_10] : memref<10240x1xf32, #tpu.memory_space<vmem>>, vector<10240x1xf32>
    tpu.vector_store %arg3[%swap3A, %swap3A_10], %rsqrt3A {strides = array<i32>} : memref<10240x1xf32, #tpu.memory_space<vmem>>, vector<10240x1xf32>,
    %get3A_12 = arith.constant 0 : index
    %get3A_13 = arith.constant 0 : index
    %get3A_14 = vector.load %arg1[%get3A_12, %get3A_13] : memref<10240x128xf32, #tpu.memory_space<vmem>>, vector<10240x128xf32>
    %mul3A = vector.broadcast %rsqrt3A : vector<10240x1xf32> to vector<10240x128xf32>
    %mul3A_15 = arith.mulf %get3A_14, %mul3A : vector<10240x128xf32>
    %swap3A_16 = arith.constant 0 : index
    %swap3A_17 = arith.constant 0 : index
    %swap3A_18 = vector.load %arg2[%swap3A_16, %swap3A_17] : memref<10240x128xf32, #tpu.memory_space<vmem>>, vector<10240x128xf32>
    tpu.vector_store %arg2[%swap3A_16, %swap3A_17], %mul3A_15 {strides = array<i32>} : memref<10240x128xf32, #tpu.memory_space<vmem>>, vector<10240x128xf32>,
    return
  }
}

module attributes {stable_mosaic.version = 14 : i64} {
  func.func @_mid_body(%arg0: memref<2x10240x128xf32, #tpu.memory_space<vmem>>, %arg1: memref<10240x1xf32, #tpu.memory_space<vmem>>, %arg2: memref<1x128xf32, #tpu.memory_space<vmem>>, %arg3: memref<1x128xf32, #tpu.memory_space<vmem>>, %arg4: memref<1x128xf32, #tpu.memory_space<vmem>>, %arg5: memref<10240x1xf32, #tpu.memory_space<vmem>>, %arg6: memref<128x128xf32, #tpu.memory_space<vmem>>, %arg7: memref<10240x128xf32, #tpu.memory_space<vmem>>) attributes {dimension_semantics = [], scalar_prefetch = 0 : i64, scratch_operands = 0 : i64, tpu.core_type = #tpu.core_type<tc>} {
    %get3A = arith.constant 0 : index
    %get3A_0 = arith.constant 0 : index
    %get3A_1 = vector.load %arg1[%get3A, %get3A_0] : memref<10240x1xf32, #tpu.memory_space<vmem>>, vector<10240x1xf32>
    %get3A_2 = arith.constant 0 : index
    %get3A_3 = arith.constant 0 : index
    %get3A_4 = vector.load %arg5[%get3A_2, %get3A_3] : memref<10240x1xf32, #tpu.memory_space<vmem>>, vector<10240x1xf32>
    %get3A_5 = arith.constant 0 : index
    %get3A_6 = arith.constant 0 : index
    %get3A_7 = arith.constant 0 : index
    %get3A_8 = vector.load %arg0[%get3A_5, %get3A_6, %get3A_7] : memref<2x10240x128xf32, #tpu.memory_space<vmem>>, vector<1x10240x128xf32>
    %get3A_9 = vector.shape_cast %get3A_8 : vector<1x10240x128xf32> to vector<10240x128xf32>
    %get3A_10 = arith.constant 1 : index
    %get3A_11 = arith.constant 0 : index
    %get3A_12 = arith.constant 0 : index
    %get3A_13 = vector.load %arg0[%get3A_10, %get3A_11, %get3A_12] : memref<2x10240x128xf32, #tpu.memory_space<vmem>>, vector<1x10240x128xf32>
    %get3A_14 = vector.shape_cast %get3A_13 : vector<1x10240x128xf32> to vector<10240x128xf32>
    %add3A = arith.addf %get3A_9, %get3A_14 : vector<10240x128xf32>
    %mul3A = vector.broadcast %get3A_1 : vector<10240x1xf32> to vector<10240x128xf32>
    %mul3A_15 = arith.mulf %add3A, %mul3A : vector<10240x128xf32>
    %get3A_16 = arith.constant 0 : index
    %get3A_17 = arith.constant 0 : index
    %get3A_18 = vector.load %arg2[%get3A_16, %get3A_17] : memref<1x128xf32, #tpu.memory_space<vmem>>, vector<1x128xf32>
    %add3A_19 = vector.broadcast %get3A_18 : vector<1x128xf32> to vector<10240x128xf32>
    %add3A_20 = arith.addf %mul3A_15, %add3A_19 : vector<10240x128xf32>
    %max3A = arith.constant 0.000000e+00 : f32
    %max3A_21 = vector.broadcast %max3A : f32 to vector<10240x128xf32>
    %max3A_22 = arith.maximumf %add3A_20, %max3A_21 : vector<10240x128xf32>
    %mul3A_23 = vector.broadcast %get3A_4 : vector<10240x1xf32> to vector<10240x128xf32>
    %mul3A_24 = arith.mulf %max3A_22, %mul3A_23 : vector<10240x128xf32>
    %reduce_sum3A = arith.constant dense<0.000000e+00> : vector<128xf32>
    %reduce_sum3A_25 = vector.multi_reduction <add>, %mul3A_24, %reduce_sum3A [0] : vector<10240x128xf32> to vector<128xf32>
    %broadcast_in_dim3A = vector.shape_cast %reduce_sum3A_25 : vector<128xf32> to vector<1x128xf32>
    %mul3A_26 = arith.constant 9.99999974E-5 : f32
    %mul3A_27 = vector.broadcast %mul3A_26 : f32 to vector<1x128xf32>
    %mul3A_28 = arith.mulf %broadcast_in_dim3A, %mul3A_27 : vector<1x128xf32>
    %sub3A = vector.broadcast %mul3A_28 : vector<1x128xf32> to vector<10240x128xf32>
    %sub3A_29 = arith.subf %mul3A_24, %sub3A : vector<10240x128xf32>
    %mul3A_30 = vector.broadcast %get3A_4 : vector<10240x1xf32> to vector<10240x128xf32>
    %mul3A_31 = arith.mulf %sub3A_29, %mul3A_30 : vector<10240x128xf32>
    %mul3A_32 = arith.mulf %mul3A_31, %mul3A_31 : vector<10240x128xf32>
    %reduce_sum3A_33 = arith.constant dense<0.000000e+00> : vector<128xf32>
    %reduce_sum3A_34 = vector.multi_reduction <add>, %mul3A_32, %reduce_sum3A_33 [0] : vector<10240x128xf32> to vector<128xf32>
    %broadcast_in_dim3A_35 = vector.shape_cast %reduce_sum3A_34 : vector<128xf32> to vector<1x128xf32>
    %mul3A_36 = arith.constant 9.99999974E-5 : f32
    %mul3A_37 = vector.broadcast %mul3A_36 : f32 to vector<1x128xf32>
    %mul3A_38 = arith.mulf %broadcast_in_dim3A_35, %mul3A_37 : vector<1x128xf32>
    %get3A_39 = arith.constant 0 : index
    %get3A_40 = arith.constant 0 : index
    %get3A_41 = vector.load %arg3[%get3A_39, %get3A_40] : memref<1x128xf32, #tpu.memory_space<vmem>>, vector<1x128xf32>
    %mul3A_42 = vector.broadcast %get3A_41 : vector<1x128xf32> to vector<10240x128xf32>
    %mul3A_43 = arith.mulf %mul3A_42, %mul3A_31 : vector<10240x128xf32>
    %add3A_44 = arith.constant 9.99999974E-6 : f32
    %add3A_45 = vector.broadcast %add3A_44 : f32 to vector<1x128xf32>
    %add3A_46 = arith.addf %mul3A_38, %add3A_45 : vector<1x128xf32>
    %rsqrt3A = math.rsqrt %add3A_46 : vector<1x128xf32>
    %mul3A_47 = vector.broadcast %rsqrt3A : vector<1x128xf32> to vector<10240x128xf32>
    %mul3A_48 = arith.mulf %mul3A_43, %mul3A_47 : vector<10240x128xf32>
    %get3A_49 = arith.constant 0 : index
    %get3A_50 = arith.constant 0 : index
    %get3A_51 = vector.load %arg4[%get3A_49, %get3A_50] : memref<1x128xf32, #tpu.memory_space<vmem>>, vector<1x128xf32>
    %add3A_52 = vector.broadcast %get3A_51 : vector<1x128xf32> to vector<10240x128xf32>
    %add3A_53 = arith.addf %mul3A_48, %add3A_52 : vector<10240x128xf32>
    %mul3A_54 = vector.broadcast %get3A_4 : vector<10240x1xf32> to vector<10240x128xf32>
    %mul3A_55 = arith.mulf %add3A_53, %mul3A_54 : vector<10240x128xf32>
    %get3A_56 = arith.constant 0 : index
    %get3A_57 = arith.constant 0 : index
    %get3A_58 = vector.load %arg6[%get3A_56, %get3A_57] : memref<128x128xf32, #tpu.memory_space<vmem>>, vector<128x128xf32>
    %dot_general3A = arith.constant dense<0.000000e+00> : vector<10240x128xf32>
    %dot_general3A_59 = tpu.matmul %mul3A_55, %get3A_58, %dot_general3A {dimension_numbers = #tpu.dot_dimension_numbers<[1], [0], [0], [1], [0, 0, 1, 1], [], []>, transpose_lhs_hint = false} : vector<10240x128xf32>, vector<128x128xf32>, vector<10240x128xf32> -> vector<10240x128xf32>
    %mul3A_60 = vector.broadcast %get3A_1 : vector<10240x1xf32> to vector<10240x128xf32>
    %mul3A_61 = arith.mulf %dot_general3A_59, %mul3A_60 : vector<10240x128xf32>
    %swap3A = arith.constant 0 : index
    %swap3A_62 = arith.constant 0 : index
    %swap3A_63 = vector.load %arg7[%swap3A, %swap3A_62] : memref<10240x128xf32, #tpu.memory_space<vmem>>, vector<10240x128xf32>
    tpu.vector_store %arg7[%swap3A, %swap3A_62], %mul3A_61 {strides = array<i32>} : memref<10240x128xf32, #tpu.memory_space<vmem>>, vector<10240x128xf32>,
    return
  }
}

module attributes {stable_mosaic.version = 14 : i64} {
  func.func @_mid_body(%arg0: memref<2x10240x128xf32, #tpu.memory_space<vmem>>, %arg1: memref<10240x1xf32, #tpu.memory_space<vmem>>, %arg2: memref<1x128xf32, #tpu.memory_space<vmem>>, %arg3: memref<1x128xf32, #tpu.memory_space<vmem>>, %arg4: memref<1x128xf32, #tpu.memory_space<vmem>>, %arg5: memref<10240x1xf32, #tpu.memory_space<vmem>>, %arg6: memref<128x64xf32, #tpu.memory_space<vmem>>, %arg7: memref<10240x64xf32, #tpu.memory_space<vmem>>) attributes {dimension_semantics = [], scalar_prefetch = 0 : i64, scratch_operands = 0 : i64, tpu.core_type = #tpu.core_type<tc>} {
    %get3A = arith.constant 0 : index
    %get3A_0 = arith.constant 0 : index
    %get3A_1 = vector.load %arg1[%get3A, %get3A_0] : memref<10240x1xf32, #tpu.memory_space<vmem>>, vector<10240x1xf32>
    %get3A_2 = arith.constant 0 : index
    %get3A_3 = arith.constant 0 : index
    %get3A_4 = vector.load %arg5[%get3A_2, %get3A_3] : memref<10240x1xf32, #tpu.memory_space<vmem>>, vector<10240x1xf32>
    %get3A_5 = arith.constant 0 : index
    %get3A_6 = arith.constant 0 : index
    %get3A_7 = arith.constant 0 : index
    %get3A_8 = vector.load %arg0[%get3A_5, %get3A_6, %get3A_7] : memref<2x10240x128xf32, #tpu.memory_space<vmem>>, vector<1x10240x128xf32>
    %get3A_9 = vector.shape_cast %get3A_8 : vector<1x10240x128xf32> to vector<10240x128xf32>
    %get3A_10 = arith.constant 1 : index
    %get3A_11 = arith.constant 0 : index
    %get3A_12 = arith.constant 0 : index
    %get3A_13 = vector.load %arg0[%get3A_10, %get3A_11, %get3A_12] : memref<2x10240x128xf32, #tpu.memory_space<vmem>>, vector<1x10240x128xf32>
    %get3A_14 = vector.shape_cast %get3A_13 : vector<1x10240x128xf32> to vector<10240x128xf32>
    %add3A = arith.addf %get3A_9, %get3A_14 : vector<10240x128xf32>
    %mul3A = vector.broadcast %get3A_1 : vector<10240x1xf32> to vector<10240x128xf32>
    %mul3A_15 = arith.mulf %add3A, %mul3A : vector<10240x128xf32>
    %get3A_16 = arith.constant 0 : index
    %get3A_17 = arith.constant 0 : index
    %get3A_18 = vector.load %arg2[%get3A_16, %get3A_17] : memref<1x128xf32, #tpu.memory_space<vmem>>, vector<1x128xf32>
    %add3A_19 = vector.broadcast %get3A_18 : vector<1x128xf32> to vector<10240x128xf32>
    %add3A_20 = arith.addf %mul3A_15, %add3A_19 : vector<10240x128xf32>
    %max3A = arith.constant 0.000000e+00 : f32
    %max3A_21 = vector.broadcast %max3A : f32 to vector<10240x128xf32>
    %max3A_22 = arith.maximumf %add3A_20, %max3A_21 : vector<10240x128xf32>
    %mul3A_23 = vector.broadcast %get3A_4 : vector<10240x1xf32> to vector<10240x128xf32>
    %mul3A_24 = arith.mulf %max3A_22, %mul3A_23 : vector<10240x128xf32>
    %reduce_sum3A = arith.constant dense<0.000000e+00> : vector<128xf32>
    %reduce_sum3A_25 = vector.multi_reduction <add>, %mul3A_24, %reduce_sum3A [0] : vector<10240x128xf32> to vector<128xf32>
    %broadcast_in_dim3A = vector.shape_cast %reduce_sum3A_25 : vector<128xf32> to vector<1x128xf32>
    %mul3A_26 = arith.constant 9.99999974E-5 : f32
    %mul3A_27 = vector.broadcast %mul3A_26 : f32 to vector<1x128xf32>
    %mul3A_28 = arith.mulf %broadcast_in_dim3A, %mul3A_27 : vector<1x128xf32>
    %sub3A = vector.broadcast %mul3A_28 : vector<1x128xf32> to vector<10240x128xf32>
    %sub3A_29 = arith.subf %mul3A_24, %sub3A : vector<10240x128xf32>
    %mul3A_30 = vector.broadcast %get3A_4 : vector<10240x1xf32> to vector<10240x128xf32>
    %mul3A_31 = arith.mulf %sub3A_29, %mul3A_30 : vector<10240x128xf32>
    %mul3A_32 = arith.mulf %mul3A_31, %mul3A_31 : vector<10240x128xf32>
    %reduce_sum3A_33 = arith.constant dense<0.000000e+00> : vector<128xf32>
    %reduce_sum3A_34 = vector.multi_reduction <add>, %mul3A_32, %reduce_sum3A_33 [0] : vector<10240x128xf32> to vector<128xf32>
    %broadcast_in_dim3A_35 = vector.shape_cast %reduce_sum3A_34 : vector<128xf32> to vector<1x128xf32>
    %mul3A_36 = arith.constant 9.99999974E-5 : f32
    %mul3A_37 = vector.broadcast %mul3A_36 : f32 to vector<1x128xf32>
    %mul3A_38 = arith.mulf %broadcast_in_dim3A_35, %mul3A_37 : vector<1x128xf32>
    %get3A_39 = arith.constant 0 : index
    %get3A_40 = arith.constant 0 : index
    %get3A_41 = vector.load %arg3[%get3A_39, %get3A_40] : memref<1x128xf32, #tpu.memory_space<vmem>>, vector<1x128xf32>
    %mul3A_42 = vector.broadcast %get3A_41 : vector<1x128xf32> to vector<10240x128xf32>
    %mul3A_43 = arith.mulf %mul3A_42, %mul3A_31 : vector<10240x128xf32>
    %add3A_44 = arith.constant 9.99999974E-6 : f32
    %add3A_45 = vector.broadcast %add3A_44 : f32 to vector<1x128xf32>
    %add3A_46 = arith.addf %mul3A_38, %add3A_45 : vector<1x128xf32>
    %rsqrt3A = math.rsqrt %add3A_46 : vector<1x128xf32>
    %mul3A_47 = vector.broadcast %rsqrt3A : vector<1x128xf32> to vector<10240x128xf32>
    %mul3A_48 = arith.mulf %mul3A_43, %mul3A_47 : vector<10240x128xf32>
    %get3A_49 = arith.constant 0 : index
    %get3A_50 = arith.constant 0 : index
    %get3A_51 = vector.load %arg4[%get3A_49, %get3A_50] : memref<1x128xf32, #tpu.memory_space<vmem>>, vector<1x128xf32>
    %add3A_52 = vector.broadcast %get3A_51 : vector<1x128xf32> to vector<10240x128xf32>
    %add3A_53 = arith.addf %mul3A_48, %add3A_52 : vector<10240x128xf32>
    %mul3A_54 = vector.broadcast %get3A_4 : vector<10240x1xf32> to vector<10240x128xf32>
    %mul3A_55 = arith.mulf %add3A_53, %mul3A_54 : vector<10240x128xf32>
    %get3A_56 = arith.constant 0 : index
    %get3A_57 = arith.constant 0 : index
    %get3A_58 = vector.load %arg6[%get3A_56, %get3A_57] : memref<128x64xf32, #tpu.memory_space<vmem>>, vector<128x64xf32>
    %dot_general3A = arith.constant dense<0.000000e+00> : vector<10240x64xf32>
    %dot_general3A_59 = tpu.matmul %mul3A_55, %get3A_58, %dot_general3A {dimension_numbers = #tpu.dot_dimension_numbers<[1], [0], [0], [1], [0, 0, 1, 1], [], []>, transpose_lhs_hint = false} : vector<10240x128xf32>, vector<128x64xf32>, vector<10240x64xf32> -> vector<10240x64xf32>
    %mul3A_60 = vector.broadcast %get3A_1 : vector<10240x1xf32> to vector<10240x64xf32>
    %mul3A_61 = arith.mulf %dot_general3A_59, %mul3A_60 : vector<10240x64xf32>
    %swap3A = arith.constant 0 : index
    %swap3A_62 = arith.constant 0 : index
    %swap3A_63 = vector.load %arg7[%swap3A, %swap3A_62] : memref<10240x64xf32, #tpu.memory_space<vmem>>, vector<10240x64xf32>
    tpu.vector_store %arg7[%swap3A, %swap3A_62], %mul3A_61 {strides = array<i32>} : memref<10240x64xf32, #tpu.memory_space<vmem>>, vector<10240x64xf32>,
    return
  }
}

module attributes {stable_mosaic.version = 14 : i64} {
  func.func @_mid_body(%arg0: memref<2x10240x64xf32, #tpu.memory_space<vmem>>, %arg1: memref<10240x1xf32, #tpu.memory_space<vmem>>, %arg2: memref<1x64xf32, #tpu.memory_space<vmem>>, %arg3: memref<1x64xf32, #tpu.memory_space<vmem>>, %arg4: memref<1x64xf32, #tpu.memory_space<vmem>>, %arg5: memref<10240x1xf32, #tpu.memory_space<vmem>>, %arg6: memref<64x32xf32, #tpu.memory_space<vmem>>, %arg7: memref<10240x32xf32, #tpu.memory_space<vmem>>) attributes {dimension_semantics = [], scalar_prefetch = 0 : i64, scratch_operands = 0 : i64, tpu.core_type = #tpu.core_type<tc>} {
    %get3A = arith.constant 0 : index
    %get3A_0 = arith.constant 0 : index
    %get3A_1 = vector.load %arg1[%get3A, %get3A_0] : memref<10240x1xf32, #tpu.memory_space<vmem>>, vector<10240x1xf32>
    %get3A_2 = arith.constant 0 : index
    %get3A_3 = arith.constant 0 : index
    %get3A_4 = vector.load %arg5[%get3A_2, %get3A_3] : memref<10240x1xf32, #tpu.memory_space<vmem>>, vector<10240x1xf32>
    %get3A_5 = arith.constant 0 : index
    %get3A_6 = arith.constant 0 : index
    %get3A_7 = arith.constant 0 : index
    %get3A_8 = vector.load %arg0[%get3A_5, %get3A_6, %get3A_7] : memref<2x10240x64xf32, #tpu.memory_space<vmem>>, vector<1x10240x64xf32>
    %get3A_9 = vector.shape_cast %get3A_8 : vector<1x10240x64xf32> to vector<10240x64xf32>
    %get3A_10 = arith.constant 1 : index
    %get3A_11 = arith.constant 0 : index
    %get3A_12 = arith.constant 0 : index
    %get3A_13 = vector.load %arg0[%get3A_10, %get3A_11, %get3A_12] : memref<2x10240x64xf32, #tpu.memory_space<vmem>>, vector<1x10240x64xf32>
    %get3A_14 = vector.shape_cast %get3A_13 : vector<1x10240x64xf32> to vector<10240x64xf32>
    %add3A = arith.addf %get3A_9, %get3A_14 : vector<10240x64xf32>
    %mul3A = vector.broadcast %get3A_1 : vector<10240x1xf32> to vector<10240x64xf32>
    %mul3A_15 = arith.mulf %add3A, %mul3A : vector<10240x64xf32>
    %get3A_16 = arith.constant 0 : index
    %get3A_17 = arith.constant 0 : index
    %get3A_18 = vector.load %arg2[%get3A_16, %get3A_17] : memref<1x64xf32, #tpu.memory_space<vmem>>, vector<1x64xf32>
    %add3A_19 = vector.broadcast %get3A_18 : vector<1x64xf32> to vector<10240x64xf32>
    %add3A_20 = arith.addf %mul3A_15, %add3A_19 : vector<10240x64xf32>
    %max3A = arith.constant 0.000000e+00 : f32
    %max3A_21 = vector.broadcast %max3A : f32 to vector<10240x64xf32>
    %max3A_22 = arith.maximumf %add3A_20, %max3A_21 : vector<10240x64xf32>
    %mul3A_23 = vector.broadcast %get3A_4 : vector<10240x1xf32> to vector<10240x64xf32>
    %mul3A_24 = arith.mulf %max3A_22, %mul3A_23 : vector<10240x64xf32>
    %reduce_sum3A = arith.constant dense<0.000000e+00> : vector<64xf32>
    %reduce_sum3A_25 = vector.multi_reduction <add>, %mul3A_24, %reduce_sum3A [0] : vector<10240x64xf32> to vector<64xf32>
    %broadcast_in_dim3A = vector.shape_cast %reduce_sum3A_25 : vector<64xf32> to vector<1x64xf32>
    %mul3A_26 = arith.constant 9.99999974E-5 : f32
    %mul3A_27 = vector.broadcast %mul3A_26 : f32 to vector<1x64xf32>
    %mul3A_28 = arith.mulf %broadcast_in_dim3A, %mul3A_27 : vector<1x64xf32>
    %sub3A = vector.broadcast %mul3A_28 : vector<1x64xf32> to vector<10240x64xf32>
    %sub3A_29 = arith.subf %mul3A_24, %sub3A : vector<10240x64xf32>
    %mul3A_30 = vector.broadcast %get3A_4 : vector<10240x1xf32> to vector<10240x64xf32>
    %mul3A_31 = arith.mulf %sub3A_29, %mul3A_30 : vector<10240x64xf32>
    %mul3A_32 = arith.mulf %mul3A_31, %mul3A_31 : vector<10240x64xf32>
    %reduce_sum3A_33 = arith.constant dense<0.000000e+00> : vector<64xf32>
    %reduce_sum3A_34 = vector.multi_reduction <add>, %mul3A_32, %reduce_sum3A_33 [0] : vector<10240x64xf32> to vector<64xf32>
    %broadcast_in_dim3A_35 = vector.shape_cast %reduce_sum3A_34 : vector<64xf32> to vector<1x64xf32>
    %mul3A_36 = arith.constant 9.99999974E-5 : f32
    %mul3A_37 = vector.broadcast %mul3A_36 : f32 to vector<1x64xf32>
    %mul3A_38 = arith.mulf %broadcast_in_dim3A_35, %mul3A_37 : vector<1x64xf32>
    %get3A_39 = arith.constant 0 : index
    %get3A_40 = arith.constant 0 : index
    %get3A_41 = vector.load %arg3[%get3A_39, %get3A_40] : memref<1x64xf32, #tpu.memory_space<vmem>>, vector<1x64xf32>
    %mul3A_42 = vector.broadcast %get3A_41 : vector<1x64xf32> to vector<10240x64xf32>
    %mul3A_43 = arith.mulf %mul3A_42, %mul3A_31 : vector<10240x64xf32>
    %add3A_44 = arith.constant 9.99999974E-6 : f32
    %add3A_45 = vector.broadcast %add3A_44 : f32 to vector<1x64xf32>
    %add3A_46 = arith.addf %mul3A_38, %add3A_45 : vector<1x64xf32>
    %rsqrt3A = math.rsqrt %add3A_46 : vector<1x64xf32>
    %mul3A_47 = vector.broadcast %rsqrt3A : vector<1x64xf32> to vector<10240x64xf32>
    %mul3A_48 = arith.mulf %mul3A_43, %mul3A_47 : vector<10240x64xf32>
    %get3A_49 = arith.constant 0 : index
    %get3A_50 = arith.constant 0 : index
    %get3A_51 = vector.load %arg4[%get3A_49, %get3A_50] : memref<1x64xf32, #tpu.memory_space<vmem>>, vector<1x64xf32>
    %add3A_52 = vector.broadcast %get3A_51 : vector<1x64xf32> to vector<10240x64xf32>
    %add3A_53 = arith.addf %mul3A_48, %add3A_52 : vector<10240x64xf32>
    %mul3A_54 = vector.broadcast %get3A_4 : vector<10240x1xf32> to vector<10240x64xf32>
    %mul3A_55 = arith.mulf %add3A_53, %mul3A_54 : vector<10240x64xf32>
    %get3A_56 = arith.constant 0 : index
    %get3A_57 = arith.constant 0 : index
    %get3A_58 = vector.load %arg6[%get3A_56, %get3A_57] : memref<64x32xf32, #tpu.memory_space<vmem>>, vector<64x32xf32>
    %dot_general3A = arith.constant dense<0.000000e+00> : vector<10240x32xf32>
    %dot_general3A_59 = tpu.matmul %mul3A_55, %get3A_58, %dot_general3A {dimension_numbers = #tpu.dot_dimension_numbers<[1], [0], [0], [1], [0, 0, 1, 1], [], []>, transpose_lhs_hint = false} : vector<10240x64xf32>, vector<64x32xf32>, vector<10240x32xf32> -> vector<10240x32xf32>
    %mul3A_60 = vector.broadcast %get3A_1 : vector<10240x1xf32> to vector<10240x32xf32>
    %mul3A_61 = arith.mulf %dot_general3A_59, %mul3A_60 : vector<10240x32xf32>
    %swap3A = arith.constant 0 : index
    %swap3A_62 = arith.constant 0 : index
    %swap3A_63 = vector.load %arg7[%swap3A, %swap3A_62] : memref<10240x32xf32, #tpu.memory_space<vmem>>, vector<10240x32xf32>
    tpu.vector_store %arg7[%swap3A, %swap3A_62], %mul3A_61 {strides = array<i32>} : memref<10240x32xf32, #tpu.memory_space<vmem>>, vector<10240x32xf32>,
    return
  }
}

module attributes {stable_mosaic.version = 14 : i64} {
  func.func @_back_body(%arg0: memref<2x10240x32xf32, #tpu.memory_space<vmem>>, %arg1: memref<10240x1xf32, #tpu.memory_space<vmem>>, %arg2: memref<1x32xf32, #tpu.memory_space<vmem>>, %arg3: memref<1x32xf32, #tpu.memory_space<vmem>>, %arg4: memref<1x32xf32, #tpu.memory_space<vmem>>, %arg5: memref<10240x1xf32, #tpu.memory_space<vmem>>, %arg6: memref<10240x32xf32, #tpu.memory_space<vmem>>) attributes {dimension_semantics = [], scalar_prefetch = 0 : i64, scratch_operands = 0 : i64, tpu.core_type = #tpu.core_type<tc>} {
    %get3A = arith.constant 0 : index
    %get3A_0 = arith.constant 0 : index
    %get3A_1 = vector.load %arg1[%get3A, %get3A_0] : memref<10240x1xf32, #tpu.memory_space<vmem>>, vector<10240x1xf32>
    %get3A_2 = arith.constant 0 : index
    %get3A_3 = arith.constant 0 : index
    %get3A_4 = vector.load %arg5[%get3A_2, %get3A_3] : memref<10240x1xf32, #tpu.memory_space<vmem>>, vector<10240x1xf32>
    %get3A_5 = arith.constant 0 : index
    %get3A_6 = arith.constant 0 : index
    %get3A_7 = arith.constant 0 : index
    %get3A_8 = vector.load %arg0[%get3A_5, %get3A_6, %get3A_7] : memref<2x10240x32xf32, #tpu.memory_space<vmem>>, vector<1x10240x32xf32>
    %get3A_9 = vector.shape_cast %get3A_8 : vector<1x10240x32xf32> to vector<10240x32xf32>
    %get3A_10 = arith.constant 1 : index
    %get3A_11 = arith.constant 0 : index
    %get3A_12 = arith.constant 0 : index
    %get3A_13 = vector.load %arg0[%get3A_10, %get3A_11, %get3A_12] : memref<2x10240x32xf32, #tpu.memory_space<vmem>>, vector<1x10240x32xf32>
    %get3A_14 = vector.shape_cast %get3A_13 : vector<1x10240x32xf32> to vector<10240x32xf32>
    %add3A = arith.addf %get3A_9, %get3A_14 : vector<10240x32xf32>
    %mul3A = vector.broadcast %get3A_1 : vector<10240x1xf32> to vector<10240x32xf32>
    %mul3A_15 = arith.mulf %add3A, %mul3A : vector<10240x32xf32>
    %get3A_16 = arith.constant 0 : index
    %get3A_17 = arith.constant 0 : index
    %get3A_18 = vector.load %arg2[%get3A_16, %get3A_17] : memref<1x32xf32, #tpu.memory_space<vmem>>, vector<1x32xf32>
    %add3A_19 = vector.broadcast %get3A_18 : vector<1x32xf32> to vector<10240x32xf32>
    %add3A_20 = arith.addf %mul3A_15, %add3A_19 : vector<10240x32xf32>
    %max3A = arith.constant 0.000000e+00 : f32
    %max3A_21 = vector.broadcast %max3A : f32 to vector<10240x32xf32>
    %max3A_22 = arith.maximumf %add3A_20, %max3A_21 : vector<10240x32xf32>
    %mul3A_23 = vector.broadcast %get3A_4 : vector<10240x1xf32> to vector<10240x32xf32>
    %mul3A_24 = arith.mulf %max3A_22, %mul3A_23 : vector<10240x32xf32>
    %reduce_sum3A = arith.constant dense<0.000000e+00> : vector<32xf32>
    %reduce_sum3A_25 = vector.multi_reduction <add>, %mul3A_24, %reduce_sum3A [0] : vector<10240x32xf32> to vector<32xf32>
    %broadcast_in_dim3A = vector.shape_cast %reduce_sum3A_25 : vector<32xf32> to vector<1x32xf32>
    %mul3A_26 = arith.constant 9.99999974E-5 : f32
    %mul3A_27 = vector.broadcast %mul3A_26 : f32 to vector<1x32xf32>
    %mul3A_28 = arith.mulf %broadcast_in_dim3A, %mul3A_27 : vector<1x32xf32>
    %sub3A = vector.broadcast %mul3A_28 : vector<1x32xf32> to vector<10240x32xf32>
    %sub3A_29 = arith.subf %mul3A_24, %sub3A : vector<10240x32xf32>
    %mul3A_30 = vector.broadcast %get3A_4 : vector<10240x1xf32> to vector<10240x32xf32>
    %mul3A_31 = arith.mulf %sub3A_29, %mul3A_30 : vector<10240x32xf32>
    %mul3A_32 = arith.mulf %mul3A_31, %mul3A_31 : vector<10240x32xf32>
    %reduce_sum3A_33 = arith.constant dense<0.000000e+00> : vector<32xf32>
    %reduce_sum3A_34 = vector.multi_reduction <add>, %mul3A_32, %reduce_sum3A_33 [0] : vector<10240x32xf32> to vector<32xf32>
    %broadcast_in_dim3A_35 = vector.shape_cast %reduce_sum3A_34 : vector<32xf32> to vector<1x32xf32>
    %mul3A_36 = arith.constant 9.99999974E-5 : f32
    %mul3A_37 = vector.broadcast %mul3A_36 : f32 to vector<1x32xf32>
    %mul3A_38 = arith.mulf %broadcast_in_dim3A_35, %mul3A_37 : vector<1x32xf32>
    %get3A_39 = arith.constant 0 : index
    %get3A_40 = arith.constant 0 : index
    %get3A_41 = vector.load %arg3[%get3A_39, %get3A_40] : memref<1x32xf32, #tpu.memory_space<vmem>>, vector<1x32xf32>
    %mul3A_42 = vector.broadcast %get3A_41 : vector<1x32xf32> to vector<10240x32xf32>
    %mul3A_43 = arith.mulf %mul3A_42, %mul3A_31 : vector<10240x32xf32>
    %add3A_44 = arith.constant 9.99999974E-6 : f32
    %add3A_45 = vector.broadcast %add3A_44 : f32 to vector<1x32xf32>
    %add3A_46 = arith.addf %mul3A_38, %add3A_45 : vector<1x32xf32>
    %rsqrt3A = math.rsqrt %add3A_46 : vector<1x32xf32>
    %mul3A_47 = vector.broadcast %rsqrt3A : vector<1x32xf32> to vector<10240x32xf32>
    %mul3A_48 = arith.mulf %mul3A_43, %mul3A_47 : vector<10240x32xf32>
    %get3A_49 = arith.constant 0 : index
    %get3A_50 = arith.constant 0 : index
    %get3A_51 = vector.load %arg4[%get3A_49, %get3A_50] : memref<1x32xf32, #tpu.memory_space<vmem>>, vector<1x32xf32>
    %add3A_52 = vector.broadcast %get3A_51 : vector<1x32xf32> to vector<10240x32xf32>
    %add3A_53 = arith.addf %mul3A_48, %add3A_52 : vector<10240x32xf32>
    %mul3A_54 = vector.broadcast %get3A_4 : vector<10240x1xf32> to vector<10240x32xf32>
    %mul3A_55 = arith.mulf %add3A_53, %mul3A_54 : vector<10240x32xf32>
    %swap3A = arith.constant 0 : index
    %swap3A_56 = arith.constant 0 : index
    %swap3A_57 = vector.load %arg6[%swap3A, %swap3A_56] : memref<10240x32xf32, #tpu.memory_space<vmem>>, vector<10240x32xf32>
    tpu.vector_store %arg6[%swap3A, %swap3A_56], %mul3A_55 {strides = array<i32>} : memref<10240x32xf32, #tpu.memory_space<vmem>>, vector<10240x32xf32>,
    return
  }
}

</mosaic_0001>

<sc_bundles>
// kernel: kernel.13.cloned.1.call-start
scs
__scs_entry_jumppad:
0x0: {  	(pc) =	sbr.rel $0x88, $3  }
0x1: {  	(tag) =	ssettag $0x0;
	lr =	simm.s32 $0x1  }
0x2: {  	[smem:$0x3F8F] =	sst lr;
	_ =	strace $0xD0000000  }
0x3: {  	_ = 	snop  }
0x4: {  	_ = 	snop  }
0x5: {  	_ = 	snop  }
0x6: {  	_ = 	snop  }
0x7: {  	_ = 	snop  }
__scs_overlays_trampoline_lowered:
0x8: {  	[smem:$0x3F9E] =	sst s0  }
0x9: {  	[smem:$0x3F9F] =	sst s1  }
0xa: {  	[smem:$0x3FA0] =	sst s2  }
0xb: {  	[smem:$0x3FA1] =	sst s3  }
0xc: {  	[smem:$0x3FA2] =	sst s4  }
0xd: {  	[smem:$0x3FA3] =	sst s5  }
0xe: {  	[smem:$0x3FA4] =	sst s6  }
0xf: {  	[smem:$0x3FA5] =	sst s7  }
0x10: {  	[smem:$0x3FA6] =	sst s8  }
0x11: {  	[smem:$0x3FA7] =	sst s9;
	s0 =	simm.s32 @!p0 $0x0  }
0x12: {  	s1 =	sld [smem:$0x3F8D];
	s0 =	simm.s32 @p0 $0x1  }
0x13: {  	[smem:$0x3FA8] =	sst s0;
	s0 =	simm.s32 @!p1 $0x0  }
0x14: {  	s2 =	sld [smem:$0x3F8C];
	s0 =	simm.s32 @p1 $0x1  }
0x15: {  	[smem:$0x3FA9] =	sst s0;
	s0 =	simm.s32 @!p2 $0x0  }
0x16: {  	s3 =	sld [smem:$0x3FDB];
	s0 =	simm.s32 @p2 $0x1  }
0x17: {  	s4 =	simm.s32 $0x1BF5;
	[smem:$0x3FAB] =	sst s0  }
0x18: {  	s0 =	sld [smem:$0x3F8E];
	_ =	swait.ge [sflag:s4], $0x0  }
0x19: {  	s7 =	sld [smem:$0x3F8F]  }
0x1a: {  	s8 =	sadd.s32 $0xFFFFE003, lr  }
0x1b: {  	s9 =	sadd.s32 $0xFFFFFEF7, lr;
	s5 =	simm.s32 $0xFFFFFFFF;
	p2 =	slt.u32 s8, $0xFFFFF086  }
0x1c: {  	p1 =	slt.u32 s9, $0xF7A;
	s5 =	simm.s32 @!p2 $0x0  }
0x1d: {  	s5 =	simm.s32 @p1 $0x1;
	p0 =	seq.s32 s7, s2  }
0x1e: {  	s7 =	smul.u32 @!p0 $0xF7A, s2;
	p2 =	seq.s32 @!p0 s5, $0x0  }
0x1f: {  	s9 =	smul.u32 $0xF7A, s1;
	s8 =	simm.s32 @!p0 $0x1BF5;
	p2 =	por !p2, p0  }
0x20: {  	[sflag:s8] =	ssyncset.s32 @!p0 $0xFFFFF086;
	s6 =	sadd.s32 @!p0 s3, s7;
	s7 =	simm.s32 @!p0 $0x108  }
0x21: {  	s3 =	sadd.s32 s3, s9;
	s6 =	sadd.s32 @!p0 $0x88, s6;
	s7 =	simm.s32 @p2 $0x1082  }
0x22: {  	[simem:s7], [sflag:s8] =	dma.local @!p0 [hbm:s6], $0xF7A  }
0x23: {  	s9 =	sor.u32 $0xD0000000, s2;
	s6 =	simm.s32 $0x108;
	_ =	swait.ge @!p0 [sflag:s8], $0x0  }
0x24: {  	s3 =	sadd.s32 $0x88, s3;
	s6 =	simm.s32 @!p1 $0x1082;
	[sflag:s4] =	ssyncset.s32 $0xFFFFF086  }
0x25: {  	[simem:s6], [sflag:s4] =	dma.local [hbm:s3], $0xF7A  }
0x26: {  	[smem:$0x3F8F] =	sst s1;
	(tag) =	ssettag s2;
	_ =	strace s9  }
0x27: {  	s1 =	sld [smem:$0x3F9F]  }
0x28: {  	s2 =	sld [smem:$0x3FA0]  }
0x29: {  	s4 =	sld [smem:$0x3FA2]  }
0x2a: {  	p0 =	seq.s32 s5, $0x0;
	s5 =	sld [smem:$0x3FA3]  }
0x2b: {  	s6 =	sld [smem:$0x3FA4]  }
0x2c: {  	s7 =	sld [smem:$0x3FA5]  }
0x2d: {  	s3 =	simm.s32 $0x108;
	s8 =	sld [smem:$0x3FA6]  }
0x2e: {  	s3 =	simm.s32 @!p0 $0x1082;
	s9 =	sld [smem:$0x3FA7]  }
0x2f: {  	lr =	sadd.s32 s0, s3;
	s0 =	sld [smem:$0x3F9E]  }
0x30: {  	s3 =	sld [smem:$0x3FA1]  }
0x31: {  	[smem:$0x3FAA] =	sst s10  }
0x32: {  	s10 =	sld [smem:$0x3FA8];
	_ =	sdelay $0x3  }
0x33: {  	p0 =	seq.s32 s10, $0x1;
	s10 =	sld [smem:$0x3FAA];
	_ =	sdelay $0x3  }
0x34: {  	[smem:$0x3FAA] =	sst s10  }
0x35: {  	s10 =	sld [smem:$0x3FA9];
	_ =	sdelay $0x3  }
0x36: {  	p1 =	seq.s32 s10, $0x1;
	s10 =	sld [smem:$0x3FAA];
	_ =	sdelay $0x3  }
0x37: {  	[smem:$0x3FAA] =	sst s10  }
0x38: {  	s10 =	sld [smem:$0x3FAB]  }
0x39: {  	_ = 	snop;
	(pc) =	sbr.ind lr, $3  }
0x3a: {  	_ = 	snop  }
0x3b: {  	_ = 	snop  }
0x3c: {  	p2 =	seq.s32 s10, $0x1;
	s10 =	sld [smem:$0x3FAA]  }
0x3d: {  	_ =	shalt  }
0x3e: {  	_ =	shalt  }
0x3f: {  	_ =	shalt  }
0x40: {  	_ =	shalt  }
0x41: {  	_ =	shalt  }
0x42: {  	_ =	shalt  }
0x43: {  	_ =	shalt  }
0x44: {  	_ =	shalt  }
0x45: {  	_ =	shalt  }
0x46: {  	_ =	shalt  }
0x47: {  	_ =	shalt  }
0x48: {  	_ =	shalt  }
0x49: {  	_ =	shalt  }
0x4a: {  	_ =	shalt  }
0x4b: {  	_ =	shalt  }
0x4c: {  	_ =	shalt  }
0x4d: {  	_ =	shalt  }
0x4e: {  	_ =	shalt  }
0x4f: {  	_ =	shalt  }
0x50: {  	_ =	shalt  }
0x51: {  	_ =	shalt  }
0x52: {  	_ =	shalt  }
0x53: {  	_ =	shalt  }
0x54: {  	_ =	shalt  }
0x55: {  	_ =	shalt  }
0x56: {  	_ =	shalt  }
0x57: {  	_ =	shalt  }
0x58: {  	_ =	shalt  }
0x59: {  	_ =	shalt  }
0x5a: {  	_ =	shalt  }
0x5b: {  	_ =	shalt  }
0x5c: {  	_ =	shalt  }
0x5d: {  	_ =	shalt  }
0x5e: {  	_ =	shalt  }
0x5f: {  	_ =	shalt  }
0x60: {  	_ =	shalt  }
0x61: {  	_ =	shalt  }
0x62: {  	_ =	shalt  }
0x63: {  	_ =	shalt  }
0x64: {  	_ =	shalt  }
0x65: {  	_ =	shalt  }
0x66: {  	_ =	shalt  }
0x67: {  	_ =	shalt  }
0x68: {  	_ =	shalt  }
0x69: {  	_ =	shalt  }
0x6a: {  	_ =	shalt  }
0x6b: {  	_ =	shalt  }
0x6c: {  	_ =	shalt  }
0x6d: {  	_ =	shalt  }
0x6e: {  	_ =	shalt  }
0x6f: {  	_ =	shalt  }
0x70: {  	_ =	shalt  }
0x71: {  	_ =	shalt  }
0x72: {  	_ =	shalt  }
0x73: {  	_ =	shalt  }
0x74: {  	_ =	shalt  }
0x75: {  	_ =	shalt  }
0x76: {  	_ =	shalt  }
0x77: {  	_ =	shalt  }
0x78: {  	_ =	shalt  }
0x79: {  	_ =	shalt  }
0x7a: {  	_ =	shalt  }
0x7b: {  	_ =	shalt  }
0x7c: {  	_ =	shalt  }
0x7d: {  	_ =	shalt  }
0x7e: {  	_ =	shalt  }
0x7f: {  	_ =	shalt  }
0x80: {  	_ =	shalt  }
0x81: {  	_ =	shalt  }
0x82: {  	_ =	shalt  }
0x83: {  	_ =	shalt  }
0x84: {  	_ =	shalt  }
0x85: {  	_ =	shalt  }
0x86: {  	_ =	shalt  }
0x87: {  	_ =	shalt  }
.Lfunc_end0:
.L_simem_size_0:
called_computation_lowered:
.L_overlay_start_0:
0x88: {  	s2 =	sld [smem:$0x3FD9]  }
0x89: {  	s3 =	sld [smem:$0x3FFE];
	_ =	sdelay $0x1  }
0x8a: {  	s1 =	srdreg.scid  }
0x8b: {  	s0 =	sand.u32 $0x1, s1  }
0x8c: {  	s17 =	sshll.u32 s0, $0xA;
	s2 =	sadd.s32 s3, s2  }
0x8d: {  	s2 =	sadd.s32 s2, s17  }
0x8e: {  	[smem:$0x3FB6] =	sst s2  }
0x8f: {  	_ = 	snop  }
0x90: {  	s2 =	sld [smem:$0x3FD0];
	(tm) =	ssettm $0x1  }
0x91: {  	s18 =	sld [smem:$0x3FFB];
	_ =	sdelay $0x3  }
0x92: {  	_ =	strace s18  }
0x93: {  	s3 =	sld [smem:$0x3FFC];
	_ =	sdelay $0x3  }
0x94: {  	_ =	strace s3  }
0x95: {  	s3 =	sld [smem:$0x3FFD];
	_ =	sdelay $0x3  }
0x96: {  	_ =	strace s3  }
0x97: {  	_ =	strace $0x8FFFFFFF  }
0x98: {  	s19 =	sld [smem:$0x3FDB];
	_ =	sdelay $0x1  }
0x99: {  	s4 =	simm.s32 $_scs_section_size  }
0x9a: {  	s5 =	simm.s32 $_size__tile_overlayer_lowered;
	s6 =	simm.s32 $_tile_overlayer_lowered  }
0x9b: {  	s22 =	simm.s32 $0x1BFF;
	s21 =	sshll.u32 s6, $0x1;
	s3 =	sadd.s32 s4, s19  }
0x9c: {  	s7 =	simm.s32 $0x0;
	s20 =	sshll.u32 s5, $0x1;
	s5 =	sadd.s32 s21, s3  }
0x9d: {  	[timem:s7], [sflag:s22] =	dma.local [hbm:s5], s20  }
0x9e: {  	_ =	swait.ge [sflag:s22], s20  }
0x9f: {  	s4 =	ssub.s32 $0x0, s20;
	[sflag:s22] =	ssyncset.done $0x0  }
0xa0: {  	[sflag:s22] =	ssyncadd.s32 s4;
	_ =	sdelay $0x1  }
0xa1: {  	s23 =	simm.s32 $0x1B8B  }
0xa2: {  	_ =	swait.ge [sflag:s23], $0x1  }
0xa3: {  	[sflag:s23] =	ssyncset.done $0x0  }
0xa4: {  	s25 =	simm.s32 $0x1B8E;
	s24 =	sld [smem:$0x3FFE];
	[sflag:s23] =	ssyncadd.s32 $0xFFFFFFFF  }
0xa5: {  	s26 =	simm.s32 $execute0_lowered;
	[smem:$0x3FD2] =	sst s25  }
0xa6: {  	s5 =	sshll.u32 s26, $0x1;
	_ =	strace $0x80000046;
	[dreg:$0x1] =	wrdreg $0xFFFFFFFF  }
0xa7: {  	s28 =	simm.s32 $_size_execute0_lowered;
	s3 =	sadd.s32 s3, s5;
	[dreg:$0x0] =	wrdreg $0x0  }
0xa8: {  	s5 =	sshll.u32 s28, $0x1;
	[dreg:$0x2] =	wrdreg s3  }
0xa9: {  	[dreg:$0x3] =	wrdreg s5  }
0xaa: {  	[dreg:$0x4] =	wrdreg $0xC0  }
0xab: {  	_ =	task [dreg:s7], $0x5FFFF  }
0xac: {  	[dreg:$0x1] =	wrdreg $0xFFFFFFFF  }
0xad: {  	[dreg:$0x0] =	wrdreg $0x60  }
0xae: {  	[dreg:$0x2] =	wrdreg s24  }
0xaf: {  	[dreg:$0x3] =	wrdreg s2  }
0xb0: {  	[dreg:$0x4] =	wrdreg $0x2800  }
0xb1: {  	[dreg:$0x5] =	wrdreg $0x9  }
0xb2: {  	_ =	task.clear_ibuf [dreg:s7], $0x6FFFF;
	_ =	strace $0x90000046  }
0xb3: {  	s29 =	simm.s32 $0x9;
	_ =	strace $0x80000048  }
0xb4: {  	_ =	swait.ge [sflag:s29], $0x1  }
0xb5: {  	[sflag:s29] =	ssyncadd.s32 $0xFFFFFFFF  }
0xb6: {  	_ =	strace $0x90000048  }
0xb7: {  	_ =	sfence  }
0xb8: {  	s30 =	sld [smem:$0x0];
	_ =	sdelay $0x2  }
0xb9: {  	s31 =	sshll.u32 s1, $0xD;
	s1 =	sshrl.u32 s1, $0x2  }
0xba: {  	s3 =	sand.u32 $0x4000, s31;
	s1 =	sadd.s32 s1, s30  }
0xbb: {  	s0 =	sor.u32 s3, s0;
	s1 =	sshll.u32 s1, $0x11  }
0xbc: {  	s0 =	sor.u32 s1, s0  }
0xbd: {  	s0 =	sadd.s32 $0x8F2B, s0  }
0xbe: {  	[sflag:s0] =	ssyncadd.remote.s32 $0x1  }
0xbf: {  	_ =	sfence.sel $0xFFFF  }
0xc0: {  	[dreg:$0x0] =	wrdreg $0xFFFFFFFF;
	(pc) =	sbr.abs _section_cstart, $3  }
0xc1: {  	[dreg:$0x1] =	wrdreg $0xFFFFFFFF  }
0xc2: {  	_ =	task.clear_ibuf [dreg:s7], $0x2FFFF;
	_ =	strace $0x9FFFFFFF  }
0xc3: {  	(tm) =	ssettm $0x7FFFFFFF  }
tec
execute0_lowered:
.L_overlay_start_1:
0x0: {  	(tag) =	ssettag $0x1  }
0x1: {  	s5 =	rddreg [dreg:$0x0]  }
0x2: {  	s8 =	rddreg [dreg:$0x1]  }
0x3: {  	s2 =	rddreg [dreg:$0x2]  }
0x4: {  	s0 =	rddreg [dreg:$0x3]  }
0x5: {  	s1 =	stileid.u32;
	s3 =	simm.s32 $0x0;
	s4 =	srdreg.scid  }
0x6: {  	s16 =	simm.s32 $0x180;
	s17 =	simm.s32 $0x20;
	s18 =	simm.s32 $0x10  }
0x7: {  	s19 =	simm.s32 $0x0;
	s6 =	smul.u32 $0x280, s1;
	[smem:$0x7FF] =	sst s3  }
0x8: {  	s7 =	sand.u32 $0x1, s4;
	s4 =	sadd.s32 $0x4000, s5;
	s29 =	smul.u32 $0x500, s1  }
0x9: {  	s13 =	smul.u32 $0x5000, s1;
	s14 =	sshll.u32 s1, $0x6;
	_ =	strace $0x80000047  }
0xa: {  	s10 =	ssub.s32 $0x2, s7;
	s30 =	sshll.u32 s7, $0x7;
	s15 =	smul.u32 $0x2800, s7  }
0xb: {  	s7 =	sor.u32 $0x1C01, s14;
	s14 =	simm.s32 $0x80;
	s9 =	sshrl.u32 s6, $0x3  }
0xc: {  	s11 =	sshrl.u32 s10, $0x1;
	s12 =	sadd.s32 s6, s2;
	s9 =	sadd.s32 s9, s5  }
0xd: {  	s5 =	sadd.s32 $0x18600, s5;
	s10 =	ssub.s32 s10, s11;
	s11 =	sor.u32 s30, s29  }
0xe: {  	s6 =	sadd.s32 $0x18000, s9;
	s31 =	sshrl.u32 s11, $0x3;
	s9 =	smax.u32 s10, $0x1  }
0xf: {  	s10 =	sadd.s32 s15, s13;
	s11 =	sshrl.u32 s12, $0x3;
	s12 =	simm.s32 $0x1  }
0x10: {  	s13 =	simm.s32 $0x200;
	s15 =	simm.s32 $0x100;
	s8 =	sadd.s32 s8, s31  }
.LBB2_1:
0x11: {  	[spmem:s11], [sflag:s7] =	dma.local [hbm:s6], $0x50  }
0x12: {  	_ =	swait.ge [sflag:s12], $0x50  }
0x13: {  	[sflag:s12] =	ssyncset.done $0x0  }
0x14: {  	s20 =	sadd.s32 $0x0, s10;
	[sflag:s12] =	ssyncadd.s32 $0xFFFFFFB0  }
0x15: {  	[tilespmem:s13], [sflag:$0x1] =	stream.linear.gather [hbm4b:s5+s3], $0x80, $0x38;
	[tilespmem:$0x500] =	vst v63  }
0x16: {  	s21 =	sand.u32 $0x200, s3;
	s20 =	sand.u32 $0xFFC00, s20;
	_ =	swait.ge [sflag:s12], $0x80  }
0x17: {  	s20 =	sor.u32 s21, s20;
	[sflag:s12] =	ssyncset.done $0x0  }
0x18: {  	s20 =	sshrl.u32 s20, $0x3;
	[sflag:s12] =	ssyncadd.s32 $0xFFFFFF80  }
0x19: {  	s20 =	sadd.s32 s4, s20;
	[bflag:$0x0] =	sbarrier.arrive $0xFFFF  }
0x1a: {  	[tilespmem:s3], [sflag:$0x1] =	stream.linear.gather [hbm4b:s20+s3], $0x200, $0x38;
	[tilespmem:$0x500] =	vst v63  }
0x1b: {  	_ =	swait.ge [sflag:s12], $0x200  }
0x1c: {  	[sflag:s12] =	ssyncset.done $0x0  }
0x1d: {  	[sflag:s12] =	ssyncadd.s32 $0xFFFFFE00  }
0x1e: {  	[spmem:s2] =	stream.indirect.scatter.add.f32 [tilespmem:s13], [sflag:$0x1], $0x1, s3, s14, $0xb8;
	[tilespmem:$0x500] =	vst v63  }
0x1f: {  	_ =	swait.ge [sflag:s12], $0x80  }
0x20: {  	[sflag:s12] =	ssyncset.done $0x0  }
0x21: {  	[sflag:s12] =	ssyncadd.s32 $0xFFFFFF80  }
0x22: {  	[spmem:s2] =	stream.indirect.scatter.add.f32 [tilespmem:s13], [sflag:$0x1], $0x1, s14, s14, $0xb8;
	[tilespmem:$0x500] =	vst v63  }
0x23: {  	_ =	swait.ge [sflag:s12], $0x80  }
0x24: {  	[sflag:s12] =	ssyncset.done $0x0  }
0x25: {  	[sflag:s12] =	ssyncadd.s32 $0xFFFFFF80  }
0x26: {  	[spmem:s2] =	stream.indirect.scatter.add.f32 [tilespmem:s13], [sflag:$0x1], $0x1, s15, s14, $0xb8;
	[tilespmem:$0x500] =	vst v63  }
0x27: {  	_ =	swait.ge [sflag:s12], $0x80  }
0x28: {  	[sflag:s12] =	ssyncset.done $0x0  }
0x29: {  	s30 =	simm.s32 $0x200;
	s31 =	sadd.s32 $0x200, s10;
	[sflag:s12] =	ssyncadd.s32 $0xFFFFFF80  }
0x2a: {  	[spmem:s2] =	stream.indirect.scatter.add.f32 [tilespmem:s13], [sflag:$0x1], $0x1, s16, s14, $0xb8;
	[tilespmem:$0x500] =	vst v63  }
0x2b: {  	s22 =	sand.u32 $0x200, s30;
	s21 =	sand.u32 $0xFFC00, s31;
	_ =	swait.ge [sflag:s12], $0x80  }
0x2c: {  	s21 =	sor.u32 s22, s21;
	s20 =	simm.s32 $0x400;
	[sflag:s12] =	ssyncset.done $0x0  }
.LBB2_2:
0x2d: {  	s21 =	sshrl.u32 s21, $0x3  }
0x2e: {  	[sflag:s12] =	ssyncadd.s32 $0xFFFFFF80;
	s22 =	smov.u32 s20;
	s23 =	sadd.s32 $0x200, s20  }
0x2f: {  	p0 =	sne.s32 s20, $0x2600;
	s20 =	sadd.s32 s4, s21  }
0x30: {  	[tilespmem:s3], [sflag:$0x1] =	stream.linear.gather [hbm4b:s20+s3], $0x200, $0x38;
	[tilespmem:$0x500] =	vst v63  }
0x31: {  	_ =	swait.ge [sflag:s12], $0x200  }
0x32: {  	[sflag:s12] =	ssyncset.done $0x0  }
0x33: {  	[sflag:s12] =	ssyncadd.s32 $0xFFFFFE00  }
0x34: {  	[spmem:s2] =	stream.indirect.scatter.add.f32 [tilespmem:s13], [sflag:$0x1], $0x1, s3, s14, $0xb8;
	[tilespmem:$0x500] =	vst v63  }
0x35: {  	_ =	swait.ge [sflag:s12], $0x80  }
0x36: {  	[sflag:s12] =	ssyncset.done $0x0  }
0x37: {  	[sflag:s12] =	ssyncadd.s32 $0xFFFFFF80  }
0x38: {  	[spmem:s2] =	stream.indirect.scatter.add.f32 [tilespmem:s13], [sflag:$0x1], $0x1, s14, s14, $0xb8;
	[tilespmem:$0x500] =	vst v63  }
0x39: {  	_ =	swait.ge [sflag:s12], $0x80  }
0x3a: {  	[sflag:s12] =	ssyncset.done $0x0  }
0x3b: {  	[sflag:s12] =	ssyncadd.s32 $0xFFFFFF80  }
0x3c: {  	[spmem:s2] =	stream.indirect.scatter.add.f32 [tilespmem:s13], [sflag:$0x1], $0x1, s15, s14, $0xb8;
	[tilespmem:$0x500] =	vst v63  }
0x3d: {  	_ =	swait.ge [sflag:s12], $0x80  }
.Ltmp0:
0x3e: {  	[sflag:s12] =	ssyncset.done $0x0;
	(pc) =	sbr.rel @p0 .LBB2_2-.Ltmp0, $4  }
0x3f: {  	s20 =	sadd.s32 s22, s10;
	[sflag:s12] =	ssyncadd.s32 $0xFFFFFF80  }
0x40: {  	[spmem:s2] =	stream.indirect.scatter.add.f32 [tilespmem:s13], [sflag:$0x1], $0x1, s16, s14, $0xb8;
	[tilespmem:$0x500] =	vst v63  }
0x41: {  	s21 =	sand.u32 $0x200, s22;
	s20 =	sand.u32 $0xFFC00, s20;
	_ =	swait.ge [sflag:s12], $0x80  }
0x42: {  	s21 =	sor.u32 s21, s20;
	s20 =	smov.u32 s23;
	[sflag:s12] =	ssyncset.done $0x0  }
0x43: {  	s20 =	sshrl.u32 s21, $0x3  }
0x44: {  	[sflag:s12] =	ssyncadd.s32 $0xFFFFFF80;
	s20 =	sadd.s32 s4, s20  }
0x45: {  	[tilespmem:s3], [sflag:$0x1] =	stream.linear.gather [hbm4b:s20+s3], $0x200, $0x38;
	[tilespmem:$0x500] =	vst v63  }
0x46: {  	_ =	swait.ge [sflag:s12], $0x200  }
0x47: {  	[sflag:s12] =	ssyncset.done $0x0  }
0x48: {  	[sflag:s12] =	ssyncadd.s32 $0xFFFFFE00  }
0x49: {  	[spmem:s2] =	stream.indirect.scatter.add.f32 [tilespmem:s13], [sflag:$0x1], $0x1, s3, s14, $0xb8;
	[tilespmem:$0x500] =	vst v63  }
0x4a: {  	_ =	swait.ge [sflag:s12], $0x80  }
0x4b: {  	[sflag:s12] =	ssyncset.done $0x0  }
0x4c: {  	[sflag:s12] =	ssyncadd.s32 $0xFFFFFF80  }
0x4d: {  	[spmem:s2] =	stream.indirect.scatter.add.f32 [tilespmem:s13], [sflag:$0x1], $0x1, s14, s14, $0xb8;
	[tilespmem:$0x500] =	vst v63  }
0x4e: {  	_ =	swait.ge [sflag:s12], $0x80  }
0x4f: {  	[sflag:s12] =	ssyncset.done $0x0  }
0x50: {  	[sflag:s12] =	ssyncadd.s32 $0xFFFFFF80  }
0x51: {  	[spmem:s2] =	stream.indirect.scatter.add.f32 [tilespmem:s13], [sflag:$0x1], $0x1, s15, s14, $0xb8;
	[tilespmem:$0x500] =	vst v63  }
0x52: {  	_ =	swait.ge [sflag:s12], $0x80  }
0x53: {  	[sflag:s12] =	ssyncset.done $0x0  }
0x54: {  	[sflag:s12] =	ssyncadd.s32 $0xFFFFFF80  }
0x55: {  	[spmem:s2] =	stream.indirect.scatter.add.f32 [tilespmem:s13], [sflag:$0x1], $0x1, s16, s14, $0xb8;
	[tilespmem:$0x500] =	vst v63  }
0x56: {  	_ =	swait.ge [sflag:s12], $0x80  }
0x57: {  	s19 =	sadd.s32 $0x1, s19;
	[sflag:s12] =	ssyncset.done $0x0  }
0x58: {  	p0 =	sne.s32 s19, s9;
	[sflag:s12] =	ssyncadd.s32 $0xFFFFFF80  }
.Ltmp1:
0x59: {  	[bflag:$0x0] =	sbarrier.arrive $0xFFFF;
	(pc) =	sbr.rel @p0 .LBB2_1-.Ltmp1, $4  }
0x5a: {  	[hbm:s8@s17], [sflag:s7] =	dma.strided [spmem:s11@s18], $0x50, s12, $0x10   }
0x5b: {  	_ =	swait.ge [sflag:s12], $0x50  }
0x5c: {  	[sflag:s12] =	ssyncset.done $0x0  }
0x5d: {  	[sflag:s12] =	ssyncadd.s32 $0xFFFFFFB0  }
0x5e: {  	_ =	sfence.sel $0x180000  }
0x5f: {  	[bflag:$0x0] =	sbarrier.arrive $0xFFFF  }
0x60: {  	p0 =	sne.s32 s1, $0x0;
	_ =	strace $0x90000047  }
0x61: {  	s0 =	sadd.s32 @!p0 $0x100000, s0;
	[bflag:$0x2] =	sbarrier.arrive $0xFFFF  }
0x62: {  	[sflag:s0] =	ssyncadd.tile.s32 @!p0 $0x1;
	_ =	shalt  }
.Lfunc_end2:
_tile_overlayer_lowered:
.L_overlay_start_2:
0x63: {  	(tag) =	ssettag $0x2  }
0x64: {  	s0 =	rddreg [dreg:$0x0];
	s2 =	stileid.u32  }
0x65: {  	s1 =	rddreg [dreg:$0x1];
	p0 =	sne.s32 s2, $0x0  }
0x66: {  	s3 =	rddreg [dreg:$0x2];
	[bflag:$0x3] =	sbarrier.arrive $0xFFFF;
	s2 =	simm.s32 @!p0 $0x1C01  }
0x67: {  	[timem:s3], [sflag:s2] =	dma.local @!p0 [hbm:s0], s1  }
0x68: {  	s0 =	simm.s32 @!p0 $0x1  }
0x69: {  	_ =	swait.ge @!p0 [sflag:s0], s1  }
0x6a: {  	s1 =	ssub.s32 @!p0 $0x0, s1;
	[sflag:s0] =	ssyncset.done @!p0 $0x0  }
0x6b: {  	[sflag:s0] =	ssyncadd.s32 @!p0 s1  }
0x6c: {  	[bflag:$0x3] =	sbarrier.arrive $0xFFFF  }
0x6d: {  	_ =	shalt  }

// kernel: kernel.16.cloned.1.call-start
scs
__scs_entry_jumppad:
0x0: {  	(pc) =	sbr.rel $0x88, $3  }
0x1: {  	(tag) =	ssettag $0x0;
	lr =	simm.s32 $0x1  }
0x2: {  	[smem:$0x3F8F] =	sst lr;
	_ =	strace $0xD0000000  }
0x3: {  	_ = 	snop  }
0x4: {  	_ = 	snop  }
0x5: {  	_ = 	snop  }
0x6: {  	_ = 	snop  }
0x7: {  	_ = 	snop  }
__scs_overlays_trampoline_lowered:
0x8: {  	[smem:$0x3F9E] =	sst s0  }
0x9: {  	[smem:$0x3F9F] =	sst s1  }
0xa: {  	[smem:$0x3FA0] =	sst s2  }
0xb: {  	[smem:$0x3FA1] =	sst s3  }
0xc: {  	[smem:$0x3FA2] =	sst s4  }
0xd: {  	[smem:$0x3FA3] =	sst s5  }
0xe: {  	[smem:$0x3FA4] =	sst s6  }
0xf: {  	[smem:$0x3FA5] =	sst s7  }
0x10: {  	[smem:$0x3FA6] =	sst s8  }
0x11: {  	[smem:$0x3FA7] =	sst s9;
	s0 =	simm.s32 @!p0 $0x0  }
0x12: {  	s1 =	sld [smem:$0x3F8D];
	s0 =	simm.s32 @p0 $0x1  }
0x13: {  	[smem:$0x3FA8] =	sst s0;
	s0 =	simm.s32 @!p1 $0x0  }
0x14: {  	s2 =	sld [smem:$0x3F8C];
	s0 =	simm.s32 @p1 $0x1  }
0x15: {  	[smem:$0x3FA9] =	sst s0;
	s0 =	simm.s32 @!p2 $0x0  }
0x16: {  	s3 =	sld [smem:$0x3FDB];
	s0 =	simm.s32 @p2 $0x1  }
0x17: {  	s4 =	simm.s32 $0x1BF5;
	[smem:$0x3FAB] =	sst s0  }
0x18: {  	s0 =	sld [smem:$0x3F8E];
	_ =	swait.ge [sflag:s4], $0x0  }
0x19: {  	s7 =	sld [smem:$0x3F8F]  }
0x1a: {  	s8 =	sadd.s32 $0xFFFFE003, lr  }
0x1b: {  	s9 =	sadd.s32 $0xFFFFFEF7, lr;
	s5 =	simm.s32 $0xFFFFFFFF;
	p2 =	slt.u32 s8, $0xFFFFF086  }
0x1c: {  	p1 =	slt.u32 s9, $0xF7A;
	s5 =	simm.s32 @!p2 $0x0  }
0x1d: {  	s5 =	simm.s32 @p1 $0x1;
	p0 =	seq.s32 s7, s2  }
0x1e: {  	s7 =	smul.u32 @!p0 $0xF7A, s2;
	p2 =	seq.s32 @!p0 s5, $0x0  }
0x1f: {  	s9 =	smul.u32 $0xF7A, s1;
	s8 =	simm.s32 @!p0 $0x1BF5;
	p2 =	por !p2, p0  }
0x20: {  	[sflag:s8] =	ssyncset.s32 @!p0 $0xFFFFF086;
	s6 =	sadd.s32 @!p0 s3, s7;
	s7 =	simm.s32 @!p0 $0x108  }
0x21: {  	s3 =	sadd.s32 s3, s9;
	s6 =	sadd.s32 @!p0 $0x88, s6;
	s7 =	simm.s32 @p2 $0x1082  }
0x22: {  	[simem:s7], [sflag:s8] =	dma.local @!p0 [hbm:s6], $0xF7A  }
0x23: {  	s9 =	sor.u32 $0xD0000000, s2;
	s6 =	simm.s32 $0x108;
	_ =	swait.ge @!p0 [sflag:s8], $0x0  }
0x24: {  	s3 =	sadd.s32 $0x88, s3;
	s6 =	simm.s32 @!p1 $0x1082;
	[sflag:s4] =	ssyncset.s32 $0xFFFFF086  }
0x25: {  	[simem:s6], [sflag:s4] =	dma.local [hbm:s3], $0xF7A  }
0x26: {  	[smem:$0x3F8F] =	sst s1;
	(tag) =	ssettag s2;
	_ =	strace s9  }
0x27: {  	s1 =	sld [smem:$0x3F9F]  }
0x28: {  	s2 =	sld [smem:$0x3FA0]  }
0x29: {  	s4 =	sld [smem:$0x3FA2]  }
0x2a: {  	p0 =	seq.s32 s5, $0x0;
	s5 =	sld [smem:$0x3FA3]  }
0x2b: {  	s6 =	sld [smem:$0x3FA4]  }
0x2c: {  	s7 =	sld [smem:$0x3FA5]  }
0x2d: {  	s3 =	simm.s32 $0x108;
	s8 =	sld [smem:$0x3FA6]  }
0x2e: {  	s3 =	simm.s32 @!p0 $0x1082;
	s9 =	sld [smem:$0x3FA7]  }
0x2f: {  	lr =	sadd.s32 s0, s3;
	s0 =	sld [smem:$0x3F9E]  }
0x30: {  	s3 =	sld [smem:$0x3FA1]  }
0x31: {  	[smem:$0x3FAA] =	sst s10  }
0x32: {  	s10 =	sld [smem:$0x3FA8];
	_ =	sdelay $0x3  }
0x33: {  	p0 =	seq.s32 s10, $0x1;
	s10 =	sld [smem:$0x3FAA];
	_ =	sdelay $0x3  }
0x34: {  	[smem:$0x3FAA] =	sst s10  }
0x35: {  	s10 =	sld [smem:$0x3FA9];
	_ =	sdelay $0x3  }
0x36: {  	p1 =	seq.s32 s10, $0x1;
	s10 =	sld [smem:$0x3FAA];
	_ =	sdelay $0x3  }
0x37: {  	[smem:$0x3FAA] =	sst s10  }
0x38: {  	s10 =	sld [smem:$0x3FAB]  }
0x39: {  	_ = 	snop;
	(pc) =	sbr.ind lr, $3  }
0x3a: {  	_ = 	snop  }
0x3b: {  	_ = 	snop  }
0x3c: {  	p2 =	seq.s32 s10, $0x1;
	s10 =	sld [smem:$0x3FAA]  }
0x3d: {  	_ =	shalt  }
0x3e: {  	_ =	shalt  }
0x3f: {  	_ =	shalt  }
0x40: {  	_ =	shalt  }
0x41: {  	_ =	shalt  }
0x42: {  	_ =	shalt  }
0x43: {  	_ =	shalt  }
0x44: {  	_ =	shalt  }
0x45: {  	_ =	shalt  }
0x46: {  	_ =	shalt  }
0x47: {  	_ =	shalt  }
0x48: {  	_ =	shalt  }
0x49: {  	_ =	shalt  }
0x4a: {  	_ =	shalt  }
0x4b: {  	_ =	shalt  }
0x4c: {  	_ =	shalt  }
0x4d: {  	_ =	shalt  }
0x4e: {  	_ =	shalt  }
0x4f: {  	_ =	shalt  }
0x50: {  	_ =	shalt  }
0x51: {  	_ =	shalt  }
0x52: {  	_ =	shalt  }
0x53: {  	_ =	shalt  }
0x54: {  	_ =	shalt  }
0x55: {  	_ =	shalt  }
0x56: {  	_ =	shalt  }
0x57: {  	_ =	shalt  }
0x58: {  	_ =	shalt  }
0x59: {  	_ =	shalt  }
0x5a: {  	_ =	shalt  }
0x5b: {  	_ =	shalt  }
0x5c: {  	_ =	shalt  }
0x5d: {  	_ =	shalt  }
0x5e: {  	_ =	shalt  }
0x5f: {  	_ =	shalt  }
0x60: {  	_ =	shalt  }
0x61: {  	_ =	shalt  }
0x62: {  	_ =	shalt  }
0x63: {  	_ =	shalt  }
0x64: {  	_ =	shalt  }
0x65: {  	_ =	shalt  }
0x66: {  	_ =	shalt  }
0x67: {  	_ =	shalt  }
0x68: {  	_ =	shalt  }
0x69: {  	_ =	shalt  }
0x6a: {  	_ =	shalt  }
0x6b: {  	_ =	shalt  }
0x6c: {  	_ =	shalt  }
0x6d: {  	_ =	shalt  }
0x6e: {  	_ =	shalt  }
0x6f: {  	_ =	shalt  }
0x70: {  	_ =	shalt  }
0x71: {  	_ =	shalt  }
0x72: {  	_ =	shalt  }
0x73: {  	_ =	shalt  }
0x74: {  	_ =	shalt  }
0x75: {  	_ =	shalt  }
0x76: {  	_ =	shalt  }
0x77: {  	_ =	shalt  }
0x78: {  	_ =	shalt  }
0x79: {  	_ =	shalt  }
0x7a: {  	_ =	shalt  }
0x7b: {  	_ =	shalt  }
0x7c: {  	_ =	shalt  }
0x7d: {  	_ =	shalt  }
0x7e: {  	_ =	shalt  }
0x7f: {  	_ =	shalt  }
0x80: {  	_ =	shalt  }
0x81: {  	_ =	shalt  }
0x82: {  	_ =	shalt  }
0x83: {  	_ =	shalt  }
0x84: {  	_ =	shalt  }
0x85: {  	_ =	shalt  }
0x86: {  	_ =	shalt  }
0x87: {  	_ =	shalt  }
.Lfunc_end0:
.L_simem_size_0:
called_computation.1_lowered:
.L_overlay_start_0:
0x88: {  	s2 =	sld [smem:$0x3FD9]  }
0x89: {  	s3 =	sld [smem:$0x3FFE];
	_ =	sdelay $0x1  }
0x8a: {  	s1 =	srdreg.scid  }
0x8b: {  	s0 =	sand.u32 $0x1, s1  }
0x8c: {  	s16 =	sshll.u32 s0, $0xA;
	s2 =	sadd.s32 s3, s2  }
0x8d: {  	s2 =	sadd.s32 s2, s16  }
0x8e: {  	[smem:$0x3FB6] =	sst s2  }
0x8f: {  	_ = 	snop  }
0x90: {  	(tm) =	ssettm $0x1  }
0x91: {  	s17 =	sld [smem:$0x3FFB];
	_ =	sdelay $0x3  }
0x92: {  	_ =	strace s17  }
0x93: {  	s2 =	sld [smem:$0x3FFC];
	_ =	sdelay $0x3  }
0x94: {  	_ =	strace s2  }
0x95: {  	s2 =	sld [smem:$0x3FFD];
	_ =	sdelay $0x3  }
0x96: {  	_ =	strace s2  }
0x97: {  	_ =	strace $0x8FFFFFFF  }
0x98: {  	s18 =	sld [smem:$0x3FDB];
	_ =	sdelay $0x1  }
0x99: {  	s19 =	simm.s32 $_scs_section_size  }
0x9a: {  	s4 =	simm.s32 $_size__tile_overlayer_lowered;
	s5 =	simm.s32 $_tile_overlayer_lowered  }
0x9b: {  	s22 =	simm.s32 $0x1BFF;
	s21 =	sshll.u32 s5, $0x1;
	s2 =	sadd.s32 s19, s18  }
0x9c: {  	s6 =	simm.s32 $0x0;
	s20 =	sshll.u32 s4, $0x1;
	s4 =	sadd.s32 s21, s2  }
0x9d: {  	[timem:s6], [sflag:s22] =	dma.local [hbm:s4], s20  }
0x9e: {  	_ =	swait.ge [sflag:s22], s20  }
0x9f: {  	s3 =	ssub.s32 $0x0, s20;
	[sflag:s22] =	ssyncset.done $0x0  }
0xa0: {  	[sflag:s22] =	ssyncadd.s32 s3;
	_ =	sdelay $0x1  }
0xa1: {  	s23 =	simm.s32 $0x1B8B  }
0xa2: {  	_ =	swait.ge [sflag:s23], $0x1  }
0xa3: {  	[sflag:s23] =	ssyncset.done $0x0  }
0xa4: {  	s25 =	simm.s32 $0x1B8E;
	s24 =	sld [smem:$0x3FFE];
	[sflag:s23] =	ssyncadd.s32 $0xFFFFFFFF  }
0xa5: {  	s26 =	simm.s32 $execute0_lowered;
	[smem:$0x3FD2] =	sst s25  }
0xa6: {  	s4 =	sshll.u32 s26, $0x1;
	_ =	strace $0x80000049;
	[dreg:$0x1] =	wrdreg $0xFFFFFFFF  }
0xa7: {  	s28 =	simm.s32 $_size_execute0_lowered;
	s2 =	sadd.s32 s2, s4;
	[dreg:$0x0] =	wrdreg $0x0  }
0xa8: {  	s4 =	sshll.u32 s28, $0x1;
	[dreg:$0x2] =	wrdreg s2  }
0xa9: {  	[dreg:$0x3] =	wrdreg s4  }
0xaa: {  	[dreg:$0x4] =	wrdreg $0xC0  }
0xab: {  	_ =	task [dreg:s6], $0x5FFFF  }
0xac: {  	[dreg:$0x1] =	wrdreg $0xFFFFFFFF  }
0xad: {  	[dreg:$0x0] =	wrdreg $0x60  }
0xae: {  	[dreg:$0x2] =	wrdreg s24  }
0xaf: {  	[dreg:$0x3] =	wrdreg $0x82000  }
0xb0: {  	[dreg:$0x4] =	wrdreg $0x9  }
0xb1: {  	_ =	task.clear_ibuf [dreg:s6], $0x5FFFF;
	_ =	strace $0x90000049  }
0xb2: {  	s29 =	simm.s32 $0x9;
	_ =	strace $0x8000004B  }
0xb3: {  	_ =	swait.ge [sflag:s29], $0x1  }
0xb4: {  	[sflag:s29] =	ssyncadd.s32 $0xFFFFFFFF  }
0xb5: {  	_ =	strace $0x9000004B  }
0xb6: {  	_ =	sfence  }
0xb7: {  	s30 =	sld [smem:$0x0];
	_ =	sdelay $0x2  }
0xb8: {  	s31 =	sshll.u32 s1, $0xD;
	s1 =	sshrl.u32 s1, $0x2  }
0xb9: {  	s3 =	sand.u32 $0x4000, s31;
	s1 =	sadd.s32 s1, s30  }
0xba: {  	s0 =	sor.u32 s3, s0;
	s1 =	sshll.u32 s1, $0x11  }
0xbb: {  	s0 =	sor.u32 s1, s0  }
0xbc: {  	s0 =	sadd.s32 $0x8F2B, s0  }
0xbd: {  	[sflag:s0] =	ssyncadd.remote.s32 $0x1  }
0xbe: {  	_ =	sfence.sel $0xFFFF  }
0xbf: {  	[dreg:$0x0] =	wrdreg $0xFFFFFFFF;
	(pc) =	sbr.abs _section_cstart, $3  }
0xc0: {  	[dreg:$0x1] =	wrdreg $0xFFFFFFFF  }
0xc1: {  	_ =	task.clear_ibuf [dreg:s6], $0x2FFFF;
	_ =	strace $0x9FFFFFFF  }
0xc2: {  	(tm) =	ssettm $0x7FFFFFFF  }
0xc3: {  	_ =	shalt  }
tec
execute0_lowered:
.L_overlay_start_1:
0x0: {  	(tag) =	ssettag $0x1  }
0x1: {  	s5 =	rddreg [dreg:$0x0]  }
0x2: {  	s2 =	rddreg [dreg:$0x1]  }
0x3: {  	s0 =	rddreg [dreg:$0x2]  }
0x4: {  	s3 =	simm.s32 $0x0;
	s4 =	srdreg.scid;
	s1 =	stileid.u32  }
0x5: {  	s17 =	simm.s32 $0x100;
	s18 =	simm.s32 $0x4200;
	s19 =	simm.s32 $0x1  }
0x6: {  	s20 =	simm.s32 $0x2;
	s21 =	simm.s32 $0x180;
	s22 =	simm.s32 $0x0  }
0x7: {  	[smem:$0x7FF] =	sst s3;
	s6 =	sand.u32 $0x1, s4;
	s7 =	smul.u32 $0x14000, s1  }
0x8: {  	s4 =	sadd.s32 $0x2C800, s5;
	s11 =	sadd.s32 $0x18800, s5;
	s9 =	sadd.s32 $0x54800, s5  }
0x9: {  	s10 =	sshll.u32 s1, $0x1;
	s28 =	smul.u32 $0xA0, s1;
	s30 =	sshll.u32 s1, $0x6  }
0xa: {  	_ =	strace $0x8000004A;
	s8 =	smul.u32 $0x140000, s6;
	s12 =	ssub.s32 $0x2, s6  }
0xb: {  	s10 =	sor.u32 s6, s10;
	p0 =	seq.s32 s6, $0x0;
	s15 =	smul.u32 $0x50, s6  }
0xc: {  	s13 =	sshrl.u32 s12, $0x1;
	s10 =	smul.u32 $0xA00, s10;
	s14 =	sadd.s32 s7, s2  }
0xd: {  	s16 =	sshrl.u32 s7, $0x3;
	s9 =	smov.u32 @p0 s4;
	s8 =	sadd.s32 s7, s8  }
0xe: {  	s12 =	ssub.s32 s12, s13;
	s29 =	sadd.s32 s15, s28;
	s9 =	sadd.s32 s9, s16  }
0xf: {  	s15 =	simm.s32 $0x80;
	s16 =	simm.s32 $0x200;
	s8 =	sshrl.u32 s8, $0x3  }
0x10: {  	s7 =	smax.u32 s12, $0x1;
	s13 =	sshll.u32 s29, $0x5;
	s8 =	sadd.s32 s8, s5  }
0x11: {  	s5 =	sadd.s32 s11, s10;
	s10 =	sor.u32 $0x1C03, s30;
	s31 =	sadd.s32 s13, s11  }
0x12: {  	s13 =	sshrl.u32 s14, $0x3;
	s14 =	simm.s32 $0x3;
	s6 =	sadd.s32 $0x7C800, s8  }
0x13: {  	s8 =	sadd.s32 $0x9E0, s5;
	s11 =	sadd.s32 $0x40, s31;
	s12 =	sadd.s32 $0x20, s31  }
.LBB2_1:
0x14: {  	[spmem:s13], [sflag:s10] =	dma.local [hbm:s9], $0x2800  }
0x15: {  	_ =	swait.ge [sflag:s14], $0x2800  }
0x16: {  	[sflag:s14] =	ssyncset.done $0x0  }
0x17: {  	[sflag:s14] =	ssyncadd.s32 $0xFFFFD800  }
0x18: {  	[bflag:$0x0] =	sbarrier.arrive $0xFFFF  }
0x19: {  	[tilespmem:s3], [sflag:$0x3] =	stream.linear.gather [hbm4b:s5+s3], $0x100, $0x38;
	[tilespmem:$0x1C200] =	vst v63  }
0x1a: {  	_ =	swait.ge [sflag:s14], $0x100  }
0x1b: {  	[sflag:s14] =	ssyncset.done $0x0  }
0x1c: {  	[sflag:s14] =	ssyncadd.s32 $0xFFFFFF00  }
0x1d: {  	[tilespmem:s16], [sflag:$0x1] =	stream.indirect.gather [hbm4b:s4+s15], $0x80, s3, s15, $0xb8;
	[tilespmem:$0x1C200] =	vst v63  }
0x1e: {  	s23 =	sadd.s32 $0x0, s12  }
0x1f: {  	[tilespmem:s17], [sflag:$0x3] =	stream.linear.gather [hbm4b:s23+s3], $0x100, $0x38;
	[tilespmem:$0x1C200] =	vst v63  }
0x20: {  	_ =	swait.ge [sflag:s14], $0x100  }
0x21: {  	[sflag:s14] =	ssyncset.done $0x0  }
0x22: {  	[sflag:s14] =	ssyncadd.s32 $0xFFFFFF00  }
0x23: {  	[tilespmem:s18], [sflag:$0x2] =	stream.indirect.gather [hbm4b:s4+s15], $0x80, s17, s15, $0xb8;
	[tilespmem:$0x1C200] =	vst v63  }
0x24: {  	_ =	swait.ge [sflag:s19], $0x4000  }
0x25: {  	[sflag:s19] =	ssyncset.done $0x0  }
0x26: {  	[sflag:s19] =	ssyncadd.s32 $0xFFFFC000  }
0x27: {  	[spmem:s2] =	stream.indirect.scatter.add.f32 [tilespmem:s16], [sflag:$0x3], $0x80, s15, s15, $0xb8;
	[tilespmem:$0x1C200] =	vst v63  }
0x28: {  	_ =	swait.ge [sflag:s14], $0x4000  }
0x29: {  	[sflag:s14] =	ssyncset.done $0x0  }
0x2a: {  	s31 =	sadd.s32 $0x0, s11;
	[sflag:s14] =	ssyncadd.s32 $0xFFFFC000  }
0x2b: {  	[tilespmem:s3], [sflag:$0x3] =	stream.linear.gather [hbm4b:s31+s3], $0x100, $0x38;
	[tilespmem:$0x1C200] =	vst v63  }
0x2c: {  	_ =	swait.ge [sflag:s14], $0x100  }
0x2d: {  	[sflag:s14] =	ssyncset.done $0x0  }
0x2e: {  	[sflag:s14] =	ssyncadd.s32 $0xFFFFFF00  }
0x2f: {  	[tilespmem:s16], [sflag:$0x1] =	stream.indirect.gather [hbm4b:s4+s15], $0x80, s3, s15, $0xb8;
	[tilespmem:$0x1C200] =	vst v63  }
0x30: {  	_ =	swait.ge [sflag:s20], $0x4000  }
0x31: {  	[sflag:s20] =	ssyncset.done $0x0  }
0x32: {  	[sflag:s20] =	ssyncadd.s32 $0xFFFFC000  }
0x33: {  	[spmem:s2] =	stream.indirect.scatter.add.f32 [tilespmem:s18], [sflag:$0x3], $0x80, s21, s15, $0xb8;
	[tilespmem:$0x1C200] =	vst v63  }
0x34: {  	_ =	swait.ge [sflag:s14], $0x4000  }
0x35: {  	s24 =	simm.s32 $0x80;
	s23 =	simm.s32 $0x40;
	[sflag:s14] =	ssyncset.done $0x0  }
.LBB2_2:
0x36: {  	s25 =	sadd.s32 s23, s12  }
0x37: {  	[sflag:s14] =	ssyncadd.s32 $0xFFFFC000;
	s26 =	smov.u32 s24;
	s28 =	sadd.s32 $0x40, s24  }
0x38: {  	[tilespmem:s17], [sflag:$0x3] =	stream.linear.gather [hbm4b:s25+s3], $0x100, $0x38;
	[tilespmem:$0x1C200] =	vst v63  }
0x39: {  	p0 =	sne.s32 s24, $0x980;
	_ =	swait.ge [sflag:s14], $0x100  }
0x3a: {  	[sflag:s14] =	ssyncset.done $0x0  }
0x3b: {  	[sflag:s14] =	ssyncadd.s32 $0xFFFFFF00  }
0x3c: {  	[tilespmem:s18], [sflag:$0x2] =	stream.indirect.gather [hbm4b:s4+s15], $0x80, s17, s15, $0xb8;
	[tilespmem:$0x1C200] =	vst v63  }
0x3d: {  	_ =	swait.ge [sflag:s19], $0x4000  }
0x3e: {  	[sflag:s19] =	ssyncset.done $0x0  }
0x3f: {  	[sflag:s19] =	ssyncadd.s32 $0xFFFFC000  }
0x40: {  	[spmem:s2] =	stream.indirect.scatter.add.f32 [tilespmem:s16], [sflag:$0x3], $0x80, s15, s15, $0xb8;
	[tilespmem:$0x1C200] =	vst v63  }
0x41: {  	_ =	swait.ge [sflag:s14], $0x4000  }
0x42: {  	[sflag:s14] =	ssyncset.done $0x0  }
0x43: {  	s24 =	sadd.s32 s23, s11;
	s23 =	smov.u32 s26;
	[sflag:s14] =	ssyncadd.s32 $0xFFFFC000  }
0x44: {  	[tilespmem:s3], [sflag:$0x3] =	stream.linear.gather [hbm4b:s24+s3], $0x100, $0x38;
	[tilespmem:$0x1C200] =	vst v63  }
0x45: {  	_ =	swait.ge [sflag:s14], $0x100  }
0x46: {  	[sflag:s14] =	ssyncset.done $0x0  }
0x47: {  	[sflag:s14] =	ssyncadd.s32 $0xFFFFFF00  }
0x48: {  	[tilespmem:s16], [sflag:$0x1] =	stream.indirect.gather [hbm4b:s4+s15], $0x80, s3, s15, $0xb8;
	[tilespmem:$0x1C200] =	vst v63  }
0x49: {  	_ =	swait.ge [sflag:s20], $0x4000  }
.Ltmp0:
0x4a: {  	[sflag:s20] =	ssyncset.done $0x0;
	(pc) =	sbr.rel @p0 .LBB2_2-.Ltmp0, $4  }
0x4b: {  	[sflag:s20] =	ssyncadd.s32 $0xFFFFC000  }
0x4c: {  	[spmem:s2] =	stream.indirect.scatter.add.f32 [tilespmem:s18], [sflag:$0x3], $0x80, s21, s15, $0xb8;
	[tilespmem:$0x1C200] =	vst v63  }
0x4d: {  	_ =	swait.ge [sflag:s14], $0x4000  }
0x4e: {  	s24 =	smov.u32 s28;
	[sflag:s14] =	ssyncset.done $0x0  }
0x4f: {  	s24 =	sadd.s32 s23, s12;
	[sflag:s14] =	ssyncadd.s32 $0xFFFFC000  }
0x50: {  	[tilespmem:s17], [sflag:$0x3] =	stream.linear.gather [hbm4b:s24+s3], $0x100, $0x38;
	[tilespmem:$0x1C200] =	vst v63  }
0x51: {  	_ =	swait.ge [sflag:s14], $0x100  }
0x52: {  	[sflag:s14] =	ssyncset.done $0x0  }
0x53: {  	[sflag:s14] =	ssyncadd.s32 $0xFFFFFF00  }
0x54: {  	[tilespmem:s18], [sflag:$0x2] =	stream.indirect.gather [hbm4b:s4+s15], $0x80, s17, s15, $0xb8;
	[tilespmem:$0x1C200] =	vst v63  }
0x55: {  	_ =	swait.ge [sflag:s19], $0x4000  }
0x56: {  	[sflag:s19] =	ssyncset.done $0x0  }
0x57: {  	[sflag:s19] =	ssyncadd.s32 $0xFFFFC000  }
0x58: {  	[spmem:s2] =	stream.indirect.scatter.add.f32 [tilespmem:s16], [sflag:$0x3], $0x80, s15, s15, $0xb8;
	[tilespmem:$0x1C200] =	vst v63  }
0x59: {  	_ =	swait.ge [sflag:s14], $0x4000  }
0x5a: {  	[sflag:s14] =	ssyncset.done $0x0  }
0x5b: {  	s31 =	sadd.s32 s23, s11;
	[sflag:s14] =	ssyncadd.s32 $0xFFFFC000  }
0x5c: {  	[tilespmem:s3], [sflag:$0x3] =	stream.linear.gather [hbm4b:s31+s3], $0x100, $0x38;
	[tilespmem:$0x1C200] =	vst v63  }
0x5d: {  	_ =	swait.ge [sflag:s14], $0x100  }
0x5e: {  	[sflag:s14] =	ssyncset.done $0x0  }
0x5f: {  	[sflag:s14] =	ssyncadd.s32 $0xFFFFFF00  }
0x60: {  	[tilespmem:s16], [sflag:$0x1] =	stream.indirect.gather [hbm4b:s4+s15], $0x80, s3, s15, $0xb8;
	[tilespmem:$0x1C200] =	vst v63  }
0x61: {  	_ =	swait.ge [sflag:s20], $0x4000  }
0x62: {  	[sflag:s20] =	ssyncset.done $0x0  }
0x63: {  	[sflag:s20] =	ssyncadd.s32 $0xFFFFC000  }
0x64: {  	[spmem:s2] =	stream.indirect.scatter.add.f32 [tilespmem:s18], [sflag:$0x3], $0x80, s21, s15, $0xb8;
	[tilespmem:$0x1C200] =	vst v63  }
0x65: {  	_ =	swait.ge [sflag:s14], $0x4000  }
0x66: {  	[sflag:s14] =	ssyncset.done $0x0  }
0x67: {  	[sflag:s14] =	ssyncadd.s32 $0xFFFFC000  }
0x68: {  	[tilespmem:s17], [sflag:$0x3] =	stream.linear.gather [hbm4b:s8+s3], $0x100, $0x38;
	[tilespmem:$0x1C200] =	vst v63  }
0x69: {  	_ =	swait.ge [sflag:s14], $0x100  }
0x6a: {  	[sflag:s14] =	ssyncset.done $0x0  }
0x6b: {  	[sflag:s14] =	ssyncadd.s32 $0xFFFFFF00  }
0x6c: {  	[tilespmem:s18], [sflag:$0x2] =	stream.indirect.gather [hbm4b:s4+s15], $0x80, s17, s15, $0xb8;
	[tilespmem:$0x1C200] =	vst v63  }
0x6d: {  	_ =	swait.ge [sflag:s19], $0x4000  }
0x6e: {  	[sflag:s19] =	ssyncset.done $0x0  }
0x6f: {  	[sflag:s19] =	ssyncadd.s32 $0xFFFFC000  }
0x70: {  	[spmem:s2] =	stream.indirect.scatter.add.f32 [tilespmem:s16], [sflag:$0x3], $0x80, s15, s15, $0xb8;
	[tilespmem:$0x1C200] =	vst v63  }
0x71: {  	_ =	swait.ge [sflag:s14], $0x4000  }
0x72: {  	[sflag:s14] =	ssyncset.done $0x0  }
0x73: {  	[sflag:s14] =	ssyncadd.s32 $0xFFFFC000  }
0x74: {  	_ =	swait.ge [sflag:s20], $0x4000  }
0x75: {  	[sflag:s20] =	ssyncset.done $0x0  }
0x76: {  	[sflag:s20] =	ssyncadd.s32 $0xFFFFC000  }
0x77: {  	[spmem:s2] =	stream.indirect.scatter.add.f32 [tilespmem:s18], [sflag:$0x3], $0x80, s21, s15, $0xb8;
	[tilespmem:$0x1C200] =	vst v63  }
0x78: {  	_ =	swait.ge [sflag:s14], $0x4000  }
0x79: {  	s22 =	sadd.s32 $0x1, s22;
	[sflag:s14] =	ssyncset.done $0x0  }
0x7a: {  	p0 =	sne.s32 s22, s7;
	[sflag:s14] =	ssyncadd.s32 $0xFFFFC000  }
.Ltmp1:
0x7b: {  	[bflag:$0x0] =	sbarrier.arrive $0xFFFF;
	(pc) =	sbr.rel @p0 .LBB2_1-.Ltmp1, $4  }
0x7c: {  	[hbm:s6], [sflag:s10] =	dma.local [spmem:s13], $0x2800  }
0x7d: {  	_ =	swait.ge [sflag:s14], $0x2800  }
0x7e: {  	[sflag:s14] =	ssyncset.done $0x0  }
0x7f: {  	[sflag:s14] =	ssyncadd.s32 $0xFFFFD800  }
0x80: {  	_ =	sfence.sel $0x180000  }
0x81: {  	[bflag:$0x0] =	sbarrier.arrive $0xFFFF  }
0x82: {  	p0 =	sne.s32 s1, $0x0;
	_ =	strace $0x9000004A  }
0x83: {  	s0 =	sadd.s32 @!p0 $0x100000, s0;
	[bflag:$0x2] =	sbarrier.arrive $0xFFFF  }
0x84: {  	[sflag:s0] =	ssyncadd.tile.s32 @!p0 $0x1;
	_ =	shalt  }
.Lfunc_end2:
_tile_overlayer_lowered:
.L_overlay_start_2:
0x85: {  	(tag) =	ssettag $0x2  }
0x86: {  	s0 =	rddreg [dreg:$0x0];
	s2 =	stileid.u32  }
0x87: {  	s1 =	rddreg [dreg:$0x1];
	p0 =	sne.s32 s2, $0x0  }
0x88: {  	s3 =	rddreg [dreg:$0x2];
	[bflag:$0x3] =	sbarrier.arrive $0xFFFF;
	s2 =	simm.s32 @!p0 $0x1C03  }
0x89: {  	[timem:s3], [sflag:s2] =	dma.local @!p0 [hbm:s0], s1  }
0x8a: {  	s0 =	simm.s32 @!p0 $0x3  }
0x8b: {  	_ =	swait.ge @!p0 [sflag:s0], s1  }
0x8c: {  	s1 =	ssub.s32 @!p0 $0x0, s1;
	[sflag:s0] =	ssyncset.done @!p0 $0x0  }
0x8d: {  	[sflag:s0] =	ssyncadd.s32 @!p0 s1  }
0x8e: {  	[bflag:$0x3] =	sbarrier.arrive $0xFFFF  }
0x8f: {  	_ =	shalt  }

// kernel: kernel.19.cloned.1.call-start
scs
__scs_entry_jumppad:
0x0: {  	(pc) =	sbr.rel $0x88, $3  }
0x1: {  	(tag) =	ssettag $0x0;
	lr =	simm.s32 $0x1  }
0x2: {  	[smem:$0x3F8F] =	sst lr;
	_ =	strace $0xD0000000  }
0x3: {  	_ = 	snop  }
0x4: {  	_ = 	snop  }
0x5: {  	_ = 	snop  }
0x6: {  	_ = 	snop  }
0x7: {  	_ = 	snop  }
__scs_overlays_trampoline_lowered:
0x8: {  	[smem:$0x3F9E] =	sst s0  }
0x9: {  	[smem:$0x3F9F] =	sst s1  }
0xa: {  	[smem:$0x3FA0] =	sst s2  }
0xb: {  	[smem:$0x3FA1] =	sst s3  }
0xc: {  	[smem:$0x3FA2] =	sst s4  }
0xd: {  	[smem:$0x3FA3] =	sst s5  }
0xe: {  	[smem:$0x3FA4] =	sst s6  }
0xf: {  	[smem:$0x3FA5] =	sst s7  }
0x10: {  	[smem:$0x3FA6] =	sst s8  }
0x11: {  	[smem:$0x3FA7] =	sst s9;
	s0 =	simm.s32 @!p0 $0x0  }
0x12: {  	s1 =	sld [smem:$0x3F8D];
	s0 =	simm.s32 @p0 $0x1  }
0x13: {  	[smem:$0x3FA8] =	sst s0;
	s0 =	simm.s32 @!p1 $0x0  }
0x14: {  	s2 =	sld [smem:$0x3F8C];
	s0 =	simm.s32 @p1 $0x1  }
0x15: {  	[smem:$0x3FA9] =	sst s0;
	s0 =	simm.s32 @!p2 $0x0  }
0x16: {  	s3 =	sld [smem:$0x3FDB];
	s0 =	simm.s32 @p2 $0x1  }
0x17: {  	s4 =	simm.s32 $0x1BF5;
	[smem:$0x3FAB] =	sst s0  }
0x18: {  	s0 =	sld [smem:$0x3F8E];
	_ =	swait.ge [sflag:s4], $0x0  }
0x19: {  	s7 =	sld [smem:$0x3F8F]  }
0x1a: {  	s8 =	sadd.s32 $0xFFFFE003, lr  }
0x1b: {  	s9 =	sadd.s32 $0xFFFFFEF7, lr;
	s5 =	simm.s32 $0xFFFFFFFF;
	p2 =	slt.u32 s8, $0xFFFFF086  }
0x1c: {  	p1 =	slt.u32 s9, $0xF7A;
	s5 =	simm.s32 @!p2 $0x0  }
0x1d: {  	s5 =	simm.s32 @p1 $0x1;
	p0 =	seq.s32 s7, s2  }
0x1e: {  	s7 =	smul.u32 @!p0 $0xF7A, s2;
	p2 =	seq.s32 @!p0 s5, $0x0  }
0x1f: {  	s9 =	smul.u32 $0xF7A, s1;
	s8 =	simm.s32 @!p0 $0x1BF5;
	p2 =	por !p2, p0  }
0x20: {  	[sflag:s8] =	ssyncset.s32 @!p0 $0xFFFFF086;
	s6 =	sadd.s32 @!p0 s3, s7;
	s7 =	simm.s32 @!p0 $0x108  }
0x21: {  	s3 =	sadd.s32 s3, s9;
	s6 =	sadd.s32 @!p0 $0x88, s6;
	s7 =	simm.s32 @p2 $0x1082  }
0x22: {  	[simem:s7], [sflag:s8] =	dma.local @!p0 [hbm:s6], $0xF7A  }
0x23: {  	s9 =	sor.u32 $0xD0000000, s2;
	s6 =	simm.s32 $0x108;
	_ =	swait.ge @!p0 [sflag:s8], $0x0  }
0x24: {  	s3 =	sadd.s32 $0x88, s3;
	s6 =	simm.s32 @!p1 $0x1082;
	[sflag:s4] =	ssyncset.s32 $0xFFFFF086  }
0x25: {  	[simem:s6], [sflag:s4] =	dma.local [hbm:s3], $0xF7A  }
0x26: {  	[smem:$0x3F8F] =	sst s1;
	(tag) =	ssettag s2;
	_ =	strace s9  }
0x27: {  	s1 =	sld [smem:$0x3F9F]  }
0x28: {  	s2 =	sld [smem:$0x3FA0]  }
0x29: {  	s4 =	sld [smem:$0x3FA2]  }
0x2a: {  	p0 =	seq.s32 s5, $0x0;
	s5 =	sld [smem:$0x3FA3]  }
0x2b: {  	s6 =	sld [smem:$0x3FA4]  }
0x2c: {  	s7 =	sld [smem:$0x3FA5]  }
0x2d: {  	s3 =	simm.s32 $0x108;
	s8 =	sld [smem:$0x3FA6]  }
0x2e: {  	s3 =	simm.s32 @!p0 $0x1082;
	s9 =	sld [smem:$0x3FA7]  }
0x2f: {  	lr =	sadd.s32 s0, s3;
	s0 =	sld [smem:$0x3F9E]  }
0x30: {  	s3 =	sld [smem:$0x3FA1]  }
0x31: {  	[smem:$0x3FAA] =	sst s10  }
0x32: {  	s10 =	sld [smem:$0x3FA8];
	_ =	sdelay $0x3  }
0x33: {  	p0 =	seq.s32 s10, $0x1;
	s10 =	sld [smem:$0x3FAA];
	_ =	sdelay $0x3  }
0x34: {  	[smem:$0x3FAA] =	sst s10  }
0x35: {  	s10 =	sld [smem:$0x3FA9];
	_ =	sdelay $0x3  }
0x36: {  	p1 =	seq.s32 s10, $0x1;
	s10 =	sld [smem:$0x3FAA];
	_ =	sdelay $0x3  }
0x37: {  	[smem:$0x3FAA] =	sst s10  }
0x38: {  	s10 =	sld [smem:$0x3FAB]  }
0x39: {  	_ = 	snop;
	(pc) =	sbr.ind lr, $3  }
0x3a: {  	_ = 	snop  }
0x3b: {  	_ = 	snop  }
0x3c: {  	p2 =	seq.s32 s10, $0x1;
	s10 =	sld [smem:$0x3FAA]  }
0x3d: {  	_ =	shalt  }
0x3e: {  	_ =	shalt  }
0x3f: {  	_ =	shalt  }
0x40: {  	_ =	shalt  }
0x41: {  	_ =	shalt  }
0x42: {  	_ =	shalt  }
0x43: {  	_ =	shalt  }
0x44: {  	_ =	shalt  }
0x45: {  	_ =	shalt  }
0x46: {  	_ =	shalt  }
0x47: {  	_ =	shalt  }
0x48: {  	_ =	shalt  }
0x49: {  	_ =	shalt  }
0x4a: {  	_ =	shalt  }
0x4b: {  	_ =	shalt  }
0x4c: {  	_ =	shalt  }
0x4d: {  	_ =	shalt  }
0x4e: {  	_ =	shalt  }
0x4f: {  	_ =	shalt  }
0x50: {  	_ =	shalt  }
0x51: {  	_ =	shalt  }
0x52: {  	_ =	shalt  }
0x53: {  	_ =	shalt  }
0x54: {  	_ =	shalt  }
0x55: {  	_ =	shalt  }
0x56: {  	_ =	shalt  }
0x57: {  	_ =	shalt  }
0x58: {  	_ =	shalt  }
0x59: {  	_ =	shalt  }
0x5a: {  	_ =	shalt  }
0x5b: {  	_ =	shalt  }
0x5c: {  	_ =	shalt  }
0x5d: {  	_ =	shalt  }
0x5e: {  	_ =	shalt  }
0x5f: {  	_ =	shalt  }
0x60: {  	_ =	shalt  }
0x61: {  	_ =	shalt  }
0x62: {  	_ =	shalt  }
0x63: {  	_ =	shalt  }
0x64: {  	_ =	shalt  }
0x65: {  	_ =	shalt  }
0x66: {  	_ =	shalt  }
0x67: {  	_ =	shalt  }
0x68: {  	_ =	shalt  }
0x69: {  	_ =	shalt  }
0x6a: {  	_ =	shalt  }
0x6b: {  	_ =	shalt  }
0x6c: {  	_ =	shalt  }
0x6d: {  	_ =	shalt  }
0x6e: {  	_ =	shalt  }
0x6f: {  	_ =	shalt  }
0x70: {  	_ =	shalt  }
0x71: {  	_ =	shalt  }
0x72: {  	_ =	shalt  }
0x73: {  	_ =	shalt  }
0x74: {  	_ =	shalt  }
0x75: {  	_ =	shalt  }
0x76: {  	_ =	shalt  }
0x77: {  	_ =	shalt  }
0x78: {  	_ =	shalt  }
0x79: {  	_ =	shalt  }
0x7a: {  	_ =	shalt  }
0x7b: {  	_ =	shalt  }
0x7c: {  	_ =	shalt  }
0x7d: {  	_ =	shalt  }
0x7e: {  	_ =	shalt  }
0x7f: {  	_ =	shalt  }
0x80: {  	_ =	shalt  }
0x81: {  	_ =	shalt  }
0x82: {  	_ =	shalt  }
0x83: {  	_ =	shalt  }
0x84: {  	_ =	shalt  }
0x85: {  	_ =	shalt  }
0x86: {  	_ =	shalt  }
0x87: {  	_ =	shalt  }
.Lfunc_end0:
.L_simem_size_0:
called_computation.2_lowered:
.L_overlay_start_0:
0x88: {  	s2 =	sld [smem:$0x3FD9]  }
0x89: {  	s3 =	sld [smem:$0x3FFE];
	_ =	sdelay $0x1  }
0x8a: {  	s1 =	srdreg.scid  }
0x8b: {  	s0 =	sand.u32 $0x1, s1  }
0x8c: {  	s16 =	sshll.u32 s0, $0xA;
	s2 =	sadd.s32 s3, s2  }
0x8d: {  	s2 =	sadd.s32 s2, s16  }
0x8e: {  	[smem:$0x3FB6] =	sst s2  }
0x8f: {  	_ = 	snop  }
0x90: {  	(tm) =	ssettm $0x1  }
0x91: {  	s17 =	sld [smem:$0x3FFB];
	_ =	sdelay $0x3  }
0x92: {  	_ =	strace s17  }
0x93: {  	s2 =	sld [smem:$0x3FFC];
	_ =	sdelay $0x3  }
0x94: {  	_ =	strace s2  }
0x95: {  	s2 =	sld [smem:$0x3FFD];
	_ =	sdelay $0x3  }
0x96: {  	_ =	strace s2  }
0x97: {  	_ =	strace $0x8FFFFFFF  }
0x98: {  	s18 =	sld [smem:$0x3FDB];
	_ =	sdelay $0x1  }
0x99: {  	s19 =	simm.s32 $_scs_section_size  }
0x9a: {  	s4 =	simm.s32 $_size__tile_overlayer_lowered;
	s5 =	simm.s32 $_tile_overlayer_lowered  }
0x9b: {  	s22 =	simm.s32 $0x1BFF;
	s21 =	sshll.u32 s5, $0x1;
	s2 =	sadd.s32 s19, s18  }
0x9c: {  	s6 =	simm.s32 $0x0;
	s20 =	sshll.u32 s4, $0x1;
	s4 =	sadd.s32 s21, s2  }
0x9d: {  	[timem:s6], [sflag:s22] =	dma.local [hbm:s4], s20  }
0x9e: {  	_ =	swait.ge [sflag:s22], s20  }
0x9f: {  	s3 =	ssub.s32 $0x0, s20;
	[sflag:s22] =	ssyncset.done $0x0  }
0xa0: {  	[sflag:s22] =	ssyncadd.s32 s3;
	_ =	sdelay $0x1  }
0xa1: {  	s23 =	simm.s32 $0x1B8B  }
0xa2: {  	_ =	swait.ge [sflag:s23], $0x1  }
0xa3: {  	[sflag:s23] =	ssyncset.done $0x0  }
0xa4: {  	s25 =	simm.s32 $0x1B8E;
	s24 =	sld [smem:$0x3FFE];
	[sflag:s23] =	ssyncadd.s32 $0xFFFFFFFF  }
0xa5: {  	s26 =	simm.s32 $execute0_lowered;
	[smem:$0x3FD2] =	sst s25  }
0xa6: {  	s4 =	sshll.u32 s26, $0x1;
	_ =	strace $0x8000004C;
	[dreg:$0x1] =	wrdreg $0xFFFFFFFF  }
0xa7: {  	s28 =	simm.s32 $_size_execute0_lowered;
	s2 =	sadd.s32 s2, s4;
	[dreg:$0x0] =	wrdreg $0x0  }
0xa8: {  	s4 =	sshll.u32 s28, $0x1;
	[dreg:$0x2] =	wrdreg s2  }
0xa9: {  	[dreg:$0x3] =	wrdreg s4  }
0xaa: {  	[dreg:$0x4] =	wrdreg $0xC0  }
0xab: {  	_ =	task [dreg:s6], $0x5FFFF  }
0xac: {  	[dreg:$0x1] =	wrdreg $0xFFFFFFFF  }
0xad: {  	[dreg:$0x0] =	wrdreg $0x60  }
0xae: {  	[dreg:$0x2] =	wrdreg s24  }
0xaf: {  	[dreg:$0x3] =	wrdreg $0x82000  }
0xb0: {  	[dreg:$0x4] =	wrdreg $0x9  }
0xb1: {  	_ =	task.clear_ibuf [dreg:s6], $0x5FFFF;
	_ =	strace $0x9000004C  }
0xb2: {  	s29 =	simm.s32 $0x9;
	_ =	strace $0x8000004E  }
0xb3: {  	_ =	swait.ge [sflag:s29], $0x1  }
0xb4: {  	[sflag:s29] =	ssyncadd.s32 $0xFFFFFFFF  }
0xb5: {  	_ =	strace $0x9000004E  }
0xb6: {  	_ =	sfence  }
0xb7: {  	s30 =	sld [smem:$0x0];
	_ =	sdelay $0x2  }
0xb8: {  	s31 =	sshll.u32 s1, $0xD;
	s1 =	sshrl.u32 s1, $0x2  }
0xb9: {  	s3 =	sand.u32 $0x4000, s31;
	s1 =	sadd.s32 s1, s30  }
0xba: {  	s0 =	sor.u32 s3, s0;
	s1 =	sshll.u32 s1, $0x11  }
0xbb: {  	s0 =	sor.u32 s1, s0  }
0xbc: {  	s0 =	sadd.s32 $0x8F2B, s0  }
0xbd: {  	[sflag:s0] =	ssyncadd.remote.s32 $0x1  }
0xbe: {  	_ =	sfence.sel $0xFFFF  }
0xbf: {  	[dreg:$0x0] =	wrdreg $0xFFFFFFFF;
	(pc) =	sbr.abs _section_cstart, $3  }
0xc0: {  	[dreg:$0x1] =	wrdreg $0xFFFFFFFF  }
0xc1: {  	_ =	task.clear_ibuf [dreg:s6], $0x2FFFF;
	_ =	strace $0x9FFFFFFF  }
0xc2: {  	(tm) =	ssettm $0x7FFFFFFF  }
0xc3: {  	_ =	shalt  }
tec
execute0_lowered:
.L_overlay_start_1:
0x0: {  	(tag) =	ssettag $0x1  }
0x1: {  	s5 =	rddreg [dreg:$0x0]  }
0x2: {  	s2 =	rddreg [dreg:$0x1]  }
0x3: {  	s0 =	rddreg [dreg:$0x2]  }
0x4: {  	s3 =	simm.s32 $0x0;
	s4 =	srdreg.scid;
	s1 =	stileid.u32  }
0x5: {  	s17 =	simm.s32 $0x100;
	s18 =	simm.s32 $0x4200;
	s19 =	simm.s32 $0x1  }
0x6: {  	s20 =	simm.s32 $0x2;
	s21 =	simm.s32 $0x180;
	s22 =	simm.s32 $0x0  }
0x7: {  	[smem:$0x7FF] =	sst s3;
	s6 =	sand.u32 $0x1, s4;
	s7 =	smul.u32 $0x14000, s1  }
0x8: {  	s4 =	sadd.s32 $0x2C800, s5;
	s11 =	sadd.s32 $0x18800, s5;
	s9 =	sadd.s32 $0x54800, s5  }
0x9: {  	s10 =	sshll.u32 s1, $0x1;
	s28 =	smul.u32 $0xA0, s1;
	s30 =	sshll.u32 s1, $0x6  }
0xa: {  	_ =	strace $0x8000004D;
	s8 =	smul.u32 $0x140000, s6;
	s12 =	ssub.s32 $0x2, s6  }
0xb: {  	s10 =	sor.u32 s6, s10;
	p0 =	seq.s32 s6, $0x0;
	s15 =	smul.u32 $0x50, s6  }
0xc: {  	s13 =	sshrl.u32 s12, $0x1;
	s10 =	smul.u32 $0xA00, s10;
	s14 =	sadd.s32 s7, s2  }
0xd: {  	s16 =	sshrl.u32 s7, $0x3;
	s9 =	smov.u32 @p0 s4;
	s8 =	sadd.s32 s7, s8  }
0xe: {  	s12 =	ssub.s32 s12, s13;
	s29 =	sadd.s32 s15, s28;
	s9 =	sadd.s32 s9, s16  }
0xf: {  	s15 =	simm.s32 $0x80;
	s16 =	simm.s32 $0x200;
	s8 =	sshrl.u32 s8, $0x3  }
0x10: {  	s7 =	smax.u32 s12, $0x1;
	s13 =	sshll.u32 s29, $0x5;
	s8 =	sadd.s32 s8, s5  }
0x11: {  	s5 =	sadd.s32 s11, s10;
	s10 =	sor.u32 $0x1C03, s30;
	s31 =	sadd.s32 s13, s11  }
0x12: {  	s13 =	sshrl.u32 s14, $0x3;
	s14 =	simm.s32 $0x3;
	s6 =	sadd.s32 $0x7C800, s8  }
0x13: {  	s8 =	sadd.s32 $0x9E0, s5;
	s11 =	sadd.s32 $0x40, s31;
	s12 =	sadd.s32 $0x20, s31  }
.LBB2_1:
0x14: {  	[spmem:s13], [sflag:s10] =	dma.local [hbm:s9], $0x2800  }
0x15: {  	_ =	swait.ge [sflag:s14], $0x2800  }
0x16: {  	[sflag:s14] =	ssyncset.done $0x0  }
0x17: {  	[sflag:s14] =	ssyncadd.s32 $0xFFFFD800  }
0x18: {  	[bflag:$0x0] =	sbarrier.arrive $0xFFFF  }
0x19: {  	[tilespmem:s3], [sflag:$0x3] =	stream.linear.gather [hbm4b:s5+s3], $0x100, $0x38;
	[tilespmem:$0x1C200] =	vst v63  }
0x1a: {  	_ =	swait.ge [sflag:s14], $0x100  }
0x1b: {  	[sflag:s14] =	ssyncset.done $0x0  }
0x1c: {  	[sflag:s14] =	ssyncadd.s32 $0xFFFFFF00  }
0x1d: {  	[tilespmem:s16], [sflag:$0x1] =	stream.indirect.gather [hbm4b:s4+s15], $0x80, s3, s15, $0xb8;
	[tilespmem:$0x1C200] =	vst v63  }
0x1e: {  	s23 =	sadd.s32 $0x0, s12  }
0x1f: {  	[tilespmem:s17], [sflag:$0x3] =	stream.linear.gather [hbm4b:s23+s3], $0x100, $0x38;
	[tilespmem:$0x1C200] =	vst v63  }
0x20: {  	_ =	swait.ge [sflag:s14], $0x100  }
0x21: {  	[sflag:s14] =	ssyncset.done $0x0  }
0x22: {  	[sflag:s14] =	ssyncadd.s32 $0xFFFFFF00  }
0x23: {  	[tilespmem:s18], [sflag:$0x2] =	stream.indirect.gather [hbm4b:s4+s15], $0x80, s17, s15, $0xb8;
	[tilespmem:$0x1C200] =	vst v63  }
0x24: {  	_ =	swait.ge [sflag:s19], $0x4000  }
0x25: {  	[sflag:s19] =	ssyncset.done $0x0  }
0x26: {  	[sflag:s19] =	ssyncadd.s32 $0xFFFFC000  }
0x27: {  	[spmem:s2] =	stream.indirect.scatter.add.f32 [tilespmem:s16], [sflag:$0x3], $0x80, s15, s15, $0xb8;
	[tilespmem:$0x1C200] =	vst v63  }
0x28: {  	_ =	swait.ge [sflag:s14], $0x4000  }
0x29: {  	[sflag:s14] =	ssyncset.done $0x0  }
0x2a: {  	s31 =	sadd.s32 $0x0, s11;
	[sflag:s14] =	ssyncadd.s32 $0xFFFFC000  }
0x2b: {  	[tilespmem:s3], [sflag:$0x3] =	stream.linear.gather [hbm4b:s31+s3], $0x100, $0x38;
	[tilespmem:$0x1C200] =	vst v63  }
0x2c: {  	_ =	swait.ge [sflag:s14], $0x100  }
0x2d: {  	[sflag:s14] =	ssyncset.done $0x0  }
0x2e: {  	[sflag:s14] =	ssyncadd.s32 $0xFFFFFF00  }
0x2f: {  	[tilespmem:s16], [sflag:$0x1] =	stream.indirect.gather [hbm4b:s4+s15], $0x80, s3, s15, $0xb8;
	[tilespmem:$0x1C200] =	vst v63  }
0x30: {  	_ =	swait.ge [sflag:s20], $0x4000  }
0x31: {  	[sflag:s20] =	ssyncset.done $0x0  }
0x32: {  	[sflag:s20] =	ssyncadd.s32 $0xFFFFC000  }
0x33: {  	[spmem:s2] =	stream.indirect.scatter.add.f32 [tilespmem:s18], [sflag:$0x3], $0x80, s21, s15, $0xb8;
	[tilespmem:$0x1C200] =	vst v63  }
0x34: {  	_ =	swait.ge [sflag:s14], $0x4000  }
0x35: {  	s24 =	simm.s32 $0x80;
	s23 =	simm.s32 $0x40;
	[sflag:s14] =	ssyncset.done $0x0  }
.LBB2_2:
0x36: {  	s25 =	sadd.s32 s23, s12  }
0x37: {  	[sflag:s14] =	ssyncadd.s32 $0xFFFFC000;
	s26 =	smov.u32 s24;
	s28 =	sadd.s32 $0x40, s24  }
0x38: {  	[tilespmem:s17], [sflag:$0x3] =	stream.linear.gather [hbm4b:s25+s3], $0x100, $0x38;
	[tilespmem:$0x1C200] =	vst v63  }
0x39: {  	p0 =	sne.s32 s24, $0x980;
	_ =	swait.ge [sflag:s14], $0x100  }
0x3a: {  	[sflag:s14] =	ssyncset.done $0x0  }
0x3b: {  	[sflag:s14] =	ssyncadd.s32 $0xFFFFFF00  }
0x3c: {  	[tilespmem:s18], [sflag:$0x2] =	stream.indirect.gather [hbm4b:s4+s15], $0x80, s17, s15, $0xb8;
	[tilespmem:$0x1C200] =	vst v63  }
0x3d: {  	_ =	swait.ge [sflag:s19], $0x4000  }
0x3e: {  	[sflag:s19] =	ssyncset.done $0x0  }
0x3f: {  	[sflag:s19] =	ssyncadd.s32 $0xFFFFC000  }
0x40: {  	[spmem:s2] =	stream.indirect.scatter.add.f32 [tilespmem:s16], [sflag:$0x3], $0x80, s15, s15, $0xb8;
	[tilespmem:$0x1C200] =	vst v63  }
0x41: {  	_ =	swait.ge [sflag:s14], $0x4000  }
0x42: {  	[sflag:s14] =	ssyncset.done $0x0  }
0x43: {  	s24 =	sadd.s32 s23, s11;
	s23 =	smov.u32 s26;
	[sflag:s14] =	ssyncadd.s32 $0xFFFFC000  }
0x44: {  	[tilespmem:s3], [sflag:$0x3] =	stream.linear.gather [hbm4b:s24+s3], $0x100, $0x38;
	[tilespmem:$0x1C200] =	vst v63  }
0x45: {  	_ =	swait.ge [sflag:s14], $0x100  }
0x46: {  	[sflag:s14] =	ssyncset.done $0x0  }
0x47: {  	[sflag:s14] =	ssyncadd.s32 $0xFFFFFF00  }
0x48: {  	[tilespmem:s16], [sflag:$0x1] =	stream.indirect.gather [hbm4b:s4+s15], $0x80, s3, s15, $0xb8;
	[tilespmem:$0x1C200] =	vst v63  }
0x49: {  	_ =	swait.ge [sflag:s20], $0x4000  }
.Ltmp0:
0x4a: {  	[sflag:s20] =	ssyncset.done $0x0;
	(pc) =	sbr.rel @p0 .LBB2_2-.Ltmp0, $4  }
0x4b: {  	[sflag:s20] =	ssyncadd.s32 $0xFFFFC000  }
0x4c: {  	[spmem:s2] =	stream.indirect.scatter.add.f32 [tilespmem:s18], [sflag:$0x3], $0x80, s21, s15, $0xb8;
	[tilespmem:$0x1C200] =	vst v63  }
0x4d: {  	_ =	swait.ge [sflag:s14], $0x4000  }
0x4e: {  	s24 =	smov.u32 s28;
	[sflag:s14] =	ssyncset.done $0x0  }
0x4f: {  	s24 =	sadd.s32 s23, s12;
	[sflag:s14] =	ssyncadd.s32 $0xFFFFC000  }
0x50: {  	[tilespmem:s17], [sflag:$0x3] =	stream.linear.gather [hbm4b:s24+s3], $0x100, $0x38;
	[tilespmem:$0x1C200] =	vst v63  }
0x51: {  	_ =	swait.ge [sflag:s14], $0x100  }
0x52: {  	[sflag:s14] =	ssyncset.done $0x0  }
0x53: {  	[sflag:s14] =	ssyncadd.s32 $0xFFFFFF00  }
0x54: {  	[tilespmem:s18], [sflag:$0x2] =	stream.indirect.gather [hbm4b:s4+s15], $0x80, s17, s15, $0xb8;
	[tilespmem:$0x1C200] =	vst v63  }
0x55: {  	_ =	swait.ge [sflag:s19], $0x4000  }
0x56: {  	[sflag:s19] =	ssyncset.done $0x0  }
0x57: {  	[sflag:s19] =	ssyncadd.s32 $0xFFFFC000  }
0x58: {  	[spmem:s2] =	stream.indirect.scatter.add.f32 [tilespmem:s16], [sflag:$0x3], $0x80, s15, s15, $0xb8;
	[tilespmem:$0x1C200] =	vst v63  }
0x59: {  	_ =	swait.ge [sflag:s14], $0x4000  }
0x5a: {  	[sflag:s14] =	ssyncset.done $0x0  }
0x5b: {  	s31 =	sadd.s32 s23, s11;
	[sflag:s14] =	ssyncadd.s32 $0xFFFFC000  }
0x5c: {  	[tilespmem:s3], [sflag:$0x3] =	stream.linear.gather [hbm4b:s31+s3], $0x100, $0x38;
	[tilespmem:$0x1C200] =	vst v63  }
0x5d: {  	_ =	swait.ge [sflag:s14], $0x100  }
0x5e: {  	[sflag:s14] =	ssyncset.done $0x0  }
0x5f: {  	[sflag:s14] =	ssyncadd.s32 $0xFFFFFF00  }
0x60: {  	[tilespmem:s16], [sflag:$0x1] =	stream.indirect.gather [hbm4b:s4+s15], $0x80, s3, s15, $0xb8;
	[tilespmem:$0x1C200] =	vst v63  }
0x61: {  	_ =	swait.ge [sflag:s20], $0x4000  }
0x62: {  	[sflag:s20] =	ssyncset.done $0x0  }
0x63: {  	[sflag:s20] =	ssyncadd.s32 $0xFFFFC000  }
0x64: {  	[spmem:s2] =	stream.indirect.scatter.add.f32 [tilespmem:s18], [sflag:$0x3], $0x80, s21, s15, $0xb8;
	[tilespmem:$0x1C200] =	vst v63  }
0x65: {  	_ =	swait.ge [sflag:s14], $0x4000  }
0x66: {  	[sflag:s14] =	ssyncset.done $0x0  }
0x67: {  	[sflag:s14] =	ssyncadd.s32 $0xFFFFC000  }
0x68: {  	[tilespmem:s17], [sflag:$0x3] =	stream.linear.gather [hbm4b:s8+s3], $0x100, $0x38;
	[tilespmem:$0x1C200] =	vst v63  }
0x69: {  	_ =	swait.ge [sflag:s14], $0x100  }
0x6a: {  	[sflag:s14] =	ssyncset.done $0x0  }
0x6b: {  	[sflag:s14] =	ssyncadd.s32 $0xFFFFFF00  }
0x6c: {  	[tilespmem:s18], [sflag:$0x2] =	stream.indirect.gather [hbm4b:s4+s15], $0x80, s17, s15, $0xb8;
	[tilespmem:$0x1C200] =	vst v63  }
0x6d: {  	_ =	swait.ge [sflag:s19], $0x4000  }
0x6e: {  	[sflag:s19] =	ssyncset.done $0x0  }
0x6f: {  	[sflag:s19] =	ssyncadd.s32 $0xFFFFC000  }
0x70: {  	[spmem:s2] =	stream.indirect.scatter.add.f32 [tilespmem:s16], [sflag:$0x3], $0x80, s15, s15, $0xb8;
	[tilespmem:$0x1C200] =	vst v63  }
0x71: {  	_ =	swait.ge [sflag:s14], $0x4000  }
0x72: {  	[sflag:s14] =	ssyncset.done $0x0  }
0x73: {  	[sflag:s14] =	ssyncadd.s32 $0xFFFFC000  }
0x74: {  	_ =	swait.ge [sflag:s20], $0x4000  }
0x75: {  	[sflag:s20] =	ssyncset.done $0x0  }
0x76: {  	[sflag:s20] =	ssyncadd.s32 $0xFFFFC000  }
0x77: {  	[spmem:s2] =	stream.indirect.scatter.add.f32 [tilespmem:s18], [sflag:$0x3], $0x80, s21, s15, $0xb8;
	[tilespmem:$0x1C200] =	vst v63  }
0x78: {  	_ =	swait.ge [sflag:s14], $0x4000  }
0x79: {  	s22 =	sadd.s32 $0x1, s22;
	[sflag:s14] =	ssyncset.done $0x0  }
0x7a: {  	p0 =	sne.s32 s22, s7;
	[sflag:s14] =	ssyncadd.s32 $0xFFFFC000  }
.Ltmp1:
0x7b: {  	[bflag:$0x0] =	sbarrier.arrive $0xFFFF;
	(pc) =	sbr.rel @p0 .LBB2_1-.Ltmp1, $4  }
0x7c: {  	[hbm:s6], [sflag:s10] =	dma.local [spmem:s13], $0x2800  }
0x7d: {  	_ =	swait.ge [sflag:s14], $0x2800  }
0x7e: {  	[sflag:s14] =	ssyncset.done $0x0  }
0x7f: {  	[sflag:s14] =	ssyncadd.s32 $0xFFFFD800  }
0x80: {  	_ =	sfence.sel $0x180000  }
0x81: {  	[bflag:$0x0] =	sbarrier.arrive $0xFFFF  }
0x82: {  	p0 =	sne.s32 s1, $0x0;
	_ =	strace $0x9000004D  }
0x83: {  	s0 =	sadd.s32 @!p0 $0x100000, s0;
	[bflag:$0x2] =	sbarrier.arrive $0xFFFF  }
0x84: {  	[sflag:s0] =	ssyncadd.tile.s32 @!p0 $0x1;
	_ =	shalt  }
.Lfunc_end2:
_tile_overlayer_lowered:
.L_overlay_start_2:
0x85: {  	(tag) =	ssettag $0x2  }
0x86: {  	s0 =	rddreg [dreg:$0x0];
	s2 =	stileid.u32  }
0x87: {  	s1 =	rddreg [dreg:$0x1];
	p0 =	sne.s32 s2, $0x0  }
0x88: {  	s3 =	rddreg [dreg:$0x2];
	[bflag:$0x3] =	sbarrier.arrive $0xFFFF;
	s2 =	simm.s32 @!p0 $0x1C03  }
0x89: {  	[timem:s3], [sflag:s2] =	dma.local @!p0 [hbm:s0], s1  }
0x8a: {  	s0 =	simm.s32 @!p0 $0x3  }
0x8b: {  	_ =	swait.ge @!p0 [sflag:s0], s1  }
0x8c: {  	s1 =	ssub.s32 @!p0 $0x0, s1;
	[sflag:s0] =	ssyncset.done @!p0 $0x0  }
0x8d: {  	[sflag:s0] =	ssyncadd.s32 @!p0 s1  }
0x8e: {  	[bflag:$0x3] =	sbarrier.arrive $0xFFFF  }
0x8f: {  	_ =	shalt  }

// kernel: kernel.22.cloned.1.call-start
scs
__scs_entry_jumppad:
0x0: {  	(pc) =	sbr.rel $0x88, $3  }
0x1: {  	(tag) =	ssettag $0x0;
	lr =	simm.s32 $0x1  }
0x2: {  	[smem:$0x3F8F] =	sst lr;
	_ =	strace $0xD0000000  }
0x3: {  	_ = 	snop  }
0x4: {  	_ = 	snop  }
0x5: {  	_ = 	snop  }
0x6: {  	_ = 	snop  }
0x7: {  	_ = 	snop  }
__scs_overlays_trampoline_lowered:
0x8: {  	[smem:$0x3F9E] =	sst s0  }
0x9: {  	[smem:$0x3F9F] =	sst s1  }
0xa: {  	[smem:$0x3FA0] =	sst s2  }
0xb: {  	[smem:$0x3FA1] =	sst s3  }
0xc: {  	[smem:$0x3FA2] =	sst s4  }
0xd: {  	[smem:$0x3FA3] =	sst s5  }
0xe: {  	[smem:$0x3FA4] =	sst s6  }
0xf: {  	[smem:$0x3FA5] =	sst s7  }
0x10: {  	[smem:$0x3FA6] =	sst s8  }
0x11: {  	[smem:$0x3FA7] =	sst s9;
	s0 =	simm.s32 @!p0 $0x0  }
0x12: {  	s1 =	sld [smem:$0x3F8D];
	s0 =	simm.s32 @p0 $0x1  }
0x13: {  	[smem:$0x3FA8] =	sst s0;
	s0 =	simm.s32 @!p1 $0x0  }
0x14: {  	s2 =	sld [smem:$0x3F8C];
	s0 =	simm.s32 @p1 $0x1  }
0x15: {  	[smem:$0x3FA9] =	sst s0;
	s0 =	simm.s32 @!p2 $0x0  }
0x16: {  	s3 =	sld [smem:$0x3FDB];
	s0 =	simm.s32 @p2 $0x1  }
0x17: {  	s4 =	simm.s32 $0x1BF5;
	[smem:$0x3FAB] =	sst s0  }
0x18: {  	s0 =	sld [smem:$0x3F8E];
	_ =	swait.ge [sflag:s4], $0x0  }
0x19: {  	s7 =	sld [smem:$0x3F8F]  }
0x1a: {  	s8 =	sadd.s32 $0xFFFFE003, lr  }
0x1b: {  	s9 =	sadd.s32 $0xFFFFFEF7, lr;
	s5 =	simm.s32 $0xFFFFFFFF;
	p2 =	slt.u32 s8, $0xFFFFF086  }
0x1c: {  	p1 =	slt.u32 s9, $0xF7A;
	s5 =	simm.s32 @!p2 $0x0  }
0x1d: {  	s5 =	simm.s32 @p1 $0x1;
	p0 =	seq.s32 s7, s2  }
0x1e: {  	s7 =	smul.u32 @!p0 $0xF7A, s2;
	p2 =	seq.s32 @!p0 s5, $0x0  }
0x1f: {  	s9 =	smul.u32 $0xF7A, s1;
	s8 =	simm.s32 @!p0 $0x1BF5;
	p2 =	por !p2, p0  }
0x20: {  	[sflag:s8] =	ssyncset.s32 @!p0 $0xFFFFF086;
	s6 =	sadd.s32 @!p0 s3, s7;
	s7 =	simm.s32 @!p0 $0x108  }
0x21: {  	s3 =	sadd.s32 s3, s9;
	s6 =	sadd.s32 @!p0 $0x88, s6;
	s7 =	simm.s32 @p2 $0x1082  }
0x22: {  	[simem:s7], [sflag:s8] =	dma.local @!p0 [hbm:s6], $0xF7A  }
0x23: {  	s9 =	sor.u32 $0xD0000000, s2;
	s6 =	simm.s32 $0x108;
	_ =	swait.ge @!p0 [sflag:s8], $0x0  }
0x24: {  	s3 =	sadd.s32 $0x88, s3;
	s6 =	simm.s32 @!p1 $0x1082;
	[sflag:s4] =	ssyncset.s32 $0xFFFFF086  }
0x25: {  	[simem:s6], [sflag:s4] =	dma.local [hbm:s3], $0xF7A  }
0x26: {  	[smem:$0x3F8F] =	sst s1;
	(tag) =	ssettag s2;
	_ =	strace s9  }
0x27: {  	s1 =	sld [smem:$0x3F9F]  }
0x28: {  	s2 =	sld [smem:$0x3FA0]  }
0x29: {  	s4 =	sld [smem:$0x3FA2]  }
0x2a: {  	p0 =	seq.s32 s5, $0x0;
	s5 =	sld [smem:$0x3FA3]  }
0x2b: {  	s6 =	sld [smem:$0x3FA4]  }
0x2c: {  	s7 =	sld [smem:$0x3FA5]  }
0x2d: {  	s3 =	simm.s32 $0x108;
	s8 =	sld [smem:$0x3FA6]  }
0x2e: {  	s3 =	simm.s32 @!p0 $0x1082;
	s9 =	sld [smem:$0x3FA7]  }
0x2f: {  	lr =	sadd.s32 s0, s3;
	s0 =	sld [smem:$0x3F9E]  }
0x30: {  	s3 =	sld [smem:$0x3FA1]  }
0x31: {  	[smem:$0x3FAA] =	sst s10  }
0x32: {  	s10 =	sld [smem:$0x3FA8];
	_ =	sdelay $0x3  }
0x33: {  	p0 =	seq.s32 s10, $0x1;
	s10 =	sld [smem:$0x3FAA];
	_ =	sdelay $0x3  }
0x34: {  	[smem:$0x3FAA] =	sst s10  }
0x35: {  	s10 =	sld [smem:$0x3FA9];
	_ =	sdelay $0x3  }
0x36: {  	p1 =	seq.s32 s10, $0x1;
	s10 =	sld [smem:$0x3FAA];
	_ =	sdelay $0x3  }
0x37: {  	[smem:$0x3FAA] =	sst s10  }
0x38: {  	s10 =	sld [smem:$0x3FAB]  }
0x39: {  	_ = 	snop;
	(pc) =	sbr.ind lr, $3  }
0x3a: {  	_ = 	snop  }
0x3b: {  	_ = 	snop  }
0x3c: {  	p2 =	seq.s32 s10, $0x1;
	s10 =	sld [smem:$0x3FAA]  }
0x3d: {  	_ =	shalt  }
0x3e: {  	_ =	shalt  }
0x3f: {  	_ =	shalt  }
0x40: {  	_ =	shalt  }
0x41: {  	_ =	shalt  }
0x42: {  	_ =	shalt  }
0x43: {  	_ =	shalt  }
0x44: {  	_ =	shalt  }
0x45: {  	_ =	shalt  }
0x46: {  	_ =	shalt  }
0x47: {  	_ =	shalt  }
0x48: {  	_ =	shalt  }
0x49: {  	_ =	shalt  }
0x4a: {  	_ =	shalt  }
0x4b: {  	_ =	shalt  }
0x4c: {  	_ =	shalt  }
0x4d: {  	_ =	shalt  }
0x4e: {  	_ =	shalt  }
0x4f: {  	_ =	shalt  }
0x50: {  	_ =	shalt  }
0x51: {  	_ =	shalt  }
0x52: {  	_ =	shalt  }
0x53: {  	_ =	shalt  }
0x54: {  	_ =	shalt  }
0x55: {  	_ =	shalt  }
0x56: {  	_ =	shalt  }
0x57: {  	_ =	shalt  }
0x58: {  	_ =	shalt  }
0x59: {  	_ =	shalt  }
0x5a: {  	_ =	shalt  }
0x5b: {  	_ =	shalt  }
0x5c: {  	_ =	shalt  }
0x5d: {  	_ =	shalt  }
0x5e: {  	_ =	shalt  }
0x5f: {  	_ =	shalt  }
0x60: {  	_ =	shalt  }
0x61: {  	_ =	shalt  }
0x62: {  	_ =	shalt  }
0x63: {  	_ =	shalt  }
0x64: {  	_ =	shalt  }
0x65: {  	_ =	shalt  }
0x66: {  	_ =	shalt  }
0x67: {  	_ =	shalt  }
0x68: {  	_ =	shalt  }
0x69: {  	_ =	shalt  }
0x6a: {  	_ =	shalt  }
0x6b: {  	_ =	shalt  }
0x6c: {  	_ =	shalt  }
0x6d: {  	_ =	shalt  }
0x6e: {  	_ =	shalt  }
0x6f: {  	_ =	shalt  }
0x70: {  	_ =	shalt  }
0x71: {  	_ =	shalt  }
0x72: {  	_ =	shalt  }
0x73: {  	_ =	shalt  }
0x74: {  	_ =	shalt  }
0x75: {  	_ =	shalt  }
0x76: {  	_ =	shalt  }
0x77: {  	_ =	shalt  }
0x78: {  	_ =	shalt  }
0x79: {  	_ =	shalt  }
0x7a: {  	_ =	shalt  }
0x7b: {  	_ =	shalt  }
0x7c: {  	_ =	shalt  }
0x7d: {  	_ =	shalt  }
0x7e: {  	_ =	shalt  }
0x7f: {  	_ =	shalt  }
0x80: {  	_ =	shalt  }
0x81: {  	_ =	shalt  }
0x82: {  	_ =	shalt  }
0x83: {  	_ =	shalt  }
0x84: {  	_ =	shalt  }
0x85: {  	_ =	shalt  }
0x86: {  	_ =	shalt  }
0x87: {  	_ =	shalt  }
.Lfunc_end0:
.L_simem_size_0:
called_computation.3_lowered:
.L_overlay_start_0:
0x88: {  	s2 =	sld [smem:$0x3FD9]  }
0x89: {  	s3 =	sld [smem:$0x3FFE];
	_ =	sdelay $0x1  }
0x8a: {  	s1 =	srdreg.scid  }
0x8b: {  	s0 =	sand.u32 $0x1, s1  }
0x8c: {  	s16 =	sshll.u32 s0, $0xA;
	s2 =	sadd.s32 s3, s2  }
0x8d: {  	s2 =	sadd.s32 s2, s16  }
0x8e: {  	[smem:$0x3FB6] =	sst s2  }
0x8f: {  	_ = 	snop  }
0x90: {  	(tm) =	ssettm $0x1  }
0x91: {  	s17 =	sld [smem:$0x3FFB];
	_ =	sdelay $0x3  }
0x92: {  	_ =	strace s17  }
0x93: {  	s2 =	sld [smem:$0x3FFC];
	_ =	sdelay $0x3  }
0x94: {  	_ =	strace s2  }
0x95: {  	s2 =	sld [smem:$0x3FFD];
	_ =	sdelay $0x3  }
0x96: {  	_ =	strace s2  }
0x97: {  	_ =	strace $0x8FFFFFFF  }
0x98: {  	s18 =	sld [smem:$0x3FDB];
	_ =	sdelay $0x1  }
0x99: {  	s19 =	simm.s32 $_scs_section_size  }
0x9a: {  	s4 =	simm.s32 $_size__tile_overlayer_lowered;
	s5 =	simm.s32 $_tile_overlayer_lowered  }
0x9b: {  	s22 =	simm.s32 $0x1BFF;
	s21 =	sshll.u32 s5, $0x1;
	s2 =	sadd.s32 s19, s18  }
0x9c: {  	s6 =	simm.s32 $0x0;
	s20 =	sshll.u32 s4, $0x1;
	s4 =	sadd.s32 s21, s2  }
0x9d: {  	[timem:s6], [sflag:s22] =	dma.local [hbm:s4], s20  }
0x9e: {  	_ =	swait.ge [sflag:s22], s20  }
0x9f: {  	s3 =	ssub.s32 $0x0, s20;
	[sflag:s22] =	ssyncset.done $0x0  }
0xa0: {  	[sflag:s22] =	ssyncadd.s32 s3;
	_ =	sdelay $0x1  }
0xa1: {  	s23 =	simm.s32 $0x1B8B  }
0xa2: {  	_ =	swait.ge [sflag:s23], $0x1  }
0xa3: {  	[sflag:s23] =	ssyncset.done $0x0  }
0xa4: {  	s25 =	simm.s32 $0x1B8E;
	s24 =	sld [smem:$0x3FFE];
	[sflag:s23] =	ssyncadd.s32 $0xFFFFFFFF  }
0xa5: {  	s26 =	simm.s32 $execute0_lowered;
	[smem:$0x3FD2] =	sst s25  }
0xa6: {  	s4 =	sshll.u32 s26, $0x1;
	_ =	strace $0x8000004F;
	[dreg:$0x1] =	wrdreg $0xFFFFFFFF  }
0xa7: {  	s28 =	simm.s32 $_size_execute0_lowered;
	s2 =	sadd.s32 s2, s4;
	[dreg:$0x0] =	wrdreg $0x0  }
0xa8: {  	s4 =	sshll.u32 s28, $0x1;
	[dreg:$0x2] =	wrdreg s2  }
0xa9: {  	[dreg:$0x3] =	wrdreg s4  }
0xaa: {  	[dreg:$0x4] =	wrdreg $0xC0  }
0xab: {  	_ =	task [dreg:s6], $0x5FFFF  }
0xac: {  	[dreg:$0x1] =	wrdreg $0xFFFFFFFF  }
0xad: {  	[dreg:$0x0] =	wrdreg $0x60  }
0xae: {  	[dreg:$0x2] =	wrdreg s24  }
0xaf: {  	[dreg:$0x3] =	wrdreg $0x108000  }
0xb0: {  	[dreg:$0x4] =	wrdreg $0x9  }
0xb1: {  	_ =	task.clear_ibuf [dreg:s6], $0x5FFFF;
	_ =	strace $0x9000004F  }
0xb2: {  	s29 =	simm.s32 $0x9;
	_ =	strace $0x80000051  }
0xb3: {  	_ =	swait.ge [sflag:s29], $0x1  }
0xb4: {  	[sflag:s29] =	ssyncadd.s32 $0xFFFFFFFF  }
0xb5: {  	_ =	strace $0x90000051  }
0xb6: {  	_ =	sfence  }
0xb7: {  	s30 =	sld [smem:$0x0];
	_ =	sdelay $0x2  }
0xb8: {  	s31 =	sshll.u32 s1, $0xD;
	s1 =	sshrl.u32 s1, $0x2  }
0xb9: {  	s3 =	sand.u32 $0x4000, s31;
	s1 =	sadd.s32 s1, s30  }
0xba: {  	s0 =	sor.u32 s3, s0;
	s1 =	sshll.u32 s1, $0x11  }
0xbb: {  	s0 =	sor.u32 s1, s0  }
0xbc: {  	s0 =	sadd.s32 $0x8F2B, s0  }
0xbd: {  	[sflag:s0] =	ssyncadd.remote.s32 $0x1  }
0xbe: {  	_ =	sfence.sel $0xFFFF  }
0xbf: {  	[dreg:$0x0] =	wrdreg $0xFFFFFFFF;
	(pc) =	sbr.abs _section_cstart, $3  }
0xc0: {  	[dreg:$0x1] =	wrdreg $0xFFFFFFFF  }
0xc1: {  	_ =	task.clear_ibuf [dreg:s6], $0x2FFFF;
	_ =	strace $0x9FFFFFFF  }
0xc2: {  	(tm) =	ssettm $0x7FFFFFFF  }
0xc3: {  	_ =	shalt  }
tec
execute0_lowered:
.L_overlay_start_1:
0x0: {  	(tag) =	ssettag $0x1  }
0x1: {  	s0 =	rddreg [dreg:$0x0]  }
0x2: {  	s2 =	rddreg [dreg:$0x1];
	s3 =	simm.s32 $0x0;
	s1 =	srdreg.scid  }
0x3: {  	s15 =	stileid.u32;
	s24 =	simm.s32 $0x480;
	s25 =	simm.s32 $0x2800  }
0x4: {  	s26 =	simm.s32 $0x500;
	s28 =	simm.s32 $0xC800;
	s29 =	simm.s32 $0x780  }
0x5: {  	s30 =	simm.s32 $0xE800;
	s31 =	simm.s32 $0x0;
	[smem:$0x7FF] =	sst s3  }
0x6: {  	s1 =	sand.u32 $0x1, s1;
	s5 =	smul.u32 $0xA000, s15;
	s4 =	sadd.s32 $0x18000, s0  }
0x7: {  	s11 =	sadd.s32 $0xE000, s0;
	s10 =	sadd.s32 $0x4000, s0;
	s7 =	sshll.u32 s15, $0x1  }
0x8: {  	s9 =	sadd.s32 $0x2C000, s0;
	s13 =	smul.u32 $0x5000, s15;
	s21 =	sshll.u32 s15, $0x6  }
0x9: {  	s15 =	simm.s32 $0x800;
	_ =	strace $0x80000050;
	s6 =	smul.u32 $0xA0000, s1  }
0xa: {  	s7 =	sor.u32 s1, s7;
	s8 =	ssub.s32 $0x2, s1;
	[dreg:$0x7] =	wrdreg s24  }
0xb: {  	p0 =	seq.s32 s1, $0x0;
	s1 =	smul.u32 $0x2800, s1;
	[dreg:$0x8] =	wrdreg s25  }
0xc: {  	[dreg:$0x9] =	wrdreg s26;
	s24 =	simm.s32 $0x680;
	s25 =	simm.s32 $0xA800  }
0xd: {  	s26 =	simm.s32 $0x700;
	s12 =	smul.u32 $0x2800, s7;
	s14 =	sshrl.u32 s8, $0x1  }
0xe: {  	s7 =	smul.u32 $0x500, s7;
	s9 =	smov.u32 @p0 s4;
	s6 =	sadd.s32 s5, s6  }
0xf: {  	s8 =	ssub.s32 s8, s14;
	s14 =	sadd.s32 s5, s2;
	s5 =	sshrl.u32 s5, $0x3  }
0x10: {  	s1 =	sadd.s32 s1, s13;
	s13 =	simm.s32 $0x400;
	s6 =	sshrl.u32 s6, $0x3  }
0x11: {  	s16 =	sshrl.u32 s12, $0x3;
	s17 =	sadd.s32 s10, s7;
	s18 =	sor.u32 $0x400, s1  }
0x12: {  	s19 =	smax.u32 s8, $0x1;
	s5 =	sadd.s32 s9, s5;
	[dreg:$0xb] =	wrdreg s17  }
0x13: {  	s1 =	sor.u32 $0x200, s1;
	s12 =	simm.s32 $0x3;
	[dreg:$0xd] =	wrdreg s19  }
0x14: {  	s0 =	sadd.s32 s6, s0;
	s6 =	sadd.s32 s11, s16;
	[dreg:$0xe] =	wrdreg s5  }
0x15: {  	s1 =	sshrl.u32 s1, $0x3;
	[dreg:$0xa] =	wrdreg s6;
	s0 =	sadd.s32 $0x40000, s0  }
0x16: {  	s16 =	simm.s32 $0x600;
	s22 =	sadd.s32 s1, s10;
	[dreg:$0xc] =	wrdreg s0  }
0x17: {  	s17 =	simm.s32 $0x8800;
	s23 =	sadd.s32 s1, s11;
	[dreg:$0x5] =	wrdreg s22  }
0x18: {  	s19 =	simm.s32 $0x80;
	s0 =	sshrl.u32 s18, $0x3;
	[dreg:$0x6] =	wrdreg s23  }
0x19: {  	s18 =	simm.s32 $0x1;
	s22 =	simm.s32 $0x6800;
	s23 =	simm.s32 $0x2  }
0x1a: {  	s20 =	sadd.s32 s0, s10;
	s0 =	sadd.s32 s0, s11;
	s10 =	sor.u32 $0x1C03, s21  }
0x1b: {  	s11 =	sshrl.u32 s14, $0x3;
	s14 =	simm.s32 $0x200;
	[dreg:$0x3] =	wrdreg s20  }
0x1c: {  	s21 =	simm.s32 $0x580;
	[dreg:$0x4] =	wrdreg s0;
	s20 =	simm.s32 $0x4800  }
.LBB2_1:
0x1d: {  	s0 =	rddreg [dreg:$0xe]  }
0x1e: {  	[spmem:s11], [sflag:s10] =	dma.local [hbm:s0], $0x1400  }
0x1f: {  	_ =	swait.ge [sflag:s12], $0x1400  }
0x20: {  	[sflag:s12] =	ssyncset.done $0x0  }
0x21: {  	[sflag:s12] =	ssyncadd.s32 $0xFFFFEC00  }
0x22: {  	[bflag:$0x0] =	sbarrier.arrive $0xFFFF  }
0x23: {  	s1 =	rddreg [dreg:$0xa]  }
0x24: {  	[tilespmem:s3], [sflag:$0x3] =	stream.linear.gather [hbm4b:s1+s3], $0x200, $0x38;
	[tilespmem:$0x1A800] =	vst v63  }
0x25: {  	_ =	swait.ge [sflag:s12], $0x200  }
0x26: {  	[sflag:s12] =	ssyncset.done $0x0  }
0x27: {  	s5 =	rddreg [dreg:$0xb];
	[sflag:s12] =	ssyncadd.s32 $0xFFFFFE00  }
0x28: {  	[tilespmem:s13], [sflag:$0x3] =	stream.linear.gather [hbm4b:s5+s3], $0x200, $0x38;
	[tilespmem:$0x1A800] =	vst v63  }
0x29: {  	_ =	swait.ge [sflag:s12], $0x200  }
0x2a: {  	[sflag:s12] =	ssyncset.done $0x0  }
0x2b: {  	s6 =	rddreg [dreg:$0x6];
	[sflag:s12] =	ssyncadd.s32 $0xFFFFFE00  }
0x2c: {  	[tilespmem:s15], [sflag:$0x1] =	stream.indirect.gather [hbm4b:s4+s14], $0x40, s3, s14, $0xb8;
	[tilespmem:$0x1A800] =	vst v63  }
0x2d: {  	s0 =	sadd.s32 $0x0, s6  }
0x2e: {  	[tilespmem:s14], [sflag:$0x3] =	stream.linear.gather [hbm4b:s0+s3], $0x200, $0x38;
	[tilespmem:$0x1A800] =	vst v63  }
0x2f: {  	_ =	swait.ge [sflag:s12], $0x200  }
0x30: {  	s7 =	rddreg [dreg:$0x5];
	[sflag:s12] =	ssyncset.done $0x0  }
0x31: {  	[sflag:s12] =	ssyncadd.s32 $0xFFFFFE00;
	s0 =	sadd.s32 $0x0, s7  }
0x32: {  	[tilespmem:s16], [sflag:$0x3] =	stream.linear.gather [hbm4b:s0+s3], $0x200, $0x38;
	[tilespmem:$0x1A800] =	vst v63  }
0x33: {  	_ =	swait.ge [sflag:s12], $0x200  }
0x34: {  	[sflag:s12] =	ssyncset.done $0x0  }
0x35: {  	[sflag:s12] =	ssyncadd.s32 $0xFFFFFE00  }
0x36: {  	[tilespmem:s17], [sflag:$0x2] =	stream.indirect.gather [hbm4b:s4+s14], $0x40, s14, s14, $0xb8;
	[tilespmem:$0x1A800] =	vst v63  }
0x37: {  	_ =	swait.ge [sflag:s18], $0x8000  }
0x38: {  	[sflag:s18] =	ssyncset.done $0x0  }
0x39: {  	[sflag:s18] =	ssyncadd.s32 $0xFFFF8000  }
0x3a: {  	[spmem:s2] =	stream.indirect.scatter.add.f32 [tilespmem:s15], [sflag:$0x3], $0x40, s13, s19, $0xb8;
	[tilespmem:$0x1A800] =	vst v63  }
0x3b: {  	_ =	swait.ge [sflag:s12], $0x2000  }
0x3c: {  	s8 =	rddreg [dreg:$0x7];
	[sflag:s12] =	ssyncset.done $0x0  }
0x3d: {  	s1 =	rddreg [dreg:$0x8];
	[sflag:s12] =	ssyncadd.s32 $0xFFFFE000  }
0x3e: {  	[spmem:s2] =	stream.indirect.scatter.add.f32 [tilespmem:s1], [sflag:$0x3], $0x40, s8, s19, $0xb8;
	[tilespmem:$0x1A800] =	vst v63  }
0x3f: {  	_ =	swait.ge [sflag:s12], $0x2000  }
0x40: {  	[sflag:s12] =	ssyncset.done $0x0  }
0x41: {  	s9 =	rddreg [dreg:$0x9];
	[sflag:s12] =	ssyncadd.s32 $0xFFFFE000  }
0x42: {  	[spmem:s2] =	stream.indirect.scatter.add.f32 [tilespmem:s20], [sflag:$0x3], $0x40, s9, s19, $0xb8;
	[tilespmem:$0x1A800] =	vst v63  }
0x43: {  	_ =	swait.ge [sflag:s12], $0x2000  }
0x44: {  	[sflag:s12] =	ssyncset.done $0x0  }
0x45: {  	[sflag:s12] =	ssyncadd.s32 $0xFFFFE000  }
0x46: {  	[spmem:s2] =	stream.indirect.scatter.add.f32 [tilespmem:s22], [sflag:$0x3], $0x40, s21, s19, $0xb8;
	[tilespmem:$0x1A800] =	vst v63  }
0x47: {  	p0 =	por $0x0, $0x0;
	_ =	swait.ge [sflag:s12], $0x2000  }
0x48: {  	s5 =	simm.s32 @!p0 $0x3;
	s0 =	rddreg [dreg:$0x4];
	[sflag:s12] =	ssyncset.done $0x0  }
0x49: {  	s1 =	simm.s32 @!p0 $0x0;
	[sflag:s12] =	ssyncadd.s32 $0xFFFFE000;
	s0 =	sadd.s32 @!p0 $0x0, s0  }
0x4a: {  	[tilespmem:s1], [sflag:$0x3] =	stream.linear.gather @!p0 [hbm4b:s0+s1], $0x200, $0x38;
	[tilespmem:$0x1A800] =	vst v63  }
0x4b: {  	_ =	swait.ge @!p0 [sflag:s5], $0x200  }
0x4c: {  	s0 =	rddreg [dreg:$0x3];
	[sflag:s5] =	ssyncset.done @!p0 $0x0  }
0x4d: {  	s6 =	simm.s32 @!p0 $0x400;
	[sflag:s5] =	ssyncadd.s32 @!p0 $0xFFFFFE00;
	s0 =	sadd.s32 @!p0 $0x0, s0  }
0x4e: {  	[tilespmem:s6], [sflag:$0x3] =	stream.linear.gather @!p0 [hbm4b:s0+s1], $0x200, $0x38;
	[tilespmem:$0x1A800] =	vst v63  }
0x4f: {  	_ =	swait.ge @!p0 [sflag:s5], $0x200  }
0x50: {  	[sflag:s5] =	ssyncset.done @!p0 $0x0  }
0x51: {  	s0 =	simm.s32 @!p0 $0x200;
	[sflag:s5] =	ssyncadd.s32 @!p0 $0xFFFFFE00;
	s5 =	simm.s32 @!p0 $0x800  }
0x52: {  	[tilespmem:s5], [sflag:$0x1] =	stream.indirect.gather @!p0 [hbm4b:s4+s0], $0x40, s1, s0, $0xb8;
	[tilespmem:$0x1A800] =	vst v63  }
0x53: {  	_ =	swait.ge [sflag:s23], $0x8000  }
0x54: {  	[sflag:s23] =	ssyncset.done $0x0  }
0x55: {  	[sflag:s23] =	ssyncadd.s32 $0xFFFF8000  }
0x56: {  	[spmem:s2] =	stream.indirect.scatter.add.f32 [tilespmem:s17], [sflag:$0x3], $0x40, s16, s19, $0xb8;
	[tilespmem:$0x1A800] =	vst v63  }
0x57: {  	_ =	swait.ge [sflag:s12], $0x2000  }
0x58: {  	[sflag:s12] =	ssyncset.done $0x0  }
0x59: {  	[sflag:s12] =	ssyncadd.s32 $0xFFFFE000  }
0x5a: {  	[spmem:s2] =	stream.indirect.scatter.add.f32 [tilespmem:s25], [sflag:$0x3], $0x40, s24, s19, $0xb8;
	[tilespmem:$0x1A800] =	vst v63  }
0x5b: {  	_ =	swait.ge [sflag:s12], $0x2000  }
0x5c: {  	[sflag:s12] =	ssyncset.done $0x0  }
0x5d: {  	[sflag:s12] =	ssyncadd.s32 $0xFFFFE000  }
0x5e: {  	[spmem:s2] =	stream.indirect.scatter.add.f32 [tilespmem:s28], [sflag:$0x3], $0x40, s26, s19, $0xb8;
	[tilespmem:$0x1A800] =	vst v63  }
0x5f: {  	_ =	swait.ge [sflag:s12], $0x2000  }
0x60: {  	[sflag:s12] =	ssyncset.done $0x0  }
0x61: {  	[sflag:s12] =	ssyncadd.s32 $0xFFFFE000  }
0x62: {  	[spmem:s2] =	stream.indirect.scatter.add.f32 [tilespmem:s30], [sflag:$0x3], $0x40, s29, s19, $0xb8;
	[tilespmem:$0x1A800] =	vst v63  }
0x63: {  	s0 =	simm.s32 $0x80;
	s1 =	simm.s32 $0x100;
	_ =	swait.ge [sflag:s12], $0x2000  }
.LBB2_2:
0x64: {  	s6 =	rddreg [dreg:$0x6];
	[sflag:s12] =	ssyncset.done $0x0  }
0x65: {  	[sflag:s12] =	ssyncadd.s32 $0xFFFFE000;
	s6 =	sadd.s32 s0, s6  }
0x66: {  	[tilespmem:s14], [sflag:$0x3] =	stream.linear.gather [hbm4b:s6+s3], $0x200, $0x38;
	[tilespmem:$0x1A800] =	vst v63  }
0x67: {  	_ =	swait.ge [sflag:s12], $0x200  }
0x68: {  	s7 =	rddreg [dreg:$0x5];
	[sflag:s12] =	ssyncset.done $0x0  }
0x69: {  	[sflag:s12] =	ssyncadd.s32 $0xFFFFFE00;
	s6 =	sadd.s32 s0, s7  }
0x6a: {  	[tilespmem:s16], [sflag:$0x3] =	stream.linear.gather [hbm4b:s6+s3], $0x200, $0x38;
	[tilespmem:$0x1A800] =	vst v63  }
0x6b: {  	_ =	swait.ge [sflag:s12], $0x200  }
0x6c: {  	[sflag:s12] =	ssyncset.done $0x0  }
0x6d: {  	[sflag:s12] =	ssyncadd.s32 $0xFFFFFE00  }
0x6e: {  	[tilespmem:s17], [sflag:$0x2] =	stream.indirect.gather [hbm4b:s4+s14], $0x40, s14, s14, $0xb8;
	[tilespmem:$0x1A800] =	vst v63  }
0x6f: {  	_ =	swait.ge [sflag:s18], $0x8000  }
0x70: {  	[sflag:s18] =	ssyncset.done $0x0  }
0x71: {  	[sflag:s18] =	ssyncadd.s32 $0xFFFF8000  }
0x72: {  	[spmem:s2] =	stream.indirect.scatter.add.f32 [tilespmem:s15], [sflag:$0x3], $0x40, s13, s19, $0xb8;
	[tilespmem:$0x1A800] =	vst v63  }
0x73: {  	_ =	swait.ge [sflag:s12], $0x2000  }
0x74: {  	s8 =	rddreg [dreg:$0x7];
	[sflag:s12] =	ssyncset.done $0x0  }
0x75: {  	s7 =	rddreg [dreg:$0x8];
	[sflag:s12] =	ssyncadd.s32 $0xFFFFE000  }
0x76: {  	[spmem:s2] =	stream.indirect.scatter.add.f32 [tilespmem:s7], [sflag:$0x3], $0x40, s8, s19, $0xb8;
	[tilespmem:$0x1A800] =	vst v63  }
0x77: {  	_ =	swait.ge [sflag:s12], $0x2000  }
0x78: {  	[sflag:s12] =	ssyncset.done $0x0  }
0x79: {  	s9 =	rddreg [dreg:$0x9];
	[sflag:s12] =	ssyncadd.s32 $0xFFFFE000  }
0x7a: {  	[spmem:s2] =	stream.indirect.scatter.add.f32 [tilespmem:s20], [sflag:$0x3], $0x40, s9, s19, $0xb8;
	[tilespmem:$0x1A800] =	vst v63  }
0x7b: {  	_ =	swait.ge [sflag:s12], $0x2000  }
0x7c: {  	[sflag:s12] =	ssyncset.done $0x0  }
0x7d: {  	[sflag:s12] =	ssyncadd.s32 $0xFFFFE000  }
0x7e: {  	[spmem:s2] =	stream.indirect.scatter.add.f32 [tilespmem:s22], [sflag:$0x3], $0x40, s21, s19, $0xb8;
	[tilespmem:$0x1A800] =	vst v63  }
0x7f: {  	p1 =	seq.s32 s0, $0x480;
	_ =	swait.ge [sflag:s12], $0x2000  }
0x80: {  	s7 =	simm.s32 @!p1 $0x0;
	s6 =	rddreg [dreg:$0x4];
	[sflag:s12] =	ssyncset.done $0x0  }
0x81: {  	s8 =	simm.s32 @!p1 $0x3;
	[sflag:s12] =	ssyncadd.s32 $0xFFFFE000;
	s6 =	sadd.s32 @!p1 s0, s6  }
0x82: {  	[tilespmem:s7], [sflag:$0x3] =	stream.linear.gather @!p1 [hbm4b:s6+s7], $0x200, $0x38;
	[tilespmem:$0x1A800] =	vst v63  }
0x83: {  	_ =	swait.ge @!p1 [sflag:s8], $0x200  }
0x84: {  	s6 =	rddreg [dreg:$0x3];
	[sflag:s8] =	ssyncset.done @!p1 $0x0  }
0x85: {  	s9 =	simm.s32 @!p1 $0x400;
	[sflag:s8] =	ssyncadd.s32 @!p1 $0xFFFFFE00;
	s6 =	sadd.s32 @!p1 s0, s6  }
0x86: {  	[tilespmem:s9], [sflag:$0x3] =	stream.linear.gather @!p1 [hbm4b:s6+s7], $0x200, $0x38;
	[tilespmem:$0x1A800] =	vst v63  }
0x87: {  	s5 =	smov.u32 s1;
	_ =	swait.ge @!p1 [sflag:s8], $0x200  }
0x88: {  	s0 =	smov.u32 s5;
	[sflag:s8] =	ssyncset.done @!p1 $0x0  }
0x89: {  	s5 =	simm.s32 @!p1 $0x200;
	s6 =	simm.s32 @!p1 $0x800;
	[sflag:s8] =	ssyncadd.s32 @!p1 $0xFFFFFE00  }
0x8a: {  	[tilespmem:s6], [sflag:$0x1] =	stream.indirect.gather @!p1 [hbm4b:s4+s5], $0x40, s7, s5, $0xb8;
	[tilespmem:$0x1A800] =	vst v63  }
0x8b: {  	_ =	swait.ge [sflag:s23], $0x8000  }
0x8c: {  	[sflag:s23] =	ssyncset.done $0x0  }
0x8d: {  	[sflag:s23] =	ssyncadd.s32 $0xFFFF8000  }
0x8e: {  	[spmem:s2] =	stream.indirect.scatter.add.f32 [tilespmem:s17], [sflag:$0x3], $0x40, s16, s19, $0xb8;
	[tilespmem:$0x1A800] =	vst v63  }
0x8f: {  	_ =	swait.ge [sflag:s12], $0x2000  }
0x90: {  	[sflag:s12] =	ssyncset.done $0x0  }
0x91: {  	[sflag:s12] =	ssyncadd.s32 $0xFFFFE000  }
0x92: {  	[spmem:s2] =	stream.indirect.scatter.add.f32 [tilespmem:s25], [sflag:$0x3], $0x40, s24, s19, $0xb8;
	[tilespmem:$0x1A800] =	vst v63  }
0x93: {  	_ =	swait.ge [sflag:s12], $0x2000  }
0x94: {  	s1 =	sadd.s32 $0x80, s1;
	[sflag:s12] =	ssyncset.done $0x0  }
0x95: {  	p0 =	sne.s32 s1, $0x500;
	[sflag:s12] =	ssyncadd.s32 $0xFFFFE000  }
0x96: {  	[spmem:s2] =	stream.indirect.scatter.add.f32 [tilespmem:s28], [sflag:$0x3], $0x40, s26, s19, $0xb8;
	[tilespmem:$0x1A800] =	vst v63  }
.Ltmp0:
0x97: {  	_ =	swait.ge [sflag:s12], $0x2000;
	(pc) =	sbr.rel @p0 .LBB2_2-.Ltmp0, $4  }
0x98: {  	[sflag:s12] =	ssyncset.done $0x0  }
0x99: {  	[sflag:s12] =	ssyncadd.s32 $0xFFFFE000  }
0x9a: {  	[spmem:s2] =	stream.indirect.scatter.add.f32 [tilespmem:s30], [sflag:$0x3], $0x40, s29, s19, $0xb8;
	[tilespmem:$0x1A800] =	vst v63  }
0x9b: {  	_ =	swait.ge [sflag:s12], $0x2000  }
0x9c: {  	s1 =	rddreg [dreg:$0x6];
	[sflag:s12] =	ssyncset.done $0x0  }
0x9d: {  	[sflag:s12] =	ssyncadd.s32 $0xFFFFE000;
	s1 =	sadd.s32 s0, s1  }
0x9e: {  	[tilespmem:s14], [sflag:$0x3] =	stream.linear.gather [hbm4b:s1+s3], $0x200, $0x38;
	[tilespmem:$0x1A800] =	vst v63  }
0x9f: {  	_ =	swait.ge [sflag:s12], $0x200  }
0xa0: {  	s5 =	rddreg [dreg:$0x5];
	[sflag:s12] =	ssyncset.done $0x0  }
0xa1: {  	[sflag:s12] =	ssyncadd.s32 $0xFFFFFE00;
	s1 =	sadd.s32 s0, s5  }
0xa2: {  	[tilespmem:s16], [sflag:$0x3] =	stream.linear.gather [hbm4b:s1+s3], $0x200, $0x38;
	[tilespmem:$0x1A800] =	vst v63  }
0xa3: {  	_ =	swait.ge [sflag:s12], $0x200  }
0xa4: {  	[sflag:s12] =	ssyncset.done $0x0  }
0xa5: {  	[sflag:s12] =	ssyncadd.s32 $0xFFFFFE00  }
0xa6: {  	[tilespmem:s17], [sflag:$0x2] =	stream.indirect.gather [hbm4b:s4+s14], $0x40, s14, s14, $0xb8;
	[tilespmem:$0x1A800] =	vst v63  }
0xa7: {  	_ =	swait.ge [sflag:s18], $0x8000  }
0xa8: {  	[sflag:s18] =	ssyncset.done $0x0  }
0xa9: {  	[sflag:s18] =	ssyncadd.s32 $0xFFFF8000  }
0xaa: {  	[spmem:s2] =	stream.indirect.scatter.add.f32 [tilespmem:s15], [sflag:$0x3], $0x40, s13, s19, $0xb8;
	[tilespmem:$0x1A800] =	vst v63  }
0xab: {  	_ =	swait.ge [sflag:s12], $0x2000  }
0xac: {  	s6 =	rddreg [dreg:$0x7];
	[sflag:s12] =	ssyncset.done $0x0  }
0xad: {  	s5 =	rddreg [dreg:$0x8];
	[sflag:s12] =	ssyncadd.s32 $0xFFFFE000  }
0xae: {  	[spmem:s2] =	stream.indirect.scatter.add.f32 [tilespmem:s5], [sflag:$0x3], $0x40, s6, s19, $0xb8;
	[tilespmem:$0x1A800] =	vst v63  }
0xaf: {  	_ =	swait.ge [sflag:s12], $0x2000  }
0xb0: {  	[sflag:s12] =	ssyncset.done $0x0  }
0xb1: {  	s7 =	rddreg [dreg:$0x9];
	[sflag:s12] =	ssyncadd.s32 $0xFFFFE000  }
0xb2: {  	[spmem:s2] =	stream.indirect.scatter.add.f32 [tilespmem:s20], [sflag:$0x3], $0x40, s7, s19, $0xb8;
	[tilespmem:$0x1A800] =	vst v63  }
0xb3: {  	_ =	swait.ge [sflag:s12], $0x2000  }
0xb4: {  	[sflag:s12] =	ssyncset.done $0x0  }
0xb5: {  	[sflag:s12] =	ssyncadd.s32 $0xFFFFE000  }
0xb6: {  	[spmem:s2] =	stream.indirect.scatter.add.f32 [tilespmem:s22], [sflag:$0x3], $0x40, s21, s19, $0xb8;
	[tilespmem:$0x1A800] =	vst v63  }
0xb7: {  	p0 =	seq.s32 s0, $0x480;
	_ =	swait.ge [sflag:s12], $0x2000  }
0xb8: {  	s5 =	simm.s32 @!p0 $0x0;
	s1 =	rddreg [dreg:$0x4];
	[sflag:s12] =	ssyncset.done $0x0  }
0xb9: {  	s6 =	simm.s32 @!p0 $0x3;
	[sflag:s12] =	ssyncadd.s32 $0xFFFFE000;
	s1 =	sadd.s32 @!p0 s0, s1  }
0xba: {  	[tilespmem:s5], [sflag:$0x3] =	stream.linear.gather @!p0 [hbm4b:s1+s5], $0x200, $0x38;
	[tilespmem:$0x1A800] =	vst v63  }
0xbb: {  	_ =	swait.ge @!p0 [sflag:s6], $0x200  }
0xbc: {  	s1 =	rddreg [dreg:$0x3];
	[sflag:s6] =	ssyncset.done @!p0 $0x0  }
0xbd: {  	[sflag:s6] =	ssyncadd.s32 @!p0 $0xFFFFFE00;
	s0 =	sadd.s32 @!p0 s0, s1;
	s1 =	simm.s32 @!p0 $0x400  }
0xbe: {  	[tilespmem:s1], [sflag:$0x3] =	stream.linear.gather @!p0 [hbm4b:s0+s5], $0x200, $0x38;
	[tilespmem:$0x1A800] =	vst v63  }
0xbf: {  	_ =	swait.ge @!p0 [sflag:s6], $0x200  }
0xc0: {  	[sflag:s6] =	ssyncset.done @!p0 $0x0  }
0xc1: {  	s0 =	simm.s32 @!p0 $0x200;
	s1 =	simm.s32 @!p0 $0x800;
	[sflag:s6] =	ssyncadd.s32 @!p0 $0xFFFFFE00  }
0xc2: {  	[tilespmem:s1], [sflag:$0x1] =	stream.indirect.gather @!p0 [hbm4b:s4+s0], $0x40, s5, s0, $0xb8;
	[tilespmem:$0x1A800] =	vst v63  }
0xc3: {  	_ =	swait.ge [sflag:s23], $0x8000  }
0xc4: {  	[sflag:s23] =	ssyncset.done $0x0  }
0xc5: {  	[sflag:s23] =	ssyncadd.s32 $0xFFFF8000  }
0xc6: {  	[spmem:s2] =	stream.indirect.scatter.add.f32 [tilespmem:s17], [sflag:$0x3], $0x40, s16, s19, $0xb8;
	[tilespmem:$0x1A800] =	vst v63  }
0xc7: {  	_ =	swait.ge [sflag:s12], $0x2000  }
0xc8: {  	[sflag:s12] =	ssyncset.done $0x0  }
0xc9: {  	[sflag:s12] =	ssyncadd.s32 $0xFFFFE000  }
0xca: {  	[spmem:s2] =	stream.indirect.scatter.add.f32 [tilespmem:s25], [sflag:$0x3], $0x40, s24, s19, $0xb8;
	[tilespmem:$0x1A800] =	vst v63  }
0xcb: {  	_ =	swait.ge [sflag:s12], $0x2000  }
0xcc: {  	[sflag:s12] =	ssyncset.done $0x0  }
0xcd: {  	[sflag:s12] =	ssyncadd.s32 $0xFFFFE000  }
0xce: {  	[spmem:s2] =	stream.indirect.scatter.add.f32 [tilespmem:s28], [sflag:$0x3], $0x40, s26, s19, $0xb8;
	[tilespmem:$0x1A800] =	vst v63  }
0xcf: {  	_ =	swait.ge [sflag:s12], $0x2000  }
0xd0: {  	[sflag:s12] =	ssyncset.done $0x0  }
0xd1: {  	[sflag:s12] =	ssyncadd.s32 $0xFFFFE000  }
0xd2: {  	[spmem:s2] =	stream.indirect.scatter.add.f32 [tilespmem:s30], [sflag:$0x3], $0x40, s29, s19, $0xb8;
	[tilespmem:$0x1A800] =	vst v63  }
0xd3: {  	_ =	swait.ge [sflag:s12], $0x2000  }
0xd4: {  	[sflag:s12] =	ssyncset.done $0x0  }
0xd5: {  	[sflag:s12] =	ssyncadd.s32 $0xFFFFE000  }
0xd6: {  	[bflag:$0x0] =	sbarrier.arrive $0xFFFF  }
0xd7: {  	s8 =	rddreg [dreg:$0xc]  }
0xd8: {  	[hbm:s8], [sflag:s10] =	dma.local [spmem:s11], $0x1400  }
0xd9: {  	_ =	swait.ge [sflag:s12], $0x1400  }
0xda: {  	s31 =	sadd.s32 $0x1, s31;
	s9 =	rddreg [dreg:$0xd]  }
0xdb: {  	p0 =	sne.s32 s31, s9  }
.Ltmp1:
0xdc: {  	_ = 	snop;
	(pc) =	sbr.rel @p0 .LBB2_1-.Ltmp1, $3  }
0xdd: {  	_ =	sdelay $0x1  }
0xde: {  	[sflag:s12] =	ssyncset.done $0x0  }
0xdf: {  	[sflag:s12] =	ssyncadd.s32 $0xFFFFEC00  }
0xe0: {  	_ =	sfence.sel $0x180000  }
0xe1: {  	[bflag:$0x0] =	sbarrier.arrive $0xFFFF  }
0xe2: {  	_ =	strace $0x90000050  }
0xe3: {  	s0 =	stileid.u32;
	[bflag:$0x2] =	sbarrier.arrive $0xFFFF  }
0xe4: {  	p0 =	sne.s32 s0, $0x0;
	s0 =	rddreg [dreg:$0x2]  }
0xe5: {  	s0 =	sadd.s32 @!p0 $0x100000, s0  }
0xe6: {  	[sflag:s0] =	ssyncadd.tile.s32 @!p0 $0x1;
	_ =	shalt  }
.Lfunc_end2:
_tile_overlayer_lowered:
.L_overlay_start_2:
0xe7: {  	(tag) =	ssettag $0x2  }
0xe8: {  	s0 =	rddreg [dreg:$0x0];
	s2 =	stileid.u32  }
0xe9: {  	s1 =	rddreg [dreg:$0x1];
	p0 =	sne.s32 s2, $0x0  }
0xea: {  	s3 =	rddreg [dreg:$0x2];
	[bflag:$0x3] =	sbarrier.arrive $0xFFFF;
	s2 =	simm.s32 @!p0 $0x1C03  }
0xeb: {  	[timem:s3], [sflag:s2] =	dma.local @!p0 [hbm:s0], s1  }
0xec: {  	s0 =	simm.s32 @!p0 $0x3  }
0xed: {  	_ =	swait.ge @!p0 [sflag:s0], s1  }
0xee: {  	s1 =	ssub.s32 @!p0 $0x0, s1;
	[sflag:s0] =	ssyncset.done @!p0 $0x0  }
0xef: {  	[sflag:s0] =	ssyncadd.s32 @!p0 s1  }
0xf0: {  	[bflag:$0x3] =	sbarrier.arrive $0xFFFF  }
0xf1: {  	_ =	shalt  }

// kernel: kernel.25.cloned.1.call-start
scs
__scs_entry_jumppad:
0x0: {  	(pc) =	sbr.rel $0x88, $3  }
0x1: {  	(tag) =	ssettag $0x0;
	lr =	simm.s32 $0x1  }
0x2: {  	[smem:$0x3F8F] =	sst lr;
	_ =	strace $0xD0000000  }
0x3: {  	_ = 	snop  }
0x4: {  	_ = 	snop  }
0x5: {  	_ = 	snop  }
0x6: {  	_ = 	snop  }
0x7: {  	_ = 	snop  }
__scs_overlays_trampoline_lowered:
0x8: {  	[smem:$0x3F9E] =	sst s0  }
0x9: {  	[smem:$0x3F9F] =	sst s1  }
0xa: {  	[smem:$0x3FA0] =	sst s2  }
0xb: {  	[smem:$0x3FA1] =	sst s3  }
0xc: {  	[smem:$0x3FA2] =	sst s4  }
0xd: {  	[smem:$0x3FA3] =	sst s5  }
0xe: {  	[smem:$0x3FA4] =	sst s6  }
0xf: {  	[smem:$0x3FA5] =	sst s7  }
0x10: {  	[smem:$0x3FA6] =	sst s8  }
0x11: {  	[smem:$0x3FA7] =	sst s9;
	s0 =	simm.s32 @!p0 $0x0  }
0x12: {  	s1 =	sld [smem:$0x3F8D];
	s0 =	simm.s32 @p0 $0x1  }
0x13: {  	[smem:$0x3FA8] =	sst s0;
	s0 =	simm.s32 @!p1 $0x0  }
0x14: {  	s2 =	sld [smem:$0x3F8C];
	s0 =	simm.s32 @p1 $0x1  }
0x15: {  	[smem:$0x3FA9] =	sst s0;
	s0 =	simm.s32 @!p2 $0x0  }
0x16: {  	s3 =	sld [smem:$0x3FDB];
	s0 =	simm.s32 @p2 $0x1  }
0x17: {  	s4 =	simm.s32 $0x1BF5;
	[smem:$0x3FAB] =	sst s0  }
0x18: {  	s0 =	sld [smem:$0x3F8E];
	_ =	swait.ge [sflag:s4], $0x0  }
0x19: {  	s7 =	sld [smem:$0x3F8F]  }
0x1a: {  	s8 =	sadd.s32 $0xFFFFE003, lr  }
0x1b: {  	s9 =	sadd.s32 $0xFFFFFEF7, lr;
	s5 =	simm.s32 $0xFFFFFFFF;
	p2 =	slt.u32 s8, $0xFFFFF086  }
0x1c: {  	p1 =	slt.u32 s9, $0xF7A;
	s5 =	simm.s32 @!p2 $0x0  }
0x1d: {  	s5 =	simm.s32 @p1 $0x1;
	p0 =	seq.s32 s7, s2  }
0x1e: {  	s7 =	smul.u32 @!p0 $0xF7A, s2;
	p2 =	seq.s32 @!p0 s5, $0x0  }
0x1f: {  	s9 =	smul.u32 $0xF7A, s1;
	s8 =	simm.s32 @!p0 $0x1BF5;
	p2 =	por !p2, p0  }
0x20: {  	[sflag:s8] =	ssyncset.s32 @!p0 $0xFFFFF086;
	s6 =	sadd.s32 @!p0 s3, s7;
	s7 =	simm.s32 @!p0 $0x108  }
0x21: {  	s3 =	sadd.s32 s3, s9;
	s6 =	sadd.s32 @!p0 $0x88, s6;
	s7 =	simm.s32 @p2 $0x1082  }
0x22: {  	[simem:s7], [sflag:s8] =	dma.local @!p0 [hbm:s6], $0xF7A  }
0x23: {  	s9 =	sor.u32 $0xD0000000, s2;
	s6 =	simm.s32 $0x108;
	_ =	swait.ge @!p0 [sflag:s8], $0x0  }
0x24: {  	s3 =	sadd.s32 $0x88, s3;
	s6 =	simm.s32 @!p1 $0x1082;
	[sflag:s4] =	ssyncset.s32 $0xFFFFF086  }
0x25: {  	[simem:s6], [sflag:s4] =	dma.local [hbm:s3], $0xF7A  }
0x26: {  	[smem:$0x3F8F] =	sst s1;
	(tag) =	ssettag s2;
	_ =	strace s9  }
0x27: {  	s1 =	sld [smem:$0x3F9F]  }
0x28: {  	s2 =	sld [smem:$0x3FA0]  }
0x29: {  	s4 =	sld [smem:$0x3FA2]  }
0x2a: {  	p0 =	seq.s32 s5, $0x0;
	s5 =	sld [smem:$0x3FA3]  }
0x2b: {  	s6 =	sld [smem:$0x3FA4]  }
0x2c: {  	s7 =	sld [smem:$0x3FA5]  }
0x2d: {  	s3 =	simm.s32 $0x108;
	s8 =	sld [smem:$0x3FA6]  }
0x2e: {  	s3 =	simm.s32 @!p0 $0x1082;
	s9 =	sld [smem:$0x3FA7]  }
0x2f: {  	lr =	sadd.s32 s0, s3;
	s0 =	sld [smem:$0x3F9E]  }
0x30: {  	s3 =	sld [smem:$0x3FA1]  }
0x31: {  	[smem:$0x3FAA] =	sst s10  }
0x32: {  	s10 =	sld [smem:$0x3FA8];
	_ =	sdelay $0x3  }
0x33: {  	p0 =	seq.s32 s10, $0x1;
	s10 =	sld [smem:$0x3FAA];
	_ =	sdelay $0x3  }
0x34: {  	[smem:$0x3FAA] =	sst s10  }
0x35: {  	s10 =	sld [smem:$0x3FA9];
	_ =	sdelay $0x3  }
0x36: {  	p1 =	seq.s32 s10, $0x1;
	s10 =	sld [smem:$0x3FAA];
	_ =	sdelay $0x3  }
0x37: {  	[smem:$0x3FAA] =	sst s10  }
0x38: {  	s10 =	sld [smem:$0x3FAB]  }
0x39: {  	_ = 	snop;
	(pc) =	sbr.ind lr, $3  }
0x3a: {  	_ = 	snop  }
0x3b: {  	_ = 	snop  }
0x3c: {  	p2 =	seq.s32 s10, $0x1;
	s10 =	sld [smem:$0x3FAA]  }
0x3d: {  	_ =	shalt  }
0x3e: {  	_ =	shalt  }
0x3f: {  	_ =	shalt  }
0x40: {  	_ =	shalt  }
0x41: {  	_ =	shalt  }
0x42: {  	_ =	shalt  }
0x43: {  	_ =	shalt  }
0x44: {  	_ =	shalt  }
0x45: {  	_ =	shalt  }
0x46: {  	_ =	shalt  }
0x47: {  	_ =	shalt  }
0x48: {  	_ =	shalt  }
0x49: {  	_ =	shalt  }
0x4a: {  	_ =	shalt  }
0x4b: {  	_ =	shalt  }
0x4c: {  	_ =	shalt  }
0x4d: {  	_ =	shalt  }
0x4e: {  	_ =	shalt  }
0x4f: {  	_ =	shalt  }
0x50: {  	_ =	shalt  }
0x51: {  	_ =	shalt  }
0x52: {  	_ =	shalt  }
0x53: {  	_ =	shalt  }
0x54: {  	_ =	shalt  }
0x55: {  	_ =	shalt  }
0x56: {  	_ =	shalt  }
0x57: {  	_ =	shalt  }
0x58: {  	_ =	shalt  }
0x59: {  	_ =	shalt  }
0x5a: {  	_ =	shalt  }
0x5b: {  	_ =	shalt  }
0x5c: {  	_ =	shalt  }
0x5d: {  	_ =	shalt  }
0x5e: {  	_ =	shalt  }
0x5f: {  	_ =	shalt  }
0x60: {  	_ =	shalt  }
0x61: {  	_ =	shalt  }
0x62: {  	_ =	shalt  }
0x63: {  	_ =	shalt  }
0x64: {  	_ =	shalt  }
0x65: {  	_ =	shalt  }
0x66: {  	_ =	shalt  }
0x67: {  	_ =	shalt  }
0x68: {  	_ =	shalt  }
0x69: {  	_ =	shalt  }
0x6a: {  	_ =	shalt  }
0x6b: {  	_ =	shalt  }
0x6c: {  	_ =	shalt  }
0x6d: {  	_ =	shalt  }
0x6e: {  	_ =	shalt  }
0x6f: {  	_ =	shalt  }
0x70: {  	_ =	shalt  }
0x71: {  	_ =	shalt  }
0x72: {  	_ =	shalt  }
0x73: {  	_ =	shalt  }
0x74: {  	_ =	shalt  }
0x75: {  	_ =	shalt  }
0x76: {  	_ =	shalt  }
0x77: {  	_ =	shalt  }
0x78: {  	_ =	shalt  }
0x79: {  	_ =	shalt  }
0x7a: {  	_ =	shalt  }
0x7b: {  	_ =	shalt  }
0x7c: {  	_ =	shalt  }
0x7d: {  	_ =	shalt  }
0x7e: {  	_ =	shalt  }
0x7f: {  	_ =	shalt  }
0x80: {  	_ =	shalt  }
0x81: {  	_ =	shalt  }
0x82: {  	_ =	shalt  }
0x83: {  	_ =	shalt  }
0x84: {  	_ =	shalt  }
0x85: {  	_ =	shalt  }
0x86: {  	_ =	shalt  }
0x87: {  	_ =	shalt  }
.Lfunc_end0:
.L_simem_size_0:
called_computation.4_lowered:
.L_overlay_start_0:
0x88: {  	s2 =	sld [smem:$0x3FD9]  }
0x89: {  	s3 =	sld [smem:$0x3FFE];
	_ =	sdelay $0x1  }
0x8a: {  	s1 =	srdreg.scid  }
0x8b: {  	s0 =	sand.u32 $0x1, s1  }
0x8c: {  	s16 =	sshll.u32 s0, $0xA;
	s2 =	sadd.s32 s3, s2  }
0x8d: {  	s2 =	sadd.s32 s2, s16  }
0x8e: {  	[smem:$0x3FB6] =	sst s2  }
0x8f: {  	_ = 	snop  }
0x90: {  	(tm) =	ssettm $0x1  }
0x91: {  	s17 =	sld [smem:$0x3FFB];
	_ =	sdelay $0x3  }
0x92: {  	_ =	strace s17  }
0x93: {  	s2 =	sld [smem:$0x3FFC];
	_ =	sdelay $0x3  }
0x94: {  	_ =	strace s2  }
0x95: {  	s2 =	sld [smem:$0x3FFD];
	_ =	sdelay $0x3  }
0x96: {  	_ =	strace s2  }
0x97: {  	_ =	strace $0x8FFFFFFF  }
0x98: {  	s18 =	sld [smem:$0x3FDB];
	_ =	sdelay $0x1  }
0x99: {  	s19 =	simm.s32 $_scs_section_size  }
0x9a: {  	s4 =	simm.s32 $_size__tile_overlayer_lowered;
	s5 =	simm.s32 $_tile_overlayer_lowered  }
0x9b: {  	s22 =	simm.s32 $0x1BFF;
	s21 =	sshll.u32 s5, $0x1;
	s2 =	sadd.s32 s19, s18  }
0x9c: {  	s6 =	simm.s32 $0x0;
	s20 =	sshll.u32 s4, $0x1;
	s4 =	sadd.s32 s21, s2  }
0x9d: {  	[timem:s6], [sflag:s22] =	dma.local [hbm:s4], s20  }
0x9e: {  	_ =	swait.ge [sflag:s22], s20  }
0x9f: {  	s3 =	ssub.s32 $0x0, s20;
	[sflag:s22] =	ssyncset.done $0x0  }
0xa0: {  	[sflag:s22] =	ssyncadd.s32 s3;
	_ =	sdelay $0x1  }
0xa1: {  	s23 =	simm.s32 $0x1B8B  }
0xa2: {  	_ =	swait.ge [sflag:s23], $0x1  }
0xa3: {  	[sflag:s23] =	ssyncset.done $0x0  }
0xa4: {  	s25 =	simm.s32 $0x1B8E;
	s24 =	sld [smem:$0x3FFE];
	[sflag:s23] =	ssyncadd.s32 $0xFFFFFFFF  }
0xa5: {  	s26 =	simm.s32 $execute0_lowered;
	[smem:$0x3FD2] =	sst s25  }
0xa6: {  	s4 =	sshll.u32 s26, $0x1;
	_ =	strace $0x80000052;
	[dreg:$0x1] =	wrdreg $0xFFFFFFFF  }
0xa7: {  	s28 =	simm.s32 $_size_execute0_lowered;
	s2 =	sadd.s32 s2, s4;
	[dreg:$0x0] =	wrdreg $0x0  }
0xa8: {  	s4 =	sshll.u32 s28, $0x1;
	[dreg:$0x2] =	wrdreg s2  }
0xa9: {  	[dreg:$0x3] =	wrdreg s4  }
0xaa: {  	[dreg:$0x4] =	wrdreg $0xC0  }
0xab: {  	_ =	task [dreg:s6], $0x5FFFF  }
0xac: {  	[dreg:$0x1] =	wrdreg $0xFFFFFFFF  }
0xad: {  	[dreg:$0x0] =	wrdreg $0x60  }
0xae: {  	[dreg:$0x2] =	wrdreg s24  }
0xaf: {  	[dreg:$0x3] =	wrdreg $0x110000  }
0xb0: {  	[dreg:$0x4] =	wrdreg $0x9  }
0xb1: {  	_ =	task.clear_ibuf [dreg:s6], $0x5FFFF;
	_ =	strace $0x90000052  }
0xb2: {  	s29 =	simm.s32 $0x9;
	_ =	strace $0x80000054  }
0xb3: {  	_ =	swait.ge [sflag:s29], $0x1  }
0xb4: {  	[sflag:s29] =	ssyncadd.s32 $0xFFFFFFFF  }
0xb5: {  	_ =	strace $0x90000054  }
0xb6: {  	_ =	sfence  }
0xb7: {  	s30 =	sld [smem:$0x0];
	_ =	sdelay $0x2  }
0xb8: {  	s31 =	sshll.u32 s1, $0xD;
	s1 =	sshrl.u32 s1, $0x2  }
0xb9: {  	s3 =	sand.u32 $0x4000, s31;
	s1 =	sadd.s32 s1, s30  }
0xba: {  	s0 =	sor.u32 s3, s0;
	s1 =	sshll.u32 s1, $0x11  }
0xbb: {  	s0 =	sor.u32 s1, s0  }
0xbc: {  	s0 =	sadd.s32 $0x8F2B, s0  }
0xbd: {  	[sflag:s0] =	ssyncadd.remote.s32 $0x1  }
0xbe: {  	_ =	sfence.sel $0xFFFF  }
0xbf: {  	[dreg:$0x0] =	wrdreg $0xFFFFFFFF;
	(pc) =	sbr.abs _section_cstart, $3  }
0xc0: {  	[dreg:$0x1] =	wrdreg $0xFFFFFFFF  }
0xc1: {  	_ =	task.clear_ibuf [dreg:s6], $0x2FFFF;
	_ =	strace $0x9FFFFFFF  }
0xc2: {  	(tm) =	ssettm $0x7FFFFFFF  }
0xc3: {  	_ =	shalt  }
tec
execute0_lowered:
.L_overlay_start_1:
0x0: {  	(tag) =	ssettag $0x1  }
0x1: {  	s0 =	rddreg [dreg:$0x0]  }
0x2: {  	s2 =	rddreg [dreg:$0x1]  }
0x3: {  	s1 =	srdreg.scid;
	s16 =	stileid.u32;
	s3 =	simm.s32 $0x0  }
0x4: {  	s17 =	simm.s32 $0x880;
	s18 =	simm.s32 $0x2000;
	s20 =	simm.s32 $0x900  }
0x5: {  	s21 =	simm.s32 $0x3000;
	s23 =	simm.s32 $0x980;
	[smem:$0x7FF] =	sst s3  }
0x6: {  	s24 =	simm.s32 $0x4000;
	_ =	strace $0x80000053;
	[dreg:$0x5] =	wrdreg s17  }
0x7: {  	s25 =	simm.s32 $0xA00;
	s28 =	simm.s32 $0xF80;
	[dreg:$0x6] =	wrdreg s18  }
0x8: {  	s29 =	simm.s32 $0x10000;
	s30 =	simm.s32 $0x0;
	[dreg:$0x7] =	wrdreg s20  }
0x9: {  	s1 =	sand.u32 $0x1, s1;
	s7 =	smul.u32 $0x5000, s16;
	[dreg:$0x8] =	wrdreg s21  }
0xa: {  	s4 =	sadd.s32 $0x18000, s0;
	s5 =	sadd.s32 $0xE000, s0;
	[dreg:$0x9] =	wrdreg s23  }
0xb: {  	s6 =	sadd.s32 $0x4000, s0;
	s11 =	sadd.s32 $0x22000, s0;
	[dreg:$0xa] =	wrdreg s24  }
0xc: {  	s8 =	smul.u32 $0x50000, s1;
	[dreg:$0xb] =	wrdreg s25;
	s17 =	simm.s32 $0x8000  }
0xd: {  	s9 =	smul.u32 $0x2800, s1;
	s20 =	simm.s32 $0xA000;
	[dreg:$0x12] =	wrdreg s17  }
0xe: {  	s26 =	ssub.s32 $0x2, s1;
	s21 =	simm.s32 $0xD00;
	[dreg:$0x14] =	wrdreg s20  }
0xf: {  	p0 =	seq.s32 s1, $0x0;
	s23 =	simm.s32 $0xD80;
	[dreg:$0x15] =	wrdreg s21  }
0x10: {  	s24 =	simm.s32 $0xC000;
	s25 =	simm.s32 $0xE00;
	[dreg:$0x17] =	wrdreg s23  }
0x11: {  	s31 =	sshrl.u32 s26, $0x1;
	s11 =	smov.u32 @p0 s4;
	[dreg:$0x18] =	wrdreg s24  }
0x12: {  	s17 =	simm.s32 $0x400;
	s20 =	simm.s32 $0x9000;
	[dreg:$0x19] =	wrdreg s25  }
0x13: {  	s21 =	simm.s32 $0x1;
	s23 =	simm.s32 $0x2;
	s8 =	sadd.s32 s7, s8  }
0x14: {  	s13 =	sadd.s32 s9, s7;
	s12 =	ssub.s32 s26, s31;
	s9 =	sshll.u32 s16, $0x1  }
0x15: {  	s31 =	simm.s32 $0x5000;
	s8 =	sshrl.u32 s8, $0x3;
	s10 =	sor.u32 $0x400, s13  }
0x16: {  	[dreg:$0xc] =	wrdreg s31;
	s18 =	sadd.s32 $0x800, s13;
	s31 =	simm.s32 $0xE80  }
0x17: {  	s0 =	sadd.s32 s8, s0;
	s10 =	sshrl.u32 s10, $0x3;
	[smem:$0x7FD] =	sst s18  }
0x18: {  	s8 =	sor.u32 s1, s9;
	s9 =	simm.s32 $0x6000;
	[dreg:$0x1b] =	wrdreg s31  }
0x19: {  	s24 =	simm.s32 $0xE000;
	s14 =	sadd.s32 s10, s6;
	[dreg:$0xe] =	wrdreg s9  }
0x1a: {  	s15 =	sadd.s32 s10, s5;
	s19 =	smul.u32 $0x2800, s8;
	[dreg:$0x3] =	wrdreg s14  }
0x1b: {  	s8 =	smul.u32 $0x500, s8;
	s0 =	sadd.s32 $0x2C000, s0;
	[dreg:$0x4] =	wrdreg s15  }
0x1c: {  	s25 =	simm.s32 $0xF00;
	s10 =	simm.s32 $0xB00;
	[dreg:$0x1e] =	wrdreg s0  }
0x1d: {  	s18 =	simm.s32 $0x1000;
	[dreg:$0xf] =	wrdreg s10;
	s26 =	sadd.s32 s6, s8  }
0x1e: {  	s15 =	sshrl.u32 s7, $0x3;
	s8 =	smax.u32 s12, $0x1;
	[dreg:$0x1d] =	wrdreg s26  }
0x1f: {  	s14 =	sadd.s32 s7, s2;
	s11 =	sadd.s32 s11, s15;
	[dreg:$0x1f] =	wrdreg s8  }
0x20: {  	s22 =	sshrl.u32 s19, $0x3;
	s12 =	simm.s32 $0x7000;
	[smem:$0x7FC] =	sst s11  }
0x21: {  	s15 =	sshll.u32 s16, $0x6;
	s16 =	simm.s32 $0xB80;
	[dreg:$0x10] =	wrdreg s12  }
0x22: {  	s19 =	simm.s32 $0xC80;
	s14 =	sshrl.u32 s14, $0x3;
	[dreg:$0x11] =	wrdreg s16  }
0x23: {  	s7 =	sadd.s32 s5, s22;
	s1 =	sor.u32 $0x1C03, s15;
	[dreg:$0x13] =	wrdreg s19  }
0x24: {  	s15 =	simm.s32 $0x3;
	s22 =	simm.s32 $0xB000;
	[dreg:$0x1c] =	wrdreg s7  }
0x25: {  	s16 =	simm.s32 $0x800;
	s26 =	simm.s32 $0xD000;
	[dreg:$0x16] =	wrdreg s22  }
0x26: {  	s19 =	simm.s32 $0xC00;
	s7 =	simm.s32 $0xA80;
	[dreg:$0x1a] =	wrdreg s26  }
0x27: {  	s22 =	simm.s32 $0x80;
	s26 =	simm.s32 $0xF000;
	[dreg:$0xd] =	wrdreg s7  }
.LBB2_1:
0x28: {  	s0 =	sld [smem:$0x7FC];
	_ =	sdelay $0x2  }
0x29: {  	[spmem:s14], [sflag:s1] =	dma.local [hbm:s0], $0xA00  }
0x2a: {  	_ =	swait.ge [sflag:s15], $0xA00  }
0x2b: {  	[sflag:s15] =	ssyncset.done $0x0  }
0x2c: {  	[sflag:s15] =	ssyncadd.s32 $0xFFFFF600  }
0x2d: {  	[bflag:$0x0] =	sbarrier.arrive $0xFFFF  }
0x2e: {  	s12 =	rddreg [dreg:$0x1c]  }
0x2f: {  	[tilespmem:s3], [sflag:$0x3] =	stream.linear.gather [hbm4b:s12+s3], $0x400, $0x38;
	[tilespmem:$0x16000] =	vst v63  }
0x30: {  	_ =	swait.ge [sflag:s15], $0x400  }
0x31: {  	[sflag:s15] =	ssyncset.done $0x0  }
0x32: {  	s13 =	smov.u32 s1;
	s1 =	rddreg [dreg:$0x1d];
	[sflag:s15] =	ssyncadd.s32 $0xFFFFFC00  }
0x33: {  	[tilespmem:s16], [sflag:$0x3] =	stream.linear.gather [hbm4b:s1+s3], $0x400, $0x38;
	[tilespmem:$0x16000] =	vst v63  }
0x34: {  	_ =	swait.ge [sflag:s15], $0x400  }
0x35: {  	[sflag:s15] =	ssyncset.done $0x0  }
0x36: {  	s7 =	rddreg [dreg:$0x4];
	[sflag:s15] =	ssyncadd.s32 $0xFFFFFC00  }
0x37: {  	[tilespmem:s18], [sflag:$0x1] =	stream.indirect.gather [hbm4b:s4+s17], $0x20, s3, s17, $0xb8;
	[tilespmem:$0x16000] =	vst v63  }
0x38: {  	s0 =	sadd.s32 $0x0, s7  }
0x39: {  	[tilespmem:s17], [sflag:$0x3] =	stream.linear.gather [hbm4b:s0+s3], $0x400, $0x38;
	[tilespmem:$0x16000] =	vst v63  }
0x3a: {  	_ =	swait.ge [sflag:s15], $0x400  }
0x3b: {  	s8 =	rddreg [dreg:$0x3];
	[sflag:s15] =	ssyncset.done $0x0  }
0x3c: {  	[sflag:s15] =	ssyncadd.s32 $0xFFFFFC00;
	s0 =	sadd.s32 $0x0, s8  }
0x3d: {  	[tilespmem:s19], [sflag:$0x3] =	stream.linear.gather [hbm4b:s0+s3], $0x400, $0x38;
	[tilespmem:$0x16000] =	vst v63  }
0x3e: {  	_ =	swait.ge [sflag:s15], $0x400  }
0x3f: {  	[sflag:s15] =	ssyncset.done $0x0  }
0x40: {  	[sflag:s15] =	ssyncadd.s32 $0xFFFFFC00  }
0x41: {  	[tilespmem:s20], [sflag:$0x2] =	stream.indirect.gather [hbm4b:s4+s17], $0x20, s17, s17, $0xb8;
	[tilespmem:$0x16000] =	vst v63  }
0x42: {  	_ =	swait.ge [sflag:s21], $0x8000  }
0x43: {  	[sflag:s21] =	ssyncset.done $0x0  }
0x44: {  	[sflag:s21] =	ssyncadd.s32 $0xFFFF8000  }
0x45: {  	[spmem:s2] =	stream.indirect.scatter.add.f32 [tilespmem:s18], [sflag:$0x3], $0x20, s16, s22, $0xb8;
	[tilespmem:$0x16000] =	vst v63  }
0x46: {  	_ =	swait.ge [sflag:s15], $0x1000  }
0x47: {  	s9 =	rddreg [dreg:$0x5];
	[sflag:s15] =	ssyncset.done $0x0  }
0x48: {  	s10 =	rddreg [dreg:$0x6];
	[sflag:s15] =	ssyncadd.s32 $0xFFFFF000  }
0x49: {  	[spmem:s2] =	stream.indirect.scatter.add.f32 [tilespmem:s10], [sflag:$0x3], $0x20, s9, s22, $0xb8;
	[tilespmem:$0x16000] =	vst v63  }
0x4a: {  	_ =	swait.ge [sflag:s15], $0x1000  }
0x4b: {  	s11 =	rddreg [dreg:$0x7];
	[sflag:s15] =	ssyncset.done $0x0  }
0x4c: {  	s12 =	rddreg [dreg:$0x8];
	[sflag:s15] =	ssyncadd.s32 $0xFFFFF000  }
0x4d: {  	[spmem:s2] =	stream.indirect.scatter.add.f32 [tilespmem:s12], [sflag:$0x3], $0x20, s11, s22, $0xb8;
	[tilespmem:$0x16000] =	vst v63  }
0x4e: {  	_ =	swait.ge [sflag:s15], $0x1000  }
0x4f: {  	s7 =	rddreg [dreg:$0x9];
	[sflag:s15] =	ssyncset.done $0x0  }
0x50: {  	s8 =	rddreg [dreg:$0xa];
	[sflag:s15] =	ssyncadd.s32 $0xFFFFF000  }
0x51: {  	[spmem:s2] =	stream.indirect.scatter.add.f32 [tilespmem:s8], [sflag:$0x3], $0x20, s7, s22, $0xb8;
	[tilespmem:$0x16000] =	vst v63  }
0x52: {  	_ =	swait.ge [sflag:s15], $0x1000  }
0x53: {  	s9 =	rddreg [dreg:$0xb];
	[sflag:s15] =	ssyncset.done $0x0  }
0x54: {  	s10 =	rddreg [dreg:$0xc];
	[sflag:s15] =	ssyncadd.s32 $0xFFFFF000  }
0x55: {  	[spmem:s2] =	stream.indirect.scatter.add.f32 [tilespmem:s10], [sflag:$0x3], $0x20, s9, s22, $0xb8;
	[tilespmem:$0x16000] =	vst v63  }
0x56: {  	_ =	swait.ge [sflag:s15], $0x1000  }
0x57: {  	s11 =	rddreg [dreg:$0xd];
	[sflag:s15] =	ssyncset.done $0x0  }
0x58: {  	s12 =	rddreg [dreg:$0xe];
	[sflag:s15] =	ssyncadd.s32 $0xFFFFF000  }
0x59: {  	[spmem:s2] =	stream.indirect.scatter.add.f32 [tilespmem:s12], [sflag:$0x3], $0x20, s11, s22, $0xb8;
	[tilespmem:$0x16000] =	vst v63  }
0x5a: {  	_ =	swait.ge [sflag:s15], $0x1000  }
0x5b: {  	s7 =	rddreg [dreg:$0xf];
	[sflag:s15] =	ssyncset.done $0x0  }
0x5c: {  	s8 =	rddreg [dreg:$0x10];
	[sflag:s15] =	ssyncadd.s32 $0xFFFFF000  }
0x5d: {  	[spmem:s2] =	stream.indirect.scatter.add.f32 [tilespmem:s8], [sflag:$0x3], $0x20, s7, s22, $0xb8;
	[tilespmem:$0x16000] =	vst v63  }
0x5e: {  	_ =	swait.ge [sflag:s15], $0x1000  }
0x5f: {  	s9 =	rddreg [dreg:$0x11];
	[sflag:s15] =	ssyncset.done $0x0  }
0x60: {  	s10 =	rddreg [dreg:$0x12];
	[sflag:s15] =	ssyncadd.s32 $0xFFFFF000  }
0x61: {  	[spmem:s2] =	stream.indirect.scatter.add.f32 [tilespmem:s10], [sflag:$0x3], $0x20, s9, s22, $0xb8;
	[tilespmem:$0x16000] =	vst v63  }
0x62: {  	_ =	swait.ge [sflag:s15], $0x1000  }
0x63: {  	s8 =	sld [smem:$0x7FD];
	_ =	sdelay $0x1  }
0x64: {  	p0 =	por $0x0, $0x0  }
0x65: {  	s1 =	simm.s32 @!p0 $0x0;
	[sflag:s15] =	ssyncset.done $0x0;
	s0 =	sshrl.u32 @!p0 s8, $0x3  }
0x66: {  	s7 =	simm.s32 @!p0 $0x3;
	[sflag:s15] =	ssyncadd.s32 $0xFFFFF000;
	s31 =	sadd.s32 @!p0 s5, s0  }
0x67: {  	[tilespmem:s1], [sflag:$0x3] =	stream.linear.gather @!p0 [hbm4b:s31+s1], $0x400, $0x38;
	[tilespmem:$0x16000] =	vst v63  }
0x68: {  	_ =	swait.ge @!p0 [sflag:s7], $0x400  }
0x69: {  	[sflag:s7] =	ssyncset.done @!p0 $0x0  }
0x6a: {  	s0 =	sadd.s32 @!p0 s6, s0;
	s31 =	simm.s32 @!p0 $0x800;
	[sflag:s7] =	ssyncadd.s32 @!p0 $0xFFFFFC00  }
0x6b: {  	[tilespmem:s31], [sflag:$0x3] =	stream.linear.gather @!p0 [hbm4b:s0+s1], $0x400, $0x38;
	[tilespmem:$0x16000] =	vst v63  }
0x6c: {  	_ =	swait.ge @!p0 [sflag:s7], $0x400  }
0x6d: {  	[sflag:s7] =	ssyncset.done @!p0 $0x0  }
0x6e: {  	s0 =	simm.s32 @!p0 $0x400;
	[sflag:s7] =	ssyncadd.s32 @!p0 $0xFFFFFC00;
	s7 =	simm.s32 @!p0 $0x1000  }
0x6f: {  	[tilespmem:s7], [sflag:$0x1] =	stream.indirect.gather @!p0 [hbm4b:s4+s0], $0x20, s1, s0, $0xb8;
	[tilespmem:$0x16000] =	vst v63  }
0x70: {  	_ =	swait.ge [sflag:s23], $0x8000  }
0x71: {  	[sflag:s23] =	ssyncset.done $0x0  }
0x72: {  	[sflag:s23] =	ssyncadd.s32 $0xFFFF8000  }
0x73: {  	[spmem:s2] =	stream.indirect.scatter.add.f32 [tilespmem:s20], [sflag:$0x3], $0x20, s19, s22, $0xb8;
	[tilespmem:$0x16000] =	vst v63  }
0x74: {  	_ =	swait.ge [sflag:s15], $0x1000  }
0x75: {  	s11 =	rddreg [dreg:$0x13];
	[sflag:s15] =	ssyncset.done $0x0  }
0x76: {  	s12 =	rddreg [dreg:$0x14];
	[sflag:s15] =	ssyncadd.s32 $0xFFFFF000  }
0x77: {  	[spmem:s2] =	stream.indirect.scatter.add.f32 [tilespmem:s12], [sflag:$0x3], $0x20, s11, s22, $0xb8;
	[tilespmem:$0x16000] =	vst v63  }
0x78: {  	_ =	swait.ge [sflag:s15], $0x1000  }
0x79: {  	s1 =	rddreg [dreg:$0x15];
	[sflag:s15] =	ssyncset.done $0x0  }
0x7a: {  	s7 =	rddreg [dreg:$0x16];
	[sflag:s15] =	ssyncadd.s32 $0xFFFFF000  }
0x7b: {  	[spmem:s2] =	stream.indirect.scatter.add.f32 [tilespmem:s7], [sflag:$0x3], $0x20, s1, s22, $0xb8;
	[tilespmem:$0x16000] =	vst v63  }
0x7c: {  	_ =	swait.ge [sflag:s15], $0x1000  }
0x7d: {  	s9 =	rddreg [dreg:$0x17];
	[sflag:s15] =	ssyncset.done $0x0  }
0x7e: {  	s10 =	rddreg [dreg:$0x18];
	[sflag:s15] =	ssyncadd.s32 $0xFFFFF000  }
0x7f: {  	[spmem:s2] =	stream.indirect.scatter.add.f32 [tilespmem:s10], [sflag:$0x3], $0x20, s9, s22, $0xb8;
	[tilespmem:$0x16000] =	vst v63  }
0x80: {  	_ =	swait.ge [sflag:s15], $0x1000  }
0x81: {  	s11 =	rddreg [dreg:$0x19];
	[sflag:s15] =	ssyncset.done $0x0  }
0x82: {  	s12 =	rddreg [dreg:$0x1a];
	[sflag:s15] =	ssyncadd.s32 $0xFFFFF000  }
0x83: {  	[spmem:s2] =	stream.indirect.scatter.add.f32 [tilespmem:s12], [sflag:$0x3], $0x20, s11, s22, $0xb8;
	[tilespmem:$0x16000] =	vst v63  }
0x84: {  	_ =	swait.ge [sflag:s15], $0x1000  }
0x85: {  	s31 =	simm.s32 $0x100;
	[sflag:s15] =	ssyncset.done $0x0  }
0x86: {  	s0 =	sadd.s32 $0x800, s8;
	s1 =	rddreg [dreg:$0x1b];
	[sflag:s15] =	ssyncadd.s32 $0xFFFFF000  }
.LBB2_2:
0x87: {  	[spmem:s2] =	stream.indirect.scatter.add.f32 [tilespmem:s24], [sflag:$0x3], $0x20, s1, s22, $0xb8;
	[tilespmem:$0x16000] =	vst v63  }
0x88: {  	_ =	swait.ge [sflag:s15], $0x1000  }
0x89: {  	[sflag:s15] =	ssyncset.done $0x0  }
0x8a: {  	[sflag:s15] =	ssyncadd.s32 $0xFFFFF000  }
0x8b: {  	[spmem:s2] =	stream.indirect.scatter.add.f32 [tilespmem:s26], [sflag:$0x3], $0x20, s25, s22, $0xb8;
	[tilespmem:$0x16000] =	vst v63  }
0x8c: {  	_ =	swait.ge [sflag:s15], $0x1000  }
0x8d: {  	[sflag:s15] =	ssyncset.done $0x0  }
0x8e: {  	[sflag:s15] =	ssyncadd.s32 $0xFFFFF000  }
0x8f: {  	[spmem:s2] =	stream.indirect.scatter.add.f32 [tilespmem:s29], [sflag:$0x3], $0x20, s28, s22, $0xb8;
	[tilespmem:$0x16000] =	vst v63  }
0x90: {  	_ =	swait.ge [sflag:s15], $0x1000  }
0x91: {  	s1 =	smov.u32 s31;
	s7 =	rddreg [dreg:$0x4];
	[sflag:s15] =	ssyncset.done $0x0  }
0x92: {  	[sflag:s15] =	ssyncadd.s32 $0xFFFFF000;
	s7 =	sadd.s32 s1, s7  }
0x93: {  	[tilespmem:s17], [sflag:$0x3] =	stream.linear.gather [hbm4b:s7+s3], $0x400, $0x38;
	[tilespmem:$0x16000] =	vst v63  }
0x94: {  	_ =	swait.ge [sflag:s15], $0x400  }
0x95: {  	s11 =	rddreg [dreg:$0x3];
	[sflag:s15] =	ssyncset.done $0x0  }
0x96: {  	[sflag:s15] =	ssyncadd.s32 $0xFFFFFC00;
	s7 =	sadd.s32 s1, s11  }
0x97: {  	[tilespmem:s19], [sflag:$0x3] =	stream.linear.gather [hbm4b:s7+s3], $0x400, $0x38;
	[tilespmem:$0x16000] =	vst v63  }
0x98: {  	_ =	swait.ge [sflag:s15], $0x400  }
0x99: {  	[sflag:s15] =	ssyncset.done $0x0  }
0x9a: {  	[sflag:s15] =	ssyncadd.s32 $0xFFFFFC00  }
0x9b: {  	[tilespmem:s20], [sflag:$0x2] =	stream.indirect.gather [hbm4b:s4+s17], $0x20, s17, s17, $0xb8;
	[tilespmem:$0x16000] =	vst v63  }
0x9c: {  	_ =	swait.ge [sflag:s21], $0x8000  }
0x9d: {  	[sflag:s21] =	ssyncset.done $0x0  }
0x9e: {  	[sflag:s21] =	ssyncadd.s32 $0xFFFF8000  }
0x9f: {  	[spmem:s2] =	stream.indirect.scatter.add.f32 [tilespmem:s18], [sflag:$0x3], $0x20, s16, s22, $0xb8;
	[tilespmem:$0x16000] =	vst v63  }
0xa0: {  	_ =	swait.ge [sflag:s15], $0x1000  }
0xa1: {  	s12 =	rddreg [dreg:$0x5];
	[sflag:s15] =	ssyncset.done $0x0  }
0xa2: {  	s8 =	rddreg [dreg:$0x6];
	[sflag:s15] =	ssyncadd.s32 $0xFFFFF000  }
0xa3: {  	[spmem:s2] =	stream.indirect.scatter.add.f32 [tilespmem:s8], [sflag:$0x3], $0x20, s12, s22, $0xb8;
	[tilespmem:$0x16000] =	vst v63  }
0xa4: {  	_ =	swait.ge [sflag:s15], $0x1000  }
0xa5: {  	[sflag:s15] =	ssyncset.done $0x0;
	s9 =	rddreg [dreg:$0x7]  }
0xa6: {  	s10 =	rddreg [dreg:$0x8];
	[sflag:s15] =	ssyncadd.s32 $0xFFFFF000  }
0xa7: {  	[spmem:s2] =	stream.indirect.scatter.add.f32 [tilespmem:s10], [sflag:$0x3], $0x20, s9, s22, $0xb8;
	[tilespmem:$0x16000] =	vst v63  }
0xa8: {  	_ =	swait.ge [sflag:s15], $0x1000  }
0xa9: {  	[sflag:s15] =	ssyncset.done $0x0;
	s11 =	rddreg [dreg:$0x9]  }
0xaa: {  	s12 =	rddreg [dreg:$0xa];
	[sflag:s15] =	ssyncadd.s32 $0xFFFFF000  }
0xab: {  	[spmem:s2] =	stream.indirect.scatter.add.f32 [tilespmem:s12], [sflag:$0x3], $0x20, s11, s22, $0xb8;
	[tilespmem:$0x16000] =	vst v63  }
0xac: {  	_ =	swait.ge [sflag:s15], $0x1000  }
0xad: {  	[sflag:s15] =	ssyncset.done $0x0;
	s9 =	rddreg [dreg:$0xb]  }
0xae: {  	s10 =	rddreg [dreg:$0xc];
	[sflag:s15] =	ssyncadd.s32 $0xFFFFF000  }
0xaf: {  	[spmem:s2] =	stream.indirect.scatter.add.f32 [tilespmem:s10], [sflag:$0x3], $0x20, s9, s22, $0xb8;
	[tilespmem:$0x16000] =	vst v63  }
0xb0: {  	_ =	swait.ge [sflag:s15], $0x1000  }
0xb1: {  	[sflag:s15] =	ssyncset.done $0x0;
	s11 =	rddreg [dreg:$0xd]  }
0xb2: {  	s12 =	rddreg [dreg:$0xe];
	[sflag:s15] =	ssyncadd.s32 $0xFFFFF000  }
0xb3: {  	[spmem:s2] =	stream.indirect.scatter.add.f32 [tilespmem:s12], [sflag:$0x3], $0x20, s11, s22, $0xb8;
	[tilespmem:$0x16000] =	vst v63  }
0xb4: {  	_ =	swait.ge [sflag:s15], $0x1000  }
0xb5: {  	[sflag:s15] =	ssyncset.done $0x0;
	s9 =	rddreg [dreg:$0xf]  }
0xb6: {  	s10 =	rddreg [dreg:$0x10];
	[sflag:s15] =	ssyncadd.s32 $0xFFFFF000  }
0xb7: {  	[spmem:s2] =	stream.indirect.scatter.add.f32 [tilespmem:s10], [sflag:$0x3], $0x20, s9, s22, $0xb8;
	[tilespmem:$0x16000] =	vst v63  }
0xb8: {  	_ =	swait.ge [sflag:s15], $0x1000  }
0xb9: {  	[sflag:s15] =	ssyncset.done $0x0;
	s8 =	rddreg [dreg:$0x11]  }
0xba: {  	s10 =	rddreg [dreg:$0x12];
	[sflag:s15] =	ssyncadd.s32 $0xFFFFF000  }
0xbb: {  	[spmem:s2] =	stream.indirect.scatter.add.f32 [tilespmem:s10], [sflag:$0x3], $0x20, s8, s22, $0xb8;
	[tilespmem:$0x16000] =	vst v63  }
0xbc: {  	p1 =	seq.s32 s1, $0x400;
	_ =	swait.ge [sflag:s15], $0x1000  }
0xbd: {  	s1 =	sshrl.u32 @!p1 s0, $0x3;
	s7 =	simm.s32 @!p1 $0x0;
	[sflag:s15] =	ssyncset.done $0x0  }
0xbe: {  	s11 =	simm.s32 @!p1 $0x3;
	s9 =	sadd.s32 @!p1 s5, s1;
	[sflag:s15] =	ssyncadd.s32 $0xFFFFF000  }
0xbf: {  	[tilespmem:s7], [sflag:$0x3] =	stream.linear.gather @!p1 [hbm4b:s9+s7], $0x400, $0x38;
	[tilespmem:$0x16000] =	vst v63  }
0xc0: {  	_ =	swait.ge @!p1 [sflag:s11], $0x400  }
0xc1: {  	[sflag:s11] =	ssyncset.done @!p1 $0x0  }
0xc2: {  	s12 =	simm.s32 @!p1 $0x800;
	s1 =	sadd.s32 @!p1 s6, s1;
	[sflag:s11] =	ssyncadd.s32 @!p1 $0xFFFFFC00  }
0xc3: {  	[tilespmem:s12], [sflag:$0x3] =	stream.linear.gather @!p1 [hbm4b:s1+s7], $0x400, $0x38;
	[tilespmem:$0x16000] =	vst v63  }
0xc4: {  	_ =	swait.ge @!p1 [sflag:s11], $0x400  }
0xc5: {  	[sflag:s11] =	ssyncset.done @!p1 $0x0  }
0xc6: {  	s8 =	simm.s32 @!p1 $0x400;
	s10 =	simm.s32 @!p1 $0x1000;
	[sflag:s11] =	ssyncadd.s32 @!p1 $0xFFFFFC00  }
0xc7: {  	[tilespmem:s10], [sflag:$0x1] =	stream.indirect.gather @!p1 [hbm4b:s4+s8], $0x20, s7, s8, $0xb8;
	[tilespmem:$0x16000] =	vst v63  }
0xc8: {  	_ =	swait.ge [sflag:s23], $0x8000  }
0xc9: {  	[sflag:s23] =	ssyncset.done $0x0  }
0xca: {  	[sflag:s23] =	ssyncadd.s32 $0xFFFF8000  }
0xcb: {  	[spmem:s2] =	stream.indirect.scatter.add.f32 [tilespmem:s20], [sflag:$0x3], $0x20, s19, s22, $0xb8;
	[tilespmem:$0x16000] =	vst v63  }
0xcc: {  	_ =	swait.ge [sflag:s15], $0x1000  }
0xcd: {  	[sflag:s15] =	ssyncset.done $0x0;
	s11 =	rddreg [dreg:$0x13]  }
0xce: {  	s12 =	rddreg [dreg:$0x14];
	[sflag:s15] =	ssyncadd.s32 $0xFFFFF000  }
0xcf: {  	[spmem:s2] =	stream.indirect.scatter.add.f32 [tilespmem:s12], [sflag:$0x3], $0x20, s11, s22, $0xb8;
	[tilespmem:$0x16000] =	vst v63  }
0xd0: {  	_ =	swait.ge [sflag:s15], $0x1000  }
0xd1: {  	[sflag:s15] =	ssyncset.done $0x0;
	s7 =	rddreg [dreg:$0x15]  }
0xd2: {  	s8 =	rddreg [dreg:$0x16];
	[sflag:s15] =	ssyncadd.s32 $0xFFFFF000  }
0xd3: {  	[spmem:s2] =	stream.indirect.scatter.add.f32 [tilespmem:s8], [sflag:$0x3], $0x20, s7, s22, $0xb8;
	[tilespmem:$0x16000] =	vst v63  }
0xd4: {  	_ =	swait.ge [sflag:s15], $0x1000  }
0xd5: {  	[sflag:s15] =	ssyncset.done $0x0;
	s9 =	rddreg [dreg:$0x17]  }
0xd6: {  	s10 =	rddreg [dreg:$0x18];
	[sflag:s15] =	ssyncadd.s32 $0xFFFFF000  }
0xd7: {  	[spmem:s2] =	stream.indirect.scatter.add.f32 [tilespmem:s10], [sflag:$0x3], $0x20, s9, s22, $0xb8;
	[tilespmem:$0x16000] =	vst v63  }
0xd8: {  	s31 =	sadd.s32 $0x100, s31;
	_ =	swait.ge [sflag:s15], $0x1000  }
0xd9: {  	p0 =	sne.s32 s31, $0x500;
	[sflag:s15] =	ssyncset.done $0x0;
	s11 =	rddreg [dreg:$0x19]  }
.Ltmp0:
0xda: {  	s12 =	rddreg [dreg:$0x1a];
	[sflag:s15] =	ssyncadd.s32 $0xFFFFF000;
	(pc) =	sbr.rel @p0 .LBB2_2-.Ltmp0, $4  }
0xdb: {  	[spmem:s2] =	stream.indirect.scatter.add.f32 [tilespmem:s12], [sflag:$0x3], $0x20, s11, s22, $0xb8;
	[tilespmem:$0x16000] =	vst v63  }
0xdc: {  	_ =	swait.ge [sflag:s15], $0x1000  }
0xdd: {  	[sflag:s15] =	ssyncset.done $0x0  }
0xde: {  	s0 =	sadd.s32 $0x800, s0;
	s1 =	rddreg [dreg:$0x1b];
	[sflag:s15] =	ssyncadd.s32 $0xFFFFF000  }
0xdf: {  	[spmem:s2] =	stream.indirect.scatter.add.f32 [tilespmem:s24], [sflag:$0x3], $0x20, s1, s22, $0xb8;
	[tilespmem:$0x16000] =	vst v63  }
0xe0: {  	_ =	swait.ge [sflag:s15], $0x1000  }
0xe1: {  	[sflag:s15] =	ssyncset.done $0x0  }
0xe2: {  	[sflag:s15] =	ssyncadd.s32 $0xFFFFF000  }
0xe3: {  	[spmem:s2] =	stream.indirect.scatter.add.f32 [tilespmem:s26], [sflag:$0x3], $0x20, s25, s22, $0xb8;
	[tilespmem:$0x16000] =	vst v63  }
0xe4: {  	_ =	swait.ge [sflag:s15], $0x1000  }
0xe5: {  	[sflag:s15] =	ssyncset.done $0x0  }
0xe6: {  	[sflag:s15] =	ssyncadd.s32 $0xFFFFF000  }
0xe7: {  	[spmem:s2] =	stream.indirect.scatter.add.f32 [tilespmem:s29], [sflag:$0x3], $0x20, s28, s22, $0xb8;
	[tilespmem:$0x16000] =	vst v63  }
0xe8: {  	_ =	swait.ge [sflag:s15], $0x1000  }
0xe9: {  	[sflag:s15] =	ssyncset.done $0x0  }
0xea: {  	[sflag:s15] =	ssyncadd.s32 $0xFFFFF000  }
0xeb: {  	[bflag:$0x0] =	sbarrier.arrive $0xFFFF  }
0xec: {  	s0 =	rddreg [dreg:$0x1e]  }
0xed: {  	[hbm:s0], [sflag:s13] =	dma.local [spmem:s14], $0xA00  }
0xee: {  	_ =	swait.ge [sflag:s15], $0xA00  }
0xef: {  	s30 =	sadd.s32 $0x1, s30;
	s31 =	rddreg [dreg:$0x1f]  }
0xf0: {  	p0 =	sne.s32 s30, s31  }
.Ltmp1:
0xf1: {  	_ = 	snop;
	(pc) =	sbr.rel @p0 .LBB2_1-.Ltmp1, $3  }
0xf2: {  	_ =	sdelay $0x1  }
0xf3: {  	[sflag:s15] =	ssyncset.done $0x0  }
0xf4: {  	s1 =	smov.u32 s13;
	[sflag:s15] =	ssyncadd.s32 $0xFFFFF600  }
0xf5: {  	_ =	sfence.sel $0x180000  }
0xf6: {  	[bflag:$0x0] =	sbarrier.arrive $0xFFFF  }
0xf7: {  	_ =	strace $0x90000053  }
0xf8: {  	s0 =	stileid.u32;
	[bflag:$0x2] =	sbarrier.arrive $0xFFFF  }
0xf9: {  	p0 =	sne.s32 s0, $0x0;
	s0 =	rddreg [dreg:$0x2]  }
0xfa: {  	s0 =	sadd.s32 @!p0 $0x100000, s0  }
0xfb: {  	[sflag:s0] =	ssyncadd.tile.s32 @!p0 $0x1;
	_ =	shalt  }
.Lfunc_end2:
_tile_overlayer_lowered:
.L_overlay_start_2:
0xfc: {  	(tag) =	ssettag $0x2  }
0xfd: {  	s0 =	rddreg [dreg:$0x0];
	s2 =	stileid.u32  }
0xfe: {  	s1 =	rddreg [dreg:$0x1];
	p0 =	sne.s32 s2, $0x0  }
0xff: {  	s3 =	rddreg [dreg:$0x2];
	[bflag:$0x3] =	sbarrier.arrive $0xFFFF;
	s2 =	simm.s32 @!p0 $0x1C03  }
0x100: {  	[timem:s3], [sflag:s2] =	dma.local @!p0 [hbm:s0], s1  }
0x101: {  	s0 =	simm.s32 @!p0 $0x3  }
0x102: {  	_ =	swait.ge @!p0 [sflag:s0], s1  }
0x103: {  	s1 =	ssub.s32 @!p0 $0x0, s1;
	[sflag:s0] =	ssyncset.done @!p0 $0x0  }
0x104: {  	[sflag:s0] =	ssyncadd.s32 @!p0 s1  }
0x105: {  	[bflag:$0x3] =	sbarrier.arrive $0xFFFF  }
0x106: {  	_ =	shalt  }

</sc_bundles>
